<compile_context>
chip_gen: v7x
topology: tpu7x:2x2x1
jax: 0.10.2.dev20260603
libtpu: 0.0.44.dev20260713+nightly
codegen_flags: <defaults>
</compile_context>

<pallas_src>
import jax
import jax.numpy as jnp
from jax import lax
from jax.experimental import pallas as pl
from jax.experimental.pallas import tpu as pltpu
from jax.experimental.pallas import tpu_sc as plsc

N = 10000
E = 320000
D = 128
HID = 128
OUT = 16
B = 64

NC = 2
NS = 16
NW = NC * NS

EE = E + N
K = 48
T = 10320
NCHUNK = T // K
EEP = NW * T
NAP = N + 16
SLAB = 64
NP = 10240
ROWS_PER_TILE = NP // NS


def _vgather(x, idx):
    dnums = lax.GatherDimensionNumbers(
        offset_dims=(), collapsed_slice_dims=(0,), start_index_map=(0,))
    return lax.gather(
        x, idx[:, None], dimension_numbers=dnums, slice_sizes=(1,),
        mode=lax.GatherScatterMode.PROMISE_IN_BOUNDS)



def _mm_body(x_ref, wt_ref, a2_ref, h_ref, aux_ref):
    h = jnp.dot(x_ref[...], wt_ref[...], preferred_element_type=jnp.float32)
    h_ref[...] = h
    aux_ref[...] = jnp.dot(h, a2_ref[...], preferred_element_type=jnp.float32)


def _stage1(x, WT, A2):
    R = 1000
    grid = N // R
    return pl.pallas_call(
        _mm_body,
        grid=(grid,),
        in_specs=[
            pl.BlockSpec((R, D), lambda i: (i, 0)),
            pl.BlockSpec((D, HID), lambda i: (0, 0)),
            pl.BlockSpec((HID, HID), lambda i: (0, 0)),
        ],
        out_specs=[
            pl.BlockSpec((R, HID), lambda i: (i, 0)),
            pl.BlockSpec((R, HID), lambda i: (i, 0)),
        ],
        out_shape=[
            jax.ShapeDtypeStruct((N, HID), jnp.float32),
            jax.ShapeDtypeStruct((N, HID), jnp.float32),
        ],
    )(x, WT, A2)



def _sc_body(h_hbm, asrc_hbm, adst_hbm, ed_hbm,
             num_hbm, den_hbm,
             asrc_v, adst_v, ed_v, den_v, rows_v,
             num_sh, sem_e0, sem_e1, sem_e2, sem_g0, sem_g1, sem_s):
    cid = lax.axis_index("c")
    sid = lax.axis_index("s")
    wid = sid * NC + cid

    pltpu.async_copy(asrc_hbm, asrc_v, sem_g0)
    pltpu.async_copy(adst_hbm, adst_v, sem_g1)

    zero16 = jnp.zeros((16,), jnp.float32)

    def zero_rows(r, carry):
        for q in range(8):
            rows_v[r, pl.ds(q * 16, 16)] = zero16
        return carry

    lax.fori_loop(0, 2 * K, zero_rows, 0)

    def zero_den(c, carry):
        den_v[pl.ds(c * 16, 16)] = zero16
        return carry

    lax.fori_loop(0, NP // 16, zero_den, 0)

    base = sid * ROWS_PER_TILE

    def zero_num(c, carry):
        pltpu.sync_copy(rows_v.at[pl.ds(0, SLAB)],
                        num_sh.at[pl.ds(base + c * SLAB, SLAB)])
        return carry

    lax.fori_loop(0, ROWS_PER_TILE // SLAB, zero_num, 0)
    pltpu.make_async_copy(asrc_hbm, asrc_v, sem_g0).wait()
    pltpu.make_async_copy(adst_hbm, adst_v, sem_g1).wait()
    plsc.subcore_barrier()

    lanes = lax.broadcasted_iota(jnp.int32, (16,), 0)

    pltpu.async_copy(ed_hbm.at[wid, 0], ed_v.at[0], sem_e0)
    pltpu.async_copy(ed_hbm.at[wid, 1], ed_v.at[1], sem_e1)
    pltpu.make_async_copy(ed_hbm.at[wid, 0], ed_v.at[0], sem_e0).wait()
    pltpu.async_copy(
        h_hbm.at[ed_v.at[0, 0]], rows_v.at[pl.ds(0, K)], sem_g0)

    def chunk(j, carry):
        b = lax.rem(j, 2)
        nb = 1 - b
        boff = b * K
        sl = lax.rem(j, 3)
        sl1 = lax.rem(j + 1, 3)
        sl2 = lax.rem(j + 2, 3)
        sem_g_b = [sem_g0, sem_g1]
        sem_e_all = [sem_e0, sem_e1, sem_e2]

        @pl.when(j > 0)
        def _():
            pltpu.make_async_copy(
                rows_v.at[pl.ds(nb * K, K)],
                num_sh.at[ed_v.at[sl2, 1]], sem_s).wait()

        @pl.when(j + 1 < NCHUNK)
        def _():
            for s in range(3):
                @pl.when(sl1 == s)
                def _():
                    pltpu.make_async_copy(
                        ed_hbm.at[wid, j + 1], ed_v.at[sl1],
                        sem_e_all[s]).wait()
            for s in range(2):
                @pl.when(nb == s)
                def _():
                    pltpu.async_copy(
                        h_hbm.at[ed_v.at[sl1, 0]],
                        rows_v.at[pl.ds(nb * K, K)], sem_g_b[s])

        @pl.when(j + 2 < NCHUNK)
        def _():
            for s in range(3):
                @pl.when(sl2 == s)
                def _():
                    pltpu.async_copy(
                        ed_hbm.at[wid, j + 2], ed_v.at[sl2], sem_e_all[s])

        w16s = []
        for l in range(K // 16):
            s16 = ed_v[sl, 0, pl.ds(l * 16, 16)]
            d16 = ed_v[sl, 1, pl.ds(l * 16, 16)]
            a_s = plsc.load_gather(asrc_v, [s16])
            a_d = plsc.load_gather(adst_v, [d16])
            al = a_s + a_d
            al = jnp.where(al >= 0.0, al, al * 0.2)
            w = jnp.exp(al)
            w16s.append(w)
            k, v = plsc.sort_key_val(d16, w)
            cs = plsc.cumsum(v)
            prv = jnp.maximum(lanes - 1, 0)
            nxt = jnp.minimum(lanes + 1, 15)
            kprev = _vgather(k, prv)
            knext = _vgather(k, nxt)
            csprev = _vgather(cs, prv)
            is_first = (lanes == 0) | (k != kprev)
            is_last = (lanes == 15) | (k != knext)
            neg = jnp.where(lanes == 0, 0.0, -csprev)
            plsc.addupdate_scatter(den_v, [k], cs, mask=is_last)
            plsc.addupdate_scatter(den_v, [k], neg, mask=is_first)

        for s in range(2):
            @pl.when(b == s)
            def _():
                pltpu.make_async_copy(
                    h_hbm.at[ed_v.at[sl, 0]],
                    rows_v.at[pl.ds(boff, K)], sem_g_b[s]).wait()
        for l in range(K // 16):
            for e in range(16):
                wsp = _vgather(w16s[l], jnp.full((16,), e, jnp.int32))
                r = boff + l * 16 + e
                for q in range(8):
                    rows_v[r, pl.ds(q * 16, 16)] = (
                        rows_v[r, pl.ds(q * 16, 16)] * wsp)
        pltpu.async_copy(
            rows_v.at[pl.ds(boff, K)], num_sh.at[ed_v.at[sl, 1]],
            sem_s, add=True)
        return carry

    lax.fori_loop(0, NCHUNK, chunk, 0)
    lb = (NCHUNK - 1) % 2
    lsl = (NCHUNK - 1) % 3
    pltpu.make_async_copy(
        rows_v.at[pl.ds(lb * K, K)], num_sh.at[ed_v.at[lsl, 1]],
        sem_s).wait()
    plsc.subcore_barrier()

    def wb_chunk(c, carry):
        off = base + c * SLAB
        pltpu.sync_copy(num_sh.at[pl.ds(off, SLAB)],
                        num_hbm.at[cid, pl.ds(off, SLAB)])
        return carry

    lax.fori_loop(0, ROWS_PER_TILE // SLAB, wb_chunk, 0)
    pltpu.sync_copy(den_v, den_hbm.at[wid])


def _stage2(h, asrc_p, adst_p, ed4):
    mesh = plsc.VectorSubcoreMesh(core_axis_name="c", subcore_axis_name="s")
    run = pl.kernel(
        _sc_body,
        out_type=[
            jax.ShapeDtypeStruct((NC, NP, HID), jnp.float32),
            jax.ShapeDtypeStruct((NW, NP), jnp.float32),
        ],
        mesh=mesh,
        scratch_types=[
            pltpu.VMEM((NAP,), jnp.float32),
            pltpu.VMEM((NAP,), jnp.float32),
            pltpu.VMEM((3, 2, K), jnp.int32),
            pltpu.VMEM((NP,), jnp.float32),
            pltpu.VMEM((2 * K, HID), jnp.float32),
            pltpu.VMEM_SHARED((NP, HID), jnp.float32),
            pltpu.SemaphoreType.DMA,
            pltpu.SemaphoreType.DMA,
            pltpu.SemaphoreType.DMA,
            pltpu.SemaphoreType.DMA,
            pltpu.SemaphoreType.DMA,
            pltpu.SemaphoreType.DMA,
        ],
        compiler_params=pltpu.CompilerParams(needs_layout_passes=False),
    )
    return run(h, asrc_p, adst_p, ed4)



def _fin_body(num_ref, den_ref, batch_ref, gb_ref, bnw_ref, bnb_ref,
              hwt_ref, hb_ref, out_ref, acc_ref, cnt_ref):
    i = pl.program_id(0)
    ni = pl.num_programs(0)

    @pl.when(i == 0)
    def _():
        acc_ref[...] = jnp.zeros_like(acc_ref)
        cnt_ref[...] = jnp.zeros_like(cnt_ref)

    num = num_ref[0] + num_ref[1]
    den = jnp.sum(den_ref[...], axis=0)
    rec = 1.0 / (den + 1e-16)
    o = num * rec[:, None]
    o = o + gb_ref[...]
    o = o * bnw_ref[...] + bnb_ref[...]
    o = jnp.maximum(o, 0.0)

    b = batch_ref[0, 0, :]
    rows = b.shape[0]
    gids = lax.broadcasted_iota(jnp.int32, (B, rows), 0)
    m = (gids == b[None, :]).astype(jnp.float32)
    acc_ref[...] += jnp.dot(m, o, preferred_element_type=jnp.float32)
    cnt_ref[...] += jnp.broadcast_to(
        jnp.sum(m, axis=1)[:, None], cnt_ref.shape)

    @pl.when(i == ni - 1)
    def _():
        pooled = acc_ref[...] / jnp.maximum(cnt_ref[...], 1.0)
        out_ref[...] = (
            jnp.dot(pooled, hwt_ref[...], preferred_element_type=jnp.float32)
            + hb_ref[...])


def _stage3(num, den, batch3, gb, bnw, bnb, hwt, hb):
    R = 1024
    grid = NP // R
    return pl.pallas_call(
        _fin_body,
        grid=(grid,),
        in_specs=[
            pl.BlockSpec((NC, R, HID), lambda i: (0, i, 0)),
            pl.BlockSpec((NW, R), lambda i: (0, i)),
            pl.BlockSpec((1, 1, R), lambda i: (i, 0, 0)),
            pl.BlockSpec((1, HID), lambda i: (0, 0)),
            pl.BlockSpec((1, HID), lambda i: (0, 0)),
            pl.BlockSpec((1, HID), lambda i: (0, 0)),
            pl.BlockSpec((HID, OUT), lambda i: (0, 0)),
            pl.BlockSpec((1, OUT), lambda i: (0, 0)),
        ],
        out_specs=pl.BlockSpec((B, OUT), lambda i: (0, 0)),
        out_shape=jax.ShapeDtypeStruct((B, OUT), jnp.float32),
        scratch_shapes=[
            pltpu.VMEM((B, HID), jnp.float32),
            pltpu.VMEM((B, HID), jnp.float32),
        ],
    )(num, den, batch3, gb, bnw, bnb, hwt, hb)



@jax.jit
def _run(graph_x, edge_index, batch, W_gat, att_src, att_dst, gat_bias,
         bn_weight, bn_bias, head_W, head_b):
    x = graph_x.astype(jnp.float32)

    A2 = jnp.zeros((HID, HID), jnp.float32)
    A2 = A2.at[:, 0].set(att_src).at[:, 1].set(att_dst)
    h, aux = _stage1(x, W_gat.T, A2)

    loop = jnp.arange(N, dtype=jnp.int32)
    src = jnp.concatenate(
        [edge_index[0], loop, jnp.zeros((EEP - EE,), jnp.int32)])
    dst = jnp.concatenate(
        [edge_index[1], loop, jnp.full((EEP - EE,), N, jnp.int32)])
    src3 = src.reshape(NW, NCHUNK, K)
    dst3 = dst.reshape(NW, NCHUNK, K)
    ed4 = jnp.stack([src3, dst3], axis=2)
    asrc_p = jnp.pad(aux[:, 0], (0, NAP - N))
    adst_p = jnp.pad(aux[:, 1], (0, NAP - N))

    num, den = _stage2(h, asrc_p, adst_p, ed4)

    bnw = (bn_weight / jnp.sqrt(1.0 + 1e-5)).reshape(1, HID)
    batch3 = jnp.pad(batch, (0, NP - N), constant_values=B).reshape(
        NP // 1024, 1, 1024)
    logits = _stage3(
        num, den, batch3, gat_bias.reshape(1, HID), bnw,
        bn_bias.reshape(1, HID), head_W.T, head_b.reshape(1, OUT))
    return logits


def kernel(graph_x, edge_index, batch, W_gat, att_src, att_dst, gat_bias,
           bn_weight, bn_bias, head_W, head_b):
    return _run(graph_x, edge_index, batch, W_gat, att_src, att_dst,
                gat_bias, bn_weight, bn_bias, head_W, head_b)

# --- scband reference (transcript-rebuilt; emitter-appended) ---
"""Pipeline reference for scband-gnngraph-class-4552665333841 (READ-ONLY COPY).

The authoritative reference and input builder live on the scoring server;
editing this copy changes nothing except your own understanding.
"""

import jax, jax.numpy as jnp
import numpy as np

N = 10000
E = 320000
D = 128
HID = 128
OUT = 16
B = 64


def setup_inputs(seed: int = 0) -> dict:
    key = jax.random.key(seed)
    ks = jax.random.split(key, 12)
    graph_x = jax.random.normal(ks[0], (N, D), dtype=jnp.float32)
    edge_index = jax.random.randint(ks[1], (2, E), 0, N, dtype=jnp.int32)
    batch = jnp.sort(jax.random.randint(ks[2], (N,), 0, B, dtype=jnp.int32))
    s = 1.0 / np.sqrt(D)
    W_gat = jax.random.uniform(ks[3], (HID, D), dtype=jnp.float32, minval=-s, maxval=s)
    att_src = jax.random.uniform(ks[4], (HID,), dtype=jnp.float32, minval=-s, maxval=s)
    att_dst = jax.random.uniform(ks[5], (HID,), dtype=jnp.float32, minval=-s, maxval=s)
    gat_bias = jnp.zeros((HID,), dtype=jnp.float32)
    bn_weight = jnp.ones((HID,), dtype=jnp.float32)
    bn_bias = jnp.zeros((HID,), dtype=jnp.float32)
    sh = 1.0 / np.sqrt(HID)
    head_W = jax.random.uniform(ks[6], (OUT, HID), dtype=jnp.float32, minval=-sh, maxval=sh)
    head_b = jax.random.uniform(ks[7], (OUT,), dtype=jnp.float32, minval=-sh, maxval=sh)
    return {
        "graph_x": graph_x,
        "edge_index": edge_index,
        "batch": batch,
        "W_gat": W_gat,
        "att_src": att_src,
        "att_dst": att_dst,
        "gat_bias": gat_bias,
        "bn_weight": bn_weight,
        "bn_bias": bn_bias,
        "head_W": head_W,
        "head_b": head_b,
    }


def reference(graph_x, edge_index, batch, W_gat, att_src, att_dst, gat_bias, bn_weight, bn_bias, head_W, head_b):
    x = graph_x.astype(jnp.float32)
    n = x.shape[0]
    # GATConv (heads=1, concat=True, negative_slope=0.2, add_self_loops=True)
    loop = jnp.arange(n, dtype=edge_index.dtype)
    src = jnp.concatenate([edge_index[0], loop])
    dst = jnp.concatenate([edge_index[1], loop])
    h = x @ W_gat.T                      # [N, HID] linear, no bias (PyG default)
    a_src = h @ att_src                  # [N]
    a_dst = h @ att_dst                  # [N]
    alpha = a_src[src] + a_dst[dst]      # [E+N] gather
    alpha = jax.nn.leaky_relu(alpha, negative_slope=0.2)
    amax = jax.ops.segment_max(alpha, dst, num_segments=n)
    amax = jnp.where(jnp.isfinite(amax), amax, 0.0)
    alpha = jnp.exp(alpha - amax[dst])
    denom = jax.ops.segment_sum(alpha, dst, num_segments=n)
    alpha = alpha / (denom[dst] + 1e-16)
    out = jax.ops.segment_sum(h[src] * alpha[:, None], dst, num_segments=n)  # scatter-add
    out = out + gat_bias
    # BatchNorm1d in eval mode: running_mean=0, running_var=1, eps=1e-5
    out = out / jnp.sqrt(1.0 + 1e-5) * bn_weight + bn_bias
    out = jax.nn.relu(out)
    # global_mean_pool over graph ids
    sums = jax.ops.segment_sum(out, batch, num_segments=B)
    counts = jax.ops.segment_sum(jnp.ones((n,), dtype=out.dtype), batch, num_segments=B)
    pooled = sums / jnp.maximum(counts, 1.0)[:, None]
    # dropout p=0.5 is identity in eval mode
    logits = pooled @ head_W.T + head_b
    return logits

if __name__ == "__main__":
    import jax
    _d = setup_inputs()
    print(jax.jit(kernel)(*tuple(_d.values())))

</pallas_src>

<mosaic_0001>
#map = affine_map<(d0, d1) -> (0, 0)>
#map1 = affine_map<(d0, d1) -> (0)>
#map2 = affine_map<(d0, d1) -> (0, 0, 0, 0)>
#map3 = affine_map<(d0, d1) -> (0, 0, 0)>
module attributes {stable_mosaic.version = 14 : i64} {
  func.func @_sc_body(%arg0: i32, %arg1: i32, %arg2: memref<10000x128xf32, #tpu.memory_space<hbm>>, %arg3: memref<10016xf32, #tpu.memory_space<hbm>>, %arg4: memref<10016xf32, #tpu.memory_space<hbm>>, %arg5: memref<32x215x2x48xi32, #tpu.memory_space<hbm>>, %arg6: memref<2x10240x128xf32, #tpu.memory_space<hbm>>, %arg7: memref<32x10240xf32, #tpu.memory_space<hbm>>, %arg8: memref<10016xf32, #tpu.memory_space<vmem>>, %arg9: memref<10016xf32, #tpu.memory_space<vmem>>, %arg10: memref<3x2x48xi32, #tpu.memory_space<vmem>>, %arg11: memref<10240xf32, #tpu.memory_space<vmem>>, %arg12: memref<96x128xf32, #tpu.memory_space<vmem>>, %arg13: memref<10240x128xf32, #tpu.memory_space<vmem_shared>>, %arg14: memref<!tpu.dma_semaphore, #tpu.memory_space<semaphore_mem>>, %arg15: memref<!tpu.dma_semaphore, #tpu.memory_space<semaphore_mem>>, %arg16: memref<!tpu.dma_semaphore, #tpu.memory_space<semaphore_mem>>, %arg17: memref<!tpu.dma_semaphore, #tpu.memory_space<semaphore_mem>>, %arg18: memref<!tpu.dma_semaphore, #tpu.memory_space<semaphore_mem>>, %arg19: memref<!tpu.dma_semaphore, #tpu.memory_space<semaphore_mem>>) attributes {dimension_semantics = [#tpu.dimension_semantics<core_parallel>, #tpu.dimension_semantics<subcore_parallel>], iteration_bounds = array<i64: 2, 16>, scalar_prefetch = 0 : i64, scratch_operands = 12 : i64, tpu.core_type = #tpu.core_type<sc_vector_subcore>, window_params = [{transform_indices = #map}, {transform_indices = #map1}, {transform_indices = #map1}, {transform_indices = #map2}, {transform_indices = #map3}, {transform_indices = #map}]} {
    %mul3A = arith.constant 2 : i32
    %mul3A_0 = arith.muli %arg1, %mul3A : i32
    %add3A = arith.addi %mul3A_0, %arg0 : i32
    tpu.enqueue_dma source(%arg3 : memref<10016xf32, #tpu.memory_space<hbm>>) target(%arg8 : memref<10016xf32, #tpu.memory_space<vmem>>) target_semaphore(%arg17 : memref<!tpu.dma_semaphore, #tpu.memory_space<semaphore_mem>>)
    tpu.enqueue_dma source(%arg4 : memref<10016xf32, #tpu.memory_space<hbm>>) target(%arg9 : memref<10016xf32, #tpu.memory_space<vmem>>) target_semaphore(%arg18 : memref<!tpu.dma_semaphore, #tpu.memory_space<semaphore_mem>>)
    %broadcast_in_dim3A = arith.constant 0.000000e+00 : f32
    %broadcast_in_dim3A_1 = vector.broadcast %broadcast_in_dim3A : f32 to vector<16xf32>
    %scan3A = arith.constant 0 : i32
    %scan3A_2 = arith.constant 0 : i32
    %scan3A_3 = arith.constant 96 : i32
    %scan3A_4 = arith.addi %scan3A_2, %scan3A_3 : i32
    %scan3A_5 = arith.constant 1 : i32
    scf.for %scan3A_108 = %scan3A_2 to %scan3A_4 step %scan3A_5  : i32 {
      %swap3A = arith.index_cast %scan3A_108 : i32 to index
      %swap3A_109 = arith.constant 0 : index
      %swap3A_110 = tpu.vector_load %arg12[%swap3A, %swap3A_109] {strides = array<i32>} : memref<96x128xf32, #tpu.memory_space<vmem>>, vector<16xf32>,
      tpu.vector_store %arg12[%swap3A, %swap3A_109], %broadcast_in_dim3A_1 {strides = array<i32>} : memref<96x128xf32, #tpu.memory_space<vmem>>, vector<16xf32>,
      %swap3A_111 = arith.index_cast %scan3A_108 : i32 to index
      %swap3A_112 = arith.constant 16 : index
      %swap3A_113 = tpu.vector_load %arg12[%swap3A_111, %swap3A_112] {strides = array<i32>} : memref<96x128xf32, #tpu.memory_space<vmem>>, vector<16xf32>,
      tpu.vector_store %arg12[%swap3A_111, %swap3A_112], %broadcast_in_dim3A_1 {strides = array<i32>} : memref<96x128xf32, #tpu.memory_space<vmem>>, vector<16xf32>,
      %swap3A_114 = arith.index_cast %scan3A_108 : i32 to index
      %swap3A_115 = arith.constant 32 : index
      %swap3A_116 = tpu.vector_load %arg12[%swap3A_114, %swap3A_115] {strides = array<i32>} : memref<96x128xf32, #tpu.memory_space<vmem>>, vector<16xf32>,
      tpu.vector_store %arg12[%swap3A_114, %swap3A_115], %broadcast_in_dim3A_1 {strides = array<i32>} : memref<96x128xf32, #tpu.memory_space<vmem>>, vector<16xf32>,
      %swap3A_117 = arith.index_cast %scan3A_108 : i32 to index
      %swap3A_118 = arith.constant 48 : index
      %swap3A_119 = tpu.vector_load %arg12[%swap3A_117, %swap3A_118] {strides = array<i32>} : memref<96x128xf32, #tpu.memory_space<vmem>>, vector<16xf32>,
      tpu.vector_store %arg12[%swap3A_117, %swap3A_118], %broadcast_in_dim3A_1 {strides = array<i32>} : memref<96x128xf32, #tpu.memory_space<vmem>>, vector<16xf32>,
      %swap3A_120 = arith.index_cast %scan3A_108 : i32 to index
      %swap3A_121 = arith.constant 64 : index
      %swap3A_122 = tpu.vector_load %arg12[%swap3A_120, %swap3A_121] {strides = array<i32>} : memref<96x128xf32, #tpu.memory_space<vmem>>, vector<16xf32>,
      tpu.vector_store %arg12[%swap3A_120, %swap3A_121], %broadcast_in_dim3A_1 {strides = array<i32>} : memref<96x128xf32, #tpu.memory_space<vmem>>, vector<16xf32>,
      %swap3A_123 = arith.index_cast %scan3A_108 : i32 to index
      %swap3A_124 = arith.constant 80 : index
      %swap3A_125 = tpu.vector_load %arg12[%swap3A_123, %swap3A_124] {strides = array<i32>} : memref<96x128xf32, #tpu.memory_space<vmem>>, vector<16xf32>,
      tpu.vector_store %arg12[%swap3A_123, %swap3A_124], %broadcast_in_dim3A_1 {strides = array<i32>} : memref<96x128xf32, #tpu.memory_space<vmem>>, vector<16xf32>,
      %swap3A_126 = arith.index_cast %scan3A_108 : i32 to index
      %swap3A_127 = arith.constant 96 : index
      %swap3A_128 = tpu.vector_load %arg12[%swap3A_126, %swap3A_127] {strides = array<i32>} : memref<96x128xf32, #tpu.memory_space<vmem>>, vector<16xf32>,
      tpu.vector_store %arg12[%swap3A_126, %swap3A_127], %broadcast_in_dim3A_1 {strides = array<i32>} : memref<96x128xf32, #tpu.memory_space<vmem>>, vector<16xf32>,
      %swap3A_129 = arith.index_cast %scan3A_108 : i32 to index
      %swap3A_130 = arith.constant 112 : index
      %swap3A_131 = tpu.vector_load %arg12[%swap3A_129, %swap3A_130] {strides = array<i32>} : memref<96x128xf32, #tpu.memory_space<vmem>>, vector<16xf32>,
      tpu.vector_store %arg12[%swap3A_129, %swap3A_130], %broadcast_in_dim3A_1 {strides = array<i32>} : memref<96x128xf32, #tpu.memory_space<vmem>>, vector<16xf32>,
    }
    %scan3A_6 = arith.constant 96 : i32
    %scan3A_7 = arith.constant 0 : i32
    %scan3A_8 = arith.constant 0 : i32
    %scan3A_9 = arith.constant 640 : i32
    %scan3A_10 = arith.addi %scan3A_8, %scan3A_9 : i32
    %scan3A_11 = arith.constant 1 : i32
    scf.for %scan3A_108 = %scan3A_8 to %scan3A_10 step %scan3A_11  : i32 {
      %mul3A_109 = arith.constant 16 : i32
      %mul3A_110 = arith.muli %scan3A_108, %mul3A_109 : i32
      %swap3A = arith.index_cast %mul3A_110 : i32 to index
      %swap3A_111 = tpu.vector_load %arg11[%swap3A] {strides = array<i32>} : memref<10240xf32, #tpu.memory_space<vmem>>, vector<16xf32>,
      tpu.vector_store %arg11[%swap3A], %broadcast_in_dim3A_1 {strides = array<i32>} : memref<10240xf32, #tpu.memory_space<vmem>>, vector<16xf32>,
    }
    %scan3A_12 = arith.constant 640 : i32
    %mul3A_13 = arith.constant 640 : i32
    %mul3A_14 = arith.muli %arg1, %mul3A_13 : i32
    %scan3A_15 = arith.constant 0 : i32
    %scan3A_16 = arith.constant 0 : i32
    %scan3A_17 = arith.constant 10 : i32
    %scan3A_18 = arith.addi %scan3A_16, %scan3A_17 : i32
    %scan3A_19 = arith.constant 1 : i32
    scf.for %scan3A_108 = %scan3A_16 to %scan3A_18 step %scan3A_19  : i32 {
      %mul3A_109 = arith.constant 64 : i32
      %mul3A_110 = arith.muli %scan3A_108, %mul3A_109 : i32
      %add3A_111 = arith.addi %mul3A_14, %mul3A_110 : i32
      "tpu.region"() ({
        %run_scoped3A = tpu.sem_alloc : memref<!tpu.dma_semaphore, #tpu.memory_space<semaphore_mem>>
        %dma_start3A_112 = arith.constant 0 : i32
        %dma_start3A_113 = arith.constant 0 : i32
        %dma_start3A_114 = tpu.memref_slice %arg12[%dma_start3A_112, %dma_start3A_113] : memref<96x128xf32, #tpu.memory_space<vmem>> -> memref<64x128xf32, #tpu.memory_space<vmem>>
        %dma_start3A_115 = arith.constant 0 : i32
        %dma_start3A_116 = tpu.memref_slice %arg13[%add3A_111, %dma_start3A_115] : memref<10240x128xf32, #tpu.memory_space<vmem_shared>> -> memref<64x128xf32, #tpu.memory_space<vmem_shared>>
        %dma_start3A_117 = arith.constant 0 : i32
        %dma_start3A_118 = tpu.memref_slice %arg13[%add3A_111, %dma_start3A_117] : memref<10240x128xf32, #tpu.memory_space<vmem_shared>> -> memref<64x128xf32, #tpu.memory_space<vmem_shared>>
        %dma_start3A_119 = arith.constant 0 : i32
        %dma_start3A_120 = arith.constant 0 : i32
        %dma_start3A_121 = tpu.memref_slice %arg12[%dma_start3A_119, %dma_start3A_120] : memref<96x128xf32, #tpu.memory_space<vmem>> -> memref<64x128xf32, #tpu.memory_space<vmem>>
        tpu.enqueue_dma source(%dma_start3A_121 : memref<64x128xf32, #tpu.memory_space<vmem>>) target(%dma_start3A_118 : memref<64x128xf32, #tpu.memory_space<vmem_shared>>) target_semaphore(%run_scoped3A : memref<!tpu.dma_semaphore, #tpu.memory_space<semaphore_mem>>)
        %dma_wait3A_122 = arith.constant 0 : i32
        %dma_wait3A_123 = arith.constant 0 : i32
        %dma_wait3A_124 = tpu.memref_slice %arg12[%dma_wait3A_122, %dma_wait3A_123] : memref<96x128xf32, #tpu.memory_space<vmem>> -> memref<64x128xf32, #tpu.memory_space<vmem>>
        %dma_wait3A_125 = arith.constant 0 : i32
        %dma_wait3A_126 = tpu.memref_slice %arg13[%add3A_111, %dma_wait3A_125] : memref<10240x128xf32, #tpu.memory_space<vmem_shared>> -> memref<64x128xf32, #tpu.memory_space<vmem_shared>>
        %dma_wait3A_127 = arith.constant 0 : i32
        %dma_wait3A_128 = tpu.memref_slice %arg13[%add3A_111, %dma_wait3A_127] : memref<10240x128xf32, #tpu.memory_space<vmem_shared>> -> memref<64x128xf32, #tpu.memory_space<vmem_shared>>
        %dma_wait3A_129 = arith.constant 0 : i32
        %dma_wait3A_130 = arith.constant 0 : i32
        %dma_wait3A_131 = tpu.memref_slice %arg12[%dma_wait3A_129, %dma_wait3A_130] : memref<96x128xf32, #tpu.memory_space<vmem>> -> memref<64x128xf32, #tpu.memory_space<vmem>>
        tpu.wait_dma2 semaphore(%run_scoped3A : memref<!tpu.dma_semaphore, #tpu.memory_space<semaphore_mem>>) src(%dma_wait3A_131 : memref<64x128xf32, #tpu.memory_space<vmem>>) dst(%dma_wait3A_128 : memref<64x128xf32, #tpu.memory_space<vmem_shared>>)
        tpu.yield
      }) : () -> ()
    }
    %scan3A_20 = arith.constant 10 : i32
    tpu.wait_dma2 semaphore(%arg17 : memref<!tpu.dma_semaphore, #tpu.memory_space<semaphore_mem>>) src(%arg3 : memref<10016xf32, #tpu.memory_space<hbm>>) dst(%arg8 : memref<10016xf32, #tpu.memory_space<vmem>>)
    tpu.wait_dma2 semaphore(%arg18 : memref<!tpu.dma_semaphore, #tpu.memory_space<semaphore_mem>>) src(%arg4 : memref<10016xf32, #tpu.memory_space<hbm>>) dst(%arg9 : memref<10016xf32, #tpu.memory_space<vmem>>)
    %barrier3A = arith.constant 0 : index
    tpu.barrier barrier_id(%barrier3A)
    %iota3A = tpu.iota {dimensions = array<i32: 0>} : vector<16xi32>
    %dma_start3A = arith.constant 0 : i32
    %dma_start3A_21 = arith.constant 0 : i32
    %dma_start3A_22 = arith.constant 0 : i32
    %dma_start3A_23 = arith.constant 0 : i32
    %dma_start3A_24 = tpu.memref_slice %arg10[%dma_start3A_21, %dma_start3A_22, %dma_start3A_23] : memref<3x2x48xi32, #tpu.memory_space<vmem>> -> memref<1x2x48xi32, #tpu.memory_space<vmem>>
    %dma_start3A_25 = tpu.memref_squeeze %dma_start3A_24 : memref<1x2x48xi32, #tpu.memory_space<vmem>> -> memref<2x48xi32, #tpu.memory_space<vmem>>
    %dma_start3A_26 = arith.constant 0 : i32
    %dma_start3A_27 = arith.constant 0 : i32
    %dma_start3A_28 = tpu.memref_slice %arg5[%add3A, %dma_start3A, %dma_start3A_26, %dma_start3A_27] : memref<32x215x2x48xi32, #tpu.memory_space<hbm>> -> memref<1x1x2x48xi32, #tpu.memory_space<hbm>>
    %dma_start3A_29 = tpu.memref_squeeze %dma_start3A_28 : memref<1x1x2x48xi32, #tpu.memory_space<hbm>> -> memref<2x48xi32, #tpu.memory_space<hbm>>
    %dma_start3A_30 = arith.constant 0 : i32
    %dma_start3A_31 = arith.constant 0 : i32
    %dma_start3A_32 = tpu.memref_slice %arg10[%dma_start3A_21, %dma_start3A_30, %dma_start3A_31] : memref<3x2x48xi32, #tpu.memory_space<vmem>> -> memref<1x2x48xi32, #tpu.memory_space<vmem>>
    %dma_start3A_33 = tpu.memref_squeeze %dma_start3A_32 : memref<1x2x48xi32, #tpu.memory_space<vmem>> -> memref<2x48xi32, #tpu.memory_space<vmem>>
    %dma_start3A_34 = arith.constant 0 : i32
    %dma_start3A_35 = arith.constant 0 : i32
    %dma_start3A_36 = tpu.memref_slice %arg5[%add3A, %dma_start3A, %dma_start3A_34, %dma_start3A_35] : memref<32x215x2x48xi32, #tpu.memory_space<hbm>> -> memref<1x1x2x48xi32, #tpu.memory_space<hbm>>
    %dma_start3A_37 = tpu.memref_squeeze %dma_start3A_36 : memref<1x1x2x48xi32, #tpu.memory_space<hbm>> -> memref<2x48xi32, #tpu.memory_space<hbm>>
    tpu.enqueue_dma source(%dma_start3A_37 : memref<2x48xi32, #tpu.memory_space<hbm>>) target(%dma_start3A_33 : memref<2x48xi32, #tpu.memory_space<vmem>>) target_semaphore(%arg14 : memref<!tpu.dma_semaphore, #tpu.memory_space<semaphore_mem>>)
    %dma_start3A_38 = arith.constant 1 : i32
    %dma_start3A_39 = arith.constant 1 : i32
    %dma_start3A_40 = arith.constant 0 : i32
    %dma_start3A_41 = arith.constant 0 : i32
    %dma_start3A_42 = tpu.memref_slice %arg10[%dma_start3A_39, %dma_start3A_40, %dma_start3A_41] : memref<3x2x48xi32, #tpu.memory_space<vmem>> -> memref<1x2x48xi32, #tpu.memory_space<vmem>>
    %dma_start3A_43 = tpu.memref_squeeze %dma_start3A_42 : memref<1x2x48xi32, #tpu.memory_space<vmem>> -> memref<2x48xi32, #tpu.memory_space<vmem>>
    %dma_start3A_44 = arith.constant 0 : i32
    %dma_start3A_45 = arith.constant 0 : i32
    %dma_start3A_46 = tpu.memref_slice %arg5[%add3A, %dma_start3A_38, %dma_start3A_44, %dma_start3A_45] : memref<32x215x2x48xi32, #tpu.memory_space<hbm>> -> memref<1x1x2x48xi32, #tpu.memory_space<hbm>>
    %dma_start3A_47 = tpu.memref_squeeze %dma_start3A_46 : memref<1x1x2x48xi32, #tpu.memory_space<hbm>> -> memref<2x48xi32, #tpu.memory_space<hbm>>
    %dma_start3A_48 = arith.constant 0 : i32
    %dma_start3A_49 = arith.constant 0 : i32
    %dma_start3A_50 = tpu.memref_slice %arg10[%dma_start3A_39, %dma_start3A_48, %dma_start3A_49] : memref<3x2x48xi32, #tpu.memory_space<vmem>> -> memref<1x2x48xi32, #tpu.memory_space<vmem>>
    %dma_start3A_51 = tpu.memref_squeeze %dma_start3A_50 : memref<1x2x48xi32, #tpu.memory_space<vmem>> -> memref<2x48xi32, #tpu.memory_space<vmem>>
    %dma_start3A_52 = arith.constant 0 : i32
    %dma_start3A_53 = arith.constant 0 : i32
    %dma_start3A_54 = tpu.memref_slice %arg5[%add3A, %dma_start3A_38, %dma_start3A_52, %dma_start3A_53] : memref<32x215x2x48xi32, #tpu.memory_space<hbm>> -> memref<1x1x2x48xi32, #tpu.memory_space<hbm>>
    %dma_start3A_55 = tpu.memref_squeeze %dma_start3A_54 : memref<1x1x2x48xi32, #tpu.memory_space<hbm>> -> memref<2x48xi32, #tpu.memory_space<hbm>>
    tpu.enqueue_dma source(%dma_start3A_55 : memref<2x48xi32, #tpu.memory_space<hbm>>) target(%dma_start3A_51 : memref<2x48xi32, #tpu.memory_space<vmem>>) target_semaphore(%arg15 : memref<!tpu.dma_semaphore, #tpu.memory_space<semaphore_mem>>)
    %dma_wait3A = arith.constant 0 : i32
    %dma_wait3A_56 = arith.constant 0 : i32
    %dma_wait3A_57 = arith.constant 0 : i32
    %dma_wait3A_58 = arith.constant 0 : i32
    %dma_wait3A_59 = tpu.memref_slice %arg10[%dma_wait3A_56, %dma_wait3A_57, %dma_wait3A_58] : memref<3x2x48xi32, #tpu.memory_space<vmem>> -> memref<1x2x48xi32, #tpu.memory_space<vmem>>
    %dma_wait3A_60 = tpu.memref_squeeze %dma_wait3A_59 : memref<1x2x48xi32, #tpu.memory_space<vmem>> -> memref<2x48xi32, #tpu.memory_space<vmem>>
    %dma_wait3A_61 = arith.constant 0 : i32
    %dma_wait3A_62 = arith.constant 0 : i32
    %dma_wait3A_63 = tpu.memref_slice %arg5[%add3A, %dma_wait3A, %dma_wait3A_61, %dma_wait3A_62] : memref<32x215x2x48xi32, #tpu.memory_space<hbm>> -> memref<1x1x2x48xi32, #tpu.memory_space<hbm>>
    %dma_wait3A_64 = tpu.memref_squeeze %dma_wait3A_63 : memref<1x1x2x48xi32, #tpu.memory_space<hbm>> -> memref<2x48xi32, #tpu.memory_space<hbm>>
    %dma_wait3A_65 = arith.constant 0 : i32
    %dma_wait3A_66 = arith.constant 0 : i32
    %dma_wait3A_67 = tpu.memref_slice %arg10[%dma_wait3A_56, %dma_wait3A_65, %dma_wait3A_66] : memref<3x2x48xi32, #tpu.memory_space<vmem>> -> memref<1x2x48xi32, #tpu.memory_space<vmem>>
    %dma_wait3A_68 = tpu.memref_squeeze %dma_wait3A_67 : memref<1x2x48xi32, #tpu.memory_space<vmem>> -> memref<2x48xi32, #tpu.memory_space<vmem>>
    %dma_wait3A_69 = arith.constant 0 : i32
    %dma_wait3A_70 = arith.constant 0 : i32
    %dma_wait3A_71 = tpu.memref_slice %arg5[%add3A, %dma_wait3A, %dma_wait3A_69, %dma_wait3A_70] : memref<32x215x2x48xi32, #tpu.memory_space<hbm>> -> memref<1x1x2x48xi32, #tpu.memory_space<hbm>>
    %dma_wait3A_72 = tpu.memref_squeeze %dma_wait3A_71 : memref<1x1x2x48xi32, #tpu.memory_space<hbm>> -> memref<2x48xi32, #tpu.memory_space<hbm>>
    tpu.wait_dma2 semaphore(%arg14 : memref<!tpu.dma_semaphore, #tpu.memory_space<semaphore_mem>>) src(%dma_wait3A_72 : memref<2x48xi32, #tpu.memory_space<hbm>>) dst(%dma_wait3A_68 : memref<2x48xi32, #tpu.memory_space<vmem>>)
    %dma_start3A_73 = arith.constant 0 : i32
    %dma_start3A_74 = arith.constant 0 : i32
    %dma_start3A_75 = arith.constant 0 : i32
    %dma_start3A_76 = arith.constant 0 : i32
    %dma_start3A_77 = tpu.memref_slice %arg12[%dma_start3A_75, %dma_start3A_76] : memref<96x128xf32, #tpu.memory_space<vmem>> -> memref<48x128xf32, #tpu.memory_space<vmem>>
    %dma_start3A_78 = arith.constant 0 : i32
    %dma_start3A_79 = tpu.memref_slice %arg10[%dma_start3A_73, %dma_start3A_74, %dma_start3A_78] : memref<3x2x48xi32, #tpu.memory_space<vmem>> -> memref<1x1x48xi32, #tpu.memory_space<vmem>>
    %dma_start3A_80 = tpu.memref_squeeze %dma_start3A_79 : memref<1x1x48xi32, #tpu.memory_space<vmem>> -> memref<48xi32, #tpu.memory_space<vmem>>
    %dma_start3A_81 = arith.constant 0 : i32
    %dma_start3A_82 = arith.constant 0 : i32
    %dma_start3A_83 = tpu.memref_slice %arg2[%dma_start3A_81, %dma_start3A_82] : memref<10000x128xf32, #tpu.memory_space<hbm>> -> memref<10000x128xf32, #tpu.memory_space<hbm>>
    tpu.enqueue_indirect_dma source(%dma_start3A_83 : memref<10000x128xf32, #tpu.memory_space<hbm>>) target(%dma_start3A_77 : memref<48x128xf32, #tpu.memory_space<vmem>>) offsets(%dma_start3A_80 : memref<48xi32, #tpu.memory_space<vmem>>) semaphore(%arg17 : memref<!tpu.dma_semaphore, #tpu.memory_space<semaphore_mem>>)
    %scan3A_84 = arith.constant 0 : i32
    %scan3A_85 = arith.constant 0 : i32
    %scan3A_86 = arith.constant 215 : i32
    %scan3A_87 = arith.addi %scan3A_85, %scan3A_86 : i32
    %scan3A_88 = arith.constant 1 : i32
    scf.for %scan3A_108 = %scan3A_85 to %scan3A_87 step %scan3A_88  : i32 {
      %rem3A = arith.constant 2 : i32
      %rem3A_109 = arith.remsi %scan3A_108, %rem3A : i32
      %sub3A = arith.constant 1 : i32
      %sub3A_110 = arith.subi %sub3A, %rem3A_109 : i32
      %mul3A_111 = arith.constant 48 : i32
      %mul3A_112 = arith.muli %rem3A_109, %mul3A_111 : i32
      %rem3A_113 = arith.constant 3 : i32
      %rem3A_114 = arith.remsi %scan3A_108, %rem3A_113 : i32
      %add3A_115 = arith.constant 1 : i32
      %add3A_116 = arith.addi %scan3A_108, %add3A_115 : i32
      %rem3A_117 = arith.constant 3 : i32
      %rem3A_118 = arith.remsi %add3A_116, %rem3A_117 : i32
      %add3A_119 = arith.constant 2 : i32
      %add3A_120 = arith.addi %scan3A_108, %add3A_119 : i32
      %rem3A_121 = arith.constant 3 : i32
      %rem3A_122 = arith.remsi %add3A_120, %rem3A_121 : i32
      %gt3A = arith.constant 0 : i32
      %gt3A_123 = arith.cmpi sgt, %scan3A_108, %gt3A : i32
      %convert_element_type3A = arith.extui %gt3A_123 : i1 to i32
      %cond3A = arith.constant 0 : i32
      %cond3A_124 = arith.cmpi ne, %convert_element_type3A, %cond3A : i32
      scf.if %cond3A_124 {
        %mul3A_3478 = arith.constant 48 : i32
        %mul3A_3479 = arith.muli %sub3A_110, %mul3A_3478 : i32
        %dma_wait3A_3480 = arith.constant 1 : i32
        %dma_wait3A_3481 = arith.constant 0 : i32
        %dma_wait3A_3482 = tpu.memref_slice %arg12[%mul3A_3479, %dma_wait3A_3481] : memref<96x128xf32, #tpu.memory_space<vmem>> -> memref<48x128xf32, #tpu.memory_space<vmem>>
        %dma_wait3A_3483 = arith.constant 0 : i32
        %dma_wait3A_3484 = tpu.memref_slice %arg10[%rem3A_122, %dma_wait3A_3480, %dma_wait3A_3483] : memref<3x2x48xi32, #tpu.memory_space<vmem>> -> memref<1x1x48xi32, #tpu.memory_space<vmem>>
        %dma_wait3A_3485 = tpu.memref_squeeze %dma_wait3A_3484 : memref<1x1x48xi32, #tpu.memory_space<vmem>> -> memref<48xi32, #tpu.memory_space<vmem>>
        %dma_wait3A_3486 = arith.constant 0 : i32
        %dma_wait3A_3487 = arith.constant 0 : i32
        %dma_wait3A_3488 = tpu.memref_slice %arg13[%dma_wait3A_3486, %dma_wait3A_3487] : memref<10240x128xf32, #tpu.memory_space<vmem_shared>> -> memref<10240x128xf32, #tpu.memory_space<vmem_shared>>
        tpu.wait_indirect_dma semaphore(%arg19 : memref<!tpu.dma_semaphore, #tpu.memory_space<semaphore_mem>>) src(%dma_wait3A_3482 : memref<48x128xf32, #tpu.memory_space<vmem>>) dst(%dma_wait3A_3488 : memref<10240x128xf32, #tpu.memory_space<vmem_shared>>)
      } else {
      }
      %add3A_125 = arith.constant 1 : i32
      %add3A_126 = arith.addi %scan3A_108, %add3A_125 : i32
      %lt3A = arith.constant 215 : i32
      %lt3A_127 = arith.cmpi slt, %add3A_126, %lt3A : i32
      %convert_element_type3A_128 = arith.extui %lt3A_127 : i1 to i32
      %cond3A_129 = arith.constant 0 : i32
      %cond3A_130 = arith.cmpi ne, %convert_element_type3A_128, %cond3A_129 : i32
      scf.if %cond3A_130 {
        %eq3A_3478 = arith.constant 0 : i32
        %eq3A_3479 = arith.cmpi eq, %rem3A_118, %eq3A_3478 : i32
        %convert_element_type3A_3480 = arith.extui %eq3A_3479 : i1 to i32
        %cond3A_3481 = arith.constant 0 : i32
        %cond3A_3482 = arith.cmpi ne, %convert_element_type3A_3480, %cond3A_3481 : i32
        scf.if %cond3A_3482 {
          %add3A_3503 = arith.constant 1 : i32
          %add3A_3504 = arith.addi %scan3A_108, %add3A_3503 : i32
          %dma_wait3A_3505 = arith.constant 0 : i32
          %dma_wait3A_3506 = arith.constant 0 : i32
          %dma_wait3A_3507 = tpu.memref_slice %arg10[%rem3A_118, %dma_wait3A_3505, %dma_wait3A_3506] : memref<3x2x48xi32, #tpu.memory_space<vmem>> -> memref<1x2x48xi32, #tpu.memory_space<vmem>>
          %dma_wait3A_3508 = tpu.memref_squeeze %dma_wait3A_3507 : memref<1x2x48xi32, #tpu.memory_space<vmem>> -> memref<2x48xi32, #tpu.memory_space<vmem>>
          %dma_wait3A_3509 = arith.constant 0 : i32
          %dma_wait3A_3510 = arith.constant 0 : i32
          %dma_wait3A_3511 = tpu.memref_slice %arg5[%add3A, %add3A_3504, %dma_wait3A_3509, %dma_wait3A_3510] : memref<32x215x2x48xi32, #tpu.memory_space<hbm>> -> memref<1x1x2x48xi32, #tpu.memory_space<hbm>>
          %dma_wait3A_3512 = tpu.memref_squeeze %dma_wait3A_3511 : memref<1x1x2x48xi32, #tpu.memory_space<hbm>> -> memref<2x48xi32, #tpu.memory_space<hbm>>
          %dma_wait3A_3513 = arith.constant 0 : i32
          %dma_wait3A_3514 = arith.constant 0 : i32
          %dma_wait3A_3515 = tpu.memref_slice %arg10[%rem3A_118, %dma_wait3A_3513, %dma_wait3A_3514] : memref<3x2x48xi32, #tpu.memory_space<vmem>> -> memref<1x2x48xi32, #tpu.memory_space<vmem>>
          %dma_wait3A_3516 = tpu.memref_squeeze %dma_wait3A_3515 : memref<1x2x48xi32, #tpu.memory_space<vmem>> -> memref<2x48xi32, #tpu.memory_space<vmem>>
          %dma_wait3A_3517 = arith.constant 0 : i32
          %dma_wait3A_3518 = arith.constant 0 : i32
          %dma_wait3A_3519 = tpu.memref_slice %arg5[%add3A, %add3A_3504, %dma_wait3A_3517, %dma_wait3A_3518] : memref<32x215x2x48xi32, #tpu.memory_space<hbm>> -> memref<1x1x2x48xi32, #tpu.memory_space<hbm>>
          %dma_wait3A_3520 = tpu.memref_squeeze %dma_wait3A_3519 : memref<1x1x2x48xi32, #tpu.memory_space<hbm>> -> memref<2x48xi32, #tpu.memory_space<hbm>>
          tpu.wait_dma2 semaphore(%arg14 : memref<!tpu.dma_semaphore, #tpu.memory_space<semaphore_mem>>) src(%dma_wait3A_3520 : memref<2x48xi32, #tpu.memory_space<hbm>>) dst(%dma_wait3A_3516 : memref<2x48xi32, #tpu.memory_space<vmem>>)
        } else {
        }
        %eq3A_3483 = arith.constant 1 : i32
        %eq3A_3484 = arith.cmpi eq, %rem3A_118, %eq3A_3483 : i32
        %convert_element_type3A_3485 = arith.extui %eq3A_3484 : i1 to i32
        %cond3A_3486 = arith.constant 0 : i32
        %cond3A_3487 = arith.cmpi ne, %convert_element_type3A_3485, %cond3A_3486 : i32
        scf.if %cond3A_3487 {
          %add3A_3503 = arith.constant 1 : i32
          %add3A_3504 = arith.addi %scan3A_108, %add3A_3503 : i32
          %dma_wait3A_3505 = arith.constant 0 : i32
          %dma_wait3A_3506 = arith.constant 0 : i32
          %dma_wait3A_3507 = tpu.memref_slice %arg10[%rem3A_118, %dma_wait3A_3505, %dma_wait3A_3506] : memref<3x2x48xi32, #tpu.memory_space<vmem>> -> memref<1x2x48xi32, #tpu.memory_space<vmem>>
          %dma_wait3A_3508 = tpu.memref_squeeze %dma_wait3A_3507 : memref<1x2x48xi32, #tpu.memory_space<vmem>> -> memref<2x48xi32, #tpu.memory_space<vmem>>
          %dma_wait3A_3509 = arith.constant 0 : i32
          %dma_wait3A_3510 = arith.constant 0 : i32
          %dma_wait3A_3511 = tpu.memref_slice %arg5[%add3A, %add3A_3504, %dma_wait3A_3509, %dma_wait3A_3510] : memref<32x215x2x48xi32, #tpu.memory_space<hbm>> -> memref<1x1x2x48xi32, #tpu.memory_space<hbm>>
          %dma_wait3A_3512 = tpu.memref_squeeze %dma_wait3A_3511 : memref<1x1x2x48xi32, #tpu.memory_space<hbm>> -> memref<2x48xi32, #tpu.memory_space<hbm>>
          %dma_wait3A_3513 = arith.constant 0 : i32
          %dma_wait3A_3514 = arith.constant 0 : i32
          %dma_wait3A_3515 = tpu.memref_slice %arg10[%rem3A_118, %dma_wait3A_3513, %dma_wait3A_3514] : memref<3x2x48xi32, #tpu.memory_space<vmem>> -> memref<1x2x48xi32, #tpu.memory_space<vmem>>
          %dma_wait3A_3516 = tpu.memref_squeeze %dma_wait3A_3515 : memref<1x2x48xi32, #tpu.memory_space<vmem>> -> memref<2x48xi32, #tpu.memory_space<vmem>>
          %dma_wait3A_3517 = arith.constant 0 : i32
          %dma_wait3A_3518 = arith.constant 0 : i32
          %dma_wait3A_3519 = tpu.memref_slice %arg5[%add3A, %add3A_3504, %dma_wait3A_3517, %dma_wait3A_3518] : memref<32x215x2x48xi32, #tpu.memory_space<hbm>> -> memref<1x1x2x48xi32, #tpu.memory_space<hbm>>
          %dma_wait3A_3520 = tpu.memref_squeeze %dma_wait3A_3519 : memref<1x1x2x48xi32, #tpu.memory_space<hbm>> -> memref<2x48xi32, #tpu.memory_space<hbm>>
          tpu.wait_dma2 semaphore(%arg15 : memref<!tpu.dma_semaphore, #tpu.memory_space<semaphore_mem>>) src(%dma_wait3A_3520 : memref<2x48xi32, #tpu.memory_space<hbm>>) dst(%dma_wait3A_3516 : memref<2x48xi32, #tpu.memory_space<vmem>>)
        } else {
        }
        %eq3A_3488 = arith.constant 2 : i32
        %eq3A_3489 = arith.cmpi eq, %rem3A_118, %eq3A_3488 : i32
        %convert_element_type3A_3490 = arith.extui %eq3A_3489 : i1 to i32
        %cond3A_3491 = arith.constant 0 : i32
        %cond3A_3492 = arith.cmpi ne, %convert_element_type3A_3490, %cond3A_3491 : i32
        scf.if %cond3A_3492 {
          %add3A_3503 = arith.constant 1 : i32
          %add3A_3504 = arith.addi %scan3A_108, %add3A_3503 : i32
          %dma_wait3A_3505 = arith.constant 0 : i32
          %dma_wait3A_3506 = arith.constant 0 : i32
          %dma_wait3A_3507 = tpu.memref_slice %arg10[%rem3A_118, %dma_wait3A_3505, %dma_wait3A_3506] : memref<3x2x48xi32, #tpu.memory_space<vmem>> -> memref<1x2x48xi32, #tpu.memory_space<vmem>>
          %dma_wait3A_3508 = tpu.memref_squeeze %dma_wait3A_3507 : memref<1x2x48xi32, #tpu.memory_space<vmem>> -> memref<2x48xi32, #tpu.memory_space<vmem>>
          %dma_wait3A_3509 = arith.constant 0 : i32
          %dma_wait3A_3510 = arith.constant 0 : i32
          %dma_wait3A_3511 = tpu.memref_slice %arg5[%add3A, %add3A_3504, %dma_wait3A_3509, %dma_wait3A_3510] : memref<32x215x2x48xi32, #tpu.memory_space<hbm>> -> memref<1x1x2x48xi32, #tpu.memory_space<hbm>>
          %dma_wait3A_3512 = tpu.memref_squeeze %dma_wait3A_3511 : memref<1x1x2x48xi32, #tpu.memory_space<hbm>> -> memref<2x48xi32, #tpu.memory_space<hbm>>
          %dma_wait3A_3513 = arith.constant 0 : i32
          %dma_wait3A_3514 = arith.constant 0 : i32
          %dma_wait3A_3515 = tpu.memref_slice %arg10[%rem3A_118, %dma_wait3A_3513, %dma_wait3A_3514] : memref<3x2x48xi32, #tpu.memory_space<vmem>> -> memref<1x2x48xi32, #tpu.memory_space<vmem>>
          %dma_wait3A_3516 = tpu.memref_squeeze %dma_wait3A_3515 : memref<1x2x48xi32, #tpu.memory_space<vmem>> -> memref<2x48xi32, #tpu.memory_space<vmem>>
          %dma_wait3A_3517 = arith.constant 0 : i32
          %dma_wait3A_3518 = arith.constant 0 : i32
          %dma_wait3A_3519 = tpu.memref_slice %arg5[%add3A, %add3A_3504, %dma_wait3A_3517, %dma_wait3A_3518] : memref<32x215x2x48xi32, #tpu.memory_space<hbm>> -> memref<1x1x2x48xi32, #tpu.memory_space<hbm>>
          %dma_wait3A_3520 = tpu.memref_squeeze %dma_wait3A_3519 : memref<1x1x2x48xi32, #tpu.memory_space<hbm>> -> memref<2x48xi32, #tpu.memory_space<hbm>>
          tpu.wait_dma2 semaphore(%arg16 : memref<!tpu.dma_semaphore, #tpu.memory_space<semaphore_mem>>) src(%dma_wait3A_3520 : memref<2x48xi32, #tpu.memory_space<hbm>>) dst(%dma_wait3A_3516 : memref<2x48xi32, #tpu.memory_space<vmem>>)
        } else {
        }
        %eq3A_3493 = arith.constant 0 : i32
        %eq3A_3494 = arith.cmpi eq, %sub3A_110, %eq3A_3493 : i32
        %convert_element_type3A_3495 = arith.extui %eq3A_3494 : i1 to i32
        %cond3A_3496 = arith.constant 0 : i32
        %cond3A_3497 = arith.cmpi ne, %convert_element_type3A_3495, %cond3A_3496 : i32
        scf.if %cond3A_3497 {
          %mul3A_3503 = arith.constant 48 : i32
          %mul3A_3504 = arith.muli %sub3A_110, %mul3A_3503 : i32
          %dma_start3A_3505 = arith.constant 0 : i32
          %dma_start3A_3506 = arith.constant 0 : i32
          %dma_start3A_3507 = tpu.memref_slice %arg12[%mul3A_3504, %dma_start3A_3506] : memref<96x128xf32, #tpu.memory_space<vmem>> -> memref<48x128xf32, #tpu.memory_space<vmem>>
          %dma_start3A_3508 = arith.constant 0 : i32
          %dma_start3A_3509 = tpu.memref_slice %arg10[%rem3A_118, %dma_start3A_3505, %dma_start3A_3508] : memref<3x2x48xi32, #tpu.memory_space<vmem>> -> memref<1x1x48xi32, #tpu.memory_space<vmem>>
          %dma_start3A_3510 = tpu.memref_squeeze %dma_start3A_3509 : memref<1x1x48xi32, #tpu.memory_space<vmem>> -> memref<48xi32, #tpu.memory_space<vmem>>
          %dma_start3A_3511 = arith.constant 0 : i32
          %dma_start3A_3512 = arith.constant 0 : i32
          %dma_start3A_3513 = tpu.memref_slice %arg2[%dma_start3A_3511, %dma_start3A_3512] : memref<10000x128xf32, #tpu.memory_space<hbm>> -> memref<10000x128xf32, #tpu.memory_space<hbm>>
          tpu.enqueue_indirect_dma source(%dma_start3A_3513 : memref<10000x128xf32, #tpu.memory_space<hbm>>) target(%dma_start3A_3507 : memref<48x128xf32, #tpu.memory_space<vmem>>) offsets(%dma_start3A_3510 : memref<48xi32, #tpu.memory_space<vmem>>) semaphore(%arg17 : memref<!tpu.dma_semaphore, #tpu.memory_space<semaphore_mem>>)
        } else {
        }
        %eq3A_3498 = arith.constant 1 : i32
        %eq3A_3499 = arith.cmpi eq, %sub3A_110, %eq3A_3498 : i32
        %convert_element_type3A_3500 = arith.extui %eq3A_3499 : i1 to i32
        %cond3A_3501 = arith.constant 0 : i32
        %cond3A_3502 = arith.cmpi ne, %convert_element_type3A_3500, %cond3A_3501 : i32
        scf.if %cond3A_3502 {
          %mul3A_3503 = arith.constant 48 : i32
          %mul3A_3504 = arith.muli %sub3A_110, %mul3A_3503 : i32
          %dma_start3A_3505 = arith.constant 0 : i32
          %dma_start3A_3506 = arith.constant 0 : i32
          %dma_start3A_3507 = tpu.memref_slice %arg12[%mul3A_3504, %dma_start3A_3506] : memref<96x128xf32, #tpu.memory_space<vmem>> -> memref<48x128xf32, #tpu.memory_space<vmem>>
          %dma_start3A_3508 = arith.constant 0 : i32
          %dma_start3A_3509 = tpu.memref_slice %arg10[%rem3A_118, %dma_start3A_3505, %dma_start3A_3508] : memref<3x2x48xi32, #tpu.memory_space<vmem>> -> memref<1x1x48xi32, #tpu.memory_space<vmem>>
          %dma_start3A_3510 = tpu.memref_squeeze %dma_start3A_3509 : memref<1x1x48xi32, #tpu.memory_space<vmem>> -> memref<48xi32, #tpu.memory_space<vmem>>
          %dma_start3A_3511 = arith.constant 0 : i32
          %dma_start3A_3512 = arith.constant 0 : i32
          %dma_start3A_3513 = tpu.memref_slice %arg2[%dma_start3A_3511, %dma_start3A_3512] : memref<10000x128xf32, #tpu.memory_space<hbm>> -> memref<10000x128xf32, #tpu.memory_space<hbm>>
          tpu.enqueue_indirect_dma source(%dma_start3A_3513 : memref<10000x128xf32, #tpu.memory_space<hbm>>) target(%dma_start3A_3507 : memref<48x128xf32, #tpu.memory_space<vmem>>) offsets(%dma_start3A_3510 : memref<48xi32, #tpu.memory_space<vmem>>) semaphore(%arg18 : memref<!tpu.dma_semaphore, #tpu.memory_space<semaphore_mem>>)
        } else {
        }
      } else {
      }
      %add3A_131 = arith.constant 2 : i32
      %add3A_132 = arith.addi %scan3A_108, %add3A_131 : i32
      %lt3A_133 = arith.constant 215 : i32
      %lt3A_134 = arith.cmpi slt, %add3A_132, %lt3A_133 : i32
      %convert_element_type3A_135 = arith.extui %lt3A_134 : i1 to i32
      %cond3A_136 = arith.constant 0 : i32
      %cond3A_137 = arith.cmpi ne, %convert_element_type3A_135, %cond3A_136 : i32
      scf.if %cond3A_137 {
        %eq3A_3478 = arith.constant 0 : i32
        %eq3A_3479 = arith.cmpi eq, %rem3A_122, %eq3A_3478 : i32
        %convert_element_type3A_3480 = arith.extui %eq3A_3479 : i1 to i32
        %cond3A_3481 = arith.constant 0 : i32
        %cond3A_3482 = arith.cmpi ne, %convert_element_type3A_3480, %cond3A_3481 : i32
        scf.if %cond3A_3482 {
          %add3A_3493 = arith.constant 2 : i32
          %add3A_3494 = arith.addi %scan3A_108, %add3A_3493 : i32
          %dma_start3A_3495 = arith.constant 0 : i32
          %dma_start3A_3496 = arith.constant 0 : i32
          %dma_start3A_3497 = tpu.memref_slice %arg10[%rem3A_122, %dma_start3A_3495, %dma_start3A_3496] : memref<3x2x48xi32, #tpu.memory_space<vmem>> -> memref<1x2x48xi32, #tpu.memory_space<vmem>>
          %dma_start3A_3498 = tpu.memref_squeeze %dma_start3A_3497 : memref<1x2x48xi32, #tpu.memory_space<vmem>> -> memref<2x48xi32, #tpu.memory_space<vmem>>
          %dma_start3A_3499 = arith.constant 0 : i32
          %dma_start3A_3500 = arith.constant 0 : i32
          %dma_start3A_3501 = tpu.memref_slice %arg5[%add3A, %add3A_3494, %dma_start3A_3499, %dma_start3A_3500] : memref<32x215x2x48xi32, #tpu.memory_space<hbm>> -> memref<1x1x2x48xi32, #tpu.memory_space<hbm>>
          %dma_start3A_3502 = tpu.memref_squeeze %dma_start3A_3501 : memref<1x1x2x48xi32, #tpu.memory_space<hbm>> -> memref<2x48xi32, #tpu.memory_space<hbm>>
          %dma_start3A_3503 = arith.constant 0 : i32
          %dma_start3A_3504 = arith.constant 0 : i32
          %dma_start3A_3505 = tpu.memref_slice %arg10[%rem3A_122, %dma_start3A_3503, %dma_start3A_3504] : memref<3x2x48xi32, #tpu.memory_space<vmem>> -> memref<1x2x48xi32, #tpu.memory_space<vmem>>
          %dma_start3A_3506 = tpu.memref_squeeze %dma_start3A_3505 : memref<1x2x48xi32, #tpu.memory_space<vmem>> -> memref<2x48xi32, #tpu.memory_space<vmem>>
          %dma_start3A_3507 = arith.constant 0 : i32
          %dma_start3A_3508 = arith.constant 0 : i32
          %dma_start3A_3509 = tpu.memref_slice %arg5[%add3A, %add3A_3494, %dma_start3A_3507, %dma_start3A_3508] : memref<32x215x2x48xi32, #tpu.memory_space<hbm>> -> memref<1x1x2x48xi32, #tpu.memory_space<hbm>>
          %dma_start3A_3510 = tpu.memref_squeeze %dma_start3A_3509 : memref<1x1x2x48xi32, #tpu.memory_space<hbm>> -> memref<2x48xi32, #tpu.memory_space<hbm>>
          tpu.enqueue_dma source(%dma_start3A_3510 : memref<2x48xi32, #tpu.memory_space<hbm>>) target(%dma_start3A_3506 : memref<2x48xi32, #tpu.memory_space<vmem>>) target_semaphore(%arg14 : memref<!tpu.dma_semaphore, #tpu.memory_space<semaphore_mem>>)
        } else {
        }
        %eq3A_3483 = arith.constant 1 : i32
        %eq3A_3484 = arith.cmpi eq, %rem3A_122, %eq3A_3483 : i32
        %convert_element_type3A_3485 = arith.extui %eq3A_3484 : i1 to i32
        %cond3A_3486 = arith.constant 0 : i32
        %cond3A_3487 = arith.cmpi ne, %convert_element_type3A_3485, %cond3A_3486 : i32
        scf.if %cond3A_3487 {
          %add3A_3493 = arith.constant 2 : i32
          %add3A_3494 = arith.addi %scan3A_108, %add3A_3493 : i32
          %dma_start3A_3495 = arith.constant 0 : i32
          %dma_start3A_3496 = arith.constant 0 : i32
          %dma_start3A_3497 = tpu.memref_slice %arg10[%rem3A_122, %dma_start3A_3495, %dma_start3A_3496] : memref<3x2x48xi32, #tpu.memory_space<vmem>> -> memref<1x2x48xi32, #tpu.memory_space<vmem>>
          %dma_start3A_3498 = tpu.memref_squeeze %dma_start3A_3497 : memref<1x2x48xi32, #tpu.memory_space<vmem>> -> memref<2x48xi32, #tpu.memory_space<vmem>>
          %dma_start3A_3499 = arith.constant 0 : i32
          %dma_start3A_3500 = arith.constant 0 : i32
          %dma_start3A_3501 = tpu.memref_slice %arg5[%add3A, %add3A_3494, %dma_start3A_3499, %dma_start3A_3500] : memref<32x215x2x48xi32, #tpu.memory_space<hbm>> -> memref<1x1x2x48xi32, #tpu.memory_space<hbm>>
          %dma_start3A_3502 = tpu.memref_squeeze %dma_start3A_3501 : memref<1x1x2x48xi32, #tpu.memory_space<hbm>> -> memref<2x48xi32, #tpu.memory_space<hbm>>
          %dma_start3A_3503 = arith.constant 0 : i32
          %dma_start3A_3504 = arith.constant 0 : i32
          %dma_start3A_3505 = tpu.memref_slice %arg10[%rem3A_122, %dma_start3A_3503, %dma_start3A_3504] : memref<3x2x48xi32, #tpu.memory_space<vmem>> -> memref<1x2x48xi32, #tpu.memory_space<vmem>>
          %dma_start3A_3506 = tpu.memref_squeeze %dma_start3A_3505 : memref<1x2x48xi32, #tpu.memory_space<vmem>> -> memref<2x48xi32, #tpu.memory_space<vmem>>
          %dma_start3A_3507 = arith.constant 0 : i32
          %dma_start3A_3508 = arith.constant 0 : i32
          %dma_start3A_3509 = tpu.memref_slice %arg5[%add3A, %add3A_3494, %dma_start3A_3507, %dma_start3A_3508] : memref<32x215x2x48xi32, #tpu.memory_space<hbm>> -> memref<1x1x2x48xi32, #tpu.memory_space<hbm>>
          %dma_start3A_3510 = tpu.memref_squeeze %dma_start3A_3509 : memref<1x1x2x48xi32, #tpu.memory_space<hbm>> -> memref<2x48xi32, #tpu.memory_space<hbm>>
          tpu.enqueue_dma source(%dma_start3A_3510 : memref<2x48xi32, #tpu.memory_space<hbm>>) target(%dma_start3A_3506 : memref<2x48xi32, #tpu.memory_space<vmem>>) target_semaphore(%arg15 : memref<!tpu.dma_semaphore, #tpu.memory_space<semaphore_mem>>)
        } else {
        }
        %eq3A_3488 = arith.constant 2 : i32
        %eq3A_3489 = arith.cmpi eq, %rem3A_122, %eq3A_3488 : i32
        %convert_element_type3A_3490 = arith.extui %eq3A_3489 : i1 to i32
        %cond3A_3491 = arith.constant 0 : i32
        %cond3A_3492 = arith.cmpi ne, %convert_element_type3A_3490, %cond3A_3491 : i32
        scf.if %cond3A_3492 {
          %add3A_3493 = arith.constant 2 : i32
          %add3A_3494 = arith.addi %scan3A_108, %add3A_3493 : i32
          %dma_start3A_3495 = arith.constant 0 : i32
          %dma_start3A_3496 = arith.constant 0 : i32
          %dma_start3A_3497 = tpu.memref_slice %arg10[%rem3A_122, %dma_start3A_3495, %dma_start3A_3496] : memref<3x2x48xi32, #tpu.memory_space<vmem>> -> memref<1x2x48xi32, #tpu.memory_space<vmem>>
          %dma_start3A_3498 = tpu.memref_squeeze %dma_start3A_3497 : memref<1x2x48xi32, #tpu.memory_space<vmem>> -> memref<2x48xi32, #tpu.memory_space<vmem>>
          %dma_start3A_3499 = arith.constant 0 : i32
          %dma_start3A_3500 = arith.constant 0 : i32
          %dma_start3A_3501 = tpu.memref_slice %arg5[%add3A, %add3A_3494, %dma_start3A_3499, %dma_start3A_3500] : memref<32x215x2x48xi32, #tpu.memory_space<hbm>> -> memref<1x1x2x48xi32, #tpu.memory_space<hbm>>
          %dma_start3A_3502 = tpu.memref_squeeze %dma_start3A_3501 : memref<1x1x2x48xi32, #tpu.memory_space<hbm>> -> memref<2x48xi32, #tpu.memory_space<hbm>>
          %dma_start3A_3503 = arith.constant 0 : i32
          %dma_start3A_3504 = arith.constant 0 : i32
          %dma_start3A_3505 = tpu.memref_slice %arg10[%rem3A_122, %dma_start3A_3503, %dma_start3A_3504] : memref<3x2x48xi32, #tpu.memory_space<vmem>> -> memref<1x2x48xi32, #tpu.memory_space<vmem>>
          %dma_start3A_3506 = tpu.memref_squeeze %dma_start3A_3505 : memref<1x2x48xi32, #tpu.memory_space<vmem>> -> memref<2x48xi32, #tpu.memory_space<vmem>>
          %dma_start3A_3507 = arith.constant 0 : i32
          %dma_start3A_3508 = arith.constant 0 : i32
          %dma_start3A_3509 = tpu.memref_slice %arg5[%add3A, %add3A_3494, %dma_start3A_3507, %dma_start3A_3508] : memref<32x215x2x48xi32, #tpu.memory_space<hbm>> -> memref<1x1x2x48xi32, #tpu.memory_space<hbm>>
          %dma_start3A_3510 = tpu.memref_squeeze %dma_start3A_3509 : memref<1x1x2x48xi32, #tpu.memory_space<hbm>> -> memref<2x48xi32, #tpu.memory_space<hbm>>
          tpu.enqueue_dma source(%dma_start3A_3510 : memref<2x48xi32, #tpu.memory_space<hbm>>) target(%dma_start3A_3506 : memref<2x48xi32, #tpu.memory_space<vmem>>) target_semaphore(%arg16 : memref<!tpu.dma_semaphore, #tpu.memory_space<semaphore_mem>>)
        } else {
        }
      } else {
      }
      %get3A = arith.constant 0 : i32
      %get3A_138 = arith.index_cast %rem3A_114 : i32 to index
      %get3A_139 = arith.index_cast %get3A : i32 to index
      %get3A_140 = arith.constant 0 : index
      %get3A_141 = tpu.vector_load %arg10[%get3A_138, %get3A_139, %get3A_140] {strides = array<i32>} : memref<3x2x48xi32, #tpu.memory_space<vmem>>, vector<16xi32>,
      %get3A_142 = arith.constant 1 : i32
      %get3A_143 = arith.index_cast %rem3A_114 : i32 to index
      %get3A_144 = arith.index_cast %get3A_142 : i32 to index
      %get3A_145 = arith.constant 0 : index
      %get3A_146 = tpu.vector_load %arg10[%get3A_143, %get3A_144, %get3A_145] {strides = array<i32>} : memref<3x2x48xi32, #tpu.memory_space<vmem>>, vector<16xi32>,
      %gather3A = tpu.vector_load_idx %arg8[%get3A_141] : memref<10016xf32, #tpu.memory_space<vmem>>[vector<16xi32>], vector<16xf32>,
      %gather3A_147 = tpu.vector_load_idx %arg9[%get3A_146] : memref<10016xf32, #tpu.memory_space<vmem>>[vector<16xi32>], vector<16xf32>,
      %add3A_148 = arith.addf %gather3A, %gather3A_147 : vector<16xf32>
      %ge3A = arith.constant 0.000000e+00 : f32
      %ge3A_149 = vector.broadcast %ge3A : f32 to vector<16xf32>
      %ge3A_150 = arith.cmpf oge, %add3A_148, %ge3A_149 : vector<16xf32>
      %mul3A_151 = arith.constant 2.000000e-01 : f32
      %mul3A_152 = vector.broadcast %mul3A_151 : f32 to vector<16xf32>
      %mul3A_153 = arith.mulf %add3A_148, %mul3A_152 : vector<16xf32>
      %select_n3A = arith.select %ge3A_150, %add3A_148, %mul3A_153 : vector<16xi1>, vector<16xf32>
      %exp3A = math.exp %select_n3A : vector<16xf32>
      %masked_sort3A = arith.constant dense<true> : vector<16xi1>
      %masked_sort3A_154 = arith.constant -2147483648 : i32
      %masked_sort3A_155 = vector.broadcast %masked_sort3A_154 : i32 to vector<16xi32>
      %masked_sort3A_156 = arith.xori %get3A_146, %masked_sort3A_155 : vector<16xi32>
      %masked_sort3A_157, %masked_sort3A_158, %masked_sort3A_159 = tpu.sort %masked_sort3A_156, %exp3A masked %masked_sort3A : (vector<16xi32>, vector<16xf32>, vector<16xi1>) -> (vector<16xi1>, vector<16xi32>, vector<16xf32>)
      %masked_sort3A_160 = arith.xori %masked_sort3A_158, %masked_sort3A_155 : vector<16xi32>
      %broadcast_in_dim3A_161 = arith.constant true
      %broadcast_in_dim3A_162 = vector.broadcast %broadcast_in_dim3A_161 : i1 to vector<16xi1>
      %masked_cumsum3A = tpu.scan <sum>, %masked_sort3A_159 masked %broadcast_in_dim3A_162 : vector<16xf32>, vector<16xi1> -> vector<16xf32>
      %sub3A_163 = arith.constant 1 : i32
      %sub3A_164 = vector.broadcast %sub3A_163 : i32 to vector<16xi32>
      %sub3A_165 = arith.subi %iota3A, %sub3A_164 : vector<16xi32>
      %max3A = arith.constant 0 : i32
      %max3A_166 = vector.broadcast %max3A : i32 to vector<16xi32>
      %max3A_167 = arith.maxsi %sub3A_165, %max3A_166 : vector<16xi32>
      %add3A_168 = arith.constant 1 : i32
      %add3A_169 = vector.broadcast %add3A_168 : i32 to vector<16xi32>
      %add3A_170 = arith.addi %iota3A, %add3A_169 : vector<16xi32>
      %min3A = arith.constant 15 : i32
      %min3A_171 = vector.broadcast %min3A : i32 to vector<16xi32>
      %min3A_172 = arith.minsi %add3A_170, %min3A_171 : vector<16xi32>
      %broadcast_in_dim3A_173 = vector.shape_cast %max3A_167 : vector<16xi32> to vector<16x1xi32>
      %gather3A_174 = vector.shape_cast %broadcast_in_dim3A_173 : vector<16x1xi32> to vector<16xi32>
      %gather3A_175 = tpu.dynamic_gather %masked_sort3A_160[%gather3A_174] in [0] : vector<16xi32>, vector<16xi32> -> vector<16xi32>
      %broadcast_in_dim3A_176 = vector.shape_cast %min3A_172 : vector<16xi32> to vector<16x1xi32>
      %gather3A_177 = vector.shape_cast %broadcast_in_dim3A_176 : vector<16x1xi32> to vector<16xi32>
      %gather3A_178 = tpu.dynamic_gather %masked_sort3A_160[%gather3A_177] in [0] : vector<16xi32>, vector<16xi32> -> vector<16xi32>
      %broadcast_in_dim3A_179 = vector.shape_cast %max3A_167 : vector<16xi32> to vector<16x1xi32>
      %gather3A_180 = vector.shape_cast %broadcast_in_dim3A_179 : vector<16x1xi32> to vector<16xi32>
      %gather3A_181 = tpu.dynamic_gather %masked_cumsum3A[%gather3A_180] in [0] : vector<16xf32>, vector<16xi32> -> vector<16xf32>
      %eq3A = arith.constant 0 : i32
      %eq3A_182 = vector.broadcast %eq3A : i32 to vector<16xi32>
      %eq3A_183 = arith.cmpi eq, %iota3A, %eq3A_182 : vector<16xi32>
      %ne3A = arith.cmpi ne, %masked_sort3A_160, %gather3A_175 : vector<16xi32>
      %or3A = arith.ori %eq3A_183, %ne3A : vector<16xi1>
      %eq3A_184 = arith.constant 15 : i32
      %eq3A_185 = vector.broadcast %eq3A_184 : i32 to vector<16xi32>
      %eq3A_186 = arith.cmpi eq, %iota3A, %eq3A_185 : vector<16xi32>
      %ne3A_187 = arith.cmpi ne, %masked_sort3A_160, %gather3A_178 : vector<16xi32>
      %or3A_188 = arith.ori %eq3A_186, %ne3A_187 : vector<16xi1>
      %eq3A_189 = arith.constant 0 : i32
      %eq3A_190 = vector.broadcast %eq3A_189 : i32 to vector<16xi32>
      %eq3A_191 = arith.cmpi eq, %iota3A, %eq3A_190 : vector<16xi32>
      %neg3A = arith.constant 0.000000e+00 : f32
      %neg3A_192 = vector.broadcast %neg3A : f32 to vector<16xf32>
      %neg3A_193 = arith.subf %neg3A_192, %gather3A_181 : vector<16xf32>
      %jit3A = arith.constant 0.000000e+00 : f32
      %broadcast_in_dim3A_194 = vector.broadcast %jit3A : f32 to vector<16xf32>
      %select_n3A_195 = arith.select %eq3A_191, %broadcast_in_dim3A_194, %neg3A_193 : vector<16xi1>, vector<16xf32>
      tpu.vector_store_idx %arg11[%masked_sort3A_160], %masked_cumsum3A masked %or3A_188 {add = true} : memref<10240xf32, #tpu.memory_space<vmem>>[vector<16xi32>], vector<16xf32>, vector<16xi1>
      tpu.vector_store_idx %arg11[%masked_sort3A_160], %select_n3A_195 masked %or3A {add = true} : memref<10240xf32, #tpu.memory_space<vmem>>[vector<16xi32>], vector<16xf32>, vector<16xi1>
      %get3A_196 = arith.constant 0 : i32
      %get3A_197 = arith.index_cast %rem3A_114 : i32 to index
      %get3A_198 = arith.index_cast %get3A_196 : i32 to index
      %get3A_199 = arith.constant 16 : index
      %get3A_200 = tpu.vector_load %arg10[%get3A_197, %get3A_198, %get3A_199] {strides = array<i32>} : memref<3x2x48xi32, #tpu.memory_space<vmem>>, vector<16xi32>,
      %get3A_201 = arith.constant 1 : i32
      %get3A_202 = arith.index_cast %rem3A_114 : i32 to index
      %get3A_203 = arith.index_cast %get3A_201 : i32 to index
      %get3A_204 = arith.constant 16 : index
      %get3A_205 = tpu.vector_load %arg10[%get3A_202, %get3A_203, %get3A_204] {strides = array<i32>} : memref<3x2x48xi32, #tpu.memory_space<vmem>>, vector<16xi32>,
      %gather3A_206 = tpu.vector_load_idx %arg8[%get3A_200] : memref<10016xf32, #tpu.memory_space<vmem>>[vector<16xi32>], vector<16xf32>,
      %gather3A_207 = tpu.vector_load_idx %arg9[%get3A_205] : memref<10016xf32, #tpu.memory_space<vmem>>[vector<16xi32>], vector<16xf32>,
      %add3A_208 = arith.addf %gather3A_206, %gather3A_207 : vector<16xf32>
      %ge3A_209 = arith.constant 0.000000e+00 : f32
      %ge3A_210 = vector.broadcast %ge3A_209 : f32 to vector<16xf32>
      %ge3A_211 = arith.cmpf oge, %add3A_208, %ge3A_210 : vector<16xf32>
      %mul3A_212 = arith.constant 2.000000e-01 : f32
      %mul3A_213 = vector.broadcast %mul3A_212 : f32 to vector<16xf32>
      %mul3A_214 = arith.mulf %add3A_208, %mul3A_213 : vector<16xf32>
      %select_n3A_215 = arith.select %ge3A_211, %add3A_208, %mul3A_214 : vector<16xi1>, vector<16xf32>
      %exp3A_216 = math.exp %select_n3A_215 : vector<16xf32>
      %masked_sort3A_217 = arith.constant dense<true> : vector<16xi1>
      %masked_sort3A_218 = arith.constant -2147483648 : i32
      %masked_sort3A_219 = vector.broadcast %masked_sort3A_218 : i32 to vector<16xi32>
      %masked_sort3A_220 = arith.xori %get3A_205, %masked_sort3A_219 : vector<16xi32>
      %masked_sort3A_221, %masked_sort3A_222, %masked_sort3A_223 = tpu.sort %masked_sort3A_220, %exp3A_216 masked %masked_sort3A_217 : (vector<16xi32>, vector<16xf32>, vector<16xi1>) -> (vector<16xi1>, vector<16xi32>, vector<16xf32>)
      %masked_sort3A_224 = arith.xori %masked_sort3A_222, %masked_sort3A_219 : vector<16xi32>
      %broadcast_in_dim3A_225 = arith.constant true
      %broadcast_in_dim3A_226 = vector.broadcast %broadcast_in_dim3A_225 : i1 to vector<16xi1>
      %masked_cumsum3A_227 = tpu.scan <sum>, %masked_sort3A_223 masked %broadcast_in_dim3A_226 : vector<16xf32>, vector<16xi1> -> vector<16xf32>
      %sub3A_228 = arith.constant 1 : i32
      %sub3A_229 = vector.broadcast %sub3A_228 : i32 to vector<16xi32>
      %sub3A_230 = arith.subi %iota3A, %sub3A_229 : vector<16xi32>
      %max3A_231 = arith.constant 0 : i32
      %max3A_232 = vector.broadcast %max3A_231 : i32 to vector<16xi32>
      %max3A_233 = arith.maxsi %sub3A_230, %max3A_232 : vector<16xi32>
      %add3A_234 = arith.constant 1 : i32
      %add3A_235 = vector.broadcast %add3A_234 : i32 to vector<16xi32>
      %add3A_236 = arith.addi %iota3A, %add3A_235 : vector<16xi32>
      %min3A_237 = arith.constant 15 : i32
      %min3A_238 = vector.broadcast %min3A_237 : i32 to vector<16xi32>
      %min3A_239 = arith.minsi %add3A_236, %min3A_238 : vector<16xi32>
      %broadcast_in_dim3A_240 = vector.shape_cast %max3A_233 : vector<16xi32> to vector<16x1xi32>
      %gather3A_241 = vector.shape_cast %broadcast_in_dim3A_240 : vector<16x1xi32> to vector<16xi32>
      %gather3A_242 = tpu.dynamic_gather %masked_sort3A_224[%gather3A_241] in [0] : vector<16xi32>, vector<16xi32> -> vector<16xi32>
      %broadcast_in_dim3A_243 = vector.shape_cast %min3A_239 : vector<16xi32> to vector<16x1xi32>
      %gather3A_244 = vector.shape_cast %broadcast_in_dim3A_243 : vector<16x1xi32> to vector<16xi32>
      %gather3A_245 = tpu.dynamic_gather %masked_sort3A_224[%gather3A_244] in [0] : vector<16xi32>, vector<16xi32> -> vector<16xi32>
      %broadcast_in_dim3A_246 = vector.shape_cast %max3A_233 : vector<16xi32> to vector<16x1xi32>
      %gather3A_247 = vector.shape_cast %broadcast_in_dim3A_246 : vector<16x1xi32> to vector<16xi32>
      %gather3A_248 = tpu.dynamic_gather %masked_cumsum3A_227[%gather3A_247] in [0] : vector<16xf32>, vector<16xi32> -> vector<16xf32>
      %eq3A_249 = arith.constant 0 : i32
      %eq3A_250 = vector.broadcast %eq3A_249 : i32 to vector<16xi32>
      %eq3A_251 = arith.cmpi eq, %iota3A, %eq3A_250 : vector<16xi32>
      %ne3A_252 = arith.cmpi ne, %masked_sort3A_224, %gather3A_242 : vector<16xi32>
      %or3A_253 = arith.ori %eq3A_251, %ne3A_252 : vector<16xi1>
      %eq3A_254 = arith.constant 15 : i32
      %eq3A_255 = vector.broadcast %eq3A_254 : i32 to vector<16xi32>
      %eq3A_256 = arith.cmpi eq, %iota3A, %eq3A_255 : vector<16xi32>
      %ne3A_257 = arith.cmpi ne, %masked_sort3A_224, %gather3A_245 : vector<16xi32>
      %or3A_258 = arith.ori %eq3A_256, %ne3A_257 : vector<16xi1>
      %eq3A_259 = arith.constant 0 : i32
      %eq3A_260 = vector.broadcast %eq3A_259 : i32 to vector<16xi32>
      %eq3A_261 = arith.cmpi eq, %iota3A, %eq3A_260 : vector<16xi32>
      %neg3A_262 = arith.constant 0.000000e+00 : f32
      %neg3A_263 = vector.broadcast %neg3A_262 : f32 to vector<16xf32>
      %neg3A_264 = arith.subf %neg3A_263, %gather3A_248 : vector<16xf32>
      %jit3A_265 = arith.constant 0.000000e+00 : f32
      %broadcast_in_dim3A_266 = vector.broadcast %jit3A_265 : f32 to vector<16xf32>
      %select_n3A_267 = arith.select %eq3A_261, %broadcast_in_dim3A_266, %neg3A_264 : vector<16xi1>, vector<16xf32>
      tpu.vector_store_idx %arg11[%masked_sort3A_224], %masked_cumsum3A_227 masked %or3A_258 {add = true} : memref<10240xf32, #tpu.memory_space<vmem>>[vector<16xi32>], vector<16xf32>, vector<16xi1>
      tpu.vector_store_idx %arg11[%masked_sort3A_224], %select_n3A_267 masked %or3A_253 {add = true} : memref<10240xf32, #tpu.memory_space<vmem>>[vector<16xi32>], vector<16xf32>, vector<16xi1>
      %get3A_268 = arith.constant 0 : i32
      %get3A_269 = arith.index_cast %rem3A_114 : i32 to index
      %get3A_270 = arith.index_cast %get3A_268 : i32 to index
      %get3A_271 = arith.constant 32 : index
      %get3A_272 = tpu.vector_load %arg10[%get3A_269, %get3A_270, %get3A_271] {strides = array<i32>} : memref<3x2x48xi32, #tpu.memory_space<vmem>>, vector<16xi32>,
      %get3A_273 = arith.constant 1 : i32
      %get3A_274 = arith.index_cast %rem3A_114 : i32 to index
      %get3A_275 = arith.index_cast %get3A_273 : i32 to index
      %get3A_276 = arith.constant 32 : index
      %get3A_277 = tpu.vector_load %arg10[%get3A_274, %get3A_275, %get3A_276] {strides = array<i32>} : memref<3x2x48xi32, #tpu.memory_space<vmem>>, vector<16xi32>,
      %gather3A_278 = tpu.vector_load_idx %arg8[%get3A_272] : memref<10016xf32, #tpu.memory_space<vmem>>[vector<16xi32>], vector<16xf32>,
      %gather3A_279 = tpu.vector_load_idx %arg9[%get3A_277] : memref<10016xf32, #tpu.memory_space<vmem>>[vector<16xi32>], vector<16xf32>,
      %add3A_280 = arith.addf %gather3A_278, %gather3A_279 : vector<16xf32>
      %ge3A_281 = arith.constant 0.000000e+00 : f32
      %ge3A_282 = vector.broadcast %ge3A_281 : f32 to vector<16xf32>
      %ge3A_283 = arith.cmpf oge, %add3A_280, %ge3A_282 : vector<16xf32>
      %mul3A_284 = arith.constant 2.000000e-01 : f32
      %mul3A_285 = vector.broadcast %mul3A_284 : f32 to vector<16xf32>
      %mul3A_286 = arith.mulf %add3A_280, %mul3A_285 : vector<16xf32>
      %select_n3A_287 = arith.select %ge3A_283, %add3A_280, %mul3A_286 : vector<16xi1>, vector<16xf32>
      %exp3A_288 = math.exp %select_n3A_287 : vector<16xf32>
      %masked_sort3A_289 = arith.constant dense<true> : vector<16xi1>
      %masked_sort3A_290 = arith.constant -2147483648 : i32
      %masked_sort3A_291 = vector.broadcast %masked_sort3A_290 : i32 to vector<16xi32>
      %masked_sort3A_292 = arith.xori %get3A_277, %masked_sort3A_291 : vector<16xi32>
      %masked_sort3A_293, %masked_sort3A_294, %masked_sort3A_295 = tpu.sort %masked_sort3A_292, %exp3A_288 masked %masked_sort3A_289 : (vector<16xi32>, vector<16xf32>, vector<16xi1>) -> (vector<16xi1>, vector<16xi32>, vector<16xf32>)
      %masked_sort3A_296 = arith.xori %masked_sort3A_294, %masked_sort3A_291 : vector<16xi32>
      %broadcast_in_dim3A_297 = arith.constant true
      %broadcast_in_dim3A_298 = vector.broadcast %broadcast_in_dim3A_297 : i1 to vector<16xi1>
      %masked_cumsum3A_299 = tpu.scan <sum>, %masked_sort3A_295 masked %broadcast_in_dim3A_298 : vector<16xf32>, vector<16xi1> -> vector<16xf32>
      %sub3A_300 = arith.constant 1 : i32
      %sub3A_301 = vector.broadcast %sub3A_300 : i32 to vector<16xi32>
      %sub3A_302 = arith.subi %iota3A, %sub3A_301 : vector<16xi32>
      %max3A_303 = arith.constant 0 : i32
      %max3A_304 = vector.broadcast %max3A_303 : i32 to vector<16xi32>
      %max3A_305 = arith.maxsi %sub3A_302, %max3A_304 : vector<16xi32>
      %add3A_306 = arith.constant 1 : i32
      %add3A_307 = vector.broadcast %add3A_306 : i32 to vector<16xi32>
      %add3A_308 = arith.addi %iota3A, %add3A_307 : vector<16xi32>
      %min3A_309 = arith.constant 15 : i32
      %min3A_310 = vector.broadcast %min3A_309 : i32 to vector<16xi32>
      %min3A_311 = arith.minsi %add3A_308, %min3A_310 : vector<16xi32>
      %broadcast_in_dim3A_312 = vector.shape_cast %max3A_305 : vector<16xi32> to vector<16x1xi32>
      %gather3A_313 = vector.shape_cast %broadcast_in_dim3A_312 : vector<16x1xi32> to vector<16xi32>
      %gather3A_314 = tpu.dynamic_gather %masked_sort3A_296[%gather3A_313] in [0] : vector<16xi32>, vector<16xi32> -> vector<16xi32>
      %broadcast_in_dim3A_315 = vector.shape_cast %min3A_311 : vector<16xi32> to vector<16x1xi32>
      %gather3A_316 = vector.shape_cast %broadcast_in_dim3A_315 : vector<16x1xi32> to vector<16xi32>
      %gather3A_317 = tpu.dynamic_gather %masked_sort3A_296[%gather3A_316] in [0] : vector<16xi32>, vector<16xi32> -> vector<16xi32>
      %broadcast_in_dim3A_318 = vector.shape_cast %max3A_305 : vector<16xi32> to vector<16x1xi32>
      %gather3A_319 = vector.shape_cast %broadcast_in_dim3A_318 : vector<16x1xi32> to vector<16xi32>
      %gather3A_320 = tpu.dynamic_gather %masked_cumsum3A_299[%gather3A_319] in [0] : vector<16xf32>, vector<16xi32> -> vector<16xf32>
      %eq3A_321 = arith.constant 0 : i32
      %eq3A_322 = vector.broadcast %eq3A_321 : i32 to vector<16xi32>
      %eq3A_323 = arith.cmpi eq, %iota3A, %eq3A_322 : vector<16xi32>
      %ne3A_324 = arith.cmpi ne, %masked_sort3A_296, %gather3A_314 : vector<16xi32>
      %or3A_325 = arith.ori %eq3A_323, %ne3A_324 : vector<16xi1>
      %eq3A_326 = arith.constant 15 : i32
      %eq3A_327 = vector.broadcast %eq3A_326 : i32 to vector<16xi32>
      %eq3A_328 = arith.cmpi eq, %iota3A, %eq3A_327 : vector<16xi32>
      %ne3A_329 = arith.cmpi ne, %masked_sort3A_296, %gather3A_317 : vector<16xi32>
      %or3A_330 = arith.ori %eq3A_328, %ne3A_329 : vector<16xi1>
      %eq3A_331 = arith.constant 0 : i32
      %eq3A_332 = vector.broadcast %eq3A_331 : i32 to vector<16xi32>
      %eq3A_333 = arith.cmpi eq, %iota3A, %eq3A_332 : vector<16xi32>
      %neg3A_334 = arith.constant 0.000000e+00 : f32
      %neg3A_335 = vector.broadcast %neg3A_334 : f32 to vector<16xf32>
      %neg3A_336 = arith.subf %neg3A_335, %gather3A_320 : vector<16xf32>
      %jit3A_337 = arith.constant 0.000000e+00 : f32
      %broadcast_in_dim3A_338 = vector.broadcast %jit3A_337 : f32 to vector<16xf32>
      %select_n3A_339 = arith.select %eq3A_333, %broadcast_in_dim3A_338, %neg3A_336 : vector<16xi1>, vector<16xf32>
      tpu.vector_store_idx %arg11[%masked_sort3A_296], %masked_cumsum3A_299 masked %or3A_330 {add = true} : memref<10240xf32, #tpu.memory_space<vmem>>[vector<16xi32>], vector<16xf32>, vector<16xi1>
      tpu.vector_store_idx %arg11[%masked_sort3A_296], %select_n3A_339 masked %or3A_325 {add = true} : memref<10240xf32, #tpu.memory_space<vmem>>[vector<16xi32>], vector<16xf32>, vector<16xi1>
      %eq3A_340 = arith.constant 0 : i32
      %eq3A_341 = arith.cmpi eq, %rem3A_109, %eq3A_340 : i32
      %convert_element_type3A_342 = arith.extui %eq3A_341 : i1 to i32
      %cond3A_343 = arith.constant 0 : i32
      %cond3A_344 = arith.cmpi ne, %convert_element_type3A_342, %cond3A_343 : i32
      scf.if %cond3A_344 {
        %dma_wait3A_3478 = arith.constant 0 : i32
        %dma_wait3A_3479 = arith.constant 0 : i32
        %dma_wait3A_3480 = tpu.memref_slice %arg12[%mul3A_112, %dma_wait3A_3479] : memref<96x128xf32, #tpu.memory_space<vmem>> -> memref<48x128xf32, #tpu.memory_space<vmem>>
        %dma_wait3A_3481 = arith.constant 0 : i32
        %dma_wait3A_3482 = tpu.memref_slice %arg10[%rem3A_114, %dma_wait3A_3478, %dma_wait3A_3481] : memref<3x2x48xi32, #tpu.memory_space<vmem>> -> memref<1x1x48xi32, #tpu.memory_space<vmem>>
        %dma_wait3A_3483 = tpu.memref_squeeze %dma_wait3A_3482 : memref<1x1x48xi32, #tpu.memory_space<vmem>> -> memref<48xi32, #tpu.memory_space<vmem>>
        %dma_wait3A_3484 = arith.constant 0 : i32
        %dma_wait3A_3485 = arith.constant 0 : i32
        %dma_wait3A_3486 = tpu.memref_slice %arg2[%dma_wait3A_3484, %dma_wait3A_3485] : memref<10000x128xf32, #tpu.memory_space<hbm>> -> memref<10000x128xf32, #tpu.memory_space<hbm>>
        tpu.wait_indirect_dma semaphore(%arg17 : memref<!tpu.dma_semaphore, #tpu.memory_space<semaphore_mem>>) src(%dma_wait3A_3486 : memref<10000x128xf32, #tpu.memory_space<hbm>>) dst(%dma_wait3A_3480 : memref<48x128xf32, #tpu.memory_space<vmem>>)
      } else {
      }
      %eq3A_345 = arith.constant 1 : i32
      %eq3A_346 = arith.cmpi eq, %rem3A_109, %eq3A_345 : i32
      %convert_element_type3A_347 = arith.extui %eq3A_346 : i1 to i32
      %cond3A_348 = arith.constant 0 : i32
      %cond3A_349 = arith.cmpi ne, %convert_element_type3A_347, %cond3A_348 : i32
      scf.if %cond3A_349 {
        %dma_wait3A_3478 = arith.constant 0 : i32
        %dma_wait3A_3479 = arith.constant 0 : i32
        %dma_wait3A_3480 = tpu.memref_slice %arg12[%mul3A_112, %dma_wait3A_3479] : memref<96x128xf32, #tpu.memory_space<vmem>> -> memref<48x128xf32, #tpu.memory_space<vmem>>
        %dma_wait3A_3481 = arith.constant 0 : i32
        %dma_wait3A_3482 = tpu.memref_slice %arg10[%rem3A_114, %dma_wait3A_3478, %dma_wait3A_3481] : memref<3x2x48xi32, #tpu.memory_space<vmem>> -> memref<1x1x48xi32, #tpu.memory_space<vmem>>
        %dma_wait3A_3483 = tpu.memref_squeeze %dma_wait3A_3482 : memref<1x1x48xi32, #tpu.memory_space<vmem>> -> memref<48xi32, #tpu.memory_space<vmem>>
        %dma_wait3A_3484 = arith.constant 0 : i32
        %dma_wait3A_3485 = arith.constant 0 : i32
        %dma_wait3A_3486 = tpu.memref_slice %arg2[%dma_wait3A_3484, %dma_wait3A_3485] : memref<10000x128xf32, #tpu.memory_space<hbm>> -> memref<10000x128xf32, #tpu.memory_space<hbm>>
        tpu.wait_indirect_dma semaphore(%arg18 : memref<!tpu.dma_semaphore, #tpu.memory_space<semaphore_mem>>) src(%dma_wait3A_3486 : memref<10000x128xf32, #tpu.memory_space<hbm>>) dst(%dma_wait3A_3480 : memref<48x128xf32, #tpu.memory_space<vmem>>)
      } else {
      }
      %broadcast_in_dim3A_350 = arith.constant 0 : i32
      %broadcast_in_dim3A_351 = vector.broadcast %broadcast_in_dim3A_350 : i32 to vector<16xi32>
      %broadcast_in_dim3A_352 = vector.shape_cast %broadcast_in_dim3A_351 : vector<16xi32> to vector<16x1xi32>
      %gather3A_353 = vector.shape_cast %broadcast_in_dim3A_352 : vector<16x1xi32> to vector<16xi32>
      %gather3A_354 = tpu.dynamic_gather %exp3A[%gather3A_353] in [0] : vector<16xf32>, vector<16xi32> -> vector<16xf32>
      %add3A_355 = arith.constant 0 : i32
      %add3A_356 = arith.addi %mul3A_112, %add3A_355 : i32
      %add3A_357 = arith.constant 0 : i32
      %add3A_358 = arith.addi %add3A_356, %add3A_357 : i32
      %get3A_359 = arith.index_cast %add3A_358 : i32 to index
      %get3A_360 = arith.constant 0 : index
      %get3A_361 = tpu.vector_load %arg12[%get3A_359, %get3A_360] {strides = array<i32>} : memref<96x128xf32, #tpu.memory_space<vmem>>, vector<16xf32>,
      %mul3A_362 = arith.mulf %get3A_361, %gather3A_354 : vector<16xf32>
      %swap3A = arith.index_cast %add3A_358 : i32 to index
      %swap3A_363 = arith.constant 0 : index
      %swap3A_364 = tpu.vector_load %arg12[%swap3A, %swap3A_363] {strides = array<i32>} : memref<96x128xf32, #tpu.memory_space<vmem>>, vector<16xf32>,
      tpu.vector_store %arg12[%swap3A, %swap3A_363], %mul3A_362 {strides = array<i32>} : memref<96x128xf32, #tpu.memory_space<vmem>>, vector<16xf32>,
      %get3A_365 = arith.index_cast %add3A_358 : i32 to index
      %get3A_366 = arith.constant 16 : index
      %get3A_367 = tpu.vector_load %arg12[%get3A_365, %get3A_366] {strides = array<i32>} : memref<96x128xf32, #tpu.memory_space<vmem>>, vector<16xf32>,
      %mul3A_368 = arith.mulf %get3A_367, %gather3A_354 : vector<16xf32>
      %swap3A_369 = arith.index_cast %add3A_358 : i32 to index
      %swap3A_370 = arith.constant 16 : index
      %swap3A_371 = tpu.vector_load %arg12[%swap3A_369, %swap3A_370] {strides = array<i32>} : memref<96x128xf32, #tpu.memory_space<vmem>>, vector<16xf32>,
      tpu.vector_store %arg12[%swap3A_369, %swap3A_370], %mul3A_368 {strides = array<i32>} : memref<96x128xf32, #tpu.memory_space<vmem>>, vector<16xf32>,
      %get3A_372 = arith.index_cast %add3A_358 : i32 to index
      %get3A_373 = arith.constant 32 : index
      %get3A_374 = tpu.vector_load %arg12[%get3A_372, %get3A_373] {strides = array<i32>} : memref<96x128xf32, #tpu.memory_space<vmem>>, vector<16xf32>,
      %mul3A_375 = arith.mulf %get3A_374, %gather3A_354 : vector<16xf32>
      %swap3A_376 = arith.index_cast %add3A_358 : i32 to index
      %swap3A_377 = arith.constant 32 : index
      %swap3A_378 = tpu.vector_load %arg12[%swap3A_376, %swap3A_377] {strides = array<i32>} : memref<96x128xf32, #tpu.memory_space<vmem>>, vector<16xf32>,
      tpu.vector_store %arg12[%swap3A_376, %swap3A_377], %mul3A_375 {strides = array<i32>} : memref<96x128xf32, #tpu.memory_space<vmem>>, vector<16xf32>,
      %get3A_379 = arith.index_cast %add3A_358 : i32 to index
      %get3A_380 = arith.constant 48 : index
      %get3A_381 = tpu.vector_load %arg12[%get3A_379, %get3A_380] {strides = array<i32>} : memref<96x128xf32, #tpu.memory_space<vmem>>, vector<16xf32>,
      %mul3A_382 = arith.mulf %get3A_381, %gather3A_354 : vector<16xf32>
      %swap3A_383 = arith.index_cast %add3A_358 : i32 to index
      %swap3A_384 = arith.constant 48 : index
      %swap3A_385 = tpu.vector_load %arg12[%swap3A_383, %swap3A_384] {strides = array<i32>} : memref<96x128xf32, #tpu.memory_space<vmem>>, vector<16xf32>,
      tpu.vector_store %arg12[%swap3A_383, %swap3A_384], %mul3A_382 {strides = array<i32>} : memref<96x128xf32, #tpu.memory_space<vmem>>, vector<16xf32>,
      %get3A_386 = arith.index_cast %add3A_358 : i32 to index
      %get3A_387 = arith.constant 64 : index
      %get3A_388 = tpu.vector_load %arg12[%get3A_386, %get3A_387] {strides = array<i32>} : memref<96x128xf32, #tpu.memory_space<vmem>>, vector<16xf32>,
      %mul3A_389 = arith.mulf %get3A_388, %gather3A_354 : vector<16xf32>
      %swap3A_390 = arith.index_cast %add3A_358 : i32 to index
      %swap3A_391 = arith.constant 64 : index
      %swap3A_392 = tpu.vector_load %arg12[%swap3A_390, %swap3A_391] {strides = array<i32>} : memref<96x128xf32, #tpu.memory_space<vmem>>, vector<16xf32>,
      tpu.vector_store %arg12[%swap3A_390, %swap3A_391], %mul3A_389 {strides = array<i32>} : memref<96x128xf32, #tpu.memory_space<vmem>>, vector<16xf32>,
      %get3A_393 = arith.index_cast %add3A_358 : i32 to index
      %get3A_394 = arith.constant 80 : index
      %get3A_395 = tpu.vector_load %arg12[%get3A_393, %get3A_394] {strides = array<i32>} : memref<96x128xf32, #tpu.memory_space<vmem>>, vector<16xf32>,
      %mul3A_396 = arith.mulf %get3A_395, %gather3A_354 : vector<16xf32>
      %swap3A_397 = arith.index_cast %add3A_358 : i32 to index
      %swap3A_398 = arith.constant 80 : index
      %swap3A_399 = tpu.vector_load %arg12[%swap3A_397, %swap3A_398] {strides = array<i32>} : memref<96x128xf32, #tpu.memory_space<vmem>>, vector<16xf32>,
      tpu.vector_store %arg12[%swap3A_397, %swap3A_398], %mul3A_396 {strides = array<i32>} : memref<96x128xf32, #tpu.memory_space<vmem>>, vector<16xf32>,
      %get3A_400 = arith.index_cast %add3A_358 : i32 to index
      %get3A_401 = arith.constant 96 : index
      %get3A_402 = tpu.vector_load %arg12[%get3A_400, %get3A_401] {strides = array<i32>} : memref<96x128xf32, #tpu.memory_space<vmem>>, vector<16xf32>,
      %mul3A_403 = arith.mulf %get3A_402, %gather3A_354 : vector<16xf32>
      %swap3A_404 = arith.index_cast %add3A_358 : i32 to index
      %swap3A_405 = arith.constant 96 : index
      %swap3A_406 = tpu.vector_load %arg12[%swap3A_404, %swap3A_405] {strides = array<i32>} : memref<96x128xf32, #tpu.memory_space<vmem>>, vector<16xf32>,
      tpu.vector_store %arg12[%swap3A_404, %swap3A_405], %mul3A_403 {strides = array<i32>} : memref<96x128xf32, #tpu.memory_space<vmem>>, vector<16xf32>,
      %get3A_407 = arith.index_cast %add3A_358 : i32 to index
      %get3A_408 = arith.constant 112 : index
      %get3A_409 = tpu.vector_load %arg12[%get3A_407, %get3A_408] {strides = array<i32>} : memref<96x128xf32, #tpu.memory_space<vmem>>, vector<16xf32>,
      %mul3A_410 = arith.mulf %get3A_409, %gather3A_354 : vector<16xf32>
      %swap3A_411 = arith.index_cast %add3A_358 : i32 to index
      %swap3A_412 = arith.constant 112 : index
      %swap3A_413 = tpu.vector_load %arg12[%swap3A_411, %swap3A_412] {strides = array<i32>} : memref<96x128xf32, #tpu.memory_space<vmem>>, vector<16xf32>,
      tpu.vector_store %arg12[%swap3A_411, %swap3A_412], %mul3A_410 {strides = array<i32>} : memref<96x128xf32, #tpu.memory_space<vmem>>, vector<16xf32>,
      %broadcast_in_dim3A_414 = arith.constant 1 : i32
      %broadcast_in_dim3A_415 = vector.broadcast %broadcast_in_dim3A_414 : i32 to vector<16xi32>
      %broadcast_in_dim3A_416 = vector.shape_cast %broadcast_in_dim3A_415 : vector<16xi32> to vector<16x1xi32>
      %gather3A_417 = vector.shape_cast %broadcast_in_dim3A_416 : vector<16x1xi32> to vector<16xi32>
      %gather3A_418 = tpu.dynamic_gather %exp3A[%gather3A_417] in [0] : vector<16xf32>, vector<16xi32> -> vector<16xf32>
      %add3A_419 = arith.constant 0 : i32
      %add3A_420 = arith.addi %mul3A_112, %add3A_419 : i32
      %add3A_421 = arith.constant 1 : i32
      %add3A_422 = arith.addi %add3A_420, %add3A_421 : i32
      %get3A_423 = arith.index_cast %add3A_422 : i32 to index
      %get3A_424 = arith.constant 0 : index
      %get3A_425 = tpu.vector_load %arg12[%get3A_423, %get3A_424] {strides = array<i32>} : memref<96x128xf32, #tpu.memory_space<vmem>>, vector<16xf32>,
      %mul3A_426 = arith.mulf %get3A_425, %gather3A_418 : vector<16xf32>
      %swap3A_427 = arith.index_cast %add3A_422 : i32 to index
      %swap3A_428 = arith.constant 0 : index
      %swap3A_429 = tpu.vector_load %arg12[%swap3A_427, %swap3A_428] {strides = array<i32>} : memref<96x128xf32, #tpu.memory_space<vmem>>, vector<16xf32>,
      tpu.vector_store %arg12[%swap3A_427, %swap3A_428], %mul3A_426 {strides = array<i32>} : memref<96x128xf32, #tpu.memory_space<vmem>>, vector<16xf32>,
      %get3A_430 = arith.index_cast %add3A_422 : i32 to index
      %get3A_431 = arith.constant 16 : index
      %get3A_432 = tpu.vector_load %arg12[%get3A_430, %get3A_431] {strides = array<i32>} : memref<96x128xf32, #tpu.memory_space<vmem>>, vector<16xf32>,
      %mul3A_433 = arith.mulf %get3A_432, %gather3A_418 : vector<16xf32>
      %swap3A_434 = arith.index_cast %add3A_422 : i32 to index
      %swap3A_435 = arith.constant 16 : index
      %swap3A_436 = tpu.vector_load %arg12[%swap3A_434, %swap3A_435] {strides = array<i32>} : memref<96x128xf32, #tpu.memory_space<vmem>>, vector<16xf32>,
      tpu.vector_store %arg12[%swap3A_434, %swap3A_435], %mul3A_433 {strides = array<i32>} : memref<96x128xf32, #tpu.memory_space<vmem>>, vector<16xf32>,
      %get3A_437 = arith.index_cast %add3A_422 : i32 to index
      %get3A_438 = arith.constant 32 : index
      %get3A_439 = tpu.vector_load %arg12[%get3A_437, %get3A_438] {strides = array<i32>} : memref<96x128xf32, #tpu.memory_space<vmem>>, vector<16xf32>,
      %mul3A_440 = arith.mulf %get3A_439, %gather3A_418 : vector<16xf32>
      %swap3A_441 = arith.index_cast %add3A_422 : i32 to index
      %swap3A_442 = arith.constant 32 : index
      %swap3A_443 = tpu.vector_load %arg12[%swap3A_441, %swap3A_442] {strides = array<i32>} : memref<96x128xf32, #tpu.memory_space<vmem>>, vector<16xf32>,
      tpu.vector_store %arg12[%swap3A_441, %swap3A_442], %mul3A_440 {strides = array<i32>} : memref<96x128xf32, #tpu.memory_space<vmem>>, vector<16xf32>,
      %get3A_444 = arith.index_cast %add3A_422 : i32 to index
      %get3A_445 = arith.constant 48 : index
      %get3A_446 = tpu.vector_load %arg12[%get3A_444, %get3A_445] {strides = array<i32>} : memref<96x128xf32, #tpu.memory_space<vmem>>, vector<16xf32>,
      %mul3A_447 = arith.mulf %get3A_446, %gather3A_418 : vector<16xf32>
      %swap3A_448 = arith.index_cast %add3A_422 : i32 to index
      %swap3A_449 = arith.constant 48 : index
      %swap3A_450 = tpu.vector_load %arg12[%swap3A_448, %swap3A_449] {strides = array<i32>} : memref<96x128xf32, #tpu.memory_space<vmem>>, vector<16xf32>,
      tpu.vector_store %arg12[%swap3A_448, %swap3A_449], %mul3A_447 {strides = array<i32>} : memref<96x128xf32, #tpu.memory_space<vmem>>, vector<16xf32>,
      %get3A_451 = arith.index_cast %add3A_422 : i32 to index
      %get3A_452 = arith.constant 64 : index
      %get3A_453 = tpu.vector_load %arg12[%get3A_451, %get3A_452] {strides = array<i32>} : memref<96x128xf32, #tpu.memory_space<vmem>>, vector<16xf32>,
      %mul3A_454 = arith.mulf %get3A_453, %gather3A_418 : vector<16xf32>
      %swap3A_455 = arith.index_cast %add3A_422 : i32 to index
      %swap3A_456 = arith.constant 64 : index
      %swap3A_457 = tpu.vector_load %arg12[%swap3A_455, %swap3A_456] {strides = array<i32>} : memref<96x128xf32, #tpu.memory_space<vmem>>, vector<16xf32>,
      tpu.vector_store %arg12[%swap3A_455, %swap3A_456], %mul3A_454 {strides = array<i32>} : memref<96x128xf32, #tpu.memory_space<vmem>>, vector<16xf32>,
      %get3A_458 = arith.index_cast %add3A_422 : i32 to index
      %get3A_459 = arith.constant 80 : index
      %get3A_460 = tpu.vector_load %arg12[%get3A_458, %get3A_459] {strides = array<i32>} : memref<96x128xf32, #tpu.memory_space<vmem>>, vector<16xf32>,
      %mul3A_461 = arith.mulf %get3A_460, %gather3A_418 : vector<16xf32>
      %swap3A_462 = arith.index_cast %add3A_422 : i32 to index
      %swap3A_463 = arith.constant 80 : index
      %swap3A_464 = tpu.vector_load %arg12[%swap3A_462, %swap3A_463] {strides = array<i32>} : memref<96x128xf32, #tpu.memory_space<vmem>>, vector<16xf32>,
      tpu.vector_store %arg12[%swap3A_462, %swap3A_463], %mul3A_461 {strides = array<i32>} : memref<96x128xf32, #tpu.memory_space<vmem>>, vector<16xf32>,
      %get3A_465 = arith.index_cast %add3A_422 : i32 to index
      %get3A_466 = arith.constant 96 : index
      %get3A_467 = tpu.vector_load %arg12[%get3A_465, %get3A_466] {strides = array<i32>} : memref<96x128xf32, #tpu.memory_space<vmem>>, vector<16xf32>,
      %mul3A_468 = arith.mulf %get3A_467, %gather3A_418 : vector<16xf32>
      %swap3A_469 = arith.index_cast %add3A_422 : i32 to index
      %swap3A_470 = arith.constant 96 : index
      %swap3A_471 = tpu.vector_load %arg12[%swap3A_469, %swap3A_470] {strides = array<i32>} : memref<96x128xf32, #tpu.memory_space<vmem>>, vector<16xf32>,
      tpu.vector_store %arg12[%swap3A_469, %swap3A_470], %mul3A_468 {strides = array<i32>} : memref<96x128xf32, #tpu.memory_space<vmem>>, vector<16xf32>,
      %get3A_472 = arith.index_cast %add3A_422 : i32 to index
      %get3A_473 = arith.constant 112 : index
      %get3A_474 = tpu.vector_load %arg12[%get3A_472, %get3A_473] {strides = array<i32>} : memref<96x128xf32, #tpu.memory_space<vmem>>, vector<16xf32>,
      %mul3A_475 = arith.mulf %get3A_474, %gather3A_418 : vector<16xf32>
      %swap3A_476 = arith.index_cast %add3A_422 : i32 to index
      %swap3A_477 = arith.constant 112 : index
      %swap3A_478 = tpu.vector_load %arg12[%swap3A_476, %swap3A_477] {strides = array<i32>} : memref<96x128xf32, #tpu.memory_space<vmem>>, vector<16xf32>,
      tpu.vector_store %arg12[%swap3A_476, %swap3A_477], %mul3A_475 {strides = array<i32>} : memref<96x128xf32, #tpu.memory_space<vmem>>, vector<16xf32>,
      %broadcast_in_dim3A_479 = arith.constant 2 : i32
      %broadcast_in_dim3A_480 = vector.broadcast %broadcast_in_dim3A_479 : i32 to vector<16xi32>
      %broadcast_in_dim3A_481 = vector.shape_cast %broadcast_in_dim3A_480 : vector<16xi32> to vector<16x1xi32>
      %gather3A_482 = vector.shape_cast %broadcast_in_dim3A_481 : vector<16x1xi32> to vector<16xi32>
      %gather3A_483 = tpu.dynamic_gather %exp3A[%gather3A_482] in [0] : vector<16xf32>, vector<16xi32> -> vector<16xf32>
      %add3A_484 = arith.constant 0 : i32
      %add3A_485 = arith.addi %mul3A_112, %add3A_484 : i32
      %add3A_486 = arith.constant 2 : i32
      %add3A_487 = arith.addi %add3A_485, %add3A_486 : i32
      %get3A_488 = arith.index_cast %add3A_487 : i32 to index
      %get3A_489 = arith.constant 0 : index
      %get3A_490 = tpu.vector_load %arg12[%get3A_488, %get3A_489] {strides = array<i32>} : memref<96x128xf32, #tpu.memory_space<vmem>>, vector<16xf32>,
      %mul3A_491 = arith.mulf %get3A_490, %gather3A_483 : vector<16xf32>
      %swap3A_492 = arith.index_cast %add3A_487 : i32 to index
      %swap3A_493 = arith.constant 0 : index
      %swap3A_494 = tpu.vector_load %arg12[%swap3A_492, %swap3A_493] {strides = array<i32>} : memref<96x128xf32, #tpu.memory_space<vmem>>, vector<16xf32>,
      tpu.vector_store %arg12[%swap3A_492, %swap3A_493], %mul3A_491 {strides = array<i32>} : memref<96x128xf32, #tpu.memory_space<vmem>>, vector<16xf32>,
      %get3A_495 = arith.index_cast %add3A_487 : i32 to index
      %get3A_496 = arith.constant 16 : index
      %get3A_497 = tpu.vector_load %arg12[%get3A_495, %get3A_496] {strides = array<i32>} : memref<96x128xf32, #tpu.memory_space<vmem>>, vector<16xf32>,
      %mul3A_498 = arith.mulf %get3A_497, %gather3A_483 : vector<16xf32>
      %swap3A_499 = arith.index_cast %add3A_487 : i32 to index
      %swap3A_500 = arith.constant 16 : index
      %swap3A_501 = tpu.vector_load %arg12[%swap3A_499, %swap3A_500] {strides = array<i32>} : memref<96x128xf32, #tpu.memory_space<vmem>>, vector<16xf32>,
      tpu.vector_store %arg12[%swap3A_499, %swap3A_500], %mul3A_498 {strides = array<i32>} : memref<96x128xf32, #tpu.memory_space<vmem>>, vector<16xf32>,
      %get3A_502 = arith.index_cast %add3A_487 : i32 to index
      %get3A_503 = arith.constant 32 : index
      %get3A_504 = tpu.vector_load %arg12[%get3A_502, %get3A_503] {strides = array<i32>} : memref<96x128xf32, #tpu.memory_space<vmem>>, vector<16xf32>,
      %mul3A_505 = arith.mulf %get3A_504, %gather3A_483 : vector<16xf32>
      %swap3A_506 = arith.index_cast %add3A_487 : i32 to index
      %swap3A_507 = arith.constant 32 : index
      %swap3A_508 = tpu.vector_load %arg12[%swap3A_506, %swap3A_507] {strides = array<i32>} : memref<96x128xf32, #tpu.memory_space<vmem>>, vector<16xf32>,
      tpu.vector_store %arg12[%swap3A_506, %swap3A_507], %mul3A_505 {strides = array<i32>} : memref<96x128xf32, #tpu.memory_space<vmem>>, vector<16xf32>,
      %get3A_509 = arith.index_cast %add3A_487 : i32 to index
      %get3A_510 = arith.constant 48 : index
      %get3A_511 = tpu.vector_load %arg12[%get3A_509, %get3A_510] {strides = array<i32>} : memref<96x128xf32, #tpu.memory_space<vmem>>, vector<16xf32>,
      %mul3A_512 = arith.mulf %get3A_511, %gather3A_483 : vector<16xf32>
      %swap3A_513 = arith.index_cast %add3A_487 : i32 to index
      %swap3A_514 = arith.constant 48 : index
      %swap3A_515 = tpu.vector_load %arg12[%swap3A_513, %swap3A_514] {strides = array<i32>} : memref<96x128xf32, #tpu.memory_space<vmem>>, vector<16xf32>,
      tpu.vector_store %arg12[%swap3A_513, %swap3A_514], %mul3A_512 {strides = array<i32>} : memref<96x128xf32, #tpu.memory_space<vmem>>, vector<16xf32>,
      %get3A_516 = arith.index_cast %add3A_487 : i32 to index
      %get3A_517 = arith.constant 64 : index
      %get3A_518 = tpu.vector_load %arg12[%get3A_516, %get3A_517] {strides = array<i32>} : memref<96x128xf32, #tpu.memory_space<vmem>>, vector<16xf32>,
      %mul3A_519 = arith.mulf %get3A_518, %gather3A_483 : vector<16xf32>
      %swap3A_520 = arith.index_cast %add3A_487 : i32 to index
      %swap3A_521 = arith.constant 64 : index
      %swap3A_522 = tpu.vector_load %arg12[%swap3A_520, %swap3A_521] {strides = array<i32>} : memref<96x128xf32, #tpu.memory_space<vmem>>, vector<16xf32>,
      tpu.vector_store %arg12[%swap3A_520, %swap3A_521], %mul3A_519 {strides = array<i32>} : memref<96x128xf32, #tpu.memory_space<vmem>>, vector<16xf32>,
      %get3A_523 = arith.index_cast %add3A_487 : i32 to index
      %get3A_524 = arith.constant 80 : index
      %get3A_525 = tpu.vector_load %arg12[%get3A_523, %get3A_524] {strides = array<i32>} : memref<96x128xf32, #tpu.memory_space<vmem>>, vector<16xf32>,
      %mul3A_526 = arith.mulf %get3A_525, %gather3A_483 : vector<16xf32>
      %swap3A_527 = arith.index_cast %add3A_487 : i32 to index
      %swap3A_528 = arith.constant 80 : index
      %swap3A_529 = tpu.vector_load %arg12[%swap3A_527, %swap3A_528] {strides = array<i32>} : memref<96x128xf32, #tpu.memory_space<vmem>>, vector<16xf32>,
      tpu.vector_store %arg12[%swap3A_527, %swap3A_528], %mul3A_526 {strides = array<i32>} : memref<96x128xf32, #tpu.memory_space<vmem>>, vector<16xf32>,
      %get3A_530 = arith.index_cast %add3A_487 : i32 to index
      %get3A_531 = arith.constant 96 : index
      %get3A_532 = tpu.vector_load %arg12[%get3A_530, %get3A_531] {strides = array<i32>} : memref<96x128xf32, #tpu.memory_space<vmem>>, vector<16xf32>,
      %mul3A_533 = arith.mulf %get3A_532, %gather3A_483 : vector<16xf32>
      %swap3A_534 = arith.index_cast %add3A_487 : i32 to index
      %swap3A_535 = arith.constant 96 : index
      %swap3A_536 = tpu.vector_load %arg12[%swap3A_534, %swap3A_535] {strides = array<i32>} : memref<96x128xf32, #tpu.memory_space<vmem>>, vector<16xf32>,
      tpu.vector_store %arg12[%swap3A_534, %swap3A_535], %mul3A_533 {strides = array<i32>} : memref<96x128xf32, #tpu.memory_space<vmem>>, vector<16xf32>,
      %get3A_537 = arith.index_cast %add3A_487 : i32 to index
      %get3A_538 = arith.constant 112 : index
      %get3A_539 = tpu.vector_load %arg12[%get3A_537, %get3A_538] {strides = array<i32>} : memref<96x128xf32, #tpu.memory_space<vmem>>, vector<16xf32>,
      %mul3A_540 = arith.mulf %get3A_539, %gather3A_483 : vector<16xf32>
      %swap3A_541 = arith.index_cast %add3A_487 : i32 to index
      %swap3A_542 = arith.constant 112 : index
      %swap3A_543 = tpu.vector_load %arg12[%swap3A_541, %swap3A_542] {strides = array<i32>} : memref<96x128xf32, #tpu.memory_space<vmem>>, vector<16xf32>,
      tpu.vector_store %arg12[%swap3A_541, %swap3A_542], %mul3A_540 {strides = array<i32>} : memref<96x128xf32, #tpu.memory_space<vmem>>, vector<16xf32>,
      %broadcast_in_dim3A_544 = arith.constant 3 : i32
      %broadcast_in_dim3A_545 = vector.broadcast %broadcast_in_dim3A_544 : i32 to vector<16xi32>
      %broadcast_in_dim3A_546 = vector.shape_cast %broadcast_in_dim3A_545 : vector<16xi32> to vector<16x1xi32>
      %gather3A_547 = vector.shape_cast %broadcast_in_dim3A_546 : vector<16x1xi32> to vector<16xi32>
      %gather3A_548 = tpu.dynamic_gather %exp3A[%gather3A_547] in [0] : vector<16xf32>, vector<16xi32> -> vector<16xf32>
      %add3A_549 = arith.constant 0 : i32
      %add3A_550 = arith.addi %mul3A_112, %add3A_549 : i32
      %add3A_551 = arith.constant 3 : i32
      %add3A_552 = arith.addi %add3A_550, %add3A_551 : i32
      %get3A_553 = arith.index_cast %add3A_552 : i32 to index
      %get3A_554 = arith.constant 0 : index
      %get3A_555 = tpu.vector_load %arg12[%get3A_553, %get3A_554] {strides = array<i32>} : memref<96x128xf32, #tpu.memory_space<vmem>>, vector<16xf32>,
      %mul3A_556 = arith.mulf %get3A_555, %gather3A_548 : vector<16xf32>
      %swap3A_557 = arith.index_cast %add3A_552 : i32 to index
      %swap3A_558 = arith.constant 0 : index
      %swap3A_559 = tpu.vector_load %arg12[%swap3A_557, %swap3A_558] {strides = array<i32>} : memref<96x128xf32, #tpu.memory_space<vmem>>, vector<16xf32>,
      tpu.vector_store %arg12[%swap3A_557, %swap3A_558], %mul3A_556 {strides = array<i32>} : memref<96x128xf32, #tpu.memory_space<vmem>>, vector<16xf32>,
      %get3A_560 = arith.index_cast %add3A_552 : i32 to index
      %get3A_561 = arith.constant 16 : index
      %get3A_562 = tpu.vector_load %arg12[%get3A_560, %get3A_561] {strides = array<i32>} : memref<96x128xf32, #tpu.memory_space<vmem>>, vector<16xf32>,
      %mul3A_563 = arith.mulf %get3A_562, %gather3A_548 : vector<16xf32>
      %swap3A_564 = arith.index_cast %add3A_552 : i32 to index
      %swap3A_565 = arith.constant 16 : index
      %swap3A_566 = tpu.vector_load %arg12[%swap3A_564, %swap3A_565] {strides = array<i32>} : memref<96x128xf32, #tpu.memory_space<vmem>>, vector<16xf32>,
      tpu.vector_store %arg12[%swap3A_564, %swap3A_565], %mul3A_563 {strides = array<i32>} : memref<96x128xf32, #tpu.memory_space<vmem>>, vector<16xf32>,
      %get3A_567 = arith.index_cast %add3A_552 : i32 to index
      %get3A_568 = arith.constant 32 : index
      %get3A_569 = tpu.vector_load %arg12[%get3A_567, %get3A_568] {strides = array<i32>} : memref<96x128xf32, #tpu.memory_space<vmem>>, vector<16xf32>,
      %mul3A_570 = arith.mulf %get3A_569, %gather3A_548 : vector<16xf32>
      %swap3A_571 = arith.index_cast %add3A_552 : i32 to index
      %swap3A_572 = arith.constant 32 : index
      %swap3A_573 = tpu.vector_load %arg12[%swap3A_571, %swap3A_572] {strides = array<i32>} : memref<96x128xf32, #tpu.memory_space<vmem>>, vector<16xf32>,
      tpu.vector_store %arg12[%swap3A_571, %swap3A_572], %mul3A_570 {strides = array<i32>} : memref<96x128xf32, #tpu.memory_space<vmem>>, vector<16xf32>,
      %get3A_574 = arith.index_cast %add3A_552 : i32 to index
      %get3A_575 = arith.constant 48 : index
      %get3A_576 = tpu.vector_load %arg12[%get3A_574, %get3A_575] {strides = array<i32>} : memref<96x128xf32, #tpu.memory_space<vmem>>, vector<16xf32>,
      %mul3A_577 = arith.mulf %get3A_576, %gather3A_548 : vector<16xf32>
      %swap3A_578 = arith.index_cast %add3A_552 : i32 to index
      %swap3A_579 = arith.constant 48 : index
      %swap3A_580 = tpu.vector_load %arg12[%swap3A_578, %swap3A_579] {strides = array<i32>} : memref<96x128xf32, #tpu.memory_space<vmem>>, vector<16xf32>,
      tpu.vector_store %arg12[%swap3A_578, %swap3A_579], %mul3A_577 {strides = array<i32>} : memref<96x128xf32, #tpu.memory_space<vmem>>, vector<16xf32>,
      %get3A_581 = arith.index_cast %add3A_552 : i32 to index
      %get3A_582 = arith.constant 64 : index
      %get3A_583 = tpu.vector_load %arg12[%get3A_581, %get3A_582] {strides = array<i32>} : memref<96x128xf32, #tpu.memory_space<vmem>>, vector<16xf32>,
      %mul3A_584 = arith.mulf %get3A_583, %gather3A_548 : vector<16xf32>
      %swap3A_585 = arith.index_cast %add3A_552 : i32 to index
      %swap3A_586 = arith.constant 64 : index
      %swap3A_587 = tpu.vector_load %arg12[%swap3A_585, %swap3A_586] {strides = array<i32>} : memref<96x128xf32, #tpu.memory_space<vmem>>, vector<16xf32>,
      tpu.vector_store %arg12[%swap3A_585, %swap3A_586], %mul3A_584 {strides = array<i32>} : memref<96x128xf32, #tpu.memory_space<vmem>>, vector<16xf32>,
      %get3A_588 = arith.index_cast %add3A_552 : i32 to index
      %get3A_589 = arith.constant 80 : index
      %get3A_590 = tpu.vector_load %arg12[%get3A_588, %get3A_589] {strides = array<i32>} : memref<96x128xf32, #tpu.memory_space<vmem>>, vector<16xf32>,
      %mul3A_591 = arith.mulf %get3A_590, %gather3A_548 : vector<16xf32>
      %swap3A_592 = arith.index_cast %add3A_552 : i32 to index
      %swap3A_593 = arith.constant 80 : index
      %swap3A_594 = tpu.vector_load %arg12[%swap3A_592, %swap3A_593] {strides = array<i32>} : memref<96x128xf32, #tpu.memory_space<vmem>>, vector<16xf32>,
      tpu.vector_store %arg12[%swap3A_592, %swap3A_593], %mul3A_591 {strides = array<i32>} : memref<96x128xf32, #tpu.memory_space<vmem>>, vector<16xf32>,
      %get3A_595 = arith.index_cast %add3A_552 : i32 to index
      %get3A_596 = arith.constant 96 : index
      %get3A_597 = tpu.vector_load %arg12[%get3A_595, %get3A_596] {strides = array<i32>} : memref<96x128xf32, #tpu.memory_space<vmem>>, vector<16xf32>,
      %mul3A_598 = arith.mulf %get3A_597, %gather3A_548 : vector<16xf32>
      %swap3A_599 = arith.index_cast %add3A_552 : i32 to index
      %swap3A_600 = arith.constant 96 : index
      %swap3A_601 = tpu.vector_load %arg12[%swap3A_599, %swap3A_600] {strides = array<i32>} : memref<96x128xf32, #tpu.memory_space<vmem>>, vector<16xf32>,
      tpu.vector_store %arg12[%swap3A_599, %swap3A_600], %mul3A_598 {strides = array<i32>} : memref<96x128xf32, #tpu.memory_space<vmem>>, vector<16xf32>,
      %get3A_602 = arith.index_cast %add3A_552 : i32 to index
      %get3A_603 = arith.constant 112 : index
      %get3A_604 = tpu.vector_load %arg12[%get3A_602, %get3A_603] {strides = array<i32>} : memref<96x128xf32, #tpu.memory_space<vmem>>, vector<16xf32>,
      %mul3A_605 = arith.mulf %get3A_604, %gather3A_548 : vector<16xf32>
      %swap3A_606 = arith.index_cast %add3A_552 : i32 to index
      %swap3A_607 = arith.constant 112 : index
      %swap3A_608 = tpu.vector_load %arg12[%swap3A_606, %swap3A_607] {strides = array<i32>} : memref<96x128xf32, #tpu.memory_space<vmem>>, vector<16xf32>,
      tpu.vector_store %arg12[%swap3A_606, %swap3A_607], %mul3A_605 {strides = array<i32>} : memref<96x128xf32, #tpu.memory_space<vmem>>, vector<16xf32>,
      %broadcast_in_dim3A_609 = arith.constant 4 : i32
      %broadcast_in_dim3A_610 = vector.broadcast %broadcast_in_dim3A_609 : i32 to vector<16xi32>
      %broadcast_in_dim3A_611 = vector.shape_cast %broadcast_in_dim3A_610 : vector<16xi32> to vector<16x1xi32>
      %gather3A_612 = vector.shape_cast %broadcast_in_dim3A_611 : vector<16x1xi32> to vector<16xi32>
      %gather3A_613 = tpu.dynamic_gather %exp3A[%gather3A_612] in [0] : vector<16xf32>, vector<16xi32> -> vector<16xf32>
      %add3A_614 = arith.constant 0 : i32
      %add3A_615 = arith.addi %mul3A_112, %add3A_614 : i32
      %add3A_616 = arith.constant 4 : i32
      %add3A_617 = arith.addi %add3A_615, %add3A_616 : i32
      %get3A_618 = arith.index_cast %add3A_617 : i32 to index
      %get3A_619 = arith.constant 0 : index
      %get3A_620 = tpu.vector_load %arg12[%get3A_618, %get3A_619] {strides = array<i32>} : memref<96x128xf32, #tpu.memory_space<vmem>>, vector<16xf32>,
      %mul3A_621 = arith.mulf %get3A_620, %gather3A_613 : vector<16xf32>
      %swap3A_622 = arith.index_cast %add3A_617 : i32 to index
      %swap3A_623 = arith.constant 0 : index
      %swap3A_624 = tpu.vector_load %arg12[%swap3A_622, %swap3A_623] {strides = array<i32>} : memref<96x128xf32, #tpu.memory_space<vmem>>, vector<16xf32>,
      tpu.vector_store %arg12[%swap3A_622, %swap3A_623], %mul3A_621 {strides = array<i32>} : memref<96x128xf32, #tpu.memory_space<vmem>>, vector<16xf32>,
      %get3A_625 = arith.index_cast %add3A_617 : i32 to index
      %get3A_626 = arith.constant 16 : index
      %get3A_627 = tpu.vector_load %arg12[%get3A_625, %get3A_626] {strides = array<i32>} : memref<96x128xf32, #tpu.memory_space<vmem>>, vector<16xf32>,
      %mul3A_628 = arith.mulf %get3A_627, %gather3A_613 : vector<16xf32>
      %swap3A_629 = arith.index_cast %add3A_617 : i32 to index
      %swap3A_630 = arith.constant 16 : index
      %swap3A_631 = tpu.vector_load %arg12[%swap3A_629, %swap3A_630] {strides = array<i32>} : memref<96x128xf32, #tpu.memory_space<vmem>>, vector<16xf32>,
      tpu.vector_store %arg12[%swap3A_629, %swap3A_630], %mul3A_628 {strides = array<i32>} : memref<96x128xf32, #tpu.memory_space<vmem>>, vector<16xf32>,
      %get3A_632 = arith.index_cast %add3A_617 : i32 to index
      %get3A_633 = arith.constant 32 : index
      %get3A_634 = tpu.vector_load %arg12[%get3A_632, %get3A_633] {strides = array<i32>} : memref<96x128xf32, #tpu.memory_space<vmem>>, vector<16xf32>,
      %mul3A_635 = arith.mulf %get3A_634, %gather3A_613 : vector<16xf32>
      %swap3A_636 = arith.index_cast %add3A_617 : i32 to index
      %swap3A_637 = arith.constant 32 : index
      %swap3A_638 = tpu.vector_load %arg12[%swap3A_636, %swap3A_637] {strides = array<i32>} : memref<96x128xf32, #tpu.memory_space<vmem>>, vector<16xf32>,
      tpu.vector_store %arg12[%swap3A_636, %swap3A_637], %mul3A_635 {strides = array<i32>} : memref<96x128xf32, #tpu.memory_space<vmem>>, vector<16xf32>,
      %get3A_639 = arith.index_cast %add3A_617 : i32 to index
      %get3A_640 = arith.constant 48 : index
      %get3A_641 = tpu.vector_load %arg12[%get3A_639, %get3A_640] {strides = array<i32>} : memref<96x128xf32, #tpu.memory_space<vmem>>, vector<16xf32>,
      %mul3A_642 = arith.mulf %get3A_641, %gather3A_613 : vector<16xf32>
      %swap3A_643 = arith.index_cast %add3A_617 : i32 to index
      %swap3A_644 = arith.constant 48 : index
      %swap3A_645 = tpu.vector_load %arg12[%swap3A_643, %swap3A_644] {strides = array<i32>} : memref<96x128xf32, #tpu.memory_space<vmem>>, vector<16xf32>,
      tpu.vector_store %arg12[%swap3A_643, %swap3A_644], %mul3A_642 {strides = array<i32>} : memref<96x128xf32, #tpu.memory_space<vmem>>, vector<16xf32>,
      %get3A_646 = arith.index_cast %add3A_617 : i32 to index
      %get3A_647 = arith.constant 64 : index
      %get3A_648 = tpu.vector_load %arg12[%get3A_646, %get3A_647] {strides = array<i32>} : memref<96x128xf32, #tpu.memory_space<vmem>>, vector<16xf32>,
      %mul3A_649 = arith.mulf %get3A_648, %gather3A_613 : vector<16xf32>
      %swap3A_650 = arith.index_cast %add3A_617 : i32 to index
      %swap3A_651 = arith.constant 64 : index
      %swap3A_652 = tpu.vector_load %arg12[%swap3A_650, %swap3A_651] {strides = array<i32>} : memref<96x128xf32, #tpu.memory_space<vmem>>, vector<16xf32>,
      tpu.vector_store %arg12[%swap3A_650, %swap3A_651], %mul3A_649 {strides = array<i32>} : memref<96x128xf32, #tpu.memory_space<vmem>>, vector<16xf32>,
      %get3A_653 = arith.index_cast %add3A_617 : i32 to index
      %get3A_654 = arith.constant 80 : index
      %get3A_655 = tpu.vector_load %arg12[%get3A_653, %get3A_654] {strides = array<i32>} : memref<96x128xf32, #tpu.memory_space<vmem>>, vector<16xf32>,
      %mul3A_656 = arith.mulf %get3A_655, %gather3A_613 : vector<16xf32>
      %swap3A_657 = arith.index_cast %add3A_617 : i32 to index
      %swap3A_658 = arith.constant 80 : index
      %swap3A_659 = tpu.vector_load %arg12[%swap3A_657, %swap3A_658] {strides = array<i32>} : memref<96x128xf32, #tpu.memory_space<vmem>>, vector<16xf32>,
      tpu.vector_store %arg12[%swap3A_657, %swap3A_658], %mul3A_656 {strides = array<i32>} : memref<96x128xf32, #tpu.memory_space<vmem>>, vector<16xf32>,
      %get3A_660 = arith.index_cast %add3A_617 : i32 to index
      %get3A_661 = arith.constant 96 : index
      %get3A_662 = tpu.vector_load %arg12[%get3A_660, %get3A_661] {strides = array<i32>} : memref<96x128xf32, #tpu.memory_space<vmem>>, vector<16xf32>,
      %mul3A_663 = arith.mulf %get3A_662, %gather3A_613 : vector<16xf32>
      %swap3A_664 = arith.index_cast %add3A_617 : i32 to index
      %swap3A_665 = arith.constant 96 : index
      %swap3A_666 = tpu.vector_load %arg12[%swap3A_664, %swap3A_665] {strides = array<i32>} : memref<96x128xf32, #tpu.memory_space<vmem>>, vector<16xf32>,
      tpu.vector_store %arg12[%swap3A_664, %swap3A_665], %mul3A_663 {strides = array<i32>} : memref<96x128xf32, #tpu.memory_space<vmem>>, vector<16xf32>,
      %get3A_667 = arith.index_cast %add3A_617 : i32 to index
      %get3A_668 = arith.constant 112 : index
      %get3A_669 = tpu.vector_load %arg12[%get3A_667, %get3A_668] {strides = array<i32>} : memref<96x128xf32, #tpu.memory_space<vmem>>, vector<16xf32>,
      %mul3A_670 = arith.mulf %get3A_669, %gather3A_613 : vector<16xf32>
      %swap3A_671 = arith.index_cast %add3A_617 : i32 to index
      %swap3A_672 = arith.constant 112 : index
      %swap3A_673 = tpu.vector_load %arg12[%swap3A_671, %swap3A_672] {strides = array<i32>} : memref<96x128xf32, #tpu.memory_space<vmem>>, vector<16xf32>,
      tpu.vector_store %arg12[%swap3A_671, %swap3A_672], %mul3A_670 {strides = array<i32>} : memref<96x128xf32, #tpu.memory_space<vmem>>, vector<16xf32>,
      %broadcast_in_dim3A_674 = arith.constant 5 : i32
      %broadcast_in_dim3A_675 = vector.broadcast %broadcast_in_dim3A_674 : i32 to vector<16xi32>
      %broadcast_in_dim3A_676 = vector.shape_cast %broadcast_in_dim3A_675 : vector<16xi32> to vector<16x1xi32>
      %gather3A_677 = vector.shape_cast %broadcast_in_dim3A_676 : vector<16x1xi32> to vector<16xi32>
      %gather3A_678 = tpu.dynamic_gather %exp3A[%gather3A_677] in [0] : vector<16xf32>, vector<16xi32> -> vector<16xf32>
      %add3A_679 = arith.constant 0 : i32
      %add3A_680 = arith.addi %mul3A_112, %add3A_679 : i32
      %add3A_681 = arith.constant 5 : i32
      %add3A_682 = arith.addi %add3A_680, %add3A_681 : i32
      %get3A_683 = arith.index_cast %add3A_682 : i32 to index
      %get3A_684 = arith.constant 0 : index
      %get3A_685 = tpu.vector_load %arg12[%get3A_683, %get3A_684] {strides = array<i32>} : memref<96x128xf32, #tpu.memory_space<vmem>>, vector<16xf32>,
      %mul3A_686 = arith.mulf %get3A_685, %gather3A_678 : vector<16xf32>
      %swap3A_687 = arith.index_cast %add3A_682 : i32 to index
      %swap3A_688 = arith.constant 0 : index
      %swap3A_689 = tpu.vector_load %arg12[%swap3A_687, %swap3A_688] {strides = array<i32>} : memref<96x128xf32, #tpu.memory_space<vmem>>, vector<16xf32>,
      tpu.vector_store %arg12[%swap3A_687, %swap3A_688], %mul3A_686 {strides = array<i32>} : memref<96x128xf32, #tpu.memory_space<vmem>>, vector<16xf32>,
      %get3A_690 = arith.index_cast %add3A_682 : i32 to index
      %get3A_691 = arith.constant 16 : index
      %get3A_692 = tpu.vector_load %arg12[%get3A_690, %get3A_691] {strides = array<i32>} : memref<96x128xf32, #tpu.memory_space<vmem>>, vector<16xf32>,
      %mul3A_693 = arith.mulf %get3A_692, %gather3A_678 : vector<16xf32>
      %swap3A_694 = arith.index_cast %add3A_682 : i32 to index
      %swap3A_695 = arith.constant 16 : index
      %swap3A_696 = tpu.vector_load %arg12[%swap3A_694, %swap3A_695] {strides = array<i32>} : memref<96x128xf32, #tpu.memory_space<vmem>>, vector<16xf32>,
      tpu.vector_store %arg12[%swap3A_694, %swap3A_695], %mul3A_693 {strides = array<i32>} : memref<96x128xf32, #tpu.memory_space<vmem>>, vector<16xf32>,
      %get3A_697 = arith.index_cast %add3A_682 : i32 to index
      %get3A_698 = arith.constant 32 : index
      %get3A_699 = tpu.vector_load %arg12[%get3A_697, %get3A_698] {strides = array<i32>} : memref<96x128xf32, #tpu.memory_space<vmem>>, vector<16xf32>,
      %mul3A_700 = arith.mulf %get3A_699, %gather3A_678 : vector<16xf32>
      %swap3A_701 = arith.index_cast %add3A_682 : i32 to index
      %swap3A_702 = arith.constant 32 : index
      %swap3A_703 = tpu.vector_load %arg12[%swap3A_701, %swap3A_702] {strides = array<i32>} : memref<96x128xf32, #tpu.memory_space<vmem>>, vector<16xf32>,
      tpu.vector_store %arg12[%swap3A_701, %swap3A_702], %mul3A_700 {strides = array<i32>} : memref<96x128xf32, #tpu.memory_space<vmem>>, vector<16xf32>,
      %get3A_704 = arith.index_cast %add3A_682 : i32 to index
      %get3A_705 = arith.constant 48 : index
      %get3A_706 = tpu.vector_load %arg12[%get3A_704, %get3A_705] {strides = array<i32>} : memref<96x128xf32, #tpu.memory_space<vmem>>, vector<16xf32>,
      %mul3A_707 = arith.mulf %get3A_706, %gather3A_678 : vector<16xf32>
      %swap3A_708 = arith.index_cast %add3A_682 : i32 to index
      %swap3A_709 = arith.constant 48 : index
      %swap3A_710 = tpu.vector_load %arg12[%swap3A_708, %swap3A_709] {strides = array<i32>} : memref<96x128xf32, #tpu.memory_space<vmem>>, vector<16xf32>,
      tpu.vector_store %arg12[%swap3A_708, %swap3A_709], %mul3A_707 {strides = array<i32>} : memref<96x128xf32, #tpu.memory_space<vmem>>, vector<16xf32>,
      %get3A_711 = arith.index_cast %add3A_682 : i32 to index
      %get3A_712 = arith.constant 64 : index
      %get3A_713 = tpu.vector_load %arg12[%get3A_711, %get3A_712] {strides = array<i32>} : memref<96x128xf32, #tpu.memory_space<vmem>>, vector<16xf32>,
      %mul3A_714 = arith.mulf %get3A_713, %gather3A_678 : vector<16xf32>
      %swap3A_715 = arith.index_cast %add3A_682 : i32 to index
      %swap3A_716 = arith.constant 64 : index
      %swap3A_717 = tpu.vector_load %arg12[%swap3A_715, %swap3A_716] {strides = array<i32>} : memref<96x128xf32, #tpu.memory_space<vmem>>, vector<16xf32>,
      tpu.vector_store %arg12[%swap3A_715, %swap3A_716], %mul3A_714 {strides = array<i32>} : memref<96x128xf32, #tpu.memory_space<vmem>>, vector<16xf32>,
      %get3A_718 = arith.index_cast %add3A_682 : i32 to index
      %get3A_719 = arith.constant 80 : index
      %get3A_720 = tpu.vector_load %arg12[%get3A_718, %get3A_719] {strides = array<i32>} : memref<96x128xf32, #tpu.memory_space<vmem>>, vector<16xf32>,
      %mul3A_721 = arith.mulf %get3A_720, %gather3A_678 : vector<16xf32>
      %swap3A_722 = arith.index_cast %add3A_682 : i32 to index
      %swap3A_723 = arith.constant 80 : index
      %swap3A_724 = tpu.vector_load %arg12[%swap3A_722, %swap3A_723] {strides = array<i32>} : memref<96x128xf32, #tpu.memory_space<vmem>>, vector<16xf32>,
      tpu.vector_store %arg12[%swap3A_722, %swap3A_723], %mul3A_721 {strides = array<i32>} : memref<96x128xf32, #tpu.memory_space<vmem>>, vector<16xf32>,
      %get3A_725 = arith.index_cast %add3A_682 : i32 to index
      %get3A_726 = arith.constant 96 : index
      %get3A_727 = tpu.vector_load %arg12[%get3A_725, %get3A_726] {strides = array<i32>} : memref<96x128xf32, #tpu.memory_space<vmem>>, vector<16xf32>,
      %mul3A_728 = arith.mulf %get3A_727, %gather3A_678 : vector<16xf32>
      %swap3A_729 = arith.index_cast %add3A_682 : i32 to index
      %swap3A_730 = arith.constant 96 : index
      %swap3A_731 = tpu.vector_load %arg12[%swap3A_729, %swap3A_730] {strides = array<i32>} : memref<96x128xf32, #tpu.memory_space<vmem>>, vector<16xf32>,
      tpu.vector_store %arg12[%swap3A_729, %swap3A_730], %mul3A_728 {strides = array<i32>} : memref<96x128xf32, #tpu.memory_space<vmem>>, vector<16xf32>,
      %get3A_732 = arith.index_cast %add3A_682 : i32 to index
      %get3A_733 = arith.constant 112 : index
      %get3A_734 = tpu.vector_load %arg12[%get3A_732, %get3A_733] {strides = array<i32>} : memref<96x128xf32, #tpu.memory_space<vmem>>, vector<16xf32>,
      %mul3A_735 = arith.mulf %get3A_734, %gather3A_678 : vector<16xf32>
      %swap3A_736 = arith.index_cast %add3A_682 : i32 to index
      %swap3A_737 = arith.constant 112 : index
      %swap3A_738 = tpu.vector_load %arg12[%swap3A_736, %swap3A_737] {strides = array<i32>} : memref<96x128xf32, #tpu.memory_space<vmem>>, vector<16xf32>,
      tpu.vector_store %arg12[%swap3A_736, %swap3A_737], %mul3A_735 {strides = array<i32>} : memref<96x128xf32, #tpu.memory_space<vmem>>, vector<16xf32>,
      %broadcast_in_dim3A_739 = arith.constant 6 : i32
      %broadcast_in_dim3A_740 = vector.broadcast %broadcast_in_dim3A_739 : i32 to vector<16xi32>
      %broadcast_in_dim3A_741 = vector.shape_cast %broadcast_in_dim3A_740 : vector<16xi32> to vector<16x1xi32>
      %gather3A_742 = vector.shape_cast %broadcast_in_dim3A_741 : vector<16x1xi32> to vector<16xi32>
      %gather3A_743 = tpu.dynamic_gather %exp3A[%gather3A_742] in [0] : vector<16xf32>, vector<16xi32> -> vector<16xf32>
      %add3A_744 = arith.constant 0 : i32
      %add3A_745 = arith.addi %mul3A_112, %add3A_744 : i32
      %add3A_746 = arith.constant 6 : i32
      %add3A_747 = arith.addi %add3A_745, %add3A_746 : i32
      %get3A_748 = arith.index_cast %add3A_747 : i32 to index
      %get3A_749 = arith.constant 0 : index
      %get3A_750 = tpu.vector_load %arg12[%get3A_748, %get3A_749] {strides = array<i32>} : memref<96x128xf32, #tpu.memory_space<vmem>>, vector<16xf32>,
      %mul3A_751 = arith.mulf %get3A_750, %gather3A_743 : vector<16xf32>
      %swap3A_752 = arith.index_cast %add3A_747 : i32 to index
      %swap3A_753 = arith.constant 0 : index
      %swap3A_754 = tpu.vector_load %arg12[%swap3A_752, %swap3A_753] {strides = array<i32>} : memref<96x128xf32, #tpu.memory_space<vmem>>, vector<16xf32>,
      tpu.vector_store %arg12[%swap3A_752, %swap3A_753], %mul3A_751 {strides = array<i32>} : memref<96x128xf32, #tpu.memory_space<vmem>>, vector<16xf32>,
      %get3A_755 = arith.index_cast %add3A_747 : i32 to index
      %get3A_756 = arith.constant 16 : index
      %get3A_757 = tpu.vector_load %arg12[%get3A_755, %get3A_756] {strides = array<i32>} : memref<96x128xf32, #tpu.memory_space<vmem>>, vector<16xf32>,
      %mul3A_758 = arith.mulf %get3A_757, %gather3A_743 : vector<16xf32>
      %swap3A_759 = arith.index_cast %add3A_747 : i32 to index
      %swap3A_760 = arith.constant 16 : index
      %swap3A_761 = tpu.vector_load %arg12[%swap3A_759, %swap3A_760] {strides = array<i32>} : memref<96x128xf32, #tpu.memory_space<vmem>>, vector<16xf32>,
      tpu.vector_store %arg12[%swap3A_759, %swap3A_760], %mul3A_758 {strides = array<i32>} : memref<96x128xf32, #tpu.memory_space<vmem>>, vector<16xf32>,
      %get3A_762 = arith.index_cast %add3A_747 : i32 to index
      %get3A_763 = arith.constant 32 : index
      %get3A_764 = tpu.vector_load %arg12[%get3A_762, %get3A_763] {strides = array<i32>} : memref<96x128xf32, #tpu.memory_space<vmem>>, vector<16xf32>,
      %mul3A_765 = arith.mulf %get3A_764, %gather3A_743 : vector<16xf32>
      %swap3A_766 = arith.index_cast %add3A_747 : i32 to index
      %swap3A_767 = arith.constant 32 : index
      %swap3A_768 = tpu.vector_load %arg12[%swap3A_766, %swap3A_767] {strides = array<i32>} : memref<96x128xf32, #tpu.memory_space<vmem>>, vector<16xf32>,
      tpu.vector_store %arg12[%swap3A_766, %swap3A_767], %mul3A_765 {strides = array<i32>} : memref<96x128xf32, #tpu.memory_space<vmem>>, vector<16xf32>,
      %get3A_769 = arith.index_cast %add3A_747 : i32 to index
      %get3A_770 = arith.constant 48 : index
      %get3A_771 = tpu.vector_load %arg12[%get3A_769, %get3A_770] {strides = array<i32>} : memref<96x128xf32, #tpu.memory_space<vmem>>, vector<16xf32>,
      %mul3A_772 = arith.mulf %get3A_771, %gather3A_743 : vector<16xf32>
      %swap3A_773 = arith.index_cast %add3A_747 : i32 to index
      %swap3A_774 = arith.constant 48 : index
      %swap3A_775 = tpu.vector_load %arg12[%swap3A_773, %swap3A_774] {strides = array<i32>} : memref<96x128xf32, #tpu.memory_space<vmem>>, vector<16xf32>,
      tpu.vector_store %arg12[%swap3A_773, %swap3A_774], %mul3A_772 {strides = array<i32>} : memref<96x128xf32, #tpu.memory_space<vmem>>, vector<16xf32>,
      %get3A_776 = arith.index_cast %add3A_747 : i32 to index
      %get3A_777 = arith.constant 64 : index
      %get3A_778 = tpu.vector_load %arg12[%get3A_776, %get3A_777] {strides = array<i32>} : memref<96x128xf32, #tpu.memory_space<vmem>>, vector<16xf32>,
      %mul3A_779 = arith.mulf %get3A_778, %gather3A_743 : vector<16xf32>
      %swap3A_780 = arith.index_cast %add3A_747 : i32 to index
      %swap3A_781 = arith.constant 64 : index
      %swap3A_782 = tpu.vector_load %arg12[%swap3A_780, %swap3A_781] {strides = array<i32>} : memref<96x128xf32, #tpu.memory_space<vmem>>, vector<16xf32>,
      tpu.vector_store %arg12[%swap3A_780, %swap3A_781], %mul3A_779 {strides = array<i32>} : memref<96x128xf32, #tpu.memory_space<vmem>>, vector<16xf32>,
      %get3A_783 = arith.index_cast %add3A_747 : i32 to index
      %get3A_784 = arith.constant 80 : index
      %get3A_785 = tpu.vector_load %arg12[%get3A_783, %get3A_784] {strides = array<i32>} : memref<96x128xf32, #tpu.memory_space<vmem>>, vector<16xf32>,
      %mul3A_786 = arith.mulf %get3A_785, %gather3A_743 : vector<16xf32>
      %swap3A_787 = arith.index_cast %add3A_747 : i32 to index
      %swap3A_788 = arith.constant 80 : index
      %swap3A_789 = tpu.vector_load %arg12[%swap3A_787, %swap3A_788] {strides = array<i32>} : memref<96x128xf32, #tpu.memory_space<vmem>>, vector<16xf32>,
      tpu.vector_store %arg12[%swap3A_787, %swap3A_788], %mul3A_786 {strides = array<i32>} : memref<96x128xf32, #tpu.memory_space<vmem>>, vector<16xf32>,
      %get3A_790 = arith.index_cast %add3A_747 : i32 to index
      %get3A_791 = arith.constant 96 : index
      %get3A_792 = tpu.vector_load %arg12[%get3A_790, %get3A_791] {strides = array<i32>} : memref<96x128xf32, #tpu.memory_space<vmem>>, vector<16xf32>,
      %mul3A_793 = arith.mulf %get3A_792, %gather3A_743 : vector<16xf32>
      %swap3A_794 = arith.index_cast %add3A_747 : i32 to index
      %swap3A_795 = arith.constant 96 : index
      %swap3A_796 = tpu.vector_load %arg12[%swap3A_794, %swap3A_795] {strides = array<i32>} : memref<96x128xf32, #tpu.memory_space<vmem>>, vector<16xf32>,
      tpu.vector_store %arg12[%swap3A_794, %swap3A_795], %mul3A_793 {strides = array<i32>} : memref<96x128xf32, #tpu.memory_space<vmem>>, vector<16xf32>,
      %get3A_797 = arith.index_cast %add3A_747 : i32 to index
      %get3A_798 = arith.constant 112 : index
      %get3A_799 = tpu.vector_load %arg12[%get3A_797, %get3A_798] {strides = array<i32>} : memref<96x128xf32, #tpu.memory_space<vmem>>, vector<16xf32>,
      %mul3A_800 = arith.mulf %get3A_799, %gather3A_743 : vector<16xf32>
      %swap3A_801 = arith.index_cast %add3A_747 : i32 to index
      %swap3A_802 = arith.constant 112 : index
      %swap3A_803 = tpu.vector_load %arg12[%swap3A_801, %swap3A_802] {strides = array<i32>} : memref<96x128xf32, #tpu.memory_space<vmem>>, vector<16xf32>,
      tpu.vector_store %arg12[%swap3A_801, %swap3A_802], %mul3A_800 {strides = array<i32>} : memref<96x128xf32, #tpu.memory_space<vmem>>, vector<16xf32>,
      %broadcast_in_dim3A_804 = arith.constant 7 : i32
      %broadcast_in_dim3A_805 = vector.broadcast %broadcast_in_dim3A_804 : i32 to vector<16xi32>
      %broadcast_in_dim3A_806 = vector.shape_cast %broadcast_in_dim3A_805 : vector<16xi32> to vector<16x1xi32>
      %gather3A_807 = vector.shape_cast %broadcast_in_dim3A_806 : vector<16x1xi32> to vector<16xi32>
      %gather3A_808 = tpu.dynamic_gather %exp3A[%gather3A_807] in [0] : vector<16xf32>, vector<16xi32> -> vector<16xf32>
      %add3A_809 = arith.constant 0 : i32
      %add3A_810 = arith.addi %mul3A_112, %add3A_809 : i32
      %add3A_811 = arith.constant 7 : i32
      %add3A_812 = arith.addi %add3A_810, %add3A_811 : i32
      %get3A_813 = arith.index_cast %add3A_812 : i32 to index
      %get3A_814 = arith.constant 0 : index
      %get3A_815 = tpu.vector_load %arg12[%get3A_813, %get3A_814] {strides = array<i32>} : memref<96x128xf32, #tpu.memory_space<vmem>>, vector<16xf32>,
      %mul3A_816 = arith.mulf %get3A_815, %gather3A_808 : vector<16xf32>
      %swap3A_817 = arith.index_cast %add3A_812 : i32 to index
      %swap3A_818 = arith.constant 0 : index
      %swap3A_819 = tpu.vector_load %arg12[%swap3A_817, %swap3A_818] {strides = array<i32>} : memref<96x128xf32, #tpu.memory_space<vmem>>, vector<16xf32>,
      tpu.vector_store %arg12[%swap3A_817, %swap3A_818], %mul3A_816 {strides = array<i32>} : memref<96x128xf32, #tpu.memory_space<vmem>>, vector<16xf32>,
      %get3A_820 = arith.index_cast %add3A_812 : i32 to index
      %get3A_821 = arith.constant 16 : index
      %get3A_822 = tpu.vector_load %arg12[%get3A_820, %get3A_821] {strides = array<i32>} : memref<96x128xf32, #tpu.memory_space<vmem>>, vector<16xf32>,
      %mul3A_823 = arith.mulf %get3A_822, %gather3A_808 : vector<16xf32>
      %swap3A_824 = arith.index_cast %add3A_812 : i32 to index
      %swap3A_825 = arith.constant 16 : index
      %swap3A_826 = tpu.vector_load %arg12[%swap3A_824, %swap3A_825] {strides = array<i32>} : memref<96x128xf32, #tpu.memory_space<vmem>>, vector<16xf32>,
      tpu.vector_store %arg12[%swap3A_824, %swap3A_825], %mul3A_823 {strides = array<i32>} : memref<96x128xf32, #tpu.memory_space<vmem>>, vector<16xf32>,
      %get3A_827 = arith.index_cast %add3A_812 : i32 to index
      %get3A_828 = arith.constant 32 : index
      %get3A_829 = tpu.vector_load %arg12[%get3A_827, %get3A_828] {strides = array<i32>} : memref<96x128xf32, #tpu.memory_space<vmem>>, vector<16xf32>,
      %mul3A_830 = arith.mulf %get3A_829, %gather3A_808 : vector<16xf32>
      %swap3A_831 = arith.index_cast %add3A_812 : i32 to index
      %swap3A_832 = arith.constant 32 : index
      %swap3A_833 = tpu.vector_load %arg12[%swap3A_831, %swap3A_832] {strides = array<i32>} : memref<96x128xf32, #tpu.memory_space<vmem>>, vector<16xf32>,
      tpu.vector_store %arg12[%swap3A_831, %swap3A_832], %mul3A_830 {strides = array<i32>} : memref<96x128xf32, #tpu.memory_space<vmem>>, vector<16xf32>,
      %get3A_834 = arith.index_cast %add3A_812 : i32 to index
      %get3A_835 = arith.constant 48 : index
      %get3A_836 = tpu.vector_load %arg12[%get3A_834, %get3A_835] {strides = array<i32>} : memref<96x128xf32, #tpu.memory_space<vmem>>, vector<16xf32>,
      %mul3A_837 = arith.mulf %get3A_836, %gather3A_808 : vector<16xf32>
      %swap3A_838 = arith.index_cast %add3A_812 : i32 to index
      %swap3A_839 = arith.constant 48 : index
      %swap3A_840 = tpu.vector_load %arg12[%swap3A_838, %swap3A_839] {strides = array<i32>} : memref<96x128xf32, #tpu.memory_space<vmem>>, vector<16xf32>,
      tpu.vector_store %arg12[%swap3A_838, %swap3A_839], %mul3A_837 {strides = array<i32>} : memref<96x128xf32, #tpu.memory_space<vmem>>, vector<16xf32>,
      %get3A_841 = arith.index_cast %add3A_812 : i32 to index
      %get3A_842 = arith.constant 64 : index
      %get3A_843 = tpu.vector_load %arg12[%get3A_841, %get3A_842] {strides = array<i32>} : memref<96x128xf32, #tpu.memory_space<vmem>>, vector<16xf32>,
      %mul3A_844 = arith.mulf %get3A_843, %gather3A_808 : vector<16xf32>
      %swap3A_845 = arith.index_cast %add3A_812 : i32 to index
      %swap3A_846 = arith.constant 64 : index
      %swap3A_847 = tpu.vector_load %arg12[%swap3A_845, %swap3A_846] {strides = array<i32>} : memref<96x128xf32, #tpu.memory_space<vmem>>, vector<16xf32>,
      tpu.vector_store %arg12[%swap3A_845, %swap3A_846], %mul3A_844 {strides = array<i32>} : memref<96x128xf32, #tpu.memory_space<vmem>>, vector<16xf32>,
      %get3A_848 = arith.index_cast %add3A_812 : i32 to index
      %get3A_849 = arith.constant 80 : index
      %get3A_850 = tpu.vector_load %arg12[%get3A_848, %get3A_849] {strides = array<i32>} : memref<96x128xf32, #tpu.memory_space<vmem>>, vector<16xf32>,
      %mul3A_851 = arith.mulf %get3A_850, %gather3A_808 : vector<16xf32>
      %swap3A_852 = arith.index_cast %add3A_812 : i32 to index
      %swap3A_853 = arith.constant 80 : index
      %swap3A_854 = tpu.vector_load %arg12[%swap3A_852, %swap3A_853] {strides = array<i32>} : memref<96x128xf32, #tpu.memory_space<vmem>>, vector<16xf32>,
      tpu.vector_store %arg12[%swap3A_852, %swap3A_853], %mul3A_851 {strides = array<i32>} : memref<96x128xf32, #tpu.memory_space<vmem>>, vector<16xf32>,
      %get3A_855 = arith.index_cast %add3A_812 : i32 to index
      %get3A_856 = arith.constant 96 : index
      %get3A_857 = tpu.vector_load %arg12[%get3A_855, %get3A_856] {strides = array<i32>} : memref<96x128xf32, #tpu.memory_space<vmem>>, vector<16xf32>,
      %mul3A_858 = arith.mulf %get3A_857, %gather3A_808 : vector<16xf32>
      %swap3A_859 = arith.index_cast %add3A_812 : i32 to index
      %swap3A_860 = arith.constant 96 : index
      %swap3A_861 = tpu.vector_load %arg12[%swap3A_859, %swap3A_860] {strides = array<i32>} : memref<96x128xf32, #tpu.memory_space<vmem>>, vector<16xf32>,
      tpu.vector_store %arg12[%swap3A_859, %swap3A_860], %mul3A_858 {strides = array<i32>} : memref<96x128xf32, #tpu.memory_space<vmem>>, vector<16xf32>,
      %get3A_862 = arith.index_cast %add3A_812 : i32 to index
      %get3A_863 = arith.constant 112 : index
      %get3A_864 = tpu.vector_load %arg12[%get3A_862, %get3A_863] {strides = array<i32>} : memref<96x128xf32, #tpu.memory_space<vmem>>, vector<16xf32>,
      %mul3A_865 = arith.mulf %get3A_864, %gather3A_808 : vector<16xf32>
      %swap3A_866 = arith.index_cast %add3A_812 : i32 to index
      %swap3A_867 = arith.constant 112 : index
      %swap3A_868 = tpu.vector_load %arg12[%swap3A_866, %swap3A_867] {strides = array<i32>} : memref<96x128xf32, #tpu.memory_space<vmem>>, vector<16xf32>,
      tpu.vector_store %arg12[%swap3A_866, %swap3A_867], %mul3A_865 {strides = array<i32>} : memref<96x128xf32, #tpu.memory_space<vmem>>, vector<16xf32>,
      %broadcast_in_dim3A_869 = arith.constant 8 : i32
      %broadcast_in_dim3A_870 = vector.broadcast %broadcast_in_dim3A_869 : i32 to vector<16xi32>
      %broadcast_in_dim3A_871 = vector.shape_cast %broadcast_in_dim3A_870 : vector<16xi32> to vector<16x1xi32>
      %gather3A_872 = vector.shape_cast %broadcast_in_dim3A_871 : vector<16x1xi32> to vector<16xi32>
      %gather3A_873 = tpu.dynamic_gather %exp3A[%gather3A_872] in [0] : vector<16xf32>, vector<16xi32> -> vector<16xf32>
      %add3A_874 = arith.constant 0 : i32
      %add3A_875 = arith.addi %mul3A_112, %add3A_874 : i32
      %add3A_876 = arith.constant 8 : i32
      %add3A_877 = arith.addi %add3A_875, %add3A_876 : i32
      %get3A_878 = arith.index_cast %add3A_877 : i32 to index
      %get3A_879 = arith.constant 0 : index
      %get3A_880 = tpu.vector_load %arg12[%get3A_878, %get3A_879] {strides = array<i32>} : memref<96x128xf32, #tpu.memory_space<vmem>>, vector<16xf32>,
      %mul3A_881 = arith.mulf %get3A_880, %gather3A_873 : vector<16xf32>
      %swap3A_882 = arith.index_cast %add3A_877 : i32 to index
      %swap3A_883 = arith.constant 0 : index
      %swap3A_884 = tpu.vector_load %arg12[%swap3A_882, %swap3A_883] {strides = array<i32>} : memref<96x128xf32, #tpu.memory_space<vmem>>, vector<16xf32>,
      tpu.vector_store %arg12[%swap3A_882, %swap3A_883], %mul3A_881 {strides = array<i32>} : memref<96x128xf32, #tpu.memory_space<vmem>>, vector<16xf32>,
      %get3A_885 = arith.index_cast %add3A_877 : i32 to index
      %get3A_886 = arith.constant 16 : index
      %get3A_887 = tpu.vector_load %arg12[%get3A_885, %get3A_886] {strides = array<i32>} : memref<96x128xf32, #tpu.memory_space<vmem>>, vector<16xf32>,
      %mul3A_888 = arith.mulf %get3A_887, %gather3A_873 : vector<16xf32>
      %swap3A_889 = arith.index_cast %add3A_877 : i32 to index
      %swap3A_890 = arith.constant 16 : index
      %swap3A_891 = tpu.vector_load %arg12[%swap3A_889, %swap3A_890] {strides = array<i32>} : memref<96x128xf32, #tpu.memory_space<vmem>>, vector<16xf32>,
      tpu.vector_store %arg12[%swap3A_889, %swap3A_890], %mul3A_888 {strides = array<i32>} : memref<96x128xf32, #tpu.memory_space<vmem>>, vector<16xf32>,
      %get3A_892 = arith.index_cast %add3A_877 : i32 to index
      %get3A_893 = arith.constant 32 : index
      %get3A_894 = tpu.vector_load %arg12[%get3A_892, %get3A_893] {strides = array<i32>} : memref<96x128xf32, #tpu.memory_space<vmem>>, vector<16xf32>,
      %mul3A_895 = arith.mulf %get3A_894, %gather3A_873 : vector<16xf32>
      %swap3A_896 = arith.index_cast %add3A_877 : i32 to index
      %swap3A_897 = arith.constant 32 : index
      %swap3A_898 = tpu.vector_load %arg12[%swap3A_896, %swap3A_897] {strides = array<i32>} : memref<96x128xf32, #tpu.memory_space<vmem>>, vector<16xf32>,
      tpu.vector_store %arg12[%swap3A_896, %swap3A_897], %mul3A_895 {strides = array<i32>} : memref<96x128xf32, #tpu.memory_space<vmem>>, vector<16xf32>,
      %get3A_899 = arith.index_cast %add3A_877 : i32 to index
      %get3A_900 = arith.constant 48 : index
      %get3A_901 = tpu.vector_load %arg12[%get3A_899, %get3A_900] {strides = array<i32>} : memref<96x128xf32, #tpu.memory_space<vmem>>, vector<16xf32>,
      %mul3A_902 = arith.mulf %get3A_901, %gather3A_873 : vector<16xf32>
      %swap3A_903 = arith.index_cast %add3A_877 : i32 to index
      %swap3A_904 = arith.constant 48 : index
      %swap3A_905 = tpu.vector_load %arg12[%swap3A_903, %swap3A_904] {strides = array<i32>} : memref<96x128xf32, #tpu.memory_space<vmem>>, vector<16xf32>,
      tpu.vector_store %arg12[%swap3A_903, %swap3A_904], %mul3A_902 {strides = array<i32>} : memref<96x128xf32, #tpu.memory_space<vmem>>, vector<16xf32>,
      %get3A_906 = arith.index_cast %add3A_877 : i32 to index
      %get3A_907 = arith.constant 64 : index
      %get3A_908 = tpu.vector_load %arg12[%get3A_906, %get3A_907] {strides = array<i32>} : memref<96x128xf32, #tpu.memory_space<vmem>>, vector<16xf32>,
      %mul3A_909 = arith.mulf %get3A_908, %gather3A_873 : vector<16xf32>
      %swap3A_910 = arith.index_cast %add3A_877 : i32 to index
      %swap3A_911 = arith.constant 64 : index
      %swap3A_912 = tpu.vector_load %arg12[%swap3A_910, %swap3A_911] {strides = array<i32>} : memref<96x128xf32, #tpu.memory_space<vmem>>, vector<16xf32>,
      tpu.vector_store %arg12[%swap3A_910, %swap3A_911], %mul3A_909 {strides = array<i32>} : memref<96x128xf32, #tpu.memory_space<vmem>>, vector<16xf32>,
      %get3A_913 = arith.index_cast %add3A_877 : i32 to index
      %get3A_914 = arith.constant 80 : index
      %get3A_915 = tpu.vector_load %arg12[%get3A_913, %get3A_914] {strides = array<i32>} : memref<96x128xf32, #tpu.memory_space<vmem>>, vector<16xf32>,
      %mul3A_916 = arith.mulf %get3A_915, %gather3A_873 : vector<16xf32>
      %swap3A_917 = arith.index_cast %add3A_877 : i32 to index
      %swap3A_918 = arith.constant 80 : index
      %swap3A_919 = tpu.vector_load %arg12[%swap3A_917, %swap3A_918] {strides = array<i32>} : memref<96x128xf32, #tpu.memory_space<vmem>>, vector<16xf32>,
      tpu.vector_store %arg12[%swap3A_917, %swap3A_918], %mul3A_916 {strides = array<i32>} : memref<96x128xf32, #tpu.memory_space<vmem>>, vector<16xf32>,
      %get3A_920 = arith.index_cast %add3A_877 : i32 to index
      %get3A_921 = arith.constant 96 : index
      %get3A_922 = tpu.vector_load %arg12[%get3A_920, %get3A_921] {strides = array<i32>} : memref<96x128xf32, #tpu.memory_space<vmem>>, vector<16xf32>,
      %mul3A_923 = arith.mulf %get3A_922, %gather3A_873 : vector<16xf32>
      %swap3A_924 = arith.index_cast %add3A_877 : i32 to index
      %swap3A_925 = arith.constant 96 : index
      %swap3A_926 = tpu.vector_load %arg12[%swap3A_924, %swap3A_925] {strides = array<i32>} : memref<96x128xf32, #tpu.memory_space<vmem>>, vector<16xf32>,
      tpu.vector_store %arg12[%swap3A_924, %swap3A_925], %mul3A_923 {strides = array<i32>} : memref<96x128xf32, #tpu.memory_space<vmem>>, vector<16xf32>,
      %get3A_927 = arith.index_cast %add3A_877 : i32 to index
      %get3A_928 = arith.constant 112 : index
      %get3A_929 = tpu.vector_load %arg12[%get3A_927, %get3A_928] {strides = array<i32>} : memref<96x128xf32, #tpu.memory_space<vmem>>, vector<16xf32>,
      %mul3A_930 = arith.mulf %get3A_929, %gather3A_873 : vector<16xf32>
      %swap3A_931 = arith.index_cast %add3A_877 : i32 to index
      %swap3A_932 = arith.constant 112 : index
      %swap3A_933 = tpu.vector_load %arg12[%swap3A_931, %swap3A_932] {strides = array<i32>} : memref<96x128xf32, #tpu.memory_space<vmem>>, vector<16xf32>,
      tpu.vector_store %arg12[%swap3A_931, %swap3A_932], %mul3A_930 {strides = array<i32>} : memref<96x128xf32, #tpu.memory_space<vmem>>, vector<16xf32>,
      %broadcast_in_dim3A_934 = arith.constant 9 : i32
      %broadcast_in_dim3A_935 = vector.broadcast %broadcast_in_dim3A_934 : i32 to vector<16xi32>
      %broadcast_in_dim3A_936 = vector.shape_cast %broadcast_in_dim3A_935 : vector<16xi32> to vector<16x1xi32>
      %gather3A_937 = vector.shape_cast %broadcast_in_dim3A_936 : vector<16x1xi32> to vector<16xi32>
      %gather3A_938 = tpu.dynamic_gather %exp3A[%gather3A_937] in [0] : vector<16xf32>, vector<16xi32> -> vector<16xf32>
      %add3A_939 = arith.constant 0 : i32
      %add3A_940 = arith.addi %mul3A_112, %add3A_939 : i32
      %add3A_941 = arith.constant 9 : i32
      %add3A_942 = arith.addi %add3A_940, %add3A_941 : i32
      %get3A_943 = arith.index_cast %add3A_942 : i32 to index
      %get3A_944 = arith.constant 0 : index
      %get3A_945 = tpu.vector_load %arg12[%get3A_943, %get3A_944] {strides = array<i32>} : memref<96x128xf32, #tpu.memory_space<vmem>>, vector<16xf32>,
      %mul3A_946 = arith.mulf %get3A_945, %gather3A_938 : vector<16xf32>
      %swap3A_947 = arith.index_cast %add3A_942 : i32 to index
      %swap3A_948 = arith.constant 0 : index
      %swap3A_949 = tpu.vector_load %arg12[%swap3A_947, %swap3A_948] {strides = array<i32>} : memref<96x128xf32, #tpu.memory_space<vmem>>, vector<16xf32>,
      tpu.vector_store %arg12[%swap3A_947, %swap3A_948], %mul3A_946 {strides = array<i32>} : memref<96x128xf32, #tpu.memory_space<vmem>>, vector<16xf32>,
      %get3A_950 = arith.index_cast %add3A_942 : i32 to index
      %get3A_951 = arith.constant 16 : index
      %get3A_952 = tpu.vector_load %arg12[%get3A_950, %get3A_951] {strides = array<i32>} : memref<96x128xf32, #tpu.memory_space<vmem>>, vector<16xf32>,
      %mul3A_953 = arith.mulf %get3A_952, %gather3A_938 : vector<16xf32>
      %swap3A_954 = arith.index_cast %add3A_942 : i32 to index
      %swap3A_955 = arith.constant 16 : index
      %swap3A_956 = tpu.vector_load %arg12[%swap3A_954, %swap3A_955] {strides = array<i32>} : memref<96x128xf32, #tpu.memory_space<vmem>>, vector<16xf32>,
      tpu.vector_store %arg12[%swap3A_954, %swap3A_955], %mul3A_953 {strides = array<i32>} : memref<96x128xf32, #tpu.memory_space<vmem>>, vector<16xf32>,
      %get3A_957 = arith.index_cast %add3A_942 : i32 to index
      %get3A_958 = arith.constant 32 : index
      %get3A_959 = tpu.vector_load %arg12[%get3A_957, %get3A_958] {strides = array<i32>} : memref<96x128xf32, #tpu.memory_space<vmem>>, vector<16xf32>,
      %mul3A_960 = arith.mulf %get3A_959, %gather3A_938 : vector<16xf32>
      %swap3A_961 = arith.index_cast %add3A_942 : i32 to index
      %swap3A_962 = arith.constant 32 : index
      %swap3A_963 = tpu.vector_load %arg12[%swap3A_961, %swap3A_962] {strides = array<i32>} : memref<96x128xf32, #tpu.memory_space<vmem>>, vector<16xf32>,
      tpu.vector_store %arg12[%swap3A_961, %swap3A_962], %mul3A_960 {strides = array<i32>} : memref<96x128xf32, #tpu.memory_space<vmem>>, vector<16xf32>,
      %get3A_964 = arith.index_cast %add3A_942 : i32 to index
      %get3A_965 = arith.constant 48 : index
      %get3A_966 = tpu.vector_load %arg12[%get3A_964, %get3A_965] {strides = array<i32>} : memref<96x128xf32, #tpu.memory_space<vmem>>, vector<16xf32>,
      %mul3A_967 = arith.mulf %get3A_966, %gather3A_938 : vector<16xf32>
      %swap3A_968 = arith.index_cast %add3A_942 : i32 to index
      %swap3A_969 = arith.constant 48 : index
      %swap3A_970 = tpu.vector_load %arg12[%swap3A_968, %swap3A_969] {strides = array<i32>} : memref<96x128xf32, #tpu.memory_space<vmem>>, vector<16xf32>,
      tpu.vector_store %arg12[%swap3A_968, %swap3A_969], %mul3A_967 {strides = array<i32>} : memref<96x128xf32, #tpu.memory_space<vmem>>, vector<16xf32>,
      %get3A_971 = arith.index_cast %add3A_942 : i32 to index
      %get3A_972 = arith.constant 64 : index
      %get3A_973 = tpu.vector_load %arg12[%get3A_971, %get3A_972] {strides = array<i32>} : memref<96x128xf32, #tpu.memory_space<vmem>>, vector<16xf32>,
      %mul3A_974 = arith.mulf %get3A_973, %gather3A_938 : vector<16xf32>
      %swap3A_975 = arith.index_cast %add3A_942 : i32 to index
      %swap3A_976 = arith.constant 64 : index
      %swap3A_977 = tpu.vector_load %arg12[%swap3A_975, %swap3A_976] {strides = array<i32>} : memref<96x128xf32, #tpu.memory_space<vmem>>, vector<16xf32>,
      tpu.vector_store %arg12[%swap3A_975, %swap3A_976], %mul3A_974 {strides = array<i32>} : memref<96x128xf32, #tpu.memory_space<vmem>>, vector<16xf32>,
      %get3A_978 = arith.index_cast %add3A_942 : i32 to index
      %get3A_979 = arith.constant 80 : index
      %get3A_980 = tpu.vector_load %arg12[%get3A_978, %get3A_979] {strides = array<i32>} : memref<96x128xf32, #tpu.memory_space<vmem>>, vector<16xf32>,
      %mul3A_981 = arith.mulf %get3A_980, %gather3A_938 : vector<16xf32>
      %swap3A_982 = arith.index_cast %add3A_942 : i32 to index
      %swap3A_983 = arith.constant 80 : index
      %swap3A_984 = tpu.vector_load %arg12[%swap3A_982, %swap3A_983] {strides = array<i32>} : memref<96x128xf32, #tpu.memory_space<vmem>>, vector<16xf32>,
      tpu.vector_store %arg12[%swap3A_982, %swap3A_983], %mul3A_981 {strides = array<i32>} : memref<96x128xf32, #tpu.memory_space<vmem>>, vector<16xf32>,
      %get3A_985 = arith.index_cast %add3A_942 : i32 to index
      %get3A_986 = arith.constant 96 : index
      %get3A_987 = tpu.vector_load %arg12[%get3A_985, %get3A_986] {strides = array<i32>} : memref<96x128xf32, #tpu.memory_space<vmem>>, vector<16xf32>,
      %mul3A_988 = arith.mulf %get3A_987, %gather3A_938 : vector<16xf32>
      %swap3A_989 = arith.index_cast %add3A_942 : i32 to index
      %swap3A_990 = arith.constant 96 : index
      %swap3A_991 = tpu.vector_load %arg12[%swap3A_989, %swap3A_990] {strides = array<i32>} : memref<96x128xf32, #tpu.memory_space<vmem>>, vector<16xf32>,
      tpu.vector_store %arg12[%swap3A_989, %swap3A_990], %mul3A_988 {strides = array<i32>} : memref<96x128xf32, #tpu.memory_space<vmem>>, vector<16xf32>,
      %get3A_992 = arith.index_cast %add3A_942 : i32 to index
      %get3A_993 = arith.constant 112 : index
      %get3A_994 = tpu.vector_load %arg12[%get3A_992, %get3A_993] {strides = array<i32>} : memref<96x128xf32, #tpu.memory_space<vmem>>, vector<16xf32>,
      %mul3A_995 = arith.mulf %get3A_994, %gather3A_938 : vector<16xf32>
      %swap3A_996 = arith.index_cast %add3A_942 : i32 to index
      %swap3A_997 = arith.constant 112 : index
      %swap3A_998 = tpu.vector_load %arg12[%swap3A_996, %swap3A_997] {strides = array<i32>} : memref<96x128xf32, #tpu.memory_space<vmem>>, vector<16xf32>,
      tpu.vector_store %arg12[%swap3A_996, %swap3A_997], %mul3A_995 {strides = array<i32>} : memref<96x128xf32, #tpu.memory_space<vmem>>, vector<16xf32>,
      %broadcast_in_dim3A_999 = arith.constant 10 : i32
      %broadcast_in_dim3A_1000 = vector.broadcast %broadcast_in_dim3A_999 : i32 to vector<16xi32>
      %broadcast_in_dim3A_1001 = vector.shape_cast %broadcast_in_dim3A_1000 : vector<16xi32> to vector<16x1xi32>
      %gather3A_1002 = vector.shape_cast %broadcast_in_dim3A_1001 : vector<16x1xi32> to vector<16xi32>
      %gather3A_1003 = tpu.dynamic_gather %exp3A[%gather3A_1002] in [0] : vector<16xf32>, vector<16xi32> -> vector<16xf32>
      %add3A_1004 = arith.constant 0 : i32
      %add3A_1005 = arith.addi %mul3A_112, %add3A_1004 : i32
      %add3A_1006 = arith.constant 10 : i32
      %add3A_1007 = arith.addi %add3A_1005, %add3A_1006 : i32
      %get3A_1008 = arith.index_cast %add3A_1007 : i32 to index
      %get3A_1009 = arith.constant 0 : index
      %get3A_1010 = tpu.vector_load %arg12[%get3A_1008, %get3A_1009] {strides = array<i32>} : memref<96x128xf32, #tpu.memory_space<vmem>>, vector<16xf32>,
      %mul3A_1011 = arith.mulf %get3A_1010, %gather3A_1003 : vector<16xf32>
      %swap3A_1012 = arith.index_cast %add3A_1007 : i32 to index
      %swap3A_1013 = arith.constant 0 : index
      %swap3A_1014 = tpu.vector_load %arg12[%swap3A_1012, %swap3A_1013] {strides = array<i32>} : memref<96x128xf32, #tpu.memory_space<vmem>>, vector<16xf32>,
      tpu.vector_store %arg12[%swap3A_1012, %swap3A_1013], %mul3A_1011 {strides = array<i32>} : memref<96x128xf32, #tpu.memory_space<vmem>>, vector<16xf32>,
      %get3A_1015 = arith.index_cast %add3A_1007 : i32 to index
      %get3A_1016 = arith.constant 16 : index
      %get3A_1017 = tpu.vector_load %arg12[%get3A_1015, %get3A_1016] {strides = array<i32>} : memref<96x128xf32, #tpu.memory_space<vmem>>, vector<16xf32>,
      %mul3A_1018 = arith.mulf %get3A_1017, %gather3A_1003 : vector<16xf32>
      %swap3A_1019 = arith.index_cast %add3A_1007 : i32 to index
      %swap3A_1020 = arith.constant 16 : index
      %swap3A_1021 = tpu.vector_load %arg12[%swap3A_1019, %swap3A_1020] {strides = array<i32>} : memref<96x128xf32, #tpu.memory_space<vmem>>, vector<16xf32>,
      tpu.vector_store %arg12[%swap3A_1019, %swap3A_1020], %mul3A_1018 {strides = array<i32>} : memref<96x128xf32, #tpu.memory_space<vmem>>, vector<16xf32>,
      %get3A_1022 = arith.index_cast %add3A_1007 : i32 to index
      %get3A_1023 = arith.constant 32 : index
      %get3A_1024 = tpu.vector_load %arg12[%get3A_1022, %get3A_1023] {strides = array<i32>} : memref<96x128xf32, #tpu.memory_space<vmem>>, vector<16xf32>,
      %mul3A_1025 = arith.mulf %get3A_1024, %gather3A_1003 : vector<16xf32>
      %swap3A_1026 = arith.index_cast %add3A_1007 : i32 to index
      %swap3A_1027 = arith.constant 32 : index
      %swap3A_1028 = tpu.vector_load %arg12[%swap3A_1026, %swap3A_1027] {strides = array<i32>} : memref<96x128xf32, #tpu.memory_space<vmem>>, vector<16xf32>,
      tpu.vector_store %arg12[%swap3A_1026, %swap3A_1027], %mul3A_1025 {strides = array<i32>} : memref<96x128xf32, #tpu.memory_space<vmem>>, vector<16xf32>,
      %get3A_1029 = arith.index_cast %add3A_1007 : i32 to index
      %get3A_1030 = arith.constant 48 : index
      %get3A_1031 = tpu.vector_load %arg12[%get3A_1029, %get3A_1030] {strides = array<i32>} : memref<96x128xf32, #tpu.memory_space<vmem>>, vector<16xf32>,
      %mul3A_1032 = arith.mulf %get3A_1031, %gather3A_1003 : vector<16xf32>
      %swap3A_1033 = arith.index_cast %add3A_1007 : i32 to index
      %swap3A_1034 = arith.constant 48 : index
      %swap3A_1035 = tpu.vector_load %arg12[%swap3A_1033, %swap3A_1034] {strides = array<i32>} : memref<96x128xf32, #tpu.memory_space<vmem>>, vector<16xf32>,
      tpu.vector_store %arg12[%swap3A_1033, %swap3A_1034], %mul3A_1032 {strides = array<i32>} : memref<96x128xf32, #tpu.memory_space<vmem>>, vector<16xf32>,
      %get3A_1036 = arith.index_cast %add3A_1007 : i32 to index
      %get3A_1037 = arith.constant 64 : index
      %get3A_1038 = tpu.vector_load %arg12[%get3A_1036, %get3A_1037] {strides = array<i32>} : memref<96x128xf32, #tpu.memory_space<vmem>>, vector<16xf32>,
      %mul3A_1039 = arith.mulf %get3A_1038, %gather3A_1003 : vector<16xf32>
      %swap3A_1040 = arith.index_cast %add3A_1007 : i32 to index
      %swap3A_1041 = arith.constant 64 : index
      %swap3A_1042 = tpu.vector_load %arg12[%swap3A_1040, %swap3A_1041] {strides = array<i32>} : memref<96x128xf32, #tpu.memory_space<vmem>>, vector<16xf32>,
      tpu.vector_store %arg12[%swap3A_1040, %swap3A_1041], %mul3A_1039 {strides = array<i32>} : memref<96x128xf32, #tpu.memory_space<vmem>>, vector<16xf32>,
      %get3A_1043 = arith.index_cast %add3A_1007 : i32 to index
      %get3A_1044 = arith.constant 80 : index
      %get3A_1045 = tpu.vector_load %arg12[%get3A_1043, %get3A_1044] {strides = array<i32>} : memref<96x128xf32, #tpu.memory_space<vmem>>, vector<16xf32>,
      %mul3A_1046 = arith.mulf %get3A_1045, %gather3A_1003 : vector<16xf32>
      %swap3A_1047 = arith.index_cast %add3A_1007 : i32 to index
      %swap3A_1048 = arith.constant 80 : index
      %swap3A_1049 = tpu.vector_load %arg12[%swap3A_1047, %swap3A_1048] {strides = array<i32>} : memref<96x128xf32, #tpu.memory_space<vmem>>, vector<16xf32>,
      tpu.vector_store %arg12[%swap3A_1047, %swap3A_1048], %mul3A_1046 {strides = array<i32>} : memref<96x128xf32, #tpu.memory_space<vmem>>, vector<16xf32>,
      %get3A_1050 = arith.index_cast %add3A_1007 : i32 to index
      %get3A_1051 = arith.constant 96 : index
      %get3A_1052 = tpu.vector_load %arg12[%get3A_1050, %get3A_1051] {strides = array<i32>} : memref<96x128xf32, #tpu.memory_space<vmem>>, vector<16xf32>,
      %mul3A_1053 = arith.mulf %get3A_1052, %gather3A_1003 : vector<16xf32>
      %swap3A_1054 = arith.index_cast %add3A_1007 : i32 to index
      %swap3A_1055 = arith.constant 96 : index
      %swap3A_1056 = tpu.vector_load %arg12[%swap3A_1054, %swap3A_1055] {strides = array<i32>} : memref<96x128xf32, #tpu.memory_space<vmem>>, vector<16xf32>,
      tpu.vector_store %arg12[%swap3A_1054, %swap3A_1055], %mul3A_1053 {strides = array<i32>} : memref<96x128xf32, #tpu.memory_space<vmem>>, vector<16xf32>,
      %get3A_1057 = arith.index_cast %add3A_1007 : i32 to index
      %get3A_1058 = arith.constant 112 : index
      %get3A_1059 = tpu.vector_load %arg12[%get3A_1057, %get3A_1058] {strides = array<i32>} : memref<96x128xf32, #tpu.memory_space<vmem>>, vector<16xf32>,
      %mul3A_1060 = arith.mulf %get3A_1059, %gather3A_1003 : vector<16xf32>
      %swap3A_1061 = arith.index_cast %add3A_1007 : i32 to index
      %swap3A_1062 = arith.constant 112 : index
      %swap3A_1063 = tpu.vector_load %arg12[%swap3A_1061, %swap3A_1062] {strides = array<i32>} : memref<96x128xf32, #tpu.memory_space<vmem>>, vector<16xf32>,
      tpu.vector_store %arg12[%swap3A_1061, %swap3A_1062], %mul3A_1060 {strides = array<i32>} : memref<96x128xf32, #tpu.memory_space<vmem>>, vector<16xf32>,
      %broadcast_in_dim3A_1064 = arith.constant 11 : i32
      %broadcast_in_dim3A_1065 = vector.broadcast %broadcast_in_dim3A_1064 : i32 to vector<16xi32>
      %broadcast_in_dim3A_1066 = vector.shape_cast %broadcast_in_dim3A_1065 : vector<16xi32> to vector<16x1xi32>
      %gather3A_1067 = vector.shape_cast %broadcast_in_dim3A_1066 : vector<16x1xi32> to vector<16xi32>
      %gather3A_1068 = tpu.dynamic_gather %exp3A[%gather3A_1067] in [0] : vector<16xf32>, vector<16xi32> -> vector<16xf32>
      %add3A_1069 = arith.constant 0 : i32
      %add3A_1070 = arith.addi %mul3A_112, %add3A_1069 : i32
      %add3A_1071 = arith.constant 11 : i32
      %add3A_1072 = arith.addi %add3A_1070, %add3A_1071 : i32
      %get3A_1073 = arith.index_cast %add3A_1072 : i32 to index
      %get3A_1074 = arith.constant 0 : index
      %get3A_1075 = tpu.vector_load %arg12[%get3A_1073, %get3A_1074] {strides = array<i32>} : memref<96x128xf32, #tpu.memory_space<vmem>>, vector<16xf32>,
      %mul3A_1076 = arith.mulf %get3A_1075, %gather3A_1068 : vector<16xf32>
      %swap3A_1077 = arith.index_cast %add3A_1072 : i32 to index
      %swap3A_1078 = arith.constant 0 : index
      %swap3A_1079 = tpu.vector_load %arg12[%swap3A_1077, %swap3A_1078] {strides = array<i32>} : memref<96x128xf32, #tpu.memory_space<vmem>>, vector<16xf32>,
      tpu.vector_store %arg12[%swap3A_1077, %swap3A_1078], %mul3A_1076 {strides = array<i32>} : memref<96x128xf32, #tpu.memory_space<vmem>>, vector<16xf32>,
      %get3A_1080 = arith.index_cast %add3A_1072 : i32 to index
      %get3A_1081 = arith.constant 16 : index
      %get3A_1082 = tpu.vector_load %arg12[%get3A_1080, %get3A_1081] {strides = array<i32>} : memref<96x128xf32, #tpu.memory_space<vmem>>, vector<16xf32>,
      %mul3A_1083 = arith.mulf %get3A_1082, %gather3A_1068 : vector<16xf32>
      %swap3A_1084 = arith.index_cast %add3A_1072 : i32 to index
      %swap3A_1085 = arith.constant 16 : index
      %swap3A_1086 = tpu.vector_load %arg12[%swap3A_1084, %swap3A_1085] {strides = array<i32>} : memref<96x128xf32, #tpu.memory_space<vmem>>, vector<16xf32>,
      tpu.vector_store %arg12[%swap3A_1084, %swap3A_1085], %mul3A_1083 {strides = array<i32>} : memref<96x128xf32, #tpu.memory_space<vmem>>, vector<16xf32>,
      %get3A_1087 = arith.index_cast %add3A_1072 : i32 to index
      %get3A_1088 = arith.constant 32 : index
      %get3A_1089 = tpu.vector_load %arg12[%get3A_1087, %get3A_1088] {strides = array<i32>} : memref<96x128xf32, #tpu.memory_space<vmem>>, vector<16xf32>,
      %mul3A_1090 = arith.mulf %get3A_1089, %gather3A_1068 : vector<16xf32>
      %swap3A_1091 = arith.index_cast %add3A_1072 : i32 to index
      %swap3A_1092 = arith.constant 32 : index
      %swap3A_1093 = tpu.vector_load %arg12[%swap3A_1091, %swap3A_1092] {strides = array<i32>} : memref<96x128xf32, #tpu.memory_space<vmem>>, vector<16xf32>,
      tpu.vector_store %arg12[%swap3A_1091, %swap3A_1092], %mul3A_1090 {strides = array<i32>} : memref<96x128xf32, #tpu.memory_space<vmem>>, vector<16xf32>,
      %get3A_1094 = arith.index_cast %add3A_1072 : i32 to index
      %get3A_1095 = arith.constant 48 : index
      %get3A_1096 = tpu.vector_load %arg12[%get3A_1094, %get3A_1095] {strides = array<i32>} : memref<96x128xf32, #tpu.memory_space<vmem>>, vector<16xf32>,
      %mul3A_1097 = arith.mulf %get3A_1096, %gather3A_1068 : vector<16xf32>
      %swap3A_1098 = arith.index_cast %add3A_1072 : i32 to index
      %swap3A_1099 = arith.constant 48 : index
      %swap3A_1100 = tpu.vector_load %arg12[%swap3A_1098, %swap3A_1099] {strides = array<i32>} : memref<96x128xf32, #tpu.memory_space<vmem>>, vector<16xf32>,
      tpu.vector_store %arg12[%swap3A_1098, %swap3A_1099], %mul3A_1097 {strides = array<i32>} : memref<96x128xf32, #tpu.memory_space<vmem>>, vector<16xf32>,
      %get3A_1101 = arith.index_cast %add3A_1072 : i32 to index
      %get3A_1102 = arith.constant 64 : index
      %get3A_1103 = tpu.vector_load %arg12[%get3A_1101, %get3A_1102] {strides = array<i32>} : memref<96x128xf32, #tpu.memory_space<vmem>>, vector<16xf32>,
      %mul3A_1104 = arith.mulf %get3A_1103, %gather3A_1068 : vector<16xf32>
      %swap3A_1105 = arith.index_cast %add3A_1072 : i32 to index
      %swap3A_1106 = arith.constant 64 : index
      %swap3A_1107 = tpu.vector_load %arg12[%swap3A_1105, %swap3A_1106] {strides = array<i32>} : memref<96x128xf32, #tpu.memory_space<vmem>>, vector<16xf32>,
      tpu.vector_store %arg12[%swap3A_1105, %swap3A_1106], %mul3A_1104 {strides = array<i32>} : memref<96x128xf32, #tpu.memory_space<vmem>>, vector<16xf32>,
      %get3A_1108 = arith.index_cast %add3A_1072 : i32 to index
      %get3A_1109 = arith.constant 80 : index
      %get3A_1110 = tpu.vector_load %arg12[%get3A_1108, %get3A_1109] {strides = array<i32>} : memref<96x128xf32, #tpu.memory_space<vmem>>, vector<16xf32>,
      %mul3A_1111 = arith.mulf %get3A_1110, %gather3A_1068 : vector<16xf32>
      %swap3A_1112 = arith.index_cast %add3A_1072 : i32 to index
      %swap3A_1113 = arith.constant 80 : index
      %swap3A_1114 = tpu.vector_load %arg12[%swap3A_1112, %swap3A_1113] {strides = array<i32>} : memref<96x128xf32, #tpu.memory_space<vmem>>, vector<16xf32>,
      tpu.vector_store %arg12[%swap3A_1112, %swap3A_1113], %mul3A_1111 {strides = array<i32>} : memref<96x128xf32, #tpu.memory_space<vmem>>, vector<16xf32>,
      %get3A_1115 = arith.index_cast %add3A_1072 : i32 to index
      %get3A_1116 = arith.constant 96 : index
      %get3A_1117 = tpu.vector_load %arg12[%get3A_1115, %get3A_1116] {strides = array<i32>} : memref<96x128xf32, #tpu.memory_space<vmem>>, vector<16xf32>,
      %mul3A_1118 = arith.mulf %get3A_1117, %gather3A_1068 : vector<16xf32>
      %swap3A_1119 = arith.index_cast %add3A_1072 : i32 to index
      %swap3A_1120 = arith.constant 96 : index
      %swap3A_1121 = tpu.vector_load %arg12[%swap3A_1119, %swap3A_1120] {strides = array<i32>} : memref<96x128xf32, #tpu.memory_space<vmem>>, vector<16xf32>,
      tpu.vector_store %arg12[%swap3A_1119, %swap3A_1120], %mul3A_1118 {strides = array<i32>} : memref<96x128xf32, #tpu.memory_space<vmem>>, vector<16xf32>,
      %get3A_1122 = arith.index_cast %add3A_1072 : i32 to index
      %get3A_1123 = arith.constant 112 : index
      %get3A_1124 = tpu.vector_load %arg12[%get3A_1122, %get3A_1123] {strides = array<i32>} : memref<96x128xf32, #tpu.memory_space<vmem>>, vector<16xf32>,
      %mul3A_1125 = arith.mulf %get3A_1124, %gather3A_1068 : vector<16xf32>
      %swap3A_1126 = arith.index_cast %add3A_1072 : i32 to index
      %swap3A_1127 = arith.constant 112 : index
      %swap3A_1128 = tpu.vector_load %arg12[%swap3A_1126, %swap3A_1127] {strides = array<i32>} : memref<96x128xf32, #tpu.memory_space<vmem>>, vector<16xf32>,
      tpu.vector_store %arg12[%swap3A_1126, %swap3A_1127], %mul3A_1125 {strides = array<i32>} : memref<96x128xf32, #tpu.memory_space<vmem>>, vector<16xf32>,
      %broadcast_in_dim3A_1129 = arith.constant 12 : i32
      %broadcast_in_dim3A_1130 = vector.broadcast %broadcast_in_dim3A_1129 : i32 to vector<16xi32>
      %broadcast_in_dim3A_1131 = vector.shape_cast %broadcast_in_dim3A_1130 : vector<16xi32> to vector<16x1xi32>
      %gather3A_1132 = vector.shape_cast %broadcast_in_dim3A_1131 : vector<16x1xi32> to vector<16xi32>
      %gather3A_1133 = tpu.dynamic_gather %exp3A[%gather3A_1132] in [0] : vector<16xf32>, vector<16xi32> -> vector<16xf32>
      %add3A_1134 = arith.constant 0 : i32
      %add3A_1135 = arith.addi %mul3A_112, %add3A_1134 : i32
      %add3A_1136 = arith.constant 12 : i32
      %add3A_1137 = arith.addi %add3A_1135, %add3A_1136 : i32
      %get3A_1138 = arith.index_cast %add3A_1137 : i32 to index
      %get3A_1139 = arith.constant 0 : index
      %get3A_1140 = tpu.vector_load %arg12[%get3A_1138, %get3A_1139] {strides = array<i32>} : memref<96x128xf32, #tpu.memory_space<vmem>>, vector<16xf32>,
      %mul3A_1141 = arith.mulf %get3A_1140, %gather3A_1133 : vector<16xf32>
      %swap3A_1142 = arith.index_cast %add3A_1137 : i32 to index
      %swap3A_1143 = arith.constant 0 : index
      %swap3A_1144 = tpu.vector_load %arg12[%swap3A_1142, %swap3A_1143] {strides = array<i32>} : memref<96x128xf32, #tpu.memory_space<vmem>>, vector<16xf32>,
      tpu.vector_store %arg12[%swap3A_1142, %swap3A_1143], %mul3A_1141 {strides = array<i32>} : memref<96x128xf32, #tpu.memory_space<vmem>>, vector<16xf32>,
      %get3A_1145 = arith.index_cast %add3A_1137 : i32 to index
      %get3A_1146 = arith.constant 16 : index
      %get3A_1147 = tpu.vector_load %arg12[%get3A_1145, %get3A_1146] {strides = array<i32>} : memref<96x128xf32, #tpu.memory_space<vmem>>, vector<16xf32>,
      %mul3A_1148 = arith.mulf %get3A_1147, %gather3A_1133 : vector<16xf32>
      %swap3A_1149 = arith.index_cast %add3A_1137 : i32 to index
      %swap3A_1150 = arith.constant 16 : index
      %swap3A_1151 = tpu.vector_load %arg12[%swap3A_1149, %swap3A_1150] {strides = array<i32>} : memref<96x128xf32, #tpu.memory_space<vmem>>, vector<16xf32>,
      tpu.vector_store %arg12[%swap3A_1149, %swap3A_1150], %mul3A_1148 {strides = array<i32>} : memref<96x128xf32, #tpu.memory_space<vmem>>, vector<16xf32>,
      %get3A_1152 = arith.index_cast %add3A_1137 : i32 to index
      %get3A_1153 = arith.constant 32 : index
      %get3A_1154 = tpu.vector_load %arg12[%get3A_1152, %get3A_1153] {strides = array<i32>} : memref<96x128xf32, #tpu.memory_space<vmem>>, vector<16xf32>,
      %mul3A_1155 = arith.mulf %get3A_1154, %gather3A_1133 : vector<16xf32>
      %swap3A_1156 = arith.index_cast %add3A_1137 : i32 to index
      %swap3A_1157 = arith.constant 32 : index
      %swap3A_1158 = tpu.vector_load %arg12[%swap3A_1156, %swap3A_1157] {strides = array<i32>} : memref<96x128xf32, #tpu.memory_space<vmem>>, vector<16xf32>,
      tpu.vector_store %arg12[%swap3A_1156, %swap3A_1157], %mul3A_1155 {strides = array<i32>} : memref<96x128xf32, #tpu.memory_space<vmem>>, vector<16xf32>,
      %get3A_1159 = arith.index_cast %add3A_1137 : i32 to index
      %get3A_1160 = arith.constant 48 : index
      %get3A_1161 = tpu.vector_load %arg12[%get3A_1159, %get3A_1160] {strides = array<i32>} : memref<96x128xf32, #tpu.memory_space<vmem>>, vector<16xf32>,
      %mul3A_1162 = arith.mulf %get3A_1161, %gather3A_1133 : vector<16xf32>
      %swap3A_1163 = arith.index_cast %add3A_1137 : i32 to index
      %swap3A_1164 = arith.constant 48 : index
      %swap3A_1165 = tpu.vector_load %arg12[%swap3A_1163, %swap3A_1164] {strides = array<i32>} : memref<96x128xf32, #tpu.memory_space<vmem>>, vector<16xf32>,
      tpu.vector_store %arg12[%swap3A_1163, %swap3A_1164], %mul3A_1162 {strides = array<i32>} : memref<96x128xf32, #tpu.memory_space<vmem>>, vector<16xf32>,
      %get3A_1166 = arith.index_cast %add3A_1137 : i32 to index
      %get3A_1167 = arith.constant 64 : index
      %get3A_1168 = tpu.vector_load %arg12[%get3A_1166, %get3A_1167] {strides = array<i32>} : memref<96x128xf32, #tpu.memory_space<vmem>>, vector<16xf32>,
      %mul3A_1169 = arith.mulf %get3A_1168, %gather3A_1133 : vector<16xf32>
      %swap3A_1170 = arith.index_cast %add3A_1137 : i32 to index
      %swap3A_1171 = arith.constant 64 : index
      %swap3A_1172 = tpu.vector_load %arg12[%swap3A_1170, %swap3A_1171] {strides = array<i32>} : memref<96x128xf32, #tpu.memory_space<vmem>>, vector<16xf32>,
      tpu.vector_store %arg12[%swap3A_1170, %swap3A_1171], %mul3A_1169 {strides = array<i32>} : memref<96x128xf32, #tpu.memory_space<vmem>>, vector<16xf32>,
      %get3A_1173 = arith.index_cast %add3A_1137 : i32 to index
      %get3A_1174 = arith.constant 80 : index
      %get3A_1175 = tpu.vector_load %arg12[%get3A_1173, %get3A_1174] {strides = array<i32>} : memref<96x128xf32, #tpu.memory_space<vmem>>, vector<16xf32>,
      %mul3A_1176 = arith.mulf %get3A_1175, %gather3A_1133 : vector<16xf32>
      %swap3A_1177 = arith.index_cast %add3A_1137 : i32 to index
      %swap3A_1178 = arith.constant 80 : index
      %swap3A_1179 = tpu.vector_load %arg12[%swap3A_1177, %swap3A_1178] {strides = array<i32>} : memref<96x128xf32, #tpu.memory_space<vmem>>, vector<16xf32>,
      tpu.vector_store %arg12[%swap3A_1177, %swap3A_1178], %mul3A_1176 {strides = array<i32>} : memref<96x128xf32, #tpu.memory_space<vmem>>, vector<16xf32>,
      %get3A_1180 = arith.index_cast %add3A_1137 : i32 to index
      %get3A_1181 = arith.constant 96 : index
      %get3A_1182 = tpu.vector_load %arg12[%get3A_1180, %get3A_1181] {strides = array<i32>} : memref<96x128xf32, #tpu.memory_space<vmem>>, vector<16xf32>,
      %mul3A_1183 = arith.mulf %get3A_1182, %gather3A_1133 : vector<16xf32>
      %swap3A_1184 = arith.index_cast %add3A_1137 : i32 to index
      %swap3A_1185 = arith.constant 96 : index
      %swap3A_1186 = tpu.vector_load %arg12[%swap3A_1184, %swap3A_1185] {strides = array<i32>} : memref<96x128xf32, #tpu.memory_space<vmem>>, vector<16xf32>,
      tpu.vector_store %arg12[%swap3A_1184, %swap3A_1185], %mul3A_1183 {strides = array<i32>} : memref<96x128xf32, #tpu.memory_space<vmem>>, vector<16xf32>,
      %get3A_1187 = arith.index_cast %add3A_1137 : i32 to index
      %get3A_1188 = arith.constant 112 : index
      %get3A_1189 = tpu.vector_load %arg12[%get3A_1187, %get3A_1188] {strides = array<i32>} : memref<96x128xf32, #tpu.memory_space<vmem>>, vector<16xf32>,
      %mul3A_1190 = arith.mulf %get3A_1189, %gather3A_1133 : vector<16xf32>
      %swap3A_1191 = arith.index_cast %add3A_1137 : i32 to index
      %swap3A_1192 = arith.constant 112 : index
      %swap3A_1193 = tpu.vector_load %arg12[%swap3A_1191, %swap3A_1192] {strides = array<i32>} : memref<96x128xf32, #tpu.memory_space<vmem>>, vector<16xf32>,
      tpu.vector_store %arg12[%swap3A_1191, %swap3A_1192], %mul3A_1190 {strides = array<i32>} : memref<96x128xf32, #tpu.memory_space<vmem>>, vector<16xf32>,
      %broadcast_in_dim3A_1194 = arith.constant 13 : i32
      %broadcast_in_dim3A_1195 = vector.broadcast %broadcast_in_dim3A_1194 : i32 to vector<16xi32>
      %broadcast_in_dim3A_1196 = vector.shape_cast %broadcast_in_dim3A_1195 : vector<16xi32> to vector<16x1xi32>
      %gather3A_1197 = vector.shape_cast %broadcast_in_dim3A_1196 : vector<16x1xi32> to vector<16xi32>
      %gather3A_1198 = tpu.dynamic_gather %exp3A[%gather3A_1197] in [0] : vector<16xf32>, vector<16xi32> -> vector<16xf32>
      %add3A_1199 = arith.constant 0 : i32
      %add3A_1200 = arith.addi %mul3A_112, %add3A_1199 : i32
      %add3A_1201 = arith.constant 13 : i32
      %add3A_1202 = arith.addi %add3A_1200, %add3A_1201 : i32
      %get3A_1203 = arith.index_cast %add3A_1202 : i32 to index
      %get3A_1204 = arith.constant 0 : index
      %get3A_1205 = tpu.vector_load %arg12[%get3A_1203, %get3A_1204] {strides = array<i32>} : memref<96x128xf32, #tpu.memory_space<vmem>>, vector<16xf32>,
      %mul3A_1206 = arith.mulf %get3A_1205, %gather3A_1198 : vector<16xf32>
      %swap3A_1207 = arith.index_cast %add3A_1202 : i32 to index
      %swap3A_1208 = arith.constant 0 : index
      %swap3A_1209 = tpu.vector_load %arg12[%swap3A_1207, %swap3A_1208] {strides = array<i32>} : memref<96x128xf32, #tpu.memory_space<vmem>>, vector<16xf32>,
      tpu.vector_store %arg12[%swap3A_1207, %swap3A_1208], %mul3A_1206 {strides = array<i32>} : memref<96x128xf32, #tpu.memory_space<vmem>>, vector<16xf32>,
      %get3A_1210 = arith.index_cast %add3A_1202 : i32 to index
      %get3A_1211 = arith.constant 16 : index
      %get3A_1212 = tpu.vector_load %arg12[%get3A_1210, %get3A_1211] {strides = array<i32>} : memref<96x128xf32, #tpu.memory_space<vmem>>, vector<16xf32>,
      %mul3A_1213 = arith.mulf %get3A_1212, %gather3A_1198 : vector<16xf32>
      %swap3A_1214 = arith.index_cast %add3A_1202 : i32 to index
      %swap3A_1215 = arith.constant 16 : index
      %swap3A_1216 = tpu.vector_load %arg12[%swap3A_1214, %swap3A_1215] {strides = array<i32>} : memref<96x128xf32, #tpu.memory_space<vmem>>, vector<16xf32>,
      tpu.vector_store %arg12[%swap3A_1214, %swap3A_1215], %mul3A_1213 {strides = array<i32>} : memref<96x128xf32, #tpu.memory_space<vmem>>, vector<16xf32>,
      %get3A_1217 = arith.index_cast %add3A_1202 : i32 to index
      %get3A_1218 = arith.constant 32 : index
      %get3A_1219 = tpu.vector_load %arg12[%get3A_1217, %get3A_1218] {strides = array<i32>} : memref<96x128xf32, #tpu.memory_space<vmem>>, vector<16xf32>,
      %mul3A_1220 = arith.mulf %get3A_1219, %gather3A_1198 : vector<16xf32>
      %swap3A_1221 = arith.index_cast %add3A_1202 : i32 to index
      %swap3A_1222 = arith.constant 32 : index
      %swap3A_1223 = tpu.vector_load %arg12[%swap3A_1221, %swap3A_1222] {strides = array<i32>} : memref<96x128xf32, #tpu.memory_space<vmem>>, vector<16xf32>,
      tpu.vector_store %arg12[%swap3A_1221, %swap3A_1222], %mul3A_1220 {strides = array<i32>} : memref<96x128xf32, #tpu.memory_space<vmem>>, vector<16xf32>,
      %get3A_1224 = arith.index_cast %add3A_1202 : i32 to index
      %get3A_1225 = arith.constant 48 : index
      %get3A_1226 = tpu.vector_load %arg12[%get3A_1224, %get3A_1225] {strides = array<i32>} : memref<96x128xf32, #tpu.memory_space<vmem>>, vector<16xf32>,
      %mul3A_1227 = arith.mulf %get3A_1226, %gather3A_1198 : vector<16xf32>
      %swap3A_1228 = arith.index_cast %add3A_1202 : i32 to index
      %swap3A_1229 = arith.constant 48 : index
      %swap3A_1230 = tpu.vector_load %arg12[%swap3A_1228, %swap3A_1229] {strides = array<i32>} : memref<96x128xf32, #tpu.memory_space<vmem>>, vector<16xf32>,
      tpu.vector_store %arg12[%swap3A_1228, %swap3A_1229], %mul3A_1227 {strides = array<i32>} : memref<96x128xf32, #tpu.memory_space<vmem>>, vector<16xf32>,
      %get3A_1231 = arith.index_cast %add3A_1202 : i32 to index
      %get3A_1232 = arith.constant 64 : index
      %get3A_1233 = tpu.vector_load %arg12[%get3A_1231, %get3A_1232] {strides = array<i32>} : memref<96x128xf32, #tpu.memory_space<vmem>>, vector<16xf32>,
      %mul3A_1234 = arith.mulf %get3A_1233, %gather3A_1198 : vector<16xf32>
      %swap3A_1235 = arith.index_cast %add3A_1202 : i32 to index
      %swap3A_1236 = arith.constant 64 : index
      %swap3A_1237 = tpu.vector_load %arg12[%swap3A_1235, %swap3A_1236] {strides = array<i32>} : memref<96x128xf32, #tpu.memory_space<vmem>>, vector<16xf32>,
      tpu.vector_store %arg12[%swap3A_1235, %swap3A_1236], %mul3A_1234 {strides = array<i32>} : memref<96x128xf32, #tpu.memory_space<vmem>>, vector<16xf32>,
      %get3A_1238 = arith.index_cast %add3A_1202 : i32 to index
      %get3A_1239 = arith.constant 80 : index
      %get3A_1240 = tpu.vector_load %arg12[%get3A_1238, %get3A_1239] {strides = array<i32>} : memref<96x128xf32, #tpu.memory_space<vmem>>, vector<16xf32>,
      %mul3A_1241 = arith.mulf %get3A_1240, %gather3A_1198 : vector<16xf32>
      %swap3A_1242 = arith.index_cast %add3A_1202 : i32 to index
      %swap3A_1243 = arith.constant 80 : index
      %swap3A_1244 = tpu.vector_load %arg12[%swap3A_1242, %swap3A_1243] {strides = array<i32>} : memref<96x128xf32, #tpu.memory_space<vmem>>, vector<16xf32>,
      tpu.vector_store %arg12[%swap3A_1242, %swap3A_1243], %mul3A_1241 {strides = array<i32>} : memref<96x128xf32, #tpu.memory_space<vmem>>, vector<16xf32>,
      %get3A_1245 = arith.index_cast %add3A_1202 : i32 to index
      %get3A_1246 = arith.constant 96 : index
      %get3A_1247 = tpu.vector_load %arg12[%get3A_1245, %get3A_1246] {strides = array<i32>} : memref<96x128xf32, #tpu.memory_space<vmem>>, vector<16xf32>,
      %mul3A_1248 = arith.mulf %get3A_1247, %gather3A_1198 : vector<16xf32>
      %swap3A_1249 = arith.index_cast %add3A_1202 : i32 to index
      %swap3A_1250 = arith.constant 96 : index
      %swap3A_1251 = tpu.vector_load %arg12[%swap3A_1249, %swap3A_1250] {strides = array<i32>} : memref<96x128xf32, #tpu.memory_space<vmem>>, vector<16xf32>,
      tpu.vector_store %arg12[%swap3A_1249, %swap3A_1250], %mul3A_1248 {strides = array<i32>} : memref<96x128xf32, #tpu.memory_space<vmem>>, vector<16xf32>,
      %get3A_1252 = arith.index_cast %add3A_1202 : i32 to index
      %get3A_1253 = arith.constant 112 : index
      %get3A_1254 = tpu.vector_load %arg12[%get3A_1252, %get3A_1253] {strides = array<i32>} : memref<96x128xf32, #tpu.memory_space<vmem>>, vector<16xf32>,
      %mul3A_1255 = arith.mulf %get3A_1254, %gather3A_1198 : vector<16xf32>
      %swap3A_1256 = arith.index_cast %add3A_1202 : i32 to index
      %swap3A_1257 = arith.constant 112 : index
      %swap3A_1258 = tpu.vector_load %arg12[%swap3A_1256, %swap3A_1257] {strides = array<i32>} : memref<96x128xf32, #tpu.memory_space<vmem>>, vector<16xf32>,
      tpu.vector_store %arg12[%swap3A_1256, %swap3A_1257], %mul3A_1255 {strides = array<i32>} : memref<96x128xf32, #tpu.memory_space<vmem>>, vector<16xf32>,
      %broadcast_in_dim3A_1259 = arith.constant 14 : i32
      %broadcast_in_dim3A_1260 = vector.broadcast %broadcast_in_dim3A_1259 : i32 to vector<16xi32>
      %broadcast_in_dim3A_1261 = vector.shape_cast %broadcast_in_dim3A_1260 : vector<16xi32> to vector<16x1xi32>
      %gather3A_1262 = vector.shape_cast %broadcast_in_dim3A_1261 : vector<16x1xi32> to vector<16xi32>
      %gather3A_1263 = tpu.dynamic_gather %exp3A[%gather3A_1262] in [0] : vector<16xf32>, vector<16xi32> -> vector<16xf32>
      %add3A_1264 = arith.constant 0 : i32
      %add3A_1265 = arith.addi %mul3A_112, %add3A_1264 : i32
      %add3A_1266 = arith.constant 14 : i32
      %add3A_1267 = arith.addi %add3A_1265, %add3A_1266 : i32
      %get3A_1268 = arith.index_cast %add3A_1267 : i32 to index
      %get3A_1269 = arith.constant 0 : index
      %get3A_1270 = tpu.vector_load %arg12[%get3A_1268, %get3A_1269] {strides = array<i32>} : memref<96x128xf32, #tpu.memory_space<vmem>>, vector<16xf32>,
      %mul3A_1271 = arith.mulf %get3A_1270, %gather3A_1263 : vector<16xf32>
      %swap3A_1272 = arith.index_cast %add3A_1267 : i32 to index
      %swap3A_1273 = arith.constant 0 : index
      %swap3A_1274 = tpu.vector_load %arg12[%swap3A_1272, %swap3A_1273] {strides = array<i32>} : memref<96x128xf32, #tpu.memory_space<vmem>>, vector<16xf32>,
      tpu.vector_store %arg12[%swap3A_1272, %swap3A_1273], %mul3A_1271 {strides = array<i32>} : memref<96x128xf32, #tpu.memory_space<vmem>>, vector<16xf32>,
      %get3A_1275 = arith.index_cast %add3A_1267 : i32 to index
      %get3A_1276 = arith.constant 16 : index
      %get3A_1277 = tpu.vector_load %arg12[%get3A_1275, %get3A_1276] {strides = array<i32>} : memref<96x128xf32, #tpu.memory_space<vmem>>, vector<16xf32>,
      %mul3A_1278 = arith.mulf %get3A_1277, %gather3A_1263 : vector<16xf32>
      %swap3A_1279 = arith.index_cast %add3A_1267 : i32 to index
      %swap3A_1280 = arith.constant 16 : index
      %swap3A_1281 = tpu.vector_load %arg12[%swap3A_1279, %swap3A_1280] {strides = array<i32>} : memref<96x128xf32, #tpu.memory_space<vmem>>, vector<16xf32>,
      tpu.vector_store %arg12[%swap3A_1279, %swap3A_1280], %mul3A_1278 {strides = array<i32>} : memref<96x128xf32, #tpu.memory_space<vmem>>, vector<16xf32>,
      %get3A_1282 = arith.index_cast %add3A_1267 : i32 to index
      %get3A_1283 = arith.constant 32 : index
      %get3A_1284 = tpu.vector_load %arg12[%get3A_1282, %get3A_1283] {strides = array<i32>} : memref<96x128xf32, #tpu.memory_space<vmem>>, vector<16xf32>,
      %mul3A_1285 = arith.mulf %get3A_1284, %gather3A_1263 : vector<16xf32>
      %swap3A_1286 = arith.index_cast %add3A_1267 : i32 to index
      %swap3A_1287 = arith.constant 32 : index
      %swap3A_1288 = tpu.vector_load %arg12[%swap3A_1286, %swap3A_1287] {strides = array<i32>} : memref<96x128xf32, #tpu.memory_space<vmem>>, vector<16xf32>,
      tpu.vector_store %arg12[%swap3A_1286, %swap3A_1287], %mul3A_1285 {strides = array<i32>} : memref<96x128xf32, #tpu.memory_space<vmem>>, vector<16xf32>,
      %get3A_1289 = arith.index_cast %add3A_1267 : i32 to index
      %get3A_1290 = arith.constant 48 : index
      %get3A_1291 = tpu.vector_load %arg12[%get3A_1289, %get3A_1290] {strides = array<i32>} : memref<96x128xf32, #tpu.memory_space<vmem>>, vector<16xf32>,
      %mul3A_1292 = arith.mulf %get3A_1291, %gather3A_1263 : vector<16xf32>
      %swap3A_1293 = arith.index_cast %add3A_1267 : i32 to index
      %swap3A_1294 = arith.constant 48 : index
      %swap3A_1295 = tpu.vector_load %arg12[%swap3A_1293, %swap3A_1294] {strides = array<i32>} : memref<96x128xf32, #tpu.memory_space<vmem>>, vector<16xf32>,
      tpu.vector_store %arg12[%swap3A_1293, %swap3A_1294], %mul3A_1292 {strides = array<i32>} : memref<96x128xf32, #tpu.memory_space<vmem>>, vector<16xf32>,
      %get3A_1296 = arith.index_cast %add3A_1267 : i32 to index
      %get3A_1297 = arith.constant 64 : index
      %get3A_1298 = tpu.vector_load %arg12[%get3A_1296, %get3A_1297] {strides = array<i32>} : memref<96x128xf32, #tpu.memory_space<vmem>>, vector<16xf32>,
      %mul3A_1299 = arith.mulf %get3A_1298, %gather3A_1263 : vector<16xf32>
      %swap3A_1300 = arith.index_cast %add3A_1267 : i32 to index
      %swap3A_1301 = arith.constant 64 : index
      %swap3A_1302 = tpu.vector_load %arg12[%swap3A_1300, %swap3A_1301] {strides = array<i32>} : memref<96x128xf32, #tpu.memory_space<vmem>>, vector<16xf32>,
      tpu.vector_store %arg12[%swap3A_1300, %swap3A_1301], %mul3A_1299 {strides = array<i32>} : memref<96x128xf32, #tpu.memory_space<vmem>>, vector<16xf32>,
      %get3A_1303 = arith.index_cast %add3A_1267 : i32 to index
      %get3A_1304 = arith.constant 80 : index
      %get3A_1305 = tpu.vector_load %arg12[%get3A_1303, %get3A_1304] {strides = array<i32>} : memref<96x128xf32, #tpu.memory_space<vmem>>, vector<16xf32>,
      %mul3A_1306 = arith.mulf %get3A_1305, %gather3A_1263 : vector<16xf32>
      %swap3A_1307 = arith.index_cast %add3A_1267 : i32 to index
      %swap3A_1308 = arith.constant 80 : index
      %swap3A_1309 = tpu.vector_load %arg12[%swap3A_1307, %swap3A_1308] {strides = array<i32>} : memref<96x128xf32, #tpu.memory_space<vmem>>, vector<16xf32>,
      tpu.vector_store %arg12[%swap3A_1307, %swap3A_1308], %mul3A_1306 {strides = array<i32>} : memref<96x128xf32, #tpu.memory_space<vmem>>, vector<16xf32>,
      %get3A_1310 = arith.index_cast %add3A_1267 : i32 to index
      %get3A_1311 = arith.constant 96 : index
      %get3A_1312 = tpu.vector_load %arg12[%get3A_1310, %get3A_1311] {strides = array<i32>} : memref<96x128xf32, #tpu.memory_space<vmem>>, vector<16xf32>,
      %mul3A_1313 = arith.mulf %get3A_1312, %gather3A_1263 : vector<16xf32>
      %swap3A_1314 = arith.index_cast %add3A_1267 : i32 to index
      %swap3A_1315 = arith.constant 96 : index
      %swap3A_1316 = tpu.vector_load %arg12[%swap3A_1314, %swap3A_1315] {strides = array<i32>} : memref<96x128xf32, #tpu.memory_space<vmem>>, vector<16xf32>,
      tpu.vector_store %arg12[%swap3A_1314, %swap3A_1315], %mul3A_1313 {strides = array<i32>} : memref<96x128xf32, #tpu.memory_space<vmem>>, vector<16xf32>,
      %get3A_1317 = arith.index_cast %add3A_1267 : i32 to index
      %get3A_1318 = arith.constant 112 : index
      %get3A_1319 = tpu.vector_load %arg12[%get3A_1317, %get3A_1318] {strides = array<i32>} : memref<96x128xf32, #tpu.memory_space<vmem>>, vector<16xf32>,
      %mul3A_1320 = arith.mulf %get3A_1319, %gather3A_1263 : vector<16xf32>
      %swap3A_1321 = arith.index_cast %add3A_1267 : i32 to index
      %swap3A_1322 = arith.constant 112 : index
      %swap3A_1323 = tpu.vector_load %arg12[%swap3A_1321, %swap3A_1322] {strides = array<i32>} : memref<96x128xf32, #tpu.memory_space<vmem>>, vector<16xf32>,
      tpu.vector_store %arg12[%swap3A_1321, %swap3A_1322], %mul3A_1320 {strides = array<i32>} : memref<96x128xf32, #tpu.memory_space<vmem>>, vector<16xf32>,
      %broadcast_in_dim3A_1324 = arith.constant 15 : i32
      %broadcast_in_dim3A_1325 = vector.broadcast %broadcast_in_dim3A_1324 : i32 to vector<16xi32>
      %broadcast_in_dim3A_1326 = vector.shape_cast %broadcast_in_dim3A_1325 : vector<16xi32> to vector<16x1xi32>
      %gather3A_1327 = vector.shape_cast %broadcast_in_dim3A_1326 : vector<16x1xi32> to vector<16xi32>
      %gather3A_1328 = tpu.dynamic_gather %exp3A[%gather3A_1327] in [0] : vector<16xf32>, vector<16xi32> -> vector<16xf32>
      %add3A_1329 = arith.constant 0 : i32
      %add3A_1330 = arith.addi %mul3A_112, %add3A_1329 : i32
      %add3A_1331 = arith.constant 15 : i32
      %add3A_1332 = arith.addi %add3A_1330, %add3A_1331 : i32
      %get3A_1333 = arith.index_cast %add3A_1332 : i32 to index
      %get3A_1334 = arith.constant 0 : index
      %get3A_1335 = tpu.vector_load %arg12[%get3A_1333, %get3A_1334] {strides = array<i32>} : memref<96x128xf32, #tpu.memory_space<vmem>>, vector<16xf32>,
      %mul3A_1336 = arith.mulf %get3A_1335, %gather3A_1328 : vector<16xf32>
      %swap3A_1337 = arith.index_cast %add3A_1332 : i32 to index
      %swap3A_1338 = arith.constant 0 : index
      %swap3A_1339 = tpu.vector_load %arg12[%swap3A_1337, %swap3A_1338] {strides = array<i32>} : memref<96x128xf32, #tpu.memory_space<vmem>>, vector<16xf32>,
      tpu.vector_store %arg12[%swap3A_1337, %swap3A_1338], %mul3A_1336 {strides = array<i32>} : memref<96x128xf32, #tpu.memory_space<vmem>>, vector<16xf32>,
      %get3A_1340 = arith.index_cast %add3A_1332 : i32 to index
      %get3A_1341 = arith.constant 16 : index
      %get3A_1342 = tpu.vector_load %arg12[%get3A_1340, %get3A_1341] {strides = array<i32>} : memref<96x128xf32, #tpu.memory_space<vmem>>, vector<16xf32>,
      %mul3A_1343 = arith.mulf %get3A_1342, %gather3A_1328 : vector<16xf32>
      %swap3A_1344 = arith.index_cast %add3A_1332 : i32 to index
      %swap3A_1345 = arith.constant 16 : index
      %swap3A_1346 = tpu.vector_load %arg12[%swap3A_1344, %swap3A_1345] {strides = array<i32>} : memref<96x128xf32, #tpu.memory_space<vmem>>, vector<16xf32>,
      tpu.vector_store %arg12[%swap3A_1344, %swap3A_1345], %mul3A_1343 {strides = array<i32>} : memref<96x128xf32, #tpu.memory_space<vmem>>, vector<16xf32>,
      %get3A_1347 = arith.index_cast %add3A_1332 : i32 to index
      %get3A_1348 = arith.constant 32 : index
      %get3A_1349 = tpu.vector_load %arg12[%get3A_1347, %get3A_1348] {strides = array<i32>} : memref<96x128xf32, #tpu.memory_space<vmem>>, vector<16xf32>,
      %mul3A_1350 = arith.mulf %get3A_1349, %gather3A_1328 : vector<16xf32>
      %swap3A_1351 = arith.index_cast %add3A_1332 : i32 to index
      %swap3A_1352 = arith.constant 32 : index
      %swap3A_1353 = tpu.vector_load %arg12[%swap3A_1351, %swap3A_1352] {strides = array<i32>} : memref<96x128xf32, #tpu.memory_space<vmem>>, vector<16xf32>,
      tpu.vector_store %arg12[%swap3A_1351, %swap3A_1352], %mul3A_1350 {strides = array<i32>} : memref<96x128xf32, #tpu.memory_space<vmem>>, vector<16xf32>,
      %get3A_1354 = arith.index_cast %add3A_1332 : i32 to index
      %get3A_1355 = arith.constant 48 : index
      %get3A_1356 = tpu.vector_load %arg12[%get3A_1354, %get3A_1355] {strides = array<i32>} : memref<96x128xf32, #tpu.memory_space<vmem>>, vector<16xf32>,
      %mul3A_1357 = arith.mulf %get3A_1356, %gather3A_1328 : vector<16xf32>
      %swap3A_1358 = arith.index_cast %add3A_1332 : i32 to index
      %swap3A_1359 = arith.constant 48 : index
      %swap3A_1360 = tpu.vector_load %arg12[%swap3A_1358, %swap3A_1359] {strides = array<i32>} : memref<96x128xf32, #tpu.memory_space<vmem>>, vector<16xf32>,
      tpu.vector_store %arg12[%swap3A_1358, %swap3A_1359], %mul3A_1357 {strides = array<i32>} : memref<96x128xf32, #tpu.memory_space<vmem>>, vector<16xf32>,
      %get3A_1361 = arith.index_cast %add3A_1332 : i32 to index
      %get3A_1362 = arith.constant 64 : index
      %get3A_1363 = tpu.vector_load %arg12[%get3A_1361, %get3A_1362] {strides = array<i32>} : memref<96x128xf32, #tpu.memory_space<vmem>>, vector<16xf32>,
      %mul3A_1364 = arith.mulf %get3A_1363, %gather3A_1328 : vector<16xf32>
      %swap3A_1365 = arith.index_cast %add3A_1332 : i32 to index
      %swap3A_1366 = arith.constant 64 : index
      %swap3A_1367 = tpu.vector_load %arg12[%swap3A_1365, %swap3A_1366] {strides = array<i32>} : memref<96x128xf32, #tpu.memory_space<vmem>>, vector<16xf32>,
      tpu.vector_store %arg12[%swap3A_1365, %swap3A_1366], %mul3A_1364 {strides = array<i32>} : memref<96x128xf32, #tpu.memory_space<vmem>>, vector<16xf32>,
      %get3A_1368 = arith.index_cast %add3A_1332 : i32 to index
      %get3A_1369 = arith.constant 80 : index
      %get3A_1370 = tpu.vector_load %arg12[%get3A_1368, %get3A_1369] {strides = array<i32>} : memref<96x128xf32, #tpu.memory_space<vmem>>, vector<16xf32>,
      %mul3A_1371 = arith.mulf %get3A_1370, %gather3A_1328 : vector<16xf32>
      %swap3A_1372 = arith.index_cast %add3A_1332 : i32 to index
      %swap3A_1373 = arith.constant 80 : index
      %swap3A_1374 = tpu.vector_load %arg12[%swap3A_1372, %swap3A_1373] {strides = array<i32>} : memref<96x128xf32, #tpu.memory_space<vmem>>, vector<16xf32>,
      tpu.vector_store %arg12[%swap3A_1372, %swap3A_1373], %mul3A_1371 {strides = array<i32>} : memref<96x128xf32, #tpu.memory_space<vmem>>, vector<16xf32>,
      %get3A_1375 = arith.index_cast %add3A_1332 : i32 to index
      %get3A_1376 = arith.constant 96 : index
      %get3A_1377 = tpu.vector_load %arg12[%get3A_1375, %get3A_1376] {strides = array<i32>} : memref<96x128xf32, #tpu.memory_space<vmem>>, vector<16xf32>,
      %mul3A_1378 = arith.mulf %get3A_1377, %gather3A_1328 : vector<16xf32>
      %swap3A_1379 = arith.index_cast %add3A_1332 : i32 to index
      %swap3A_1380 = arith.constant 96 : index
      %swap3A_1381 = tpu.vector_load %arg12[%swap3A_1379, %swap3A_1380] {strides = array<i32>} : memref<96x128xf32, #tpu.memory_space<vmem>>, vector<16xf32>,
      tpu.vector_store %arg12[%swap3A_1379, %swap3A_1380], %mul3A_1378 {strides = array<i32>} : memref<96x128xf32, #tpu.memory_space<vmem>>, vector<16xf32>,
      %get3A_1382 = arith.index_cast %add3A_1332 : i32 to index
      %get3A_1383 = arith.constant 112 : index
      %get3A_1384 = tpu.vector_load %arg12[%get3A_1382, %get3A_1383] {strides = array<i32>} : memref<96x128xf32, #tpu.memory_space<vmem>>, vector<16xf32>,
      %mul3A_1385 = arith.mulf %get3A_1384, %gather3A_1328 : vector<16xf32>
      %swap3A_1386 = arith.index_cast %add3A_1332 : i32 to index
      %swap3A_1387 = arith.constant 112 : index
      %swap3A_1388 = tpu.vector_load %arg12[%swap3A_1386, %swap3A_1387] {strides = array<i32>} : memref<96x128xf32, #tpu.memory_space<vmem>>, vector<16xf32>,
      tpu.vector_store %arg12[%swap3A_1386, %swap3A_1387], %mul3A_1385 {strides = array<i32>} : memref<96x128xf32, #tpu.memory_space<vmem>>, vector<16xf32>,
      %broadcast_in_dim3A_1389 = arith.constant 0 : i32
      %broadcast_in_dim3A_1390 = vector.broadcast %broadcast_in_dim3A_1389 : i32 to vector<16xi32>
      %broadcast_in_dim3A_1391 = vector.shape_cast %broadcast_in_dim3A_1390 : vector<16xi32> to vector<16x1xi32>
      %gather3A_1392 = vector.shape_cast %broadcast_in_dim3A_1391 : vector<16x1xi32> to vector<16xi32>
      %gather3A_1393 = tpu.dynamic_gather %exp3A_216[%gather3A_1392] in [0] : vector<16xf32>, vector<16xi32> -> vector<16xf32>
      %add3A_1394 = arith.constant 16 : i32
      %add3A_1395 = arith.addi %mul3A_112, %add3A_1394 : i32
      %add3A_1396 = arith.constant 0 : i32
      %add3A_1397 = arith.addi %add3A_1395, %add3A_1396 : i32
      %get3A_1398 = arith.index_cast %add3A_1397 : i32 to index
      %get3A_1399 = arith.constant 0 : index
      %get3A_1400 = tpu.vector_load %arg12[%get3A_1398, %get3A_1399] {strides = array<i32>} : memref<96x128xf32, #tpu.memory_space<vmem>>, vector<16xf32>,
      %mul3A_1401 = arith.mulf %get3A_1400, %gather3A_1393 : vector<16xf32>
      %swap3A_1402 = arith.index_cast %add3A_1397 : i32 to index
      %swap3A_1403 = arith.constant 0 : index
      %swap3A_1404 = tpu.vector_load %arg12[%swap3A_1402, %swap3A_1403] {strides = array<i32>} : memref<96x128xf32, #tpu.memory_space<vmem>>, vector<16xf32>,
      tpu.vector_store %arg12[%swap3A_1402, %swap3A_1403], %mul3A_1401 {strides = array<i32>} : memref<96x128xf32, #tpu.memory_space<vmem>>, vector<16xf32>,
      %get3A_1405 = arith.index_cast %add3A_1397 : i32 to index
      %get3A_1406 = arith.constant 16 : index
      %get3A_1407 = tpu.vector_load %arg12[%get3A_1405, %get3A_1406] {strides = array<i32>} : memref<96x128xf32, #tpu.memory_space<vmem>>, vector<16xf32>,
      %mul3A_1408 = arith.mulf %get3A_1407, %gather3A_1393 : vector<16xf32>
      %swap3A_1409 = arith.index_cast %add3A_1397 : i32 to index
      %swap3A_1410 = arith.constant 16 : index
      %swap3A_1411 = tpu.vector_load %arg12[%swap3A_1409, %swap3A_1410] {strides = array<i32>} : memref<96x128xf32, #tpu.memory_space<vmem>>, vector<16xf32>,
      tpu.vector_store %arg12[%swap3A_1409, %swap3A_1410], %mul3A_1408 {strides = array<i32>} : memref<96x128xf32, #tpu.memory_space<vmem>>, vector<16xf32>,
      %get3A_1412 = arith.index_cast %add3A_1397 : i32 to index
      %get3A_1413 = arith.constant 32 : index
      %get3A_1414 = tpu.vector_load %arg12[%get3A_1412, %get3A_1413] {strides = array<i32>} : memref<96x128xf32, #tpu.memory_space<vmem>>, vector<16xf32>,
      %mul3A_1415 = arith.mulf %get3A_1414, %gather3A_1393 : vector<16xf32>
      %swap3A_1416 = arith.index_cast %add3A_1397 : i32 to index
      %swap3A_1417 = arith.constant 32 : index
      %swap3A_1418 = tpu.vector_load %arg12[%swap3A_1416, %swap3A_1417] {strides = array<i32>} : memref<96x128xf32, #tpu.memory_space<vmem>>, vector<16xf32>,
      tpu.vector_store %arg12[%swap3A_1416, %swap3A_1417], %mul3A_1415 {strides = array<i32>} : memref<96x128xf32, #tpu.memory_space<vmem>>, vector<16xf32>,
      %get3A_1419 = arith.index_cast %add3A_1397 : i32 to index
      %get3A_1420 = arith.constant 48 : index
      %get3A_1421 = tpu.vector_load %arg12[%get3A_1419, %get3A_1420] {strides = array<i32>} : memref<96x128xf32, #tpu.memory_space<vmem>>, vector<16xf32>,
      %mul3A_1422 = arith.mulf %get3A_1421, %gather3A_1393 : vector<16xf32>
      %swap3A_1423 = arith.index_cast %add3A_1397 : i32 to index
      %swap3A_1424 = arith.constant 48 : index
      %swap3A_1425 = tpu.vector_load %arg12[%swap3A_1423, %swap3A_1424] {strides = array<i32>} : memref<96x128xf32, #tpu.memory_space<vmem>>, vector<16xf32>,
      tpu.vector_store %arg12[%swap3A_1423, %swap3A_1424], %mul3A_1422 {strides = array<i32>} : memref<96x128xf32, #tpu.memory_space<vmem>>, vector<16xf32>,
      %get3A_1426 = arith.index_cast %add3A_1397 : i32 to index
      %get3A_1427 = arith.constant 64 : index
      %get3A_1428 = tpu.vector_load %arg12[%get3A_1426, %get3A_1427] {strides = array<i32>} : memref<96x128xf32, #tpu.memory_space<vmem>>, vector<16xf32>,
      %mul3A_1429 = arith.mulf %get3A_1428, %gather3A_1393 : vector<16xf32>
      %swap3A_1430 = arith.index_cast %add3A_1397 : i32 to index
      %swap3A_1431 = arith.constant 64 : index
      %swap3A_1432 = tpu.vector_load %arg12[%swap3A_1430, %swap3A_1431] {strides = array<i32>} : memref<96x128xf32, #tpu.memory_space<vmem>>, vector<16xf32>,
      tpu.vector_store %arg12[%swap3A_1430, %swap3A_1431], %mul3A_1429 {strides = array<i32>} : memref<96x128xf32, #tpu.memory_space<vmem>>, vector<16xf32>,
      %get3A_1433 = arith.index_cast %add3A_1397 : i32 to index
      %get3A_1434 = arith.constant 80 : index
      %get3A_1435 = tpu.vector_load %arg12[%get3A_1433, %get3A_1434] {strides = array<i32>} : memref<96x128xf32, #tpu.memory_space<vmem>>, vector<16xf32>,
      %mul3A_1436 = arith.mulf %get3A_1435, %gather3A_1393 : vector<16xf32>
      %swap3A_1437 = arith.index_cast %add3A_1397 : i32 to index
      %swap3A_1438 = arith.constant 80 : index
      %swap3A_1439 = tpu.vector_load %arg12[%swap3A_1437, %swap3A_1438] {strides = array<i32>} : memref<96x128xf32, #tpu.memory_space<vmem>>, vector<16xf32>,
      tpu.vector_store %arg12[%swap3A_1437, %swap3A_1438], %mul3A_1436 {strides = array<i32>} : memref<96x128xf32, #tpu.memory_space<vmem>>, vector<16xf32>,
      %get3A_1440 = arith.index_cast %add3A_1397 : i32 to index
      %get3A_1441 = arith.constant 96 : index
      %get3A_1442 = tpu.vector_load %arg12[%get3A_1440, %get3A_1441] {strides = array<i32>} : memref<96x128xf32, #tpu.memory_space<vmem>>, vector<16xf32>,
      %mul3A_1443 = arith.mulf %get3A_1442, %gather3A_1393 : vector<16xf32>
      %swap3A_1444 = arith.index_cast %add3A_1397 : i32 to index
      %swap3A_1445 = arith.constant 96 : index
      %swap3A_1446 = tpu.vector_load %arg12[%swap3A_1444, %swap3A_1445] {strides = array<i32>} : memref<96x128xf32, #tpu.memory_space<vmem>>, vector<16xf32>,
      tpu.vector_store %arg12[%swap3A_1444, %swap3A_1445], %mul3A_1443 {strides = array<i32>} : memref<96x128xf32, #tpu.memory_space<vmem>>, vector<16xf32>,
      %get3A_1447 = arith.index_cast %add3A_1397 : i32 to index
      %get3A_1448 = arith.constant 112 : index
      %get3A_1449 = tpu.vector_load %arg12[%get3A_1447, %get3A_1448] {strides = array<i32>} : memref<96x128xf32, #tpu.memory_space<vmem>>, vector<16xf32>,
      %mul3A_1450 = arith.mulf %get3A_1449, %gather3A_1393 : vector<16xf32>
      %swap3A_1451 = arith.index_cast %add3A_1397 : i32 to index
      %swap3A_1452 = arith.constant 112 : index
      %swap3A_1453 = tpu.vector_load %arg12[%swap3A_1451, %swap3A_1452] {strides = array<i32>} : memref<96x128xf32, #tpu.memory_space<vmem>>, vector<16xf32>,
      tpu.vector_store %arg12[%swap3A_1451, %swap3A_1452], %mul3A_1450 {strides = array<i32>} : memref<96x128xf32, #tpu.memory_space<vmem>>, vector<16xf32>,
      %broadcast_in_dim3A_1454 = arith.constant 1 : i32
      %broadcast_in_dim3A_1455 = vector.broadcast %broadcast_in_dim3A_1454 : i32 to vector<16xi32>
      %broadcast_in_dim3A_1456 = vector.shape_cast %broadcast_in_dim3A_1455 : vector<16xi32> to vector<16x1xi32>
      %gather3A_1457 = vector.shape_cast %broadcast_in_dim3A_1456 : vector<16x1xi32> to vector<16xi32>
      %gather3A_1458 = tpu.dynamic_gather %exp3A_216[%gather3A_1457] in [0] : vector<16xf32>, vector<16xi32> -> vector<16xf32>
      %add3A_1459 = arith.constant 16 : i32
      %add3A_1460 = arith.addi %mul3A_112, %add3A_1459 : i32
      %add3A_1461 = arith.constant 1 : i32
      %add3A_1462 = arith.addi %add3A_1460, %add3A_1461 : i32
      %get3A_1463 = arith.index_cast %add3A_1462 : i32 to index
      %get3A_1464 = arith.constant 0 : index
      %get3A_1465 = tpu.vector_load %arg12[%get3A_1463, %get3A_1464] {strides = array<i32>} : memref<96x128xf32, #tpu.memory_space<vmem>>, vector<16xf32>,
      %mul3A_1466 = arith.mulf %get3A_1465, %gather3A_1458 : vector<16xf32>
      %swap3A_1467 = arith.index_cast %add3A_1462 : i32 to index
      %swap3A_1468 = arith.constant 0 : index
      %swap3A_1469 = tpu.vector_load %arg12[%swap3A_1467, %swap3A_1468] {strides = array<i32>} : memref<96x128xf32, #tpu.memory_space<vmem>>, vector<16xf32>,
      tpu.vector_store %arg12[%swap3A_1467, %swap3A_1468], %mul3A_1466 {strides = array<i32>} : memref<96x128xf32, #tpu.memory_space<vmem>>, vector<16xf32>,
      %get3A_1470 = arith.index_cast %add3A_1462 : i32 to index
      %get3A_1471 = arith.constant 16 : index
      %get3A_1472 = tpu.vector_load %arg12[%get3A_1470, %get3A_1471] {strides = array<i32>} : memref<96x128xf32, #tpu.memory_space<vmem>>, vector<16xf32>,
      %mul3A_1473 = arith.mulf %get3A_1472, %gather3A_1458 : vector<16xf32>
      %swap3A_1474 = arith.index_cast %add3A_1462 : i32 to index
      %swap3A_1475 = arith.constant 16 : index
      %swap3A_1476 = tpu.vector_load %arg12[%swap3A_1474, %swap3A_1475] {strides = array<i32>} : memref<96x128xf32, #tpu.memory_space<vmem>>, vector<16xf32>,
      tpu.vector_store %arg12[%swap3A_1474, %swap3A_1475], %mul3A_1473 {strides = array<i32>} : memref<96x128xf32, #tpu.memory_space<vmem>>, vector<16xf32>,
      %get3A_1477 = arith.index_cast %add3A_1462 : i32 to index
      %get3A_1478 = arith.constant 32 : index
      %get3A_1479 = tpu.vector_load %arg12[%get3A_1477, %get3A_1478] {strides = array<i32>} : memref<96x128xf32, #tpu.memory_space<vmem>>, vector<16xf32>,
      %mul3A_1480 = arith.mulf %get3A_1479, %gather3A_1458 : vector<16xf32>
      %swap3A_1481 = arith.index_cast %add3A_1462 : i32 to index
      %swap3A_1482 = arith.constant 32 : index
      %swap3A_1483 = tpu.vector_load %arg12[%swap3A_1481, %swap3A_1482] {strides = array<i32>} : memref<96x128xf32, #tpu.memory_space<vmem>>, vector<16xf32>,
      tpu.vector_store %arg12[%swap3A_1481, %swap3A_1482], %mul3A_1480 {strides = array<i32>} : memref<96x128xf32, #tpu.memory_space<vmem>>, vector<16xf32>,
      %get3A_1484 = arith.index_cast %add3A_1462 : i32 to index
      %get3A_1485 = arith.constant 48 : index
      %get3A_1486 = tpu.vector_load %arg12[%get3A_1484, %get3A_1485] {strides = array<i32>} : memref<96x128xf32, #tpu.memory_space<vmem>>, vector<16xf32>,
      %mul3A_1487 = arith.mulf %get3A_1486, %gather3A_1458 : vector<16xf32>
      %swap3A_1488 = arith.index_cast %add3A_1462 : i32 to index
      %swap3A_1489 = arith.constant 48 : index
      %swap3A_1490 = tpu.vector_load %arg12[%swap3A_1488, %swap3A_1489] {strides = array<i32>} : memref<96x128xf32, #tpu.memory_space<vmem>>, vector<16xf32>,
      tpu.vector_store %arg12[%swap3A_1488, %swap3A_1489], %mul3A_1487 {strides = array<i32>} : memref<96x128xf32, #tpu.memory_space<vmem>>, vector<16xf32>,
      %get3A_1491 = arith.index_cast %add3A_1462 : i32 to index
      %get3A_1492 = arith.constant 64 : index
      %get3A_1493 = tpu.vector_load %arg12[%get3A_1491, %get3A_1492] {strides = array<i32>} : memref<96x128xf32, #tpu.memory_space<vmem>>, vector<16xf32>,
      %mul3A_1494 = arith.mulf %get3A_1493, %gather3A_1458 : vector<16xf32>
      %swap3A_1495 = arith.index_cast %add3A_1462 : i32 to index
      %swap3A_1496 = arith.constant 64 : index
      %swap3A_1497 = tpu.vector_load %arg12[%swap3A_1495, %swap3A_1496] {strides = array<i32>} : memref<96x128xf32, #tpu.memory_space<vmem>>, vector<16xf32>,
      tpu.vector_store %arg12[%swap3A_1495, %swap3A_1496], %mul3A_1494 {strides = array<i32>} : memref<96x128xf32, #tpu.memory_space<vmem>>, vector<16xf32>,
      %get3A_1498 = arith.index_cast %add3A_1462 : i32 to index
      %get3A_1499 = arith.constant 80 : index
      %get3A_1500 = tpu.vector_load %arg12[%get3A_1498, %get3A_1499] {strides = array<i32>} : memref<96x128xf32, #tpu.memory_space<vmem>>, vector<16xf32>,
      %mul3A_1501 = arith.mulf %get3A_1500, %gather3A_1458 : vector<16xf32>
      %swap3A_1502 = arith.index_cast %add3A_1462 : i32 to index
      %swap3A_1503 = arith.constant 80 : index
      %swap3A_1504 = tpu.vector_load %arg12[%swap3A_1502, %swap3A_1503] {strides = array<i32>} : memref<96x128xf32, #tpu.memory_space<vmem>>, vector<16xf32>,
      tpu.vector_store %arg12[%swap3A_1502, %swap3A_1503], %mul3A_1501 {strides = array<i32>} : memref<96x128xf32, #tpu.memory_space<vmem>>, vector<16xf32>,
      %get3A_1505 = arith.index_cast %add3A_1462 : i32 to index
      %get3A_1506 = arith.constant 96 : index
      %get3A_1507 = tpu.vector_load %arg12[%get3A_1505, %get3A_1506] {strides = array<i32>} : memref<96x128xf32, #tpu.memory_space<vmem>>, vector<16xf32>,
      %mul3A_1508 = arith.mulf %get3A_1507, %gather3A_1458 : vector<16xf32>
      %swap3A_1509 = arith.index_cast %add3A_1462 : i32 to index
      %swap3A_1510 = arith.constant 96 : index
      %swap3A_1511 = tpu.vector_load %arg12[%swap3A_1509, %swap3A_1510] {strides = array<i32>} : memref<96x128xf32, #tpu.memory_space<vmem>>, vector<16xf32>,
      tpu.vector_store %arg12[%swap3A_1509, %swap3A_1510], %mul3A_1508 {strides = array<i32>} : memref<96x128xf32, #tpu.memory_space<vmem>>, vector<16xf32>,
      %get3A_1512 = arith.index_cast %add3A_1462 : i32 to index
      %get3A_1513 = arith.constant 112 : index
      %get3A_1514 = tpu.vector_load %arg12[%get3A_1512, %get3A_1513] {strides = array<i32>} : memref<96x128xf32, #tpu.memory_space<vmem>>, vector<16xf32>,
      %mul3A_1515 = arith.mulf %get3A_1514, %gather3A_1458 : vector<16xf32>
      %swap3A_1516 = arith.index_cast %add3A_1462 : i32 to index
      %swap3A_1517 = arith.constant 112 : index
      %swap3A_1518 = tpu.vector_load %arg12[%swap3A_1516, %swap3A_1517] {strides = array<i32>} : memref<96x128xf32, #tpu.memory_space<vmem>>, vector<16xf32>,
      tpu.vector_store %arg12[%swap3A_1516, %swap3A_1517], %mul3A_1515 {strides = array<i32>} : memref<96x128xf32, #tpu.memory_space<vmem>>, vector<16xf32>,
      %broadcast_in_dim3A_1519 = arith.constant 2 : i32
      %broadcast_in_dim3A_1520 = vector.broadcast %broadcast_in_dim3A_1519 : i32 to vector<16xi32>
      %broadcast_in_dim3A_1521 = vector.shape_cast %broadcast_in_dim3A_1520 : vector<16xi32> to vector<16x1xi32>
      %gather3A_1522 = vector.shape_cast %broadcast_in_dim3A_1521 : vector<16x1xi32> to vector<16xi32>
      %gather3A_1523 = tpu.dynamic_gather %exp3A_216[%gather3A_1522] in [0] : vector<16xf32>, vector<16xi32> -> vector<16xf32>
      %add3A_1524 = arith.constant 16 : i32
      %add3A_1525 = arith.addi %mul3A_112, %add3A_1524 : i32
      %add3A_1526 = arith.constant 2 : i32
      %add3A_1527 = arith.addi %add3A_1525, %add3A_1526 : i32
      %get3A_1528 = arith.index_cast %add3A_1527 : i32 to index
      %get3A_1529 = arith.constant 0 : index
      %get3A_1530 = tpu.vector_load %arg12[%get3A_1528, %get3A_1529] {strides = array<i32>} : memref<96x128xf32, #tpu.memory_space<vmem>>, vector<16xf32>,
      %mul3A_1531 = arith.mulf %get3A_1530, %gather3A_1523 : vector<16xf32>
      %swap3A_1532 = arith.index_cast %add3A_1527 : i32 to index
      %swap3A_1533 = arith.constant 0 : index
      %swap3A_1534 = tpu.vector_load %arg12[%swap3A_1532, %swap3A_1533] {strides = array<i32>} : memref<96x128xf32, #tpu.memory_space<vmem>>, vector<16xf32>,
      tpu.vector_store %arg12[%swap3A_1532, %swap3A_1533], %mul3A_1531 {strides = array<i32>} : memref<96x128xf32, #tpu.memory_space<vmem>>, vector<16xf32>,
      %get3A_1535 = arith.index_cast %add3A_1527 : i32 to index
      %get3A_1536 = arith.constant 16 : index
      %get3A_1537 = tpu.vector_load %arg12[%get3A_1535, %get3A_1536] {strides = array<i32>} : memref<96x128xf32, #tpu.memory_space<vmem>>, vector<16xf32>,
      %mul3A_1538 = arith.mulf %get3A_1537, %gather3A_1523 : vector<16xf32>
      %swap3A_1539 = arith.index_cast %add3A_1527 : i32 to index
      %swap3A_1540 = arith.constant 16 : index
      %swap3A_1541 = tpu.vector_load %arg12[%swap3A_1539, %swap3A_1540] {strides = array<i32>} : memref<96x128xf32, #tpu.memory_space<vmem>>, vector<16xf32>,
      tpu.vector_store %arg12[%swap3A_1539, %swap3A_1540], %mul3A_1538 {strides = array<i32>} : memref<96x128xf32, #tpu.memory_space<vmem>>, vector<16xf32>,
      %get3A_1542 = arith.index_cast %add3A_1527 : i32 to index
      %get3A_1543 = arith.constant 32 : index
      %get3A_1544 = tpu.vector_load %arg12[%get3A_1542, %get3A_1543] {strides = array<i32>} : memref<96x128xf32, #tpu.memory_space<vmem>>, vector<16xf32>,
      %mul3A_1545 = arith.mulf %get3A_1544, %gather3A_1523 : vector<16xf32>
      %swap3A_1546 = arith.index_cast %add3A_1527 : i32 to index
      %swap3A_1547 = arith.constant 32 : index
      %swap3A_1548 = tpu.vector_load %arg12[%swap3A_1546, %swap3A_1547] {strides = array<i32>} : memref<96x128xf32, #tpu.memory_space<vmem>>, vector<16xf32>,
      tpu.vector_store %arg12[%swap3A_1546, %swap3A_1547], %mul3A_1545 {strides = array<i32>} : memref<96x128xf32, #tpu.memory_space<vmem>>, vector<16xf32>,
      %get3A_1549 = arith.index_cast %add3A_1527 : i32 to index
      %get3A_1550 = arith.constant 48 : index
      %get3A_1551 = tpu.vector_load %arg12[%get3A_1549, %get3A_1550] {strides = array<i32>} : memref<96x128xf32, #tpu.memory_space<vmem>>, vector<16xf32>,
      %mul3A_1552 = arith.mulf %get3A_1551, %gather3A_1523 : vector<16xf32>
      %swap3A_1553 = arith.index_cast %add3A_1527 : i32 to index
      %swap3A_1554 = arith.constant 48 : index
      %swap3A_1555 = tpu.vector_load %arg12[%swap3A_1553, %swap3A_1554] {strides = array<i32>} : memref<96x128xf32, #tpu.memory_space<vmem>>, vector<16xf32>,
      tpu.vector_store %arg12[%swap3A_1553, %swap3A_1554], %mul3A_1552 {strides = array<i32>} : memref<96x128xf32, #tpu.memory_space<vmem>>, vector<16xf32>,
      %get3A_1556 = arith.index_cast %add3A_1527 : i32 to index
      %get3A_1557 = arith.constant 64 : index
      %get3A_1558 = tpu.vector_load %arg12[%get3A_1556, %get3A_1557] {strides = array<i32>} : memref<96x128xf32, #tpu.memory_space<vmem>>, vector<16xf32>,
      %mul3A_1559 = arith.mulf %get3A_1558, %gather3A_1523 : vector<16xf32>
      %swap3A_1560 = arith.index_cast %add3A_1527 : i32 to index
      %swap3A_1561 = arith.constant 64 : index
      %swap3A_1562 = tpu.vector_load %arg12[%swap3A_1560, %swap3A_1561] {strides = array<i32>} : memref<96x128xf32, #tpu.memory_space<vmem>>, vector<16xf32>,
      tpu.vector_store %arg12[%swap3A_1560, %swap3A_1561], %mul3A_1559 {strides = array<i32>} : memref<96x128xf32, #tpu.memory_space<vmem>>, vector<16xf32>,
      %get3A_1563 = arith.index_cast %add3A_1527 : i32 to index
      %get3A_1564 = arith.constant 80 : index
      %get3A_1565 = tpu.vector_load %arg12[%get3A_1563, %get3A_1564] {strides = array<i32>} : memref<96x128xf32, #tpu.memory_space<vmem>>, vector<16xf32>,
      %mul3A_1566 = arith.mulf %get3A_1565, %gather3A_1523 : vector<16xf32>
      %swap3A_1567 = arith.index_cast %add3A_1527 : i32 to index
      %swap3A_1568 = arith.constant 80 : index
      %swap3A_1569 = tpu.vector_load %arg12[%swap3A_1567, %swap3A_1568] {strides = array<i32>} : memref<96x128xf32, #tpu.memory_space<vmem>>, vector<16xf32>,
      tpu.vector_store %arg12[%swap3A_1567, %swap3A_1568], %mul3A_1566 {strides = array<i32>} : memref<96x128xf32, #tpu.memory_space<vmem>>, vector<16xf32>,
      %get3A_1570 = arith.index_cast %add3A_1527 : i32 to index
      %get3A_1571 = arith.constant 96 : index
      %get3A_1572 = tpu.vector_load %arg12[%get3A_1570, %get3A_1571] {strides = array<i32>} : memref<96x128xf32, #tpu.memory_space<vmem>>, vector<16xf32>,
      %mul3A_1573 = arith.mulf %get3A_1572, %gather3A_1523 : vector<16xf32>
      %swap3A_1574 = arith.index_cast %add3A_1527 : i32 to index
      %swap3A_1575 = arith.constant 96 : index
      %swap3A_1576 = tpu.vector_load %arg12[%swap3A_1574, %swap3A_1575] {strides = array<i32>} : memref<96x128xf32, #tpu.memory_space<vmem>>, vector<16xf32>,
      tpu.vector_store %arg12[%swap3A_1574, %swap3A_1575], %mul3A_1573 {strides = array<i32>} : memref<96x128xf32, #tpu.memory_space<vmem>>, vector<16xf32>,
      %get3A_1577 = arith.index_cast %add3A_1527 : i32 to index
      %get3A_1578 = arith.constant 112 : index
      %get3A_1579 = tpu.vector_load %arg12[%get3A_1577, %get3A_1578] {strides = array<i32>} : memref<96x128xf32, #tpu.memory_space<vmem>>, vector<16xf32>,
      %mul3A_1580 = arith.mulf %get3A_1579, %gather3A_1523 : vector<16xf32>
      %swap3A_1581 = arith.index_cast %add3A_1527 : i32 to index
      %swap3A_1582 = arith.constant 112 : index
      %swap3A_1583 = tpu.vector_load %arg12[%swap3A_1581, %swap3A_1582] {strides = array<i32>} : memref<96x128xf32, #tpu.memory_space<vmem>>, vector<16xf32>,
      tpu.vector_store %arg12[%swap3A_1581, %swap3A_1582], %mul3A_1580 {strides = array<i32>} : memref<96x128xf32, #tpu.memory_space<vmem>>, vector<16xf32>,
      %broadcast_in_dim3A_1584 = arith.constant 3 : i32
      %broadcast_in_dim3A_1585 = vector.broadcast %broadcast_in_dim3A_1584 : i32 to vector<16xi32>
      %broadcast_in_dim3A_1586 = vector.shape_cast %broadcast_in_dim3A_1585 : vector<16xi32> to vector<16x1xi32>
      %gather3A_1587 = vector.shape_cast %broadcast_in_dim3A_1586 : vector<16x1xi32> to vector<16xi32>
      %gather3A_1588 = tpu.dynamic_gather %exp3A_216[%gather3A_1587] in [0] : vector<16xf32>, vector<16xi32> -> vector<16xf32>
      %add3A_1589 = arith.constant 16 : i32
      %add3A_1590 = arith.addi %mul3A_112, %add3A_1589 : i32
      %add3A_1591 = arith.constant 3 : i32
      %add3A_1592 = arith.addi %add3A_1590, %add3A_1591 : i32
      %get3A_1593 = arith.index_cast %add3A_1592 : i32 to index
      %get3A_1594 = arith.constant 0 : index
      %get3A_1595 = tpu.vector_load %arg12[%get3A_1593, %get3A_1594] {strides = array<i32>} : memref<96x128xf32, #tpu.memory_space<vmem>>, vector<16xf32>,
      %mul3A_1596 = arith.mulf %get3A_1595, %gather3A_1588 : vector<16xf32>
      %swap3A_1597 = arith.index_cast %add3A_1592 : i32 to index
      %swap3A_1598 = arith.constant 0 : index
      %swap3A_1599 = tpu.vector_load %arg12[%swap3A_1597, %swap3A_1598] {strides = array<i32>} : memref<96x128xf32, #tpu.memory_space<vmem>>, vector<16xf32>,
      tpu.vector_store %arg12[%swap3A_1597, %swap3A_1598], %mul3A_1596 {strides = array<i32>} : memref<96x128xf32, #tpu.memory_space<vmem>>, vector<16xf32>,
      %get3A_1600 = arith.index_cast %add3A_1592 : i32 to index
      %get3A_1601 = arith.constant 16 : index
      %get3A_1602 = tpu.vector_load %arg12[%get3A_1600, %get3A_1601] {strides = array<i32>} : memref<96x128xf32, #tpu.memory_space<vmem>>, vector<16xf32>,
      %mul3A_1603 = arith.mulf %get3A_1602, %gather3A_1588 : vector<16xf32>
      %swap3A_1604 = arith.index_cast %add3A_1592 : i32 to index
      %swap3A_1605 = arith.constant 16 : index
      %swap3A_1606 = tpu.vector_load %arg12[%swap3A_1604, %swap3A_1605] {strides = array<i32>} : memref<96x128xf32, #tpu.memory_space<vmem>>, vector<16xf32>,
      tpu.vector_store %arg12[%swap3A_1604, %swap3A_1605], %mul3A_1603 {strides = array<i32>} : memref<96x128xf32, #tpu.memory_space<vmem>>, vector<16xf32>,
      %get3A_1607 = arith.index_cast %add3A_1592 : i32 to index
      %get3A_1608 = arith.constant 32 : index
      %get3A_1609 = tpu.vector_load %arg12[%get3A_1607, %get3A_1608] {strides = array<i32>} : memref<96x128xf32, #tpu.memory_space<vmem>>, vector<16xf32>,
      %mul3A_1610 = arith.mulf %get3A_1609, %gather3A_1588 : vector<16xf32>
      %swap3A_1611 = arith.index_cast %add3A_1592 : i32 to index
      %swap3A_1612 = arith.constant 32 : index
      %swap3A_1613 = tpu.vector_load %arg12[%swap3A_1611, %swap3A_1612] {strides = array<i32>} : memref<96x128xf32, #tpu.memory_space<vmem>>, vector<16xf32>,
      tpu.vector_store %arg12[%swap3A_1611, %swap3A_1612], %mul3A_1610 {strides = array<i32>} : memref<96x128xf32, #tpu.memory_space<vmem>>, vector<16xf32>,
      %get3A_1614 = arith.index_cast %add3A_1592 : i32 to index
      %get3A_1615 = arith.constant 48 : index
      %get3A_1616 = tpu.vector_load %arg12[%get3A_1614, %get3A_1615] {strides = array<i32>} : memref<96x128xf32, #tpu.memory_space<vmem>>, vector<16xf32>,
      %mul3A_1617 = arith.mulf %get3A_1616, %gather3A_1588 : vector<16xf32>
      %swap3A_1618 = arith.index_cast %add3A_1592 : i32 to index
      %swap3A_1619 = arith.constant 48 : index
      %swap3A_1620 = tpu.vector_load %arg12[%swap3A_1618, %swap3A_1619] {strides = array<i32>} : memref<96x128xf32, #tpu.memory_space<vmem>>, vector<16xf32>,
      tpu.vector_store %arg12[%swap3A_1618, %swap3A_1619], %mul3A_1617 {strides = array<i32>} : memref<96x128xf32, #tpu.memory_space<vmem>>, vector<16xf32>,
      %get3A_1621 = arith.index_cast %add3A_1592 : i32 to index
      %get3A_1622 = arith.constant 64 : index
      %get3A_1623 = tpu.vector_load %arg12[%get3A_1621, %get3A_1622] {strides = array<i32>} : memref<96x128xf32, #tpu.memory_space<vmem>>, vector<16xf32>,
      %mul3A_1624 = arith.mulf %get3A_1623, %gather3A_1588 : vector<16xf32>
      %swap3A_1625 = arith.index_cast %add3A_1592 : i32 to index
      %swap3A_1626 = arith.constant 64 : index
      %swap3A_1627 = tpu.vector_load %arg12[%swap3A_1625, %swap3A_1626] {strides = array<i32>} : memref<96x128xf32, #tpu.memory_space<vmem>>, vector<16xf32>,
      tpu.vector_store %arg12[%swap3A_1625, %swap3A_1626], %mul3A_1624 {strides = array<i32>} : memref<96x128xf32, #tpu.memory_space<vmem>>, vector<16xf32>,
      %get3A_1628 = arith.index_cast %add3A_1592 : i32 to index
      %get3A_1629 = arith.constant 80 : index
      %get3A_1630 = tpu.vector_load %arg12[%get3A_1628, %get3A_1629] {strides = array<i32>} : memref<96x128xf32, #tpu.memory_space<vmem>>, vector<16xf32>,
      %mul3A_1631 = arith.mulf %get3A_1630, %gather3A_1588 : vector<16xf32>
      %swap3A_1632 = arith.index_cast %add3A_1592 : i32 to index
      %swap3A_1633 = arith.constant 80 : index
      %swap3A_1634 = tpu.vector_load %arg12[%swap3A_1632, %swap3A_1633] {strides = array<i32>} : memref<96x128xf32, #tpu.memory_space<vmem>>, vector<16xf32>,
      tpu.vector_store %arg12[%swap3A_1632, %swap3A_1633], %mul3A_1631 {strides = array<i32>} : memref<96x128xf32, #tpu.memory_space<vmem>>, vector<16xf32>,
      %get3A_1635 = arith.index_cast %add3A_1592 : i32 to index
      %get3A_1636 = arith.constant 96 : index
      %get3A_1637 = tpu.vector_load %arg12[%get3A_1635, %get3A_1636] {strides = array<i32>} : memref<96x128xf32, #tpu.memory_space<vmem>>, vector<16xf32>,
      %mul3A_1638 = arith.mulf %get3A_1637, %gather3A_1588 : vector<16xf32>
      %swap3A_1639 = arith.index_cast %add3A_1592 : i32 to index
      %swap3A_1640 = arith.constant 96 : index
      %swap3A_1641 = tpu.vector_load %arg12[%swap3A_1639, %swap3A_1640] {strides = array<i32>} : memref<96x128xf32, #tpu.memory_space<vmem>>, vector<16xf32>,
      tpu.vector_store %arg12[%swap3A_1639, %swap3A_1640], %mul3A_1638 {strides = array<i32>} : memref<96x128xf32, #tpu.memory_space<vmem>>, vector<16xf32>,
      %get3A_1642 = arith.index_cast %add3A_1592 : i32 to index
      %get3A_1643 = arith.constant 112 : index
      %get3A_1644 = tpu.vector_load %arg12[%get3A_1642, %get3A_1643] {strides = array<i32>} : memref<96x128xf32, #tpu.memory_space<vmem>>, vector<16xf32>,
      %mul3A_1645 = arith.mulf %get3A_1644, %gather3A_1588 : vector<16xf32>
      %swap3A_1646 = arith.index_cast %add3A_1592 : i32 to index
      %swap3A_1647 = arith.constant 112 : index
      %swap3A_1648 = tpu.vector_load %arg12[%swap3A_1646, %swap3A_1647] {strides = array<i32>} : memref<96x128xf32, #tpu.memory_space<vmem>>, vector<16xf32>,
      tpu.vector_store %arg12[%swap3A_1646, %swap3A_1647], %mul3A_1645 {strides = array<i32>} : memref<96x128xf32, #tpu.memory_space<vmem>>, vector<16xf32>,
      %broadcast_in_dim3A_1649 = arith.constant 4 : i32
      %broadcast_in_dim3A_1650 = vector.broadcast %broadcast_in_dim3A_1649 : i32 to vector<16xi32>
      %broadcast_in_dim3A_1651 = vector.shape_cast %broadcast_in_dim3A_1650 : vector<16xi32> to vector<16x1xi32>
      %gather3A_1652 = vector.shape_cast %broadcast_in_dim3A_1651 : vector<16x1xi32> to vector<16xi32>
      %gather3A_1653 = tpu.dynamic_gather %exp3A_216[%gather3A_1652] in [0] : vector<16xf32>, vector<16xi32> -> vector<16xf32>
      %add3A_1654 = arith.constant 16 : i32
      %add3A_1655 = arith.addi %mul3A_112, %add3A_1654 : i32
      %add3A_1656 = arith.constant 4 : i32
      %add3A_1657 = arith.addi %add3A_1655, %add3A_1656 : i32
      %get3A_1658 = arith.index_cast %add3A_1657 : i32 to index
      %get3A_1659 = arith.constant 0 : index
      %get3A_1660 = tpu.vector_load %arg12[%get3A_1658, %get3A_1659] {strides = array<i32>} : memref<96x128xf32, #tpu.memory_space<vmem>>, vector<16xf32>,
      %mul3A_1661 = arith.mulf %get3A_1660, %gather3A_1653 : vector<16xf32>
      %swap3A_1662 = arith.index_cast %add3A_1657 : i32 to index
      %swap3A_1663 = arith.constant 0 : index
      %swap3A_1664 = tpu.vector_load %arg12[%swap3A_1662, %swap3A_1663] {strides = array<i32>} : memref<96x128xf32, #tpu.memory_space<vmem>>, vector<16xf32>,
      tpu.vector_store %arg12[%swap3A_1662, %swap3A_1663], %mul3A_1661 {strides = array<i32>} : memref<96x128xf32, #tpu.memory_space<vmem>>, vector<16xf32>,
      %get3A_1665 = arith.index_cast %add3A_1657 : i32 to index
      %get3A_1666 = arith.constant 16 : index
      %get3A_1667 = tpu.vector_load %arg12[%get3A_1665, %get3A_1666] {strides = array<i32>} : memref<96x128xf32, #tpu.memory_space<vmem>>, vector<16xf32>,
      %mul3A_1668 = arith.mulf %get3A_1667, %gather3A_1653 : vector<16xf32>
      %swap3A_1669 = arith.index_cast %add3A_1657 : i32 to index
      %swap3A_1670 = arith.constant 16 : index
      %swap3A_1671 = tpu.vector_load %arg12[%swap3A_1669, %swap3A_1670] {strides = array<i32>} : memref<96x128xf32, #tpu.memory_space<vmem>>, vector<16xf32>,
      tpu.vector_store %arg12[%swap3A_1669, %swap3A_1670], %mul3A_1668 {strides = array<i32>} : memref<96x128xf32, #tpu.memory_space<vmem>>, vector<16xf32>,
      %get3A_1672 = arith.index_cast %add3A_1657 : i32 to index
      %get3A_1673 = arith.constant 32 : index
      %get3A_1674 = tpu.vector_load %arg12[%get3A_1672, %get3A_1673] {strides = array<i32>} : memref<96x128xf32, #tpu.memory_space<vmem>>, vector<16xf32>,
      %mul3A_1675 = arith.mulf %get3A_1674, %gather3A_1653 : vector<16xf32>
      %swap3A_1676 = arith.index_cast %add3A_1657 : i32 to index
      %swap3A_1677 = arith.constant 32 : index
      %swap3A_1678 = tpu.vector_load %arg12[%swap3A_1676, %swap3A_1677] {strides = array<i32>} : memref<96x128xf32, #tpu.memory_space<vmem>>, vector<16xf32>,
      tpu.vector_store %arg12[%swap3A_1676, %swap3A_1677], %mul3A_1675 {strides = array<i32>} : memref<96x128xf32, #tpu.memory_space<vmem>>, vector<16xf32>,
      %get3A_1679 = arith.index_cast %add3A_1657 : i32 to index
      %get3A_1680 = arith.constant 48 : index
      %get3A_1681 = tpu.vector_load %arg12[%get3A_1679, %get3A_1680] {strides = array<i32>} : memref<96x128xf32, #tpu.memory_space<vmem>>, vector<16xf32>,
      %mul3A_1682 = arith.mulf %get3A_1681, %gather3A_1653 : vector<16xf32>
      %swap3A_1683 = arith.index_cast %add3A_1657 : i32 to index
      %swap3A_1684 = arith.constant 48 : index
      %swap3A_1685 = tpu.vector_load %arg12[%swap3A_1683, %swap3A_1684] {strides = array<i32>} : memref<96x128xf32, #tpu.memory_space<vmem>>, vector<16xf32>,
      tpu.vector_store %arg12[%swap3A_1683, %swap3A_1684], %mul3A_1682 {strides = array<i32>} : memref<96x128xf32, #tpu.memory_space<vmem>>, vector<16xf32>,
      %get3A_1686 = arith.index_cast %add3A_1657 : i32 to index
      %get3A_1687 = arith.constant 64 : index
      %get3A_1688 = tpu.vector_load %arg12[%get3A_1686, %get3A_1687] {strides = array<i32>} : memref<96x128xf32, #tpu.memory_space<vmem>>, vector<16xf32>,
      %mul3A_1689 = arith.mulf %get3A_1688, %gather3A_1653 : vector<16xf32>
      %swap3A_1690 = arith.index_cast %add3A_1657 : i32 to index
      %swap3A_1691 = arith.constant 64 : index
      %swap3A_1692 = tpu.vector_load %arg12[%swap3A_1690, %swap3A_1691] {strides = array<i32>} : memref<96x128xf32, #tpu.memory_space<vmem>>, vector<16xf32>,
      tpu.vector_store %arg12[%swap3A_1690, %swap3A_1691], %mul3A_1689 {strides = array<i32>} : memref<96x128xf32, #tpu.memory_space<vmem>>, vector<16xf32>,
      %get3A_1693 = arith.index_cast %add3A_1657 : i32 to index
      %get3A_1694 = arith.constant 80 : index
      %get3A_1695 = tpu.vector_load %arg12[%get3A_1693, %get3A_1694] {strides = array<i32>} : memref<96x128xf32, #tpu.memory_space<vmem>>, vector<16xf32>,
      %mul3A_1696 = arith.mulf %get3A_1695, %gather3A_1653 : vector<16xf32>
      %swap3A_1697 = arith.index_cast %add3A_1657 : i32 to index
      %swap3A_1698 = arith.constant 80 : index
      %swap3A_1699 = tpu.vector_load %arg12[%swap3A_1697, %swap3A_1698] {strides = array<i32>} : memref<96x128xf32, #tpu.memory_space<vmem>>, vector<16xf32>,
      tpu.vector_store %arg12[%swap3A_1697, %swap3A_1698], %mul3A_1696 {strides = array<i32>} : memref<96x128xf32, #tpu.memory_space<vmem>>, vector<16xf32>,
      %get3A_1700 = arith.index_cast %add3A_1657 : i32 to index
      %get3A_1701 = arith.constant 96 : index
      %get3A_1702 = tpu.vector_load %arg12[%get3A_1700, %get3A_1701] {strides = array<i32>} : memref<96x128xf32, #tpu.memory_space<vmem>>, vector<16xf32>,
      %mul3A_1703 = arith.mulf %get3A_1702, %gather3A_1653 : vector<16xf32>
      %swap3A_1704 = arith.index_cast %add3A_1657 : i32 to index
      %swap3A_1705 = arith.constant 96 : index
      %swap3A_1706 = tpu.vector_load %arg12[%swap3A_1704, %swap3A_1705] {strides = array<i32>} : memref<96x128xf32, #tpu.memory_space<vmem>>, vector<16xf32>,
      tpu.vector_store %arg12[%swap3A_1704, %swap3A_1705], %mul3A_1703 {strides = array<i32>} : memref<96x128xf32, #tpu.memory_space<vmem>>, vector<16xf32>,
      %get3A_1707 = arith.index_cast %add3A_1657 : i32 to index
      %get3A_1708 = arith.constant 112 : index
      %get3A_1709 = tpu.vector_load %arg12[%get3A_1707, %get3A_1708] {strides = array<i32>} : memref<96x128xf32, #tpu.memory_space<vmem>>, vector<16xf32>,
      %mul3A_1710 = arith.mulf %get3A_1709, %gather3A_1653 : vector<16xf32>
      %swap3A_1711 = arith.index_cast %add3A_1657 : i32 to index
      %swap3A_1712 = arith.constant 112 : index
      %swap3A_1713 = tpu.vector_load %arg12[%swap3A_1711, %swap3A_1712] {strides = array<i32>} : memref<96x128xf32, #tpu.memory_space<vmem>>, vector<16xf32>,
      tpu.vector_store %arg12[%swap3A_1711, %swap3A_1712], %mul3A_1710 {strides = array<i32>} : memref<96x128xf32, #tpu.memory_space<vmem>>, vector<16xf32>,
      %broadcast_in_dim3A_1714 = arith.constant 5 : i32
      %broadcast_in_dim3A_1715 = vector.broadcast %broadcast_in_dim3A_1714 : i32 to vector<16xi32>
      %broadcast_in_dim3A_1716 = vector.shape_cast %broadcast_in_dim3A_1715 : vector<16xi32> to vector<16x1xi32>
      %gather3A_1717 = vector.shape_cast %broadcast_in_dim3A_1716 : vector<16x1xi32> to vector<16xi32>
      %gather3A_1718 = tpu.dynamic_gather %exp3A_216[%gather3A_1717] in [0] : vector<16xf32>, vector<16xi32> -> vector<16xf32>
      %add3A_1719 = arith.constant 16 : i32
      %add3A_1720 = arith.addi %mul3A_112, %add3A_1719 : i32
      %add3A_1721 = arith.constant 5 : i32
      %add3A_1722 = arith.addi %add3A_1720, %add3A_1721 : i32
      %get3A_1723 = arith.index_cast %add3A_1722 : i32 to index
      %get3A_1724 = arith.constant 0 : index
      %get3A_1725 = tpu.vector_load %arg12[%get3A_1723, %get3A_1724] {strides = array<i32>} : memref<96x128xf32, #tpu.memory_space<vmem>>, vector<16xf32>,
      %mul3A_1726 = arith.mulf %get3A_1725, %gather3A_1718 : vector<16xf32>
      %swap3A_1727 = arith.index_cast %add3A_1722 : i32 to index
      %swap3A_1728 = arith.constant 0 : index
      %swap3A_1729 = tpu.vector_load %arg12[%swap3A_1727, %swap3A_1728] {strides = array<i32>} : memref<96x128xf32, #tpu.memory_space<vmem>>, vector<16xf32>,
      tpu.vector_store %arg12[%swap3A_1727, %swap3A_1728], %mul3A_1726 {strides = array<i32>} : memref<96x128xf32, #tpu.memory_space<vmem>>, vector<16xf32>,
      %get3A_1730 = arith.index_cast %add3A_1722 : i32 to index
      %get3A_1731 = arith.constant 16 : index
      %get3A_1732 = tpu.vector_load %arg12[%get3A_1730, %get3A_1731] {strides = array<i32>} : memref<96x128xf32, #tpu.memory_space<vmem>>, vector<16xf32>,
      %mul3A_1733 = arith.mulf %get3A_1732, %gather3A_1718 : vector<16xf32>
      %swap3A_1734 = arith.index_cast %add3A_1722 : i32 to index
      %swap3A_1735 = arith.constant 16 : index
      %swap3A_1736 = tpu.vector_load %arg12[%swap3A_1734, %swap3A_1735] {strides = array<i32>} : memref<96x128xf32, #tpu.memory_space<vmem>>, vector<16xf32>,
      tpu.vector_store %arg12[%swap3A_1734, %swap3A_1735], %mul3A_1733 {strides = array<i32>} : memref<96x128xf32, #tpu.memory_space<vmem>>, vector<16xf32>,
      %get3A_1737 = arith.index_cast %add3A_1722 : i32 to index
      %get3A_1738 = arith.constant 32 : index
      %get3A_1739 = tpu.vector_load %arg12[%get3A_1737, %get3A_1738] {strides = array<i32>} : memref<96x128xf32, #tpu.memory_space<vmem>>, vector<16xf32>,
      %mul3A_1740 = arith.mulf %get3A_1739, %gather3A_1718 : vector<16xf32>
      %swap3A_1741 = arith.index_cast %add3A_1722 : i32 to index
      %swap3A_1742 = arith.constant 32 : index
      %swap3A_1743 = tpu.vector_load %arg12[%swap3A_1741, %swap3A_1742] {strides = array<i32>} : memref<96x128xf32, #tpu.memory_space<vmem>>, vector<16xf32>,
      tpu.vector_store %arg12[%swap3A_1741, %swap3A_1742], %mul3A_1740 {strides = array<i32>} : memref<96x128xf32, #tpu.memory_space<vmem>>, vector<16xf32>,
      %get3A_1744 = arith.index_cast %add3A_1722 : i32 to index
      %get3A_1745 = arith.constant 48 : index
      %get3A_1746 = tpu.vector_load %arg12[%get3A_1744, %get3A_1745] {strides = array<i32>} : memref<96x128xf32, #tpu.memory_space<vmem>>, vector<16xf32>,
      %mul3A_1747 = arith.mulf %get3A_1746, %gather3A_1718 : vector<16xf32>
      %swap3A_1748 = arith.index_cast %add3A_1722 : i32 to index
      %swap3A_1749 = arith.constant 48 : index
      %swap3A_1750 = tpu.vector_load %arg12[%swap3A_1748, %swap3A_1749] {strides = array<i32>} : memref<96x128xf32, #tpu.memory_space<vmem>>, vector<16xf32>,
      tpu.vector_store %arg12[%swap3A_1748, %swap3A_1749], %mul3A_1747 {strides = array<i32>} : memref<96x128xf32, #tpu.memory_space<vmem>>, vector<16xf32>,
      %get3A_1751 = arith.index_cast %add3A_1722 : i32 to index
      %get3A_1752 = arith.constant 64 : index
      %get3A_1753 = tpu.vector_load %arg12[%get3A_1751, %get3A_1752] {strides = array<i32>} : memref<96x128xf32, #tpu.memory_space<vmem>>, vector<16xf32>,
      %mul3A_1754 = arith.mulf %get3A_1753, %gather3A_1718 : vector<16xf32>
      %swap3A_1755 = arith.index_cast %add3A_1722 : i32 to index
      %swap3A_1756 = arith.constant 64 : index
      %swap3A_1757 = tpu.vector_load %arg12[%swap3A_1755, %swap3A_1756] {strides = array<i32>} : memref<96x128xf32, #tpu.memory_space<vmem>>, vector<16xf32>,
      tpu.vector_store %arg12[%swap3A_1755, %swap3A_1756], %mul3A_1754 {strides = array<i32>} : memref<96x128xf32, #tpu.memory_space<vmem>>, vector<16xf32>,
      %get3A_1758 = arith.index_cast %add3A_1722 : i32 to index
      %get3A_1759 = arith.constant 80 : index
      %get3A_1760 = tpu.vector_load %arg12[%get3A_1758, %get3A_1759] {strides = array<i32>} : memref<96x128xf32, #tpu.memory_space<vmem>>, vector<16xf32>,
      %mul3A_1761 = arith.mulf %get3A_1760, %gather3A_1718 : vector<16xf32>
      %swap3A_1762 = arith.index_cast %add3A_1722 : i32 to index
      %swap3A_1763 = arith.constant 80 : index
      %swap3A_1764 = tpu.vector_load %arg12[%swap3A_1762, %swap3A_1763] {strides = array<i32>} : memref<96x128xf32, #tpu.memory_space<vmem>>, vector<16xf32>,
      tpu.vector_store %arg12[%swap3A_1762, %swap3A_1763], %mul3A_1761 {strides = array<i32>} : memref<96x128xf32, #tpu.memory_space<vmem>>, vector<16xf32>,
      %get3A_1765 = arith.index_cast %add3A_1722 : i32 to index
      %get3A_1766 = arith.constant 96 : index
      %get3A_1767 = tpu.vector_load %arg12[%get3A_1765, %get3A_1766] {strides = array<i32>} : memref<96x128xf32, #tpu.memory_space<vmem>>, vector<16xf32>,
      %mul3A_1768 = arith.mulf %get3A_1767, %gather3A_1718 : vector<16xf32>
      %swap3A_1769 = arith.index_cast %add3A_1722 : i32 to index
      %swap3A_1770 = arith.constant 96 : index
      %swap3A_1771 = tpu.vector_load %arg12[%swap3A_1769, %swap3A_1770] {strides = array<i32>} : memref<96x128xf32, #tpu.memory_space<vmem>>, vector<16xf32>,
      tpu.vector_store %arg12[%swap3A_1769, %swap3A_1770], %mul3A_1768 {strides = array<i32>} : memref<96x128xf32, #tpu.memory_space<vmem>>, vector<16xf32>,
      %get3A_1772 = arith.index_cast %add3A_1722 : i32 to index
      %get3A_1773 = arith.constant 112 : index
      %get3A_1774 = tpu.vector_load %arg12[%get3A_1772, %get3A_1773] {strides = array<i32>} : memref<96x128xf32, #tpu.memory_space<vmem>>, vector<16xf32>,
      %mul3A_1775 = arith.mulf %get3A_1774, %gather3A_1718 : vector<16xf32>
      %swap3A_1776 = arith.index_cast %add3A_1722 : i32 to index
      %swap3A_1777 = arith.constant 112 : index
      %swap3A_1778 = tpu.vector_load %arg12[%swap3A_1776, %swap3A_1777] {strides = array<i32>} : memref<96x128xf32, #tpu.memory_space<vmem>>, vector<16xf32>,
      tpu.vector_store %arg12[%swap3A_1776, %swap3A_1777], %mul3A_1775 {strides = array<i32>} : memref<96x128xf32, #tpu.memory_space<vmem>>, vector<16xf32>,
      %broadcast_in_dim3A_1779 = arith.constant 6 : i32
      %broadcast_in_dim3A_1780 = vector.broadcast %broadcast_in_dim3A_1779 : i32 to vector<16xi32>
      %broadcast_in_dim3A_1781 = vector.shape_cast %broadcast_in_dim3A_1780 : vector<16xi32> to vector<16x1xi32>
      %gather3A_1782 = vector.shape_cast %broadcast_in_dim3A_1781 : vector<16x1xi32> to vector<16xi32>
      %gather3A_1783 = tpu.dynamic_gather %exp3A_216[%gather3A_1782] in [0] : vector<16xf32>, vector<16xi32> -> vector<16xf32>
      %add3A_1784 = arith.constant 16 : i32
      %add3A_1785 = arith.addi %mul3A_112, %add3A_1784 : i32
      %add3A_1786 = arith.constant 6 : i32
      %add3A_1787 = arith.addi %add3A_1785, %add3A_1786 : i32
      %get3A_1788 = arith.index_cast %add3A_1787 : i32 to index
      %get3A_1789 = arith.constant 0 : index
      %get3A_1790 = tpu.vector_load %arg12[%get3A_1788, %get3A_1789] {strides = array<i32>} : memref<96x128xf32, #tpu.memory_space<vmem>>, vector<16xf32>,
      %mul3A_1791 = arith.mulf %get3A_1790, %gather3A_1783 : vector<16xf32>
      %swap3A_1792 = arith.index_cast %add3A_1787 : i32 to index
      %swap3A_1793 = arith.constant 0 : index
      %swap3A_1794 = tpu.vector_load %arg12[%swap3A_1792, %swap3A_1793] {strides = array<i32>} : memref<96x128xf32, #tpu.memory_space<vmem>>, vector<16xf32>,
      tpu.vector_store %arg12[%swap3A_1792, %swap3A_1793], %mul3A_1791 {strides = array<i32>} : memref<96x128xf32, #tpu.memory_space<vmem>>, vector<16xf32>,
      %get3A_1795 = arith.index_cast %add3A_1787 : i32 to index
      %get3A_1796 = arith.constant 16 : index
      %get3A_1797 = tpu.vector_load %arg12[%get3A_1795, %get3A_1796] {strides = array<i32>} : memref<96x128xf32, #tpu.memory_space<vmem>>, vector<16xf32>,
      %mul3A_1798 = arith.mulf %get3A_1797, %gather3A_1783 : vector<16xf32>
      %swap3A_1799 = arith.index_cast %add3A_1787 : i32 to index
      %swap3A_1800 = arith.constant 16 : index
      %swap3A_1801 = tpu.vector_load %arg12[%swap3A_1799, %swap3A_1800] {strides = array<i32>} : memref<96x128xf32, #tpu.memory_space<vmem>>, vector<16xf32>,
      tpu.vector_store %arg12[%swap3A_1799, %swap3A_1800], %mul3A_1798 {strides = array<i32>} : memref<96x128xf32, #tpu.memory_space<vmem>>, vector<16xf32>,
      %get3A_1802 = arith.index_cast %add3A_1787 : i32 to index
      %get3A_1803 = arith.constant 32 : index
      %get3A_1804 = tpu.vector_load %arg12[%get3A_1802, %get3A_1803] {strides = array<i32>} : memref<96x128xf32, #tpu.memory_space<vmem>>, vector<16xf32>,
      %mul3A_1805 = arith.mulf %get3A_1804, %gather3A_1783 : vector<16xf32>
      %swap3A_1806 = arith.index_cast %add3A_1787 : i32 to index
      %swap3A_1807 = arith.constant 32 : index
      %swap3A_1808 = tpu.vector_load %arg12[%swap3A_1806, %swap3A_1807] {strides = array<i32>} : memref<96x128xf32, #tpu.memory_space<vmem>>, vector<16xf32>,
      tpu.vector_store %arg12[%swap3A_1806, %swap3A_1807], %mul3A_1805 {strides = array<i32>} : memref<96x128xf32, #tpu.memory_space<vmem>>, vector<16xf32>,
      %get3A_1809 = arith.index_cast %add3A_1787 : i32 to index
      %get3A_1810 = arith.constant 48 : index
      %get3A_1811 = tpu.vector_load %arg12[%get3A_1809, %get3A_1810] {strides = array<i32>} : memref<96x128xf32, #tpu.memory_space<vmem>>, vector<16xf32>,
      %mul3A_1812 = arith.mulf %get3A_1811, %gather3A_1783 : vector<16xf32>
      %swap3A_1813 = arith.index_cast %add3A_1787 : i32 to index
      %swap3A_1814 = arith.constant 48 : index
      %swap3A_1815 = tpu.vector_load %arg12[%swap3A_1813, %swap3A_1814] {strides = array<i32>} : memref<96x128xf32, #tpu.memory_space<vmem>>, vector<16xf32>,
      tpu.vector_store %arg12[%swap3A_1813, %swap3A_1814], %mul3A_1812 {strides = array<i32>} : memref<96x128xf32, #tpu.memory_space<vmem>>, vector<16xf32>,
      %get3A_1816 = arith.index_cast %add3A_1787 : i32 to index
      %get3A_1817 = arith.constant 64 : index
      %get3A_1818 = tpu.vector_load %arg12[%get3A_1816, %get3A_1817] {strides = array<i32>} : memref<96x128xf32, #tpu.memory_space<vmem>>, vector<16xf32>,
      %mul3A_1819 = arith.mulf %get3A_1818, %gather3A_1783 : vector<16xf32>
      %swap3A_1820 = arith.index_cast %add3A_1787 : i32 to index
      %swap3A_1821 = arith.constant 64 : index
      %swap3A_1822 = tpu.vector_load %arg12[%swap3A_1820, %swap3A_1821] {strides = array<i32>} : memref<96x128xf32, #tpu.memory_space<vmem>>, vector<16xf32>,
      tpu.vector_store %arg12[%swap3A_1820, %swap3A_1821], %mul3A_1819 {strides = array<i32>} : memref<96x128xf32, #tpu.memory_space<vmem>>, vector<16xf32>,
      %get3A_1823 = arith.index_cast %add3A_1787 : i32 to index
      %get3A_1824 = arith.constant 80 : index
      %get3A_1825 = tpu.vector_load %arg12[%get3A_1823, %get3A_1824] {strides = array<i32>} : memref<96x128xf32, #tpu.memory_space<vmem>>, vector<16xf32>,
      %mul3A_1826 = arith.mulf %get3A_1825, %gather3A_1783 : vector<16xf32>
      %swap3A_1827 = arith.index_cast %add3A_1787 : i32 to index
      %swap3A_1828 = arith.constant 80 : index
      %swap3A_1829 = tpu.vector_load %arg12[%swap3A_1827, %swap3A_1828] {strides = array<i32>} : memref<96x128xf32, #tpu.memory_space<vmem>>, vector<16xf32>,
      tpu.vector_store %arg12[%swap3A_1827, %swap3A_1828], %mul3A_1826 {strides = array<i32>} : memref<96x128xf32, #tpu.memory_space<vmem>>, vector<16xf32>,
      %get3A_1830 = arith.index_cast %add3A_1787 : i32 to index
      %get3A_1831 = arith.constant 96 : index
      %get3A_1832 = tpu.vector_load %arg12[%get3A_1830, %get3A_1831] {strides = array<i32>} : memref<96x128xf32, #tpu.memory_space<vmem>>, vector<16xf32>,
      %mul3A_1833 = arith.mulf %get3A_1832, %gather3A_1783 : vector<16xf32>
      %swap3A_1834 = arith.index_cast %add3A_1787 : i32 to index
      %swap3A_1835 = arith.constant 96 : index
      %swap3A_1836 = tpu.vector_load %arg12[%swap3A_1834, %swap3A_1835] {strides = array<i32>} : memref<96x128xf32, #tpu.memory_space<vmem>>, vector<16xf32>,
      tpu.vector_store %arg12[%swap3A_1834, %swap3A_1835], %mul3A_1833 {strides = array<i32>} : memref<96x128xf32, #tpu.memory_space<vmem>>, vector<16xf32>,
      %get3A_1837 = arith.index_cast %add3A_1787 : i32 to index
      %get3A_1838 = arith.constant 112 : index
      %get3A_1839 = tpu.vector_load %arg12[%get3A_1837, %get3A_1838] {strides = array<i32>} : memref<96x128xf32, #tpu.memory_space<vmem>>, vector<16xf32>,
      %mul3A_1840 = arith.mulf %get3A_1839, %gather3A_1783 : vector<16xf32>
      %swap3A_1841 = arith.index_cast %add3A_1787 : i32 to index
      %swap3A_1842 = arith.constant 112 : index
      %swap3A_1843 = tpu.vector_load %arg12[%swap3A_1841, %swap3A_1842] {strides = array<i32>} : memref<96x128xf32, #tpu.memory_space<vmem>>, vector<16xf32>,
      tpu.vector_store %arg12[%swap3A_1841, %swap3A_1842], %mul3A_1840 {strides = array<i32>} : memref<96x128xf32, #tpu.memory_space<vmem>>, vector<16xf32>,
      %broadcast_in_dim3A_1844 = arith.constant 7 : i32
      %broadcast_in_dim3A_1845 = vector.broadcast %broadcast_in_dim3A_1844 : i32 to vector<16xi32>
      %broadcast_in_dim3A_1846 = vector.shape_cast %broadcast_in_dim3A_1845 : vector<16xi32> to vector<16x1xi32>
      %gather3A_1847 = vector.shape_cast %broadcast_in_dim3A_1846 : vector<16x1xi32> to vector<16xi32>
      %gather3A_1848 = tpu.dynamic_gather %exp3A_216[%gather3A_1847] in [0] : vector<16xf32>, vector<16xi32> -> vector<16xf32>
      %add3A_1849 = arith.constant 16 : i32
      %add3A_1850 = arith.addi %mul3A_112, %add3A_1849 : i32
      %add3A_1851 = arith.constant 7 : i32
      %add3A_1852 = arith.addi %add3A_1850, %add3A_1851 : i32
      %get3A_1853 = arith.index_cast %add3A_1852 : i32 to index
      %get3A_1854 = arith.constant 0 : index
      %get3A_1855 = tpu.vector_load %arg12[%get3A_1853, %get3A_1854] {strides = array<i32>} : memref<96x128xf32, #tpu.memory_space<vmem>>, vector<16xf32>,
      %mul3A_1856 = arith.mulf %get3A_1855, %gather3A_1848 : vector<16xf32>
      %swap3A_1857 = arith.index_cast %add3A_1852 : i32 to index
      %swap3A_1858 = arith.constant 0 : index
      %swap3A_1859 = tpu.vector_load %arg12[%swap3A_1857, %swap3A_1858] {strides = array<i32>} : memref<96x128xf32, #tpu.memory_space<vmem>>, vector<16xf32>,
      tpu.vector_store %arg12[%swap3A_1857, %swap3A_1858], %mul3A_1856 {strides = array<i32>} : memref<96x128xf32, #tpu.memory_space<vmem>>, vector<16xf32>,
      %get3A_1860 = arith.index_cast %add3A_1852 : i32 to index
      %get3A_1861 = arith.constant 16 : index
      %get3A_1862 = tpu.vector_load %arg12[%get3A_1860, %get3A_1861] {strides = array<i32>} : memref<96x128xf32, #tpu.memory_space<vmem>>, vector<16xf32>,
      %mul3A_1863 = arith.mulf %get3A_1862, %gather3A_1848 : vector<16xf32>
      %swap3A_1864 = arith.index_cast %add3A_1852 : i32 to index
      %swap3A_1865 = arith.constant 16 : index
      %swap3A_1866 = tpu.vector_load %arg12[%swap3A_1864, %swap3A_1865] {strides = array<i32>} : memref<96x128xf32, #tpu.memory_space<vmem>>, vector<16xf32>,
      tpu.vector_store %arg12[%swap3A_1864, %swap3A_1865], %mul3A_1863 {strides = array<i32>} : memref<96x128xf32, #tpu.memory_space<vmem>>, vector<16xf32>,
      %get3A_1867 = arith.index_cast %add3A_1852 : i32 to index
      %get3A_1868 = arith.constant 32 : index
      %get3A_1869 = tpu.vector_load %arg12[%get3A_1867, %get3A_1868] {strides = array<i32>} : memref<96x128xf32, #tpu.memory_space<vmem>>, vector<16xf32>,
      %mul3A_1870 = arith.mulf %get3A_1869, %gather3A_1848 : vector<16xf32>
      %swap3A_1871 = arith.index_cast %add3A_1852 : i32 to index
      %swap3A_1872 = arith.constant 32 : index
      %swap3A_1873 = tpu.vector_load %arg12[%swap3A_1871, %swap3A_1872] {strides = array<i32>} : memref<96x128xf32, #tpu.memory_space<vmem>>, vector<16xf32>,
      tpu.vector_store %arg12[%swap3A_1871, %swap3A_1872], %mul3A_1870 {strides = array<i32>} : memref<96x128xf32, #tpu.memory_space<vmem>>, vector<16xf32>,
      %get3A_1874 = arith.index_cast %add3A_1852 : i32 to index
      %get3A_1875 = arith.constant 48 : index
      %get3A_1876 = tpu.vector_load %arg12[%get3A_1874, %get3A_1875] {strides = array<i32>} : memref<96x128xf32, #tpu.memory_space<vmem>>, vector<16xf32>,
      %mul3A_1877 = arith.mulf %get3A_1876, %gather3A_1848 : vector<16xf32>
      %swap3A_1878 = arith.index_cast %add3A_1852 : i32 to index
      %swap3A_1879 = arith.constant 48 : index
      %swap3A_1880 = tpu.vector_load %arg12[%swap3A_1878, %swap3A_1879] {strides = array<i32>} : memref<96x128xf32, #tpu.memory_space<vmem>>, vector<16xf32>,
      tpu.vector_store %arg12[%swap3A_1878, %swap3A_1879], %mul3A_1877 {strides = array<i32>} : memref<96x128xf32, #tpu.memory_space<vmem>>, vector<16xf32>,
      %get3A_1881 = arith.index_cast %add3A_1852 : i32 to index
      %get3A_1882 = arith.constant 64 : index
      %get3A_1883 = tpu.vector_load %arg12[%get3A_1881, %get3A_1882] {strides = array<i32>} : memref<96x128xf32, #tpu.memory_space<vmem>>, vector<16xf32>,
      %mul3A_1884 = arith.mulf %get3A_1883, %gather3A_1848 : vector<16xf32>
      %swap3A_1885 = arith.index_cast %add3A_1852 : i32 to index
      %swap3A_1886 = arith.constant 64 : index
      %swap3A_1887 = tpu.vector_load %arg12[%swap3A_1885, %swap3A_1886] {strides = array<i32>} : memref<96x128xf32, #tpu.memory_space<vmem>>, vector<16xf32>,
      tpu.vector_store %arg12[%swap3A_1885, %swap3A_1886], %mul3A_1884 {strides = array<i32>} : memref<96x128xf32, #tpu.memory_space<vmem>>, vector<16xf32>,
      %get3A_1888 = arith.index_cast %add3A_1852 : i32 to index
      %get3A_1889 = arith.constant 80 : index
      %get3A_1890 = tpu.vector_load %arg12[%get3A_1888, %get3A_1889] {strides = array<i32>} : memref<96x128xf32, #tpu.memory_space<vmem>>, vector<16xf32>,
      %mul3A_1891 = arith.mulf %get3A_1890, %gather3A_1848 : vector<16xf32>
      %swap3A_1892 = arith.index_cast %add3A_1852 : i32 to index
      %swap3A_1893 = arith.constant 80 : index
      %swap3A_1894 = tpu.vector_load %arg12[%swap3A_1892, %swap3A_1893] {strides = array<i32>} : memref<96x128xf32, #tpu.memory_space<vmem>>, vector<16xf32>,
      tpu.vector_store %arg12[%swap3A_1892, %swap3A_1893], %mul3A_1891 {strides = array<i32>} : memref<96x128xf32, #tpu.memory_space<vmem>>, vector<16xf32>,
      %get3A_1895 = arith.index_cast %add3A_1852 : i32 to index
      %get3A_1896 = arith.constant 96 : index
      %get3A_1897 = tpu.vector_load %arg12[%get3A_1895, %get3A_1896] {strides = array<i32>} : memref<96x128xf32, #tpu.memory_space<vmem>>, vector<16xf32>,
      %mul3A_1898 = arith.mulf %get3A_1897, %gather3A_1848 : vector<16xf32>
      %swap3A_1899 = arith.index_cast %add3A_1852 : i32 to index
      %swap3A_1900 = arith.constant 96 : index
      %swap3A_1901 = tpu.vector_load %arg12[%swap3A_1899, %swap3A_1900] {strides = array<i32>} : memref<96x128xf32, #tpu.memory_space<vmem>>, vector<16xf32>,
      tpu.vector_store %arg12[%swap3A_1899, %swap3A_1900], %mul3A_1898 {strides = array<i32>} : memref<96x128xf32, #tpu.memory_space<vmem>>, vector<16xf32>,
      %get3A_1902 = arith.index_cast %add3A_1852 : i32 to index
      %get3A_1903 = arith.constant 112 : index
      %get3A_1904 = tpu.vector_load %arg12[%get3A_1902, %get3A_1903] {strides = array<i32>} : memref<96x128xf32, #tpu.memory_space<vmem>>, vector<16xf32>,
      %mul3A_1905 = arith.mulf %get3A_1904, %gather3A_1848 : vector<16xf32>
      %swap3A_1906 = arith.index_cast %add3A_1852 : i32 to index
      %swap3A_1907 = arith.constant 112 : index
      %swap3A_1908 = tpu.vector_load %arg12[%swap3A_1906, %swap3A_1907] {strides = array<i32>} : memref<96x128xf32, #tpu.memory_space<vmem>>, vector<16xf32>,
      tpu.vector_store %arg12[%swap3A_1906, %swap3A_1907], %mul3A_1905 {strides = array<i32>} : memref<96x128xf32, #tpu.memory_space<vmem>>, vector<16xf32>,
      %broadcast_in_dim3A_1909 = arith.constant 8 : i32
      %broadcast_in_dim3A_1910 = vector.broadcast %broadcast_in_dim3A_1909 : i32 to vector<16xi32>
      %broadcast_in_dim3A_1911 = vector.shape_cast %broadcast_in_dim3A_1910 : vector<16xi32> to vector<16x1xi32>
      %gather3A_1912 = vector.shape_cast %broadcast_in_dim3A_1911 : vector<16x1xi32> to vector<16xi32>
      %gather3A_1913 = tpu.dynamic_gather %exp3A_216[%gather3A_1912] in [0] : vector<16xf32>, vector<16xi32> -> vector<16xf32>
      %add3A_1914 = arith.constant 16 : i32
      %add3A_1915 = arith.addi %mul3A_112, %add3A_1914 : i32
      %add3A_1916 = arith.constant 8 : i32
      %add3A_1917 = arith.addi %add3A_1915, %add3A_1916 : i32
      %get3A_1918 = arith.index_cast %add3A_1917 : i32 to index
      %get3A_1919 = arith.constant 0 : index
      %get3A_1920 = tpu.vector_load %arg12[%get3A_1918, %get3A_1919] {strides = array<i32>} : memref<96x128xf32, #tpu.memory_space<vmem>>, vector<16xf32>,
      %mul3A_1921 = arith.mulf %get3A_1920, %gather3A_1913 : vector<16xf32>
      %swap3A_1922 = arith.index_cast %add3A_1917 : i32 to index
      %swap3A_1923 = arith.constant 0 : index
      %swap3A_1924 = tpu.vector_load %arg12[%swap3A_1922, %swap3A_1923] {strides = array<i32>} : memref<96x128xf32, #tpu.memory_space<vmem>>, vector<16xf32>,
      tpu.vector_store %arg12[%swap3A_1922, %swap3A_1923], %mul3A_1921 {strides = array<i32>} : memref<96x128xf32, #tpu.memory_space<vmem>>, vector<16xf32>,
      %get3A_1925 = arith.index_cast %add3A_1917 : i32 to index
      %get3A_1926 = arith.constant 16 : index
      %get3A_1927 = tpu.vector_load %arg12[%get3A_1925, %get3A_1926] {strides = array<i32>} : memref<96x128xf32, #tpu.memory_space<vmem>>, vector<16xf32>,
      %mul3A_1928 = arith.mulf %get3A_1927, %gather3A_1913 : vector<16xf32>
      %swap3A_1929 = arith.index_cast %add3A_1917 : i32 to index
      %swap3A_1930 = arith.constant 16 : index
      %swap3A_1931 = tpu.vector_load %arg12[%swap3A_1929, %swap3A_1930] {strides = array<i32>} : memref<96x128xf32, #tpu.memory_space<vmem>>, vector<16xf32>,
      tpu.vector_store %arg12[%swap3A_1929, %swap3A_1930], %mul3A_1928 {strides = array<i32>} : memref<96x128xf32, #tpu.memory_space<vmem>>, vector<16xf32>,
      %get3A_1932 = arith.index_cast %add3A_1917 : i32 to index
      %get3A_1933 = arith.constant 32 : index
      %get3A_1934 = tpu.vector_load %arg12[%get3A_1932, %get3A_1933] {strides = array<i32>} : memref<96x128xf32, #tpu.memory_space<vmem>>, vector<16xf32>,
      %mul3A_1935 = arith.mulf %get3A_1934, %gather3A_1913 : vector<16xf32>
      %swap3A_1936 = arith.index_cast %add3A_1917 : i32 to index
      %swap3A_1937 = arith.constant 32 : index
      %swap3A_1938 = tpu.vector_load %arg12[%swap3A_1936, %swap3A_1937] {strides = array<i32>} : memref<96x128xf32, #tpu.memory_space<vmem>>, vector<16xf32>,
      tpu.vector_store %arg12[%swap3A_1936, %swap3A_1937], %mul3A_1935 {strides = array<i32>} : memref<96x128xf32, #tpu.memory_space<vmem>>, vector<16xf32>,
      %get3A_1939 = arith.index_cast %add3A_1917 : i32 to index
      %get3A_1940 = arith.constant 48 : index
      %get3A_1941 = tpu.vector_load %arg12[%get3A_1939, %get3A_1940] {strides = array<i32>} : memref<96x128xf32, #tpu.memory_space<vmem>>, vector<16xf32>,
      %mul3A_1942 = arith.mulf %get3A_1941, %gather3A_1913 : vector<16xf32>
      %swap3A_1943 = arith.index_cast %add3A_1917 : i32 to index
      %swap3A_1944 = arith.constant 48 : index
      %swap3A_1945 = tpu.vector_load %arg12[%swap3A_1943, %swap3A_1944] {strides = array<i32>} : memref<96x128xf32, #tpu.memory_space<vmem>>, vector<16xf32>,
      tpu.vector_store %arg12[%swap3A_1943, %swap3A_1944], %mul3A_1942 {strides = array<i32>} : memref<96x128xf32, #tpu.memory_space<vmem>>, vector<16xf32>,
      %get3A_1946 = arith.index_cast %add3A_1917 : i32 to index
      %get3A_1947 = arith.constant 64 : index
      %get3A_1948 = tpu.vector_load %arg12[%get3A_1946, %get3A_1947] {strides = array<i32>} : memref<96x128xf32, #tpu.memory_space<vmem>>, vector<16xf32>,
      %mul3A_1949 = arith.mulf %get3A_1948, %gather3A_1913 : vector<16xf32>
      %swap3A_1950 = arith.index_cast %add3A_1917 : i32 to index
      %swap3A_1951 = arith.constant 64 : index
      %swap3A_1952 = tpu.vector_load %arg12[%swap3A_1950, %swap3A_1951] {strides = array<i32>} : memref<96x128xf32, #tpu.memory_space<vmem>>, vector<16xf32>,
      tpu.vector_store %arg12[%swap3A_1950, %swap3A_1951], %mul3A_1949 {strides = array<i32>} : memref<96x128xf32, #tpu.memory_space<vmem>>, vector<16xf32>,
      %get3A_1953 = arith.index_cast %add3A_1917 : i32 to index
      %get3A_1954 = arith.constant 80 : index
      %get3A_1955 = tpu.vector_load %arg12[%get3A_1953, %get3A_1954] {strides = array<i32>} : memref<96x128xf32, #tpu.memory_space<vmem>>, vector<16xf32>,
      %mul3A_1956 = arith.mulf %get3A_1955, %gather3A_1913 : vector<16xf32>
      %swap3A_1957 = arith.index_cast %add3A_1917 : i32 to index
      %swap3A_1958 = arith.constant 80 : index
      %swap3A_1959 = tpu.vector_load %arg12[%swap3A_1957, %swap3A_1958] {strides = array<i32>} : memref<96x128xf32, #tpu.memory_space<vmem>>, vector<16xf32>,
      tpu.vector_store %arg12[%swap3A_1957, %swap3A_1958], %mul3A_1956 {strides = array<i32>} : memref<96x128xf32, #tpu.memory_space<vmem>>, vector<16xf32>,
      %get3A_1960 = arith.index_cast %add3A_1917 : i32 to index
      %get3A_1961 = arith.constant 96 : index
      %get3A_1962 = tpu.vector_load %arg12[%get3A_1960, %get3A_1961] {strides = array<i32>} : memref<96x128xf32, #tpu.memory_space<vmem>>, vector<16xf32>,
      %mul3A_1963 = arith.mulf %get3A_1962, %gather3A_1913 : vector<16xf32>
      %swap3A_1964 = arith.index_cast %add3A_1917 : i32 to index
      %swap3A_1965 = arith.constant 96 : index
      %swap3A_1966 = tpu.vector_load %arg12[%swap3A_1964, %swap3A_1965] {strides = array<i32>} : memref<96x128xf32, #tpu.memory_space<vmem>>, vector<16xf32>,
      tpu.vector_store %arg12[%swap3A_1964, %swap3A_1965], %mul3A_1963 {strides = array<i32>} : memref<96x128xf32, #tpu.memory_space<vmem>>, vector<16xf32>,
      %get3A_1967 = arith.index_cast %add3A_1917 : i32 to index
      %get3A_1968 = arith.constant 112 : index
      %get3A_1969 = tpu.vector_load %arg12[%get3A_1967, %get3A_1968] {strides = array<i32>} : memref<96x128xf32, #tpu.memory_space<vmem>>, vector<16xf32>,
      %mul3A_1970 = arith.mulf %get3A_1969, %gather3A_1913 : vector<16xf32>
      %swap3A_1971 = arith.index_cast %add3A_1917 : i32 to index
      %swap3A_1972 = arith.constant 112 : index
      %swap3A_1973 = tpu.vector_load %arg12[%swap3A_1971, %swap3A_1972] {strides = array<i32>} : memref<96x128xf32, #tpu.memory_space<vmem>>, vector<16xf32>,
      tpu.vector_store %arg12[%swap3A_1971, %swap3A_1972], %mul3A_1970 {strides = array<i32>} : memref<96x128xf32, #tpu.memory_space<vmem>>, vector<16xf32>,
      %broadcast_in_dim3A_1974 = arith.constant 9 : i32
      %broadcast_in_dim3A_1975 = vector.broadcast %broadcast_in_dim3A_1974 : i32 to vector<16xi32>
      %broadcast_in_dim3A_1976 = vector.shape_cast %broadcast_in_dim3A_1975 : vector<16xi32> to vector<16x1xi32>
      %gather3A_1977 = vector.shape_cast %broadcast_in_dim3A_1976 : vector<16x1xi32> to vector<16xi32>
      %gather3A_1978 = tpu.dynamic_gather %exp3A_216[%gather3A_1977] in [0] : vector<16xf32>, vector<16xi32> -> vector<16xf32>
      %add3A_1979 = arith.constant 16 : i32
      %add3A_1980 = arith.addi %mul3A_112, %add3A_1979 : i32
      %add3A_1981 = arith.constant 9 : i32
      %add3A_1982 = arith.addi %add3A_1980, %add3A_1981 : i32
      %get3A_1983 = arith.index_cast %add3A_1982 : i32 to index
      %get3A_1984 = arith.constant 0 : index
      %get3A_1985 = tpu.vector_load %arg12[%get3A_1983, %get3A_1984] {strides = array<i32>} : memref<96x128xf32, #tpu.memory_space<vmem>>, vector<16xf32>,
      %mul3A_1986 = arith.mulf %get3A_1985, %gather3A_1978 : vector<16xf32>
      %swap3A_1987 = arith.index_cast %add3A_1982 : i32 to index
      %swap3A_1988 = arith.constant 0 : index
      %swap3A_1989 = tpu.vector_load %arg12[%swap3A_1987, %swap3A_1988] {strides = array<i32>} : memref<96x128xf32, #tpu.memory_space<vmem>>, vector<16xf32>,
      tpu.vector_store %arg12[%swap3A_1987, %swap3A_1988], %mul3A_1986 {strides = array<i32>} : memref<96x128xf32, #tpu.memory_space<vmem>>, vector<16xf32>,
      %get3A_1990 = arith.index_cast %add3A_1982 : i32 to index
      %get3A_1991 = arith.constant 16 : index
      %get3A_1992 = tpu.vector_load %arg12[%get3A_1990, %get3A_1991] {strides = array<i32>} : memref<96x128xf32, #tpu.memory_space<vmem>>, vector<16xf32>,
      %mul3A_1993 = arith.mulf %get3A_1992, %gather3A_1978 : vector<16xf32>
      %swap3A_1994 = arith.index_cast %add3A_1982 : i32 to index
      %swap3A_1995 = arith.constant 16 : index
      %swap3A_1996 = tpu.vector_load %arg12[%swap3A_1994, %swap3A_1995] {strides = array<i32>} : memref<96x128xf32, #tpu.memory_space<vmem>>, vector<16xf32>,
      tpu.vector_store %arg12[%swap3A_1994, %swap3A_1995], %mul3A_1993 {strides = array<i32>} : memref<96x128xf32, #tpu.memory_space<vmem>>, vector<16xf32>,
      %get3A_1997 = arith.index_cast %add3A_1982 : i32 to index
      %get3A_1998 = arith.constant 32 : index
      %get3A_1999 = tpu.vector_load %arg12[%get3A_1997, %get3A_1998] {strides = array<i32>} : memref<96x128xf32, #tpu.memory_space<vmem>>, vector<16xf32>,
      %mul3A_2000 = arith.mulf %get3A_1999, %gather3A_1978 : vector<16xf32>
      %swap3A_2001 = arith.index_cast %add3A_1982 : i32 to index
      %swap3A_2002 = arith.constant 32 : index
      %swap3A_2003 = tpu.vector_load %arg12[%swap3A_2001, %swap3A_2002] {strides = array<i32>} : memref<96x128xf32, #tpu.memory_space<vmem>>, vector<16xf32>,
      tpu.vector_store %arg12[%swap3A_2001, %swap3A_2002], %mul3A_2000 {strides = array<i32>} : memref<96x128xf32, #tpu.memory_space<vmem>>, vector<16xf32>,
      %get3A_2004 = arith.index_cast %add3A_1982 : i32 to index
      %get3A_2005 = arith.constant 48 : index
      %get3A_2006 = tpu.vector_load %arg12[%get3A_2004, %get3A_2005] {strides = array<i32>} : memref<96x128xf32, #tpu.memory_space<vmem>>, vector<16xf32>,
      %mul3A_2007 = arith.mulf %get3A_2006, %gather3A_1978 : vector<16xf32>
      %swap3A_2008 = arith.index_cast %add3A_1982 : i32 to index
      %swap3A_2009 = arith.constant 48 : index
      %swap3A_2010 = tpu.vector_load %arg12[%swap3A_2008, %swap3A_2009] {strides = array<i32>} : memref<96x128xf32, #tpu.memory_space<vmem>>, vector<16xf32>,
      tpu.vector_store %arg12[%swap3A_2008, %swap3A_2009], %mul3A_2007 {strides = array<i32>} : memref<96x128xf32, #tpu.memory_space<vmem>>, vector<16xf32>,
      %get3A_2011 = arith.index_cast %add3A_1982 : i32 to index
      %get3A_2012 = arith.constant 64 : index
      %get3A_2013 = tpu.vector_load %arg12[%get3A_2011, %get3A_2012] {strides = array<i32>} : memref<96x128xf32, #tpu.memory_space<vmem>>, vector<16xf32>,
      %mul3A_2014 = arith.mulf %get3A_2013, %gather3A_1978 : vector<16xf32>
      %swap3A_2015 = arith.index_cast %add3A_1982 : i32 to index
      %swap3A_2016 = arith.constant 64 : index
      %swap3A_2017 = tpu.vector_load %arg12[%swap3A_2015, %swap3A_2016] {strides = array<i32>} : memref<96x128xf32, #tpu.memory_space<vmem>>, vector<16xf32>,
      tpu.vector_store %arg12[%swap3A_2015, %swap3A_2016], %mul3A_2014 {strides = array<i32>} : memref<96x128xf32, #tpu.memory_space<vmem>>, vector<16xf32>,
      %get3A_2018 = arith.index_cast %add3A_1982 : i32 to index
      %get3A_2019 = arith.constant 80 : index
      %get3A_2020 = tpu.vector_load %arg12[%get3A_2018, %get3A_2019] {strides = array<i32>} : memref<96x128xf32, #tpu.memory_space<vmem>>, vector<16xf32>,
      %mul3A_2021 = arith.mulf %get3A_2020, %gather3A_1978 : vector<16xf32>
      %swap3A_2022 = arith.index_cast %add3A_1982 : i32 to index
      %swap3A_2023 = arith.constant 80 : index
      %swap3A_2024 = tpu.vector_load %arg12[%swap3A_2022, %swap3A_2023] {strides = array<i32>} : memref<96x128xf32, #tpu.memory_space<vmem>>, vector<16xf32>,
      tpu.vector_store %arg12[%swap3A_2022, %swap3A_2023], %mul3A_2021 {strides = array<i32>} : memref<96x128xf32, #tpu.memory_space<vmem>>, vector<16xf32>,
      %get3A_2025 = arith.index_cast %add3A_1982 : i32 to index
      %get3A_2026 = arith.constant 96 : index
      %get3A_2027 = tpu.vector_load %arg12[%get3A_2025, %get3A_2026] {strides = array<i32>} : memref<96x128xf32, #tpu.memory_space<vmem>>, vector<16xf32>,
      %mul3A_2028 = arith.mulf %get3A_2027, %gather3A_1978 : vector<16xf32>
      %swap3A_2029 = arith.index_cast %add3A_1982 : i32 to index
      %swap3A_2030 = arith.constant 96 : index
      %swap3A_2031 = tpu.vector_load %arg12[%swap3A_2029, %swap3A_2030] {strides = array<i32>} : memref<96x128xf32, #tpu.memory_space<vmem>>, vector<16xf32>,
      tpu.vector_store %arg12[%swap3A_2029, %swap3A_2030], %mul3A_2028 {strides = array<i32>} : memref<96x128xf32, #tpu.memory_space<vmem>>, vector<16xf32>,
      %get3A_2032 = arith.index_cast %add3A_1982 : i32 to index
      %get3A_2033 = arith.constant 112 : index
      %get3A_2034 = tpu.vector_load %arg12[%get3A_2032, %get3A_2033] {strides = array<i32>} : memref<96x128xf32, #tpu.memory_space<vmem>>, vector<16xf32>,
      %mul3A_2035 = arith.mulf %get3A_2034, %gather3A_1978 : vector<16xf32>
      %swap3A_2036 = arith.index_cast %add3A_1982 : i32 to index
      %swap3A_2037 = arith.constant 112 : index
      %swap3A_2038 = tpu.vector_load %arg12[%swap3A_2036, %swap3A_2037] {strides = array<i32>} : memref<96x128xf32, #tpu.memory_space<vmem>>, vector<16xf32>,
      tpu.vector_store %arg12[%swap3A_2036, %swap3A_2037], %mul3A_2035 {strides = array<i32>} : memref<96x128xf32, #tpu.memory_space<vmem>>, vector<16xf32>,
      %broadcast_in_dim3A_2039 = arith.constant 10 : i32
      %broadcast_in_dim3A_2040 = vector.broadcast %broadcast_in_dim3A_2039 : i32 to vector<16xi32>
      %broadcast_in_dim3A_2041 = vector.shape_cast %broadcast_in_dim3A_2040 : vector<16xi32> to vector<16x1xi32>
      %gather3A_2042 = vector.shape_cast %broadcast_in_dim3A_2041 : vector<16x1xi32> to vector<16xi32>
      %gather3A_2043 = tpu.dynamic_gather %exp3A_216[%gather3A_2042] in [0] : vector<16xf32>, vector<16xi32> -> vector<16xf32>
      %add3A_2044 = arith.constant 16 : i32
      %add3A_2045 = arith.addi %mul3A_112, %add3A_2044 : i32
      %add3A_2046 = arith.constant 10 : i32
      %add3A_2047 = arith.addi %add3A_2045, %add3A_2046 : i32
      %get3A_2048 = arith.index_cast %add3A_2047 : i32 to index
      %get3A_2049 = arith.constant 0 : index
      %get3A_2050 = tpu.vector_load %arg12[%get3A_2048, %get3A_2049] {strides = array<i32>} : memref<96x128xf32, #tpu.memory_space<vmem>>, vector<16xf32>,
      %mul3A_2051 = arith.mulf %get3A_2050, %gather3A_2043 : vector<16xf32>
      %swap3A_2052 = arith.index_cast %add3A_2047 : i32 to index
      %swap3A_2053 = arith.constant 0 : index
      %swap3A_2054 = tpu.vector_load %arg12[%swap3A_2052, %swap3A_2053] {strides = array<i32>} : memref<96x128xf32, #tpu.memory_space<vmem>>, vector<16xf32>,
      tpu.vector_store %arg12[%swap3A_2052, %swap3A_2053], %mul3A_2051 {strides = array<i32>} : memref<96x128xf32, #tpu.memory_space<vmem>>, vector<16xf32>,
      %get3A_2055 = arith.index_cast %add3A_2047 : i32 to index
      %get3A_2056 = arith.constant 16 : index
      %get3A_2057 = tpu.vector_load %arg12[%get3A_2055, %get3A_2056] {strides = array<i32>} : memref<96x128xf32, #tpu.memory_space<vmem>>, vector<16xf32>,
      %mul3A_2058 = arith.mulf %get3A_2057, %gather3A_2043 : vector<16xf32>
      %swap3A_2059 = arith.index_cast %add3A_2047 : i32 to index
      %swap3A_2060 = arith.constant 16 : index
      %swap3A_2061 = tpu.vector_load %arg12[%swap3A_2059, %swap3A_2060] {strides = array<i32>} : memref<96x128xf32, #tpu.memory_space<vmem>>, vector<16xf32>,
      tpu.vector_store %arg12[%swap3A_2059, %swap3A_2060], %mul3A_2058 {strides = array<i32>} : memref<96x128xf32, #tpu.memory_space<vmem>>, vector<16xf32>,
      %get3A_2062 = arith.index_cast %add3A_2047 : i32 to index
      %get3A_2063 = arith.constant 32 : index
      %get3A_2064 = tpu.vector_load %arg12[%get3A_2062, %get3A_2063] {strides = array<i32>} : memref<96x128xf32, #tpu.memory_space<vmem>>, vector<16xf32>,
      %mul3A_2065 = arith.mulf %get3A_2064, %gather3A_2043 : vector<16xf32>
      %swap3A_2066 = arith.index_cast %add3A_2047 : i32 to index
      %swap3A_2067 = arith.constant 32 : index
      %swap3A_2068 = tpu.vector_load %arg12[%swap3A_2066, %swap3A_2067] {strides = array<i32>} : memref<96x128xf32, #tpu.memory_space<vmem>>, vector<16xf32>,
      tpu.vector_store %arg12[%swap3A_2066, %swap3A_2067], %mul3A_2065 {strides = array<i32>} : memref<96x128xf32, #tpu.memory_space<vmem>>, vector<16xf32>,
      %get3A_2069 = arith.index_cast %add3A_2047 : i32 to index
      %get3A_2070 = arith.constant 48 : index
      %get3A_2071 = tpu.vector_load %arg12[%get3A_2069, %get3A_2070] {strides = array<i32>} : memref<96x128xf32, #tpu.memory_space<vmem>>, vector<16xf32>,
      %mul3A_2072 = arith.mulf %get3A_2071, %gather3A_2043 : vector<16xf32>
      %swap3A_2073 = arith.index_cast %add3A_2047 : i32 to index
      %swap3A_2074 = arith.constant 48 : index
      %swap3A_2075 = tpu.vector_load %arg12[%swap3A_2073, %swap3A_2074] {strides = array<i32>} : memref<96x128xf32, #tpu.memory_space<vmem>>, vector<16xf32>,
      tpu.vector_store %arg12[%swap3A_2073, %swap3A_2074], %mul3A_2072 {strides = array<i32>} : memref<96x128xf32, #tpu.memory_space<vmem>>, vector<16xf32>,
      %get3A_2076 = arith.index_cast %add3A_2047 : i32 to index
      %get3A_2077 = arith.constant 64 : index
      %get3A_2078 = tpu.vector_load %arg12[%get3A_2076, %get3A_2077] {strides = array<i32>} : memref<96x128xf32, #tpu.memory_space<vmem>>, vector<16xf32>,
      %mul3A_2079 = arith.mulf %get3A_2078, %gather3A_2043 : vector<16xf32>
      %swap3A_2080 = arith.index_cast %add3A_2047 : i32 to index
      %swap3A_2081 = arith.constant 64 : index
      %swap3A_2082 = tpu.vector_load %arg12[%swap3A_2080, %swap3A_2081] {strides = array<i32>} : memref<96x128xf32, #tpu.memory_space<vmem>>, vector<16xf32>,
      tpu.vector_store %arg12[%swap3A_2080, %swap3A_2081], %mul3A_2079 {strides = array<i32>} : memref<96x128xf32, #tpu.memory_space<vmem>>, vector<16xf32>,
      %get3A_2083 = arith.index_cast %add3A_2047 : i32 to index
      %get3A_2084 = arith.constant 80 : index
      %get3A_2085 = tpu.vector_load %arg12[%get3A_2083, %get3A_2084] {strides = array<i32>} : memref<96x128xf32, #tpu.memory_space<vmem>>, vector<16xf32>,
      %mul3A_2086 = arith.mulf %get3A_2085, %gather3A_2043 : vector<16xf32>
      %swap3A_2087 = arith.index_cast %add3A_2047 : i32 to index
      %swap3A_2088 = arith.constant 80 : index
      %swap3A_2089 = tpu.vector_load %arg12[%swap3A_2087, %swap3A_2088] {strides = array<i32>} : memref<96x128xf32, #tpu.memory_space<vmem>>, vector<16xf32>,
      tpu.vector_store %arg12[%swap3A_2087, %swap3A_2088], %mul3A_2086 {strides = array<i32>} : memref<96x128xf32, #tpu.memory_space<vmem>>, vector<16xf32>,
      %get3A_2090 = arith.index_cast %add3A_2047 : i32 to index
      %get3A_2091 = arith.constant 96 : index
      %get3A_2092 = tpu.vector_load %arg12[%get3A_2090, %get3A_2091] {strides = array<i32>} : memref<96x128xf32, #tpu.memory_space<vmem>>, vector<16xf32>,
      %mul3A_2093 = arith.mulf %get3A_2092, %gather3A_2043 : vector<16xf32>
      %swap3A_2094 = arith.index_cast %add3A_2047 : i32 to index
      %swap3A_2095 = arith.constant 96 : index
      %swap3A_2096 = tpu.vector_load %arg12[%swap3A_2094, %swap3A_2095] {strides = array<i32>} : memref<96x128xf32, #tpu.memory_space<vmem>>, vector<16xf32>,
      tpu.vector_store %arg12[%swap3A_2094, %swap3A_2095], %mul3A_2093 {strides = array<i32>} : memref<96x128xf32, #tpu.memory_space<vmem>>, vector<16xf32>,
      %get3A_2097 = arith.index_cast %add3A_2047 : i32 to index
      %get3A_2098 = arith.constant 112 : index
      %get3A_2099 = tpu.vector_load %arg12[%get3A_2097, %get3A_2098] {strides = array<i32>} : memref<96x128xf32, #tpu.memory_space<vmem>>, vector<16xf32>,
      %mul3A_2100 = arith.mulf %get3A_2099, %gather3A_2043 : vector<16xf32>
      %swap3A_2101 = arith.index_cast %add3A_2047 : i32 to index
      %swap3A_2102 = arith.constant 112 : index
      %swap3A_2103 = tpu.vector_load %arg12[%swap3A_2101, %swap3A_2102] {strides = array<i32>} : memref<96x128xf32, #tpu.memory_space<vmem>>, vector<16xf32>,
      tpu.vector_store %arg12[%swap3A_2101, %swap3A_2102], %mul3A_2100 {strides = array<i32>} : memref<96x128xf32, #tpu.memory_space<vmem>>, vector<16xf32>,
      %broadcast_in_dim3A_2104 = arith.constant 11 : i32
      %broadcast_in_dim3A_2105 = vector.broadcast %broadcast_in_dim3A_2104 : i32 to vector<16xi32>
      %broadcast_in_dim3A_2106 = vector.shape_cast %broadcast_in_dim3A_2105 : vector<16xi32> to vector<16x1xi32>
      %gather3A_2107 = vector.shape_cast %broadcast_in_dim3A_2106 : vector<16x1xi32> to vector<16xi32>
      %gather3A_2108 = tpu.dynamic_gather %exp3A_216[%gather3A_2107] in [0] : vector<16xf32>, vector<16xi32> -> vector<16xf32>
      %add3A_2109 = arith.constant 16 : i32
      %add3A_2110 = arith.addi %mul3A_112, %add3A_2109 : i32
      %add3A_2111 = arith.constant 11 : i32
      %add3A_2112 = arith.addi %add3A_2110, %add3A_2111 : i32
      %get3A_2113 = arith.index_cast %add3A_2112 : i32 to index
      %get3A_2114 = arith.constant 0 : index
      %get3A_2115 = tpu.vector_load %arg12[%get3A_2113, %get3A_2114] {strides = array<i32>} : memref<96x128xf32, #tpu.memory_space<vmem>>, vector<16xf32>,
      %mul3A_2116 = arith.mulf %get3A_2115, %gather3A_2108 : vector<16xf32>
      %swap3A_2117 = arith.index_cast %add3A_2112 : i32 to index
      %swap3A_2118 = arith.constant 0 : index
      %swap3A_2119 = tpu.vector_load %arg12[%swap3A_2117, %swap3A_2118] {strides = array<i32>} : memref<96x128xf32, #tpu.memory_space<vmem>>, vector<16xf32>,
      tpu.vector_store %arg12[%swap3A_2117, %swap3A_2118], %mul3A_2116 {strides = array<i32>} : memref<96x128xf32, #tpu.memory_space<vmem>>, vector<16xf32>,
      %get3A_2120 = arith.index_cast %add3A_2112 : i32 to index
      %get3A_2121 = arith.constant 16 : index
      %get3A_2122 = tpu.vector_load %arg12[%get3A_2120, %get3A_2121] {strides = array<i32>} : memref<96x128xf32, #tpu.memory_space<vmem>>, vector<16xf32>,
      %mul3A_2123 = arith.mulf %get3A_2122, %gather3A_2108 : vector<16xf32>
      %swap3A_2124 = arith.index_cast %add3A_2112 : i32 to index
      %swap3A_2125 = arith.constant 16 : index
      %swap3A_2126 = tpu.vector_load %arg12[%swap3A_2124, %swap3A_2125] {strides = array<i32>} : memref<96x128xf32, #tpu.memory_space<vmem>>, vector<16xf32>,
      tpu.vector_store %arg12[%swap3A_2124, %swap3A_2125], %mul3A_2123 {strides = array<i32>} : memref<96x128xf32, #tpu.memory_space<vmem>>, vector<16xf32>,
      %get3A_2127 = arith.index_cast %add3A_2112 : i32 to index
      %get3A_2128 = arith.constant 32 : index
      %get3A_2129 = tpu.vector_load %arg12[%get3A_2127, %get3A_2128] {strides = array<i32>} : memref<96x128xf32, #tpu.memory_space<vmem>>, vector<16xf32>,
      %mul3A_2130 = arith.mulf %get3A_2129, %gather3A_2108 : vector<16xf32>
      %swap3A_2131 = arith.index_cast %add3A_2112 : i32 to index
      %swap3A_2132 = arith.constant 32 : index
      %swap3A_2133 = tpu.vector_load %arg12[%swap3A_2131, %swap3A_2132] {strides = array<i32>} : memref<96x128xf32, #tpu.memory_space<vmem>>, vector<16xf32>,
      tpu.vector_store %arg12[%swap3A_2131, %swap3A_2132], %mul3A_2130 {strides = array<i32>} : memref<96x128xf32, #tpu.memory_space<vmem>>, vector<16xf32>,
      %get3A_2134 = arith.index_cast %add3A_2112 : i32 to index
      %get3A_2135 = arith.constant 48 : index
      %get3A_2136 = tpu.vector_load %arg12[%get3A_2134, %get3A_2135] {strides = array<i32>} : memref<96x128xf32, #tpu.memory_space<vmem>>, vector<16xf32>,
      %mul3A_2137 = arith.mulf %get3A_2136, %gather3A_2108 : vector<16xf32>
      %swap3A_2138 = arith.index_cast %add3A_2112 : i32 to index
      %swap3A_2139 = arith.constant 48 : index
      %swap3A_2140 = tpu.vector_load %arg12[%swap3A_2138, %swap3A_2139] {strides = array<i32>} : memref<96x128xf32, #tpu.memory_space<vmem>>, vector<16xf32>,
      tpu.vector_store %arg12[%swap3A_2138, %swap3A_2139], %mul3A_2137 {strides = array<i32>} : memref<96x128xf32, #tpu.memory_space<vmem>>, vector<16xf32>,
      %get3A_2141 = arith.index_cast %add3A_2112 : i32 to index
      %get3A_2142 = arith.constant 64 : index
      %get3A_2143 = tpu.vector_load %arg12[%get3A_2141, %get3A_2142] {strides = array<i32>} : memref<96x128xf32, #tpu.memory_space<vmem>>, vector<16xf32>,
      %mul3A_2144 = arith.mulf %get3A_2143, %gather3A_2108 : vector<16xf32>
      %swap3A_2145 = arith.index_cast %add3A_2112 : i32 to index
      %swap3A_2146 = arith.constant 64 : index
      %swap3A_2147 = tpu.vector_load %arg12[%swap3A_2145, %swap3A_2146] {strides = array<i32>} : memref<96x128xf32, #tpu.memory_space<vmem>>, vector<16xf32>,
      tpu.vector_store %arg12[%swap3A_2145, %swap3A_2146], %mul3A_2144 {strides = array<i32>} : memref<96x128xf32, #tpu.memory_space<vmem>>, vector<16xf32>,
      %get3A_2148 = arith.index_cast %add3A_2112 : i32 to index
      %get3A_2149 = arith.constant 80 : index
      %get3A_2150 = tpu.vector_load %arg12[%get3A_2148, %get3A_2149] {strides = array<i32>} : memref<96x128xf32, #tpu.memory_space<vmem>>, vector<16xf32>,
      %mul3A_2151 = arith.mulf %get3A_2150, %gather3A_2108 : vector<16xf32>
      %swap3A_2152 = arith.index_cast %add3A_2112 : i32 to index
      %swap3A_2153 = arith.constant 80 : index
      %swap3A_2154 = tpu.vector_load %arg12[%swap3A_2152, %swap3A_2153] {strides = array<i32>} : memref<96x128xf32, #tpu.memory_space<vmem>>, vector<16xf32>,
      tpu.vector_store %arg12[%swap3A_2152, %swap3A_2153], %mul3A_2151 {strides = array<i32>} : memref<96x128xf32, #tpu.memory_space<vmem>>, vector<16xf32>,
      %get3A_2155 = arith.index_cast %add3A_2112 : i32 to index
      %get3A_2156 = arith.constant 96 : index
      %get3A_2157 = tpu.vector_load %arg12[%get3A_2155, %get3A_2156] {strides = array<i32>} : memref<96x128xf32, #tpu.memory_space<vmem>>, vector<16xf32>,
      %mul3A_2158 = arith.mulf %get3A_2157, %gather3A_2108 : vector<16xf32>
      %swap3A_2159 = arith.index_cast %add3A_2112 : i32 to index
      %swap3A_2160 = arith.constant 96 : index
      %swap3A_2161 = tpu.vector_load %arg12[%swap3A_2159, %swap3A_2160] {strides = array<i32>} : memref<96x128xf32, #tpu.memory_space<vmem>>, vector<16xf32>,
      tpu.vector_store %arg12[%swap3A_2159, %swap3A_2160], %mul3A_2158 {strides = array<i32>} : memref<96x128xf32, #tpu.memory_space<vmem>>, vector<16xf32>,
      %get3A_2162 = arith.index_cast %add3A_2112 : i32 to index
      %get3A_2163 = arith.constant 112 : index
      %get3A_2164 = tpu.vector_load %arg12[%get3A_2162, %get3A_2163] {strides = array<i32>} : memref<96x128xf32, #tpu.memory_space<vmem>>, vector<16xf32>,
      %mul3A_2165 = arith.mulf %get3A_2164, %gather3A_2108 : vector<16xf32>
      %swap3A_2166 = arith.index_cast %add3A_2112 : i32 to index
      %swap3A_2167 = arith.constant 112 : index
      %swap3A_2168 = tpu.vector_load %arg12[%swap3A_2166, %swap3A_2167] {strides = array<i32>} : memref<96x128xf32, #tpu.memory_space<vmem>>, vector<16xf32>,
      tpu.vector_store %arg12[%swap3A_2166, %swap3A_2167], %mul3A_2165 {strides = array<i32>} : memref<96x128xf32, #tpu.memory_space<vmem>>, vector<16xf32>,
      %broadcast_in_dim3A_2169 = arith.constant 12 : i32
      %broadcast_in_dim3A_2170 = vector.broadcast %broadcast_in_dim3A_2169 : i32 to vector<16xi32>
      %broadcast_in_dim3A_2171 = vector.shape_cast %broadcast_in_dim3A_2170 : vector<16xi32> to vector<16x1xi32>
      %gather3A_2172 = vector.shape_cast %broadcast_in_dim3A_2171 : vector<16x1xi32> to vector<16xi32>
      %gather3A_2173 = tpu.dynamic_gather %exp3A_216[%gather3A_2172] in [0] : vector<16xf32>, vector<16xi32> -> vector<16xf32>
      %add3A_2174 = arith.constant 16 : i32
      %add3A_2175 = arith.addi %mul3A_112, %add3A_2174 : i32
      %add3A_2176 = arith.constant 12 : i32
      %add3A_2177 = arith.addi %add3A_2175, %add3A_2176 : i32
      %get3A_2178 = arith.index_cast %add3A_2177 : i32 to index
      %get3A_2179 = arith.constant 0 : index
      %get3A_2180 = tpu.vector_load %arg12[%get3A_2178, %get3A_2179] {strides = array<i32>} : memref<96x128xf32, #tpu.memory_space<vmem>>, vector<16xf32>,
      %mul3A_2181 = arith.mulf %get3A_2180, %gather3A_2173 : vector<16xf32>
      %swap3A_2182 = arith.index_cast %add3A_2177 : i32 to index
      %swap3A_2183 = arith.constant 0 : index
      %swap3A_2184 = tpu.vector_load %arg12[%swap3A_2182, %swap3A_2183] {strides = array<i32>} : memref<96x128xf32, #tpu.memory_space<vmem>>, vector<16xf32>,
      tpu.vector_store %arg12[%swap3A_2182, %swap3A_2183], %mul3A_2181 {strides = array<i32>} : memref<96x128xf32, #tpu.memory_space<vmem>>, vector<16xf32>,
      %get3A_2185 = arith.index_cast %add3A_2177 : i32 to index
      %get3A_2186 = arith.constant 16 : index
      %get3A_2187 = tpu.vector_load %arg12[%get3A_2185, %get3A_2186] {strides = array<i32>} : memref<96x128xf32, #tpu.memory_space<vmem>>, vector<16xf32>,
      %mul3A_2188 = arith.mulf %get3A_2187, %gather3A_2173 : vector<16xf32>
      %swap3A_2189 = arith.index_cast %add3A_2177 : i32 to index
      %swap3A_2190 = arith.constant 16 : index
      %swap3A_2191 = tpu.vector_load %arg12[%swap3A_2189, %swap3A_2190] {strides = array<i32>} : memref<96x128xf32, #tpu.memory_space<vmem>>, vector<16xf32>,
      tpu.vector_store %arg12[%swap3A_2189, %swap3A_2190], %mul3A_2188 {strides = array<i32>} : memref<96x128xf32, #tpu.memory_space<vmem>>, vector<16xf32>,
      %get3A_2192 = arith.index_cast %add3A_2177 : i32 to index
      %get3A_2193 = arith.constant 32 : index
      %get3A_2194 = tpu.vector_load %arg12[%get3A_2192, %get3A_2193] {strides = array<i32>} : memref<96x128xf32, #tpu.memory_space<vmem>>, vector<16xf32>,
      %mul3A_2195 = arith.mulf %get3A_2194, %gather3A_2173 : vector<16xf32>
      %swap3A_2196 = arith.index_cast %add3A_2177 : i32 to index
      %swap3A_2197 = arith.constant 32 : index
      %swap3A_2198 = tpu.vector_load %arg12[%swap3A_2196, %swap3A_2197] {strides = array<i32>} : memref<96x128xf32, #tpu.memory_space<vmem>>, vector<16xf32>,
      tpu.vector_store %arg12[%swap3A_2196, %swap3A_2197], %mul3A_2195 {strides = array<i32>} : memref<96x128xf32, #tpu.memory_space<vmem>>, vector<16xf32>,
      %get3A_2199 = arith.index_cast %add3A_2177 : i32 to index
      %get3A_2200 = arith.constant 48 : index
      %get3A_2201 = tpu.vector_load %arg12[%get3A_2199, %get3A_2200] {strides = array<i32>} : memref<96x128xf32, #tpu.memory_space<vmem>>, vector<16xf32>,
      %mul3A_2202 = arith.mulf %get3A_2201, %gather3A_2173 : vector<16xf32>
      %swap3A_2203 = arith.index_cast %add3A_2177 : i32 to index
      %swap3A_2204 = arith.constant 48 : index
      %swap3A_2205 = tpu.vector_load %arg12[%swap3A_2203, %swap3A_2204] {strides = array<i32>} : memref<96x128xf32, #tpu.memory_space<vmem>>, vector<16xf32>,
      tpu.vector_store %arg12[%swap3A_2203, %swap3A_2204], %mul3A_2202 {strides = array<i32>} : memref<96x128xf32, #tpu.memory_space<vmem>>, vector<16xf32>,
      %get3A_2206 = arith.index_cast %add3A_2177 : i32 to index
      %get3A_2207 = arith.constant 64 : index
      %get3A_2208 = tpu.vector_load %arg12[%get3A_2206, %get3A_2207] {strides = array<i32>} : memref<96x128xf32, #tpu.memory_space<vmem>>, vector<16xf32>,
      %mul3A_2209 = arith.mulf %get3A_2208, %gather3A_2173 : vector<16xf32>
      %swap3A_2210 = arith.index_cast %add3A_2177 : i32 to index
      %swap3A_2211 = arith.constant 64 : index
      %swap3A_2212 = tpu.vector_load %arg12[%swap3A_2210, %swap3A_2211] {strides = array<i32>} : memref<96x128xf32, #tpu.memory_space<vmem>>, vector<16xf32>,
      tpu.vector_store %arg12[%swap3A_2210, %swap3A_2211], %mul3A_2209 {strides = array<i32>} : memref<96x128xf32, #tpu.memory_space<vmem>>, vector<16xf32>,
      %get3A_2213 = arith.index_cast %add3A_2177 : i32 to index
      %get3A_2214 = arith.constant 80 : index
      %get3A_2215 = tpu.vector_load %arg12[%get3A_2213, %get3A_2214] {strides = array<i32>} : memref<96x128xf32, #tpu.memory_space<vmem>>, vector<16xf32>,
      %mul3A_2216 = arith.mulf %get3A_2215, %gather3A_2173 : vector<16xf32>
      %swap3A_2217 = arith.index_cast %add3A_2177 : i32 to index
      %swap3A_2218 = arith.constant 80 : index
      %swap3A_2219 = tpu.vector_load %arg12[%swap3A_2217, %swap3A_2218] {strides = array<i32>} : memref<96x128xf32, #tpu.memory_space<vmem>>, vector<16xf32>,
      tpu.vector_store %arg12[%swap3A_2217, %swap3A_2218], %mul3A_2216 {strides = array<i32>} : memref<96x128xf32, #tpu.memory_space<vmem>>, vector<16xf32>,
      %get3A_2220 = arith.index_cast %add3A_2177 : i32 to index
      %get3A_2221 = arith.constant 96 : index
      %get3A_2222 = tpu.vector_load %arg12[%get3A_2220, %get3A_2221] {strides = array<i32>} : memref<96x128xf32, #tpu.memory_space<vmem>>, vector<16xf32>,
      %mul3A_2223 = arith.mulf %get3A_2222, %gather3A_2173 : vector<16xf32>
      %swap3A_2224 = arith.index_cast %add3A_2177 : i32 to index
      %swap3A_2225 = arith.constant 96 : index
      %swap3A_2226 = tpu.vector_load %arg12[%swap3A_2224, %swap3A_2225] {strides = array<i32>} : memref<96x128xf32, #tpu.memory_space<vmem>>, vector<16xf32>,
      tpu.vector_store %arg12[%swap3A_2224, %swap3A_2225], %mul3A_2223 {strides = array<i32>} : memref<96x128xf32, #tpu.memory_space<vmem>>, vector<16xf32>,
      %get3A_2227 = arith.index_cast %add3A_2177 : i32 to index
      %get3A_2228 = arith.constant 112 : index
      %get3A_2229 = tpu.vector_load %arg12[%get3A_2227, %get3A_2228] {strides = array<i32>} : memref<96x128xf32, #tpu.memory_space<vmem>>, vector<16xf32>,
      %mul3A_2230 = arith.mulf %get3A_2229, %gather3A_2173 : vector<16xf32>
      %swap3A_2231 = arith.index_cast %add3A_2177 : i32 to index
      %swap3A_2232 = arith.constant 112 : index
      %swap3A_2233 = tpu.vector_load %arg12[%swap3A_2231, %swap3A_2232] {strides = array<i32>} : memref<96x128xf32, #tpu.memory_space<vmem>>, vector<16xf32>,
      tpu.vector_store %arg12[%swap3A_2231, %swap3A_2232], %mul3A_2230 {strides = array<i32>} : memref<96x128xf32, #tpu.memory_space<vmem>>, vector<16xf32>,
      %broadcast_in_dim3A_2234 = arith.constant 13 : i32
      %broadcast_in_dim3A_2235 = vector.broadcast %broadcast_in_dim3A_2234 : i32 to vector<16xi32>
      %broadcast_in_dim3A_2236 = vector.shape_cast %broadcast_in_dim3A_2235 : vector<16xi32> to vector<16x1xi32>
      %gather3A_2237 = vector.shape_cast %broadcast_in_dim3A_2236 : vector<16x1xi32> to vector<16xi32>
      %gather3A_2238 = tpu.dynamic_gather %exp3A_216[%gather3A_2237] in [0] : vector<16xf32>, vector<16xi32> -> vector<16xf32>
      %add3A_2239 = arith.constant 16 : i32
      %add3A_2240 = arith.addi %mul3A_112, %add3A_2239 : i32
      %add3A_2241 = arith.constant 13 : i32
      %add3A_2242 = arith.addi %add3A_2240, %add3A_2241 : i32
      %get3A_2243 = arith.index_cast %add3A_2242 : i32 to index
      %get3A_2244 = arith.constant 0 : index
      %get3A_2245 = tpu.vector_load %arg12[%get3A_2243, %get3A_2244] {strides = array<i32>} : memref<96x128xf32, #tpu.memory_space<vmem>>, vector<16xf32>,
      %mul3A_2246 = arith.mulf %get3A_2245, %gather3A_2238 : vector<16xf32>
      %swap3A_2247 = arith.index_cast %add3A_2242 : i32 to index
      %swap3A_2248 = arith.constant 0 : index
      %swap3A_2249 = tpu.vector_load %arg12[%swap3A_2247, %swap3A_2248] {strides = array<i32>} : memref<96x128xf32, #tpu.memory_space<vmem>>, vector<16xf32>,
      tpu.vector_store %arg12[%swap3A_2247, %swap3A_2248], %mul3A_2246 {strides = array<i32>} : memref<96x128xf32, #tpu.memory_space<vmem>>, vector<16xf32>,
      %get3A_2250 = arith.index_cast %add3A_2242 : i32 to index
      %get3A_2251 = arith.constant 16 : index
      %get3A_2252 = tpu.vector_load %arg12[%get3A_2250, %get3A_2251] {strides = array<i32>} : memref<96x128xf32, #tpu.memory_space<vmem>>, vector<16xf32>,
      %mul3A_2253 = arith.mulf %get3A_2252, %gather3A_2238 : vector<16xf32>
      %swap3A_2254 = arith.index_cast %add3A_2242 : i32 to index
      %swap3A_2255 = arith.constant 16 : index
      %swap3A_2256 = tpu.vector_load %arg12[%swap3A_2254, %swap3A_2255] {strides = array<i32>} : memref<96x128xf32, #tpu.memory_space<vmem>>, vector<16xf32>,
      tpu.vector_store %arg12[%swap3A_2254, %swap3A_2255], %mul3A_2253 {strides = array<i32>} : memref<96x128xf32, #tpu.memory_space<vmem>>, vector<16xf32>,
      %get3A_2257 = arith.index_cast %add3A_2242 : i32 to index
      %get3A_2258 = arith.constant 32 : index
      %get3A_2259 = tpu.vector_load %arg12[%get3A_2257, %get3A_2258] {strides = array<i32>} : memref<96x128xf32, #tpu.memory_space<vmem>>, vector<16xf32>,
      %mul3A_2260 = arith.mulf %get3A_2259, %gather3A_2238 : vector<16xf32>
      %swap3A_2261 = arith.index_cast %add3A_2242 : i32 to index
      %swap3A_2262 = arith.constant 32 : index
      %swap3A_2263 = tpu.vector_load %arg12[%swap3A_2261, %swap3A_2262] {strides = array<i32>} : memref<96x128xf32, #tpu.memory_space<vmem>>, vector<16xf32>,
      tpu.vector_store %arg12[%swap3A_2261, %swap3A_2262], %mul3A_2260 {strides = array<i32>} : memref<96x128xf32, #tpu.memory_space<vmem>>, vector<16xf32>,
      %get3A_2264 = arith.index_cast %add3A_2242 : i32 to index
      %get3A_2265 = arith.constant 48 : index
      %get3A_2266 = tpu.vector_load %arg12[%get3A_2264, %get3A_2265] {strides = array<i32>} : memref<96x128xf32, #tpu.memory_space<vmem>>, vector<16xf32>,
      %mul3A_2267 = arith.mulf %get3A_2266, %gather3A_2238 : vector<16xf32>
      %swap3A_2268 = arith.index_cast %add3A_2242 : i32 to index
      %swap3A_2269 = arith.constant 48 : index
      %swap3A_2270 = tpu.vector_load %arg12[%swap3A_2268, %swap3A_2269] {strides = array<i32>} : memref<96x128xf32, #tpu.memory_space<vmem>>, vector<16xf32>,
      tpu.vector_store %arg12[%swap3A_2268, %swap3A_2269], %mul3A_2267 {strides = array<i32>} : memref<96x128xf32, #tpu.memory_space<vmem>>, vector<16xf32>,
      %get3A_2271 = arith.index_cast %add3A_2242 : i32 to index
      %get3A_2272 = arith.constant 64 : index
      %get3A_2273 = tpu.vector_load %arg12[%get3A_2271, %get3A_2272] {strides = array<i32>} : memref<96x128xf32, #tpu.memory_space<vmem>>, vector<16xf32>,
      %mul3A_2274 = arith.mulf %get3A_2273, %gather3A_2238 : vector<16xf32>
      %swap3A_2275 = arith.index_cast %add3A_2242 : i32 to index
      %swap3A_2276 = arith.constant 64 : index
      %swap3A_2277 = tpu.vector_load %arg12[%swap3A_2275, %swap3A_2276] {strides = array<i32>} : memref<96x128xf32, #tpu.memory_space<vmem>>, vector<16xf32>,
      tpu.vector_store %arg12[%swap3A_2275, %swap3A_2276], %mul3A_2274 {strides = array<i32>} : memref<96x128xf32, #tpu.memory_space<vmem>>, vector<16xf32>,
      %get3A_2278 = arith.index_cast %add3A_2242 : i32 to index
      %get3A_2279 = arith.constant 80 : index
      %get3A_2280 = tpu.vector_load %arg12[%get3A_2278, %get3A_2279] {strides = array<i32>} : memref<96x128xf32, #tpu.memory_space<vmem>>, vector<16xf32>,
      %mul3A_2281 = arith.mulf %get3A_2280, %gather3A_2238 : vector<16xf32>
      %swap3A_2282 = arith.index_cast %add3A_2242 : i32 to index
      %swap3A_2283 = arith.constant 80 : index
      %swap3A_2284 = tpu.vector_load %arg12[%swap3A_2282, %swap3A_2283] {strides = array<i32>} : memref<96x128xf32, #tpu.memory_space<vmem>>, vector<16xf32>,
      tpu.vector_store %arg12[%swap3A_2282, %swap3A_2283], %mul3A_2281 {strides = array<i32>} : memref<96x128xf32, #tpu.memory_space<vmem>>, vector<16xf32>,
      %get3A_2285 = arith.index_cast %add3A_2242 : i32 to index
      %get3A_2286 = arith.constant 96 : index
      %get3A_2287 = tpu.vector_load %arg12[%get3A_2285, %get3A_2286] {strides = array<i32>} : memref<96x128xf32, #tpu.memory_space<vmem>>, vector<16xf32>,
      %mul3A_2288 = arith.mulf %get3A_2287, %gather3A_2238 : vector<16xf32>
      %swap3A_2289 = arith.index_cast %add3A_2242 : i32 to index
      %swap3A_2290 = arith.constant 96 : index
      %swap3A_2291 = tpu.vector_load %arg12[%swap3A_2289, %swap3A_2290] {strides = array<i32>} : memref<96x128xf32, #tpu.memory_space<vmem>>, vector<16xf32>,
      tpu.vector_store %arg12[%swap3A_2289, %swap3A_2290], %mul3A_2288 {strides = array<i32>} : memref<96x128xf32, #tpu.memory_space<vmem>>, vector<16xf32>,
      %get3A_2292 = arith.index_cast %add3A_2242 : i32 to index
      %get3A_2293 = arith.constant 112 : index
      %get3A_2294 = tpu.vector_load %arg12[%get3A_2292, %get3A_2293] {strides = array<i32>} : memref<96x128xf32, #tpu.memory_space<vmem>>, vector<16xf32>,
      %mul3A_2295 = arith.mulf %get3A_2294, %gather3A_2238 : vector<16xf32>
      %swap3A_2296 = arith.index_cast %add3A_2242 : i32 to index
      %swap3A_2297 = arith.constant 112 : index
      %swap3A_2298 = tpu.vector_load %arg12[%swap3A_2296, %swap3A_2297] {strides = array<i32>} : memref<96x128xf32, #tpu.memory_space<vmem>>, vector<16xf32>,
      tpu.vector_store %arg12[%swap3A_2296, %swap3A_2297], %mul3A_2295 {strides = array<i32>} : memref<96x128xf32, #tpu.memory_space<vmem>>, vector<16xf32>,
      %broadcast_in_dim3A_2299 = arith.constant 14 : i32
      %broadcast_in_dim3A_2300 = vector.broadcast %broadcast_in_dim3A_2299 : i32 to vector<16xi32>
      %broadcast_in_dim3A_2301 = vector.shape_cast %broadcast_in_dim3A_2300 : vector<16xi32> to vector<16x1xi32>
      %gather3A_2302 = vector.shape_cast %broadcast_in_dim3A_2301 : vector<16x1xi32> to vector<16xi32>
      %gather3A_2303 = tpu.dynamic_gather %exp3A_216[%gather3A_2302] in [0] : vector<16xf32>, vector<16xi32> -> vector<16xf32>
      %add3A_2304 = arith.constant 16 : i32
      %add3A_2305 = arith.addi %mul3A_112, %add3A_2304 : i32
      %add3A_2306 = arith.constant 14 : i32
      %add3A_2307 = arith.addi %add3A_2305, %add3A_2306 : i32
      %get3A_2308 = arith.index_cast %add3A_2307 : i32 to index
      %get3A_2309 = arith.constant 0 : index
      %get3A_2310 = tpu.vector_load %arg12[%get3A_2308, %get3A_2309] {strides = array<i32>} : memref<96x128xf32, #tpu.memory_space<vmem>>, vector<16xf32>,
      %mul3A_2311 = arith.mulf %get3A_2310, %gather3A_2303 : vector<16xf32>
      %swap3A_2312 = arith.index_cast %add3A_2307 : i32 to index
      %swap3A_2313 = arith.constant 0 : index
      %swap3A_2314 = tpu.vector_load %arg12[%swap3A_2312, %swap3A_2313] {strides = array<i32>} : memref<96x128xf32, #tpu.memory_space<vmem>>, vector<16xf32>,
      tpu.vector_store %arg12[%swap3A_2312, %swap3A_2313], %mul3A_2311 {strides = array<i32>} : memref<96x128xf32, #tpu.memory_space<vmem>>, vector<16xf32>,
      %get3A_2315 = arith.index_cast %add3A_2307 : i32 to index
      %get3A_2316 = arith.constant 16 : index
      %get3A_2317 = tpu.vector_load %arg12[%get3A_2315, %get3A_2316] {strides = array<i32>} : memref<96x128xf32, #tpu.memory_space<vmem>>, vector<16xf32>,
      %mul3A_2318 = arith.mulf %get3A_2317, %gather3A_2303 : vector<16xf32>
      %swap3A_2319 = arith.index_cast %add3A_2307 : i32 to index
      %swap3A_2320 = arith.constant 16 : index
      %swap3A_2321 = tpu.vector_load %arg12[%swap3A_2319, %swap3A_2320] {strides = array<i32>} : memref<96x128xf32, #tpu.memory_space<vmem>>, vector<16xf32>,
      tpu.vector_store %arg12[%swap3A_2319, %swap3A_2320], %mul3A_2318 {strides = array<i32>} : memref<96x128xf32, #tpu.memory_space<vmem>>, vector<16xf32>,
      %get3A_2322 = arith.index_cast %add3A_2307 : i32 to index
      %get3A_2323 = arith.constant 32 : index
      %get3A_2324 = tpu.vector_load %arg12[%get3A_2322, %get3A_2323] {strides = array<i32>} : memref<96x128xf32, #tpu.memory_space<vmem>>, vector<16xf32>,
      %mul3A_2325 = arith.mulf %get3A_2324, %gather3A_2303 : vector<16xf32>
      %swap3A_2326 = arith.index_cast %add3A_2307 : i32 to index
      %swap3A_2327 = arith.constant 32 : index
      %swap3A_2328 = tpu.vector_load %arg12[%swap3A_2326, %swap3A_2327] {strides = array<i32>} : memref<96x128xf32, #tpu.memory_space<vmem>>, vector<16xf32>,
      tpu.vector_store %arg12[%swap3A_2326, %swap3A_2327], %mul3A_2325 {strides = array<i32>} : memref<96x128xf32, #tpu.memory_space<vmem>>, vector<16xf32>,
      %get3A_2329 = arith.index_cast %add3A_2307 : i32 to index
      %get3A_2330 = arith.constant 48 : index
      %get3A_2331 = tpu.vector_load %arg12[%get3A_2329, %get3A_2330] {strides = array<i32>} : memref<96x128xf32, #tpu.memory_space<vmem>>, vector<16xf32>,
      %mul3A_2332 = arith.mulf %get3A_2331, %gather3A_2303 : vector<16xf32>
      %swap3A_2333 = arith.index_cast %add3A_2307 : i32 to index
      %swap3A_2334 = arith.constant 48 : index
      %swap3A_2335 = tpu.vector_load %arg12[%swap3A_2333, %swap3A_2334] {strides = array<i32>} : memref<96x128xf32, #tpu.memory_space<vmem>>, vector<16xf32>,
      tpu.vector_store %arg12[%swap3A_2333, %swap3A_2334], %mul3A_2332 {strides = array<i32>} : memref<96x128xf32, #tpu.memory_space<vmem>>, vector<16xf32>,
      %get3A_2336 = arith.index_cast %add3A_2307 : i32 to index
      %get3A_2337 = arith.constant 64 : index
      %get3A_2338 = tpu.vector_load %arg12[%get3A_2336, %get3A_2337] {strides = array<i32>} : memref<96x128xf32, #tpu.memory_space<vmem>>, vector<16xf32>,
      %mul3A_2339 = arith.mulf %get3A_2338, %gather3A_2303 : vector<16xf32>
      %swap3A_2340 = arith.index_cast %add3A_2307 : i32 to index
      %swap3A_2341 = arith.constant 64 : index
      %swap3A_2342 = tpu.vector_load %arg12[%swap3A_2340, %swap3A_2341] {strides = array<i32>} : memref<96x128xf32, #tpu.memory_space<vmem>>, vector<16xf32>,
      tpu.vector_store %arg12[%swap3A_2340, %swap3A_2341], %mul3A_2339 {strides = array<i32>} : memref<96x128xf32, #tpu.memory_space<vmem>>, vector<16xf32>,
      %get3A_2343 = arith.index_cast %add3A_2307 : i32 to index
      %get3A_2344 = arith.constant 80 : index
      %get3A_2345 = tpu.vector_load %arg12[%get3A_2343, %get3A_2344] {strides = array<i32>} : memref<96x128xf32, #tpu.memory_space<vmem>>, vector<16xf32>,
      %mul3A_2346 = arith.mulf %get3A_2345, %gather3A_2303 : vector<16xf32>
      %swap3A_2347 = arith.index_cast %add3A_2307 : i32 to index
      %swap3A_2348 = arith.constant 80 : index
      %swap3A_2349 = tpu.vector_load %arg12[%swap3A_2347, %swap3A_2348] {strides = array<i32>} : memref<96x128xf32, #tpu.memory_space<vmem>>, vector<16xf32>,
      tpu.vector_store %arg12[%swap3A_2347, %swap3A_2348], %mul3A_2346 {strides = array<i32>} : memref<96x128xf32, #tpu.memory_space<vmem>>, vector<16xf32>,
      %get3A_2350 = arith.index_cast %add3A_2307 : i32 to index
      %get3A_2351 = arith.constant 96 : index
      %get3A_2352 = tpu.vector_load %arg12[%get3A_2350, %get3A_2351] {strides = array<i32>} : memref<96x128xf32, #tpu.memory_space<vmem>>, vector<16xf32>,
      %mul3A_2353 = arith.mulf %get3A_2352, %gather3A_2303 : vector<16xf32>
      %swap3A_2354 = arith.index_cast %add3A_2307 : i32 to index
      %swap3A_2355 = arith.constant 96 : index
      %swap3A_2356 = tpu.vector_load %arg12[%swap3A_2354, %swap3A_2355] {strides = array<i32>} : memref<96x128xf32, #tpu.memory_space<vmem>>, vector<16xf32>,
      tpu.vector_store %arg12[%swap3A_2354, %swap3A_2355], %mul3A_2353 {strides = array<i32>} : memref<96x128xf32, #tpu.memory_space<vmem>>, vector<16xf32>,
      %get3A_2357 = arith.index_cast %add3A_2307 : i32 to index
      %get3A_2358 = arith.constant 112 : index
      %get3A_2359 = tpu.vector_load %arg12[%get3A_2357, %get3A_2358] {strides = array<i32>} : memref<96x128xf32, #tpu.memory_space<vmem>>, vector<16xf32>,
      %mul3A_2360 = arith.mulf %get3A_2359, %gather3A_2303 : vector<16xf32>
      %swap3A_2361 = arith.index_cast %add3A_2307 : i32 to index
      %swap3A_2362 = arith.constant 112 : index
      %swap3A_2363 = tpu.vector_load %arg12[%swap3A_2361, %swap3A_2362] {strides = array<i32>} : memref<96x128xf32, #tpu.memory_space<vmem>>, vector<16xf32>,
      tpu.vector_store %arg12[%swap3A_2361, %swap3A_2362], %mul3A_2360 {strides = array<i32>} : memref<96x128xf32, #tpu.memory_space<vmem>>, vector<16xf32>,
      %broadcast_in_dim3A_2364 = arith.constant 15 : i32
      %broadcast_in_dim3A_2365 = vector.broadcast %broadcast_in_dim3A_2364 : i32 to vector<16xi32>
      %broadcast_in_dim3A_2366 = vector.shape_cast %broadcast_in_dim3A_2365 : vector<16xi32> to vector<16x1xi32>
      %gather3A_2367 = vector.shape_cast %broadcast_in_dim3A_2366 : vector<16x1xi32> to vector<16xi32>
      %gather3A_2368 = tpu.dynamic_gather %exp3A_216[%gather3A_2367] in [0] : vector<16xf32>, vector<16xi32> -> vector<16xf32>
      %add3A_2369 = arith.constant 16 : i32
      %add3A_2370 = arith.addi %mul3A_112, %add3A_2369 : i32
      %add3A_2371 = arith.constant 15 : i32
      %add3A_2372 = arith.addi %add3A_2370, %add3A_2371 : i32
      %get3A_2373 = arith.index_cast %add3A_2372 : i32 to index
      %get3A_2374 = arith.constant 0 : index
      %get3A_2375 = tpu.vector_load %arg12[%get3A_2373, %get3A_2374] {strides = array<i32>} : memref<96x128xf32, #tpu.memory_space<vmem>>, vector<16xf32>,
      %mul3A_2376 = arith.mulf %get3A_2375, %gather3A_2368 : vector<16xf32>
      %swap3A_2377 = arith.index_cast %add3A_2372 : i32 to index
      %swap3A_2378 = arith.constant 0 : index
      %swap3A_2379 = tpu.vector_load %arg12[%swap3A_2377, %swap3A_2378] {strides = array<i32>} : memref<96x128xf32, #tpu.memory_space<vmem>>, vector<16xf32>,
      tpu.vector_store %arg12[%swap3A_2377, %swap3A_2378], %mul3A_2376 {strides = array<i32>} : memref<96x128xf32, #tpu.memory_space<vmem>>, vector<16xf32>,
      %get3A_2380 = arith.index_cast %add3A_2372 : i32 to index
      %get3A_2381 = arith.constant 16 : index
      %get3A_2382 = tpu.vector_load %arg12[%get3A_2380, %get3A_2381] {strides = array<i32>} : memref<96x128xf32, #tpu.memory_space<vmem>>, vector<16xf32>,
      %mul3A_2383 = arith.mulf %get3A_2382, %gather3A_2368 : vector<16xf32>
      %swap3A_2384 = arith.index_cast %add3A_2372 : i32 to index
      %swap3A_2385 = arith.constant 16 : index
      %swap3A_2386 = tpu.vector_load %arg12[%swap3A_2384, %swap3A_2385] {strides = array<i32>} : memref<96x128xf32, #tpu.memory_space<vmem>>, vector<16xf32>,
      tpu.vector_store %arg12[%swap3A_2384, %swap3A_2385], %mul3A_2383 {strides = array<i32>} : memref<96x128xf32, #tpu.memory_space<vmem>>, vector<16xf32>,
      %get3A_2387 = arith.index_cast %add3A_2372 : i32 to index
      %get3A_2388 = arith.constant 32 : index
      %get3A_2389 = tpu.vector_load %arg12[%get3A_2387, %get3A_2388] {strides = array<i32>} : memref<96x128xf32, #tpu.memory_space<vmem>>, vector<16xf32>,
      %mul3A_2390 = arith.mulf %get3A_2389, %gather3A_2368 : vector<16xf32>
      %swap3A_2391 = arith.index_cast %add3A_2372 : i32 to index
      %swap3A_2392 = arith.constant 32 : index
      %swap3A_2393 = tpu.vector_load %arg12[%swap3A_2391, %swap3A_2392] {strides = array<i32>} : memref<96x128xf32, #tpu.memory_space<vmem>>, vector<16xf32>,
      tpu.vector_store %arg12[%swap3A_2391, %swap3A_2392], %mul3A_2390 {strides = array<i32>} : memref<96x128xf32, #tpu.memory_space<vmem>>, vector<16xf32>,
      %get3A_2394 = arith.index_cast %add3A_2372 : i32 to index
      %get3A_2395 = arith.constant 48 : index
      %get3A_2396 = tpu.vector_load %arg12[%get3A_2394, %get3A_2395] {strides = array<i32>} : memref<96x128xf32, #tpu.memory_space<vmem>>, vector<16xf32>,
      %mul3A_2397 = arith.mulf %get3A_2396, %gather3A_2368 : vector<16xf32>
      %swap3A_2398 = arith.index_cast %add3A_2372 : i32 to index
      %swap3A_2399 = arith.constant 48 : index
      %swap3A_2400 = tpu.vector_load %arg12[%swap3A_2398, %swap3A_2399] {strides = array<i32>} : memref<96x128xf32, #tpu.memory_space<vmem>>, vector<16xf32>,
      tpu.vector_store %arg12[%swap3A_2398, %swap3A_2399], %mul3A_2397 {strides = array<i32>} : memref<96x128xf32, #tpu.memory_space<vmem>>, vector<16xf32>,
      %get3A_2401 = arith.index_cast %add3A_2372 : i32 to index
      %get3A_2402 = arith.constant 64 : index
      %get3A_2403 = tpu.vector_load %arg12[%get3A_2401, %get3A_2402] {strides = array<i32>} : memref<96x128xf32, #tpu.memory_space<vmem>>, vector<16xf32>,
      %mul3A_2404 = arith.mulf %get3A_2403, %gather3A_2368 : vector<16xf32>
      %swap3A_2405 = arith.index_cast %add3A_2372 : i32 to index
      %swap3A_2406 = arith.constant 64 : index
      %swap3A_2407 = tpu.vector_load %arg12[%swap3A_2405, %swap3A_2406] {strides = array<i32>} : memref<96x128xf32, #tpu.memory_space<vmem>>, vector<16xf32>,
      tpu.vector_store %arg12[%swap3A_2405, %swap3A_2406], %mul3A_2404 {strides = array<i32>} : memref<96x128xf32, #tpu.memory_space<vmem>>, vector<16xf32>,
      %get3A_2408 = arith.index_cast %add3A_2372 : i32 to index
      %get3A_2409 = arith.constant 80 : index
      %get3A_2410 = tpu.vector_load %arg12[%get3A_2408, %get3A_2409] {strides = array<i32>} : memref<96x128xf32, #tpu.memory_space<vmem>>, vector<16xf32>,
      %mul3A_2411 = arith.mulf %get3A_2410, %gather3A_2368 : vector<16xf32>
      %swap3A_2412 = arith.index_cast %add3A_2372 : i32 to index
      %swap3A_2413 = arith.constant 80 : index
      %swap3A_2414 = tpu.vector_load %arg12[%swap3A_2412, %swap3A_2413] {strides = array<i32>} : memref<96x128xf32, #tpu.memory_space<vmem>>, vector<16xf32>,
      tpu.vector_store %arg12[%swap3A_2412, %swap3A_2413], %mul3A_2411 {strides = array<i32>} : memref<96x128xf32, #tpu.memory_space<vmem>>, vector<16xf32>,
      %get3A_2415 = arith.index_cast %add3A_2372 : i32 to index
      %get3A_2416 = arith.constant 96 : index
      %get3A_2417 = tpu.vector_load %arg12[%get3A_2415, %get3A_2416] {strides = array<i32>} : memref<96x128xf32, #tpu.memory_space<vmem>>, vector<16xf32>,
      %mul3A_2418 = arith.mulf %get3A_2417, %gather3A_2368 : vector<16xf32>
      %swap3A_2419 = arith.index_cast %add3A_2372 : i32 to index
      %swap3A_2420 = arith.constant 96 : index
      %swap3A_2421 = tpu.vector_load %arg12[%swap3A_2419, %swap3A_2420] {strides = array<i32>} : memref<96x128xf32, #tpu.memory_space<vmem>>, vector<16xf32>,
      tpu.vector_store %arg12[%swap3A_2419, %swap3A_2420], %mul3A_2418 {strides = array<i32>} : memref<96x128xf32, #tpu.memory_space<vmem>>, vector<16xf32>,
      %get3A_2422 = arith.index_cast %add3A_2372 : i32 to index
      %get3A_2423 = arith.constant 112 : index
      %get3A_2424 = tpu.vector_load %arg12[%get3A_2422, %get3A_2423] {strides = array<i32>} : memref<96x128xf32, #tpu.memory_space<vmem>>, vector<16xf32>,
      %mul3A_2425 = arith.mulf %get3A_2424, %gather3A_2368 : vector<16xf32>
      %swap3A_2426 = arith.index_cast %add3A_2372 : i32 to index
      %swap3A_2427 = arith.constant 112 : index
      %swap3A_2428 = tpu.vector_load %arg12[%swap3A_2426, %swap3A_2427] {strides = array<i32>} : memref<96x128xf32, #tpu.memory_space<vmem>>, vector<16xf32>,
      tpu.vector_store %arg12[%swap3A_2426, %swap3A_2427], %mul3A_2425 {strides = array<i32>} : memref<96x128xf32, #tpu.memory_space<vmem>>, vector<16xf32>,
      %broadcast_in_dim3A_2429 = arith.constant 0 : i32
      %broadcast_in_dim3A_2430 = vector.broadcast %broadcast_in_dim3A_2429 : i32 to vector<16xi32>
      %broadcast_in_dim3A_2431 = vector.shape_cast %broadcast_in_dim3A_2430 : vector<16xi32> to vector<16x1xi32>
      %gather3A_2432 = vector.shape_cast %broadcast_in_dim3A_2431 : vector<16x1xi32> to vector<16xi32>
      %gather3A_2433 = tpu.dynamic_gather %exp3A_288[%gather3A_2432] in [0] : vector<16xf32>, vector<16xi32> -> vector<16xf32>
      %add3A_2434 = arith.constant 32 : i32
      %add3A_2435 = arith.addi %mul3A_112, %add3A_2434 : i32
      %add3A_2436 = arith.constant 0 : i32
      %add3A_2437 = arith.addi %add3A_2435, %add3A_2436 : i32
      %get3A_2438 = arith.index_cast %add3A_2437 : i32 to index
      %get3A_2439 = arith.constant 0 : index
      %get3A_2440 = tpu.vector_load %arg12[%get3A_2438, %get3A_2439] {strides = array<i32>} : memref<96x128xf32, #tpu.memory_space<vmem>>, vector<16xf32>,
      %mul3A_2441 = arith.mulf %get3A_2440, %gather3A_2433 : vector<16xf32>
      %swap3A_2442 = arith.index_cast %add3A_2437 : i32 to index
      %swap3A_2443 = arith.constant 0 : index
      %swap3A_2444 = tpu.vector_load %arg12[%swap3A_2442, %swap3A_2443] {strides = array<i32>} : memref<96x128xf32, #tpu.memory_space<vmem>>, vector<16xf32>,
      tpu.vector_store %arg12[%swap3A_2442, %swap3A_2443], %mul3A_2441 {strides = array<i32>} : memref<96x128xf32, #tpu.memory_space<vmem>>, vector<16xf32>,
      %get3A_2445 = arith.index_cast %add3A_2437 : i32 to index
      %get3A_2446 = arith.constant 16 : index
      %get3A_2447 = tpu.vector_load %arg12[%get3A_2445, %get3A_2446] {strides = array<i32>} : memref<96x128xf32, #tpu.memory_space<vmem>>, vector<16xf32>,
      %mul3A_2448 = arith.mulf %get3A_2447, %gather3A_2433 : vector<16xf32>
      %swap3A_2449 = arith.index_cast %add3A_2437 : i32 to index
      %swap3A_2450 = arith.constant 16 : index
      %swap3A_2451 = tpu.vector_load %arg12[%swap3A_2449, %swap3A_2450] {strides = array<i32>} : memref<96x128xf32, #tpu.memory_space<vmem>>, vector<16xf32>,
      tpu.vector_store %arg12[%swap3A_2449, %swap3A_2450], %mul3A_2448 {strides = array<i32>} : memref<96x128xf32, #tpu.memory_space<vmem>>, vector<16xf32>,
      %get3A_2452 = arith.index_cast %add3A_2437 : i32 to index
      %get3A_2453 = arith.constant 32 : index
      %get3A_2454 = tpu.vector_load %arg12[%get3A_2452, %get3A_2453] {strides = array<i32>} : memref<96x128xf32, #tpu.memory_space<vmem>>, vector<16xf32>,
      %mul3A_2455 = arith.mulf %get3A_2454, %gather3A_2433 : vector<16xf32>
      %swap3A_2456 = arith.index_cast %add3A_2437 : i32 to index
      %swap3A_2457 = arith.constant 32 : index
      %swap3A_2458 = tpu.vector_load %arg12[%swap3A_2456, %swap3A_2457] {strides = array<i32>} : memref<96x128xf32, #tpu.memory_space<vmem>>, vector<16xf32>,
      tpu.vector_store %arg12[%swap3A_2456, %swap3A_2457], %mul3A_2455 {strides = array<i32>} : memref<96x128xf32, #tpu.memory_space<vmem>>, vector<16xf32>,
      %get3A_2459 = arith.index_cast %add3A_2437 : i32 to index
      %get3A_2460 = arith.constant 48 : index
      %get3A_2461 = tpu.vector_load %arg12[%get3A_2459, %get3A_2460] {strides = array<i32>} : memref<96x128xf32, #tpu.memory_space<vmem>>, vector<16xf32>,
      %mul3A_2462 = arith.mulf %get3A_2461, %gather3A_2433 : vector<16xf32>
      %swap3A_2463 = arith.index_cast %add3A_2437 : i32 to index
      %swap3A_2464 = arith.constant 48 : index
      %swap3A_2465 = tpu.vector_load %arg12[%swap3A_2463, %swap3A_2464] {strides = array<i32>} : memref<96x128xf32, #tpu.memory_space<vmem>>, vector<16xf32>,
      tpu.vector_store %arg12[%swap3A_2463, %swap3A_2464], %mul3A_2462 {strides = array<i32>} : memref<96x128xf32, #tpu.memory_space<vmem>>, vector<16xf32>,
      %get3A_2466 = arith.index_cast %add3A_2437 : i32 to index
      %get3A_2467 = arith.constant 64 : index
      %get3A_2468 = tpu.vector_load %arg12[%get3A_2466, %get3A_2467] {strides = array<i32>} : memref<96x128xf32, #tpu.memory_space<vmem>>, vector<16xf32>,
      %mul3A_2469 = arith.mulf %get3A_2468, %gather3A_2433 : vector<16xf32>
      %swap3A_2470 = arith.index_cast %add3A_2437 : i32 to index
      %swap3A_2471 = arith.constant 64 : index
      %swap3A_2472 = tpu.vector_load %arg12[%swap3A_2470, %swap3A_2471] {strides = array<i32>} : memref<96x128xf32, #tpu.memory_space<vmem>>, vector<16xf32>,
      tpu.vector_store %arg12[%swap3A_2470, %swap3A_2471], %mul3A_2469 {strides = array<i32>} : memref<96x128xf32, #tpu.memory_space<vmem>>, vector<16xf32>,
      %get3A_2473 = arith.index_cast %add3A_2437 : i32 to index
      %get3A_2474 = arith.constant 80 : index
      %get3A_2475 = tpu.vector_load %arg12[%get3A_2473, %get3A_2474] {strides = array<i32>} : memref<96x128xf32, #tpu.memory_space<vmem>>, vector<16xf32>,
      %mul3A_2476 = arith.mulf %get3A_2475, %gather3A_2433 : vector<16xf32>
      %swap3A_2477 = arith.index_cast %add3A_2437 : i32 to index
      %swap3A_2478 = arith.constant 80 : index
      %swap3A_2479 = tpu.vector_load %arg12[%swap3A_2477, %swap3A_2478] {strides = array<i32>} : memref<96x128xf32, #tpu.memory_space<vmem>>, vector<16xf32>,
      tpu.vector_store %arg12[%swap3A_2477, %swap3A_2478], %mul3A_2476 {strides = array<i32>} : memref<96x128xf32, #tpu.memory_space<vmem>>, vector<16xf32>,
      %get3A_2480 = arith.index_cast %add3A_2437 : i32 to index
      %get3A_2481 = arith.constant 96 : index
      %get3A_2482 = tpu.vector_load %arg12[%get3A_2480, %get3A_2481] {strides = array<i32>} : memref<96x128xf32, #tpu.memory_space<vmem>>, vector<16xf32>,
      %mul3A_2483 = arith.mulf %get3A_2482, %gather3A_2433 : vector<16xf32>
      %swap3A_2484 = arith.index_cast %add3A_2437 : i32 to index
      %swap3A_2485 = arith.constant 96 : index
      %swap3A_2486 = tpu.vector_load %arg12[%swap3A_2484, %swap3A_2485] {strides = array<i32>} : memref<96x128xf32, #tpu.memory_space<vmem>>, vector<16xf32>,
      tpu.vector_store %arg12[%swap3A_2484, %swap3A_2485], %mul3A_2483 {strides = array<i32>} : memref<96x128xf32, #tpu.memory_space<vmem>>, vector<16xf32>,
      %get3A_2487 = arith.index_cast %add3A_2437 : i32 to index
      %get3A_2488 = arith.constant 112 : index
      %get3A_2489 = tpu.vector_load %arg12[%get3A_2487, %get3A_2488] {strides = array<i32>} : memref<96x128xf32, #tpu.memory_space<vmem>>, vector<16xf32>,
      %mul3A_2490 = arith.mulf %get3A_2489, %gather3A_2433 : vector<16xf32>
      %swap3A_2491 = arith.index_cast %add3A_2437 : i32 to index
      %swap3A_2492 = arith.constant 112 : index
      %swap3A_2493 = tpu.vector_load %arg12[%swap3A_2491, %swap3A_2492] {strides = array<i32>} : memref<96x128xf32, #tpu.memory_space<vmem>>, vector<16xf32>,
      tpu.vector_store %arg12[%swap3A_2491, %swap3A_2492], %mul3A_2490 {strides = array<i32>} : memref<96x128xf32, #tpu.memory_space<vmem>>, vector<16xf32>,
      %broadcast_in_dim3A_2494 = arith.constant 1 : i32
      %broadcast_in_dim3A_2495 = vector.broadcast %broadcast_in_dim3A_2494 : i32 to vector<16xi32>
      %broadcast_in_dim3A_2496 = vector.shape_cast %broadcast_in_dim3A_2495 : vector<16xi32> to vector<16x1xi32>
      %gather3A_2497 = vector.shape_cast %broadcast_in_dim3A_2496 : vector<16x1xi32> to vector<16xi32>
      %gather3A_2498 = tpu.dynamic_gather %exp3A_288[%gather3A_2497] in [0] : vector<16xf32>, vector<16xi32> -> vector<16xf32>
      %add3A_2499 = arith.constant 32 : i32
      %add3A_2500 = arith.addi %mul3A_112, %add3A_2499 : i32
      %add3A_2501 = arith.constant 1 : i32
      %add3A_2502 = arith.addi %add3A_2500, %add3A_2501 : i32
      %get3A_2503 = arith.index_cast %add3A_2502 : i32 to index
      %get3A_2504 = arith.constant 0 : index
      %get3A_2505 = tpu.vector_load %arg12[%get3A_2503, %get3A_2504] {strides = array<i32>} : memref<96x128xf32, #tpu.memory_space<vmem>>, vector<16xf32>,
      %mul3A_2506 = arith.mulf %get3A_2505, %gather3A_2498 : vector<16xf32>
      %swap3A_2507 = arith.index_cast %add3A_2502 : i32 to index
      %swap3A_2508 = arith.constant 0 : index
      %swap3A_2509 = tpu.vector_load %arg12[%swap3A_2507, %swap3A_2508] {strides = array<i32>} : memref<96x128xf32, #tpu.memory_space<vmem>>, vector<16xf32>,
      tpu.vector_store %arg12[%swap3A_2507, %swap3A_2508], %mul3A_2506 {strides = array<i32>} : memref<96x128xf32, #tpu.memory_space<vmem>>, vector<16xf32>,
      %get3A_2510 = arith.index_cast %add3A_2502 : i32 to index
      %get3A_2511 = arith.constant 16 : index
      %get3A_2512 = tpu.vector_load %arg12[%get3A_2510, %get3A_2511] {strides = array<i32>} : memref<96x128xf32, #tpu.memory_space<vmem>>, vector<16xf32>,
      %mul3A_2513 = arith.mulf %get3A_2512, %gather3A_2498 : vector<16xf32>
      %swap3A_2514 = arith.index_cast %add3A_2502 : i32 to index
      %swap3A_2515 = arith.constant 16 : index
      %swap3A_2516 = tpu.vector_load %arg12[%swap3A_2514, %swap3A_2515] {strides = array<i32>} : memref<96x128xf32, #tpu.memory_space<vmem>>, vector<16xf32>,
      tpu.vector_store %arg12[%swap3A_2514, %swap3A_2515], %mul3A_2513 {strides = array<i32>} : memref<96x128xf32, #tpu.memory_space<vmem>>, vector<16xf32>,
      %get3A_2517 = arith.index_cast %add3A_2502 : i32 to index
      %get3A_2518 = arith.constant 32 : index
      %get3A_2519 = tpu.vector_load %arg12[%get3A_2517, %get3A_2518] {strides = array<i32>} : memref<96x128xf32, #tpu.memory_space<vmem>>, vector<16xf32>,
      %mul3A_2520 = arith.mulf %get3A_2519, %gather3A_2498 : vector<16xf32>
      %swap3A_2521 = arith.index_cast %add3A_2502 : i32 to index
      %swap3A_2522 = arith.constant 32 : index
      %swap3A_2523 = tpu.vector_load %arg12[%swap3A_2521, %swap3A_2522] {strides = array<i32>} : memref<96x128xf32, #tpu.memory_space<vmem>>, vector<16xf32>,
      tpu.vector_store %arg12[%swap3A_2521, %swap3A_2522], %mul3A_2520 {strides = array<i32>} : memref<96x128xf32, #tpu.memory_space<vmem>>, vector<16xf32>,
      %get3A_2524 = arith.index_cast %add3A_2502 : i32 to index
      %get3A_2525 = arith.constant 48 : index
      %get3A_2526 = tpu.vector_load %arg12[%get3A_2524, %get3A_2525] {strides = array<i32>} : memref<96x128xf32, #tpu.memory_space<vmem>>, vector<16xf32>,
      %mul3A_2527 = arith.mulf %get3A_2526, %gather3A_2498 : vector<16xf32>
      %swap3A_2528 = arith.index_cast %add3A_2502 : i32 to index
      %swap3A_2529 = arith.constant 48 : index
      %swap3A_2530 = tpu.vector_load %arg12[%swap3A_2528, %swap3A_2529] {strides = array<i32>} : memref<96x128xf32, #tpu.memory_space<vmem>>, vector<16xf32>,
      tpu.vector_store %arg12[%swap3A_2528, %swap3A_2529], %mul3A_2527 {strides = array<i32>} : memref<96x128xf32, #tpu.memory_space<vmem>>, vector<16xf32>,
      %get3A_2531 = arith.index_cast %add3A_2502 : i32 to index
      %get3A_2532 = arith.constant 64 : index
      %get3A_2533 = tpu.vector_load %arg12[%get3A_2531, %get3A_2532] {strides = array<i32>} : memref<96x128xf32, #tpu.memory_space<vmem>>, vector<16xf32>,
      %mul3A_2534 = arith.mulf %get3A_2533, %gather3A_2498 : vector<16xf32>
      %swap3A_2535 = arith.index_cast %add3A_2502 : i32 to index
      %swap3A_2536 = arith.constant 64 : index
      %swap3A_2537 = tpu.vector_load %arg12[%swap3A_2535, %swap3A_2536] {strides = array<i32>} : memref<96x128xf32, #tpu.memory_space<vmem>>, vector<16xf32>,
      tpu.vector_store %arg12[%swap3A_2535, %swap3A_2536], %mul3A_2534 {strides = array<i32>} : memref<96x128xf32, #tpu.memory_space<vmem>>, vector<16xf32>,
      %get3A_2538 = arith.index_cast %add3A_2502 : i32 to index
      %get3A_2539 = arith.constant 80 : index
      %get3A_2540 = tpu.vector_load %arg12[%get3A_2538, %get3A_2539] {strides = array<i32>} : memref<96x128xf32, #tpu.memory_space<vmem>>, vector<16xf32>,
      %mul3A_2541 = arith.mulf %get3A_2540, %gather3A_2498 : vector<16xf32>
      %swap3A_2542 = arith.index_cast %add3A_2502 : i32 to index
      %swap3A_2543 = arith.constant 80 : index
      %swap3A_2544 = tpu.vector_load %arg12[%swap3A_2542, %swap3A_2543] {strides = array<i32>} : memref<96x128xf32, #tpu.memory_space<vmem>>, vector<16xf32>,
      tpu.vector_store %arg12[%swap3A_2542, %swap3A_2543], %mul3A_2541 {strides = array<i32>} : memref<96x128xf32, #tpu.memory_space<vmem>>, vector<16xf32>,
      %get3A_2545 = arith.index_cast %add3A_2502 : i32 to index
      %get3A_2546 = arith.constant 96 : index
      %get3A_2547 = tpu.vector_load %arg12[%get3A_2545, %get3A_2546] {strides = array<i32>} : memref<96x128xf32, #tpu.memory_space<vmem>>, vector<16xf32>,
      %mul3A_2548 = arith.mulf %get3A_2547, %gather3A_2498 : vector<16xf32>
      %swap3A_2549 = arith.index_cast %add3A_2502 : i32 to index
      %swap3A_2550 = arith.constant 96 : index
      %swap3A_2551 = tpu.vector_load %arg12[%swap3A_2549, %swap3A_2550] {strides = array<i32>} : memref<96x128xf32, #tpu.memory_space<vmem>>, vector<16xf32>,
      tpu.vector_store %arg12[%swap3A_2549, %swap3A_2550], %mul3A_2548 {strides = array<i32>} : memref<96x128xf32, #tpu.memory_space<vmem>>, vector<16xf32>,
      %get3A_2552 = arith.index_cast %add3A_2502 : i32 to index
      %get3A_2553 = arith.constant 112 : index
      %get3A_2554 = tpu.vector_load %arg12[%get3A_2552, %get3A_2553] {strides = array<i32>} : memref<96x128xf32, #tpu.memory_space<vmem>>, vector<16xf32>,
      %mul3A_2555 = arith.mulf %get3A_2554, %gather3A_2498 : vector<16xf32>
      %swap3A_2556 = arith.index_cast %add3A_2502 : i32 to index
      %swap3A_2557 = arith.constant 112 : index
      %swap3A_2558 = tpu.vector_load %arg12[%swap3A_2556, %swap3A_2557] {strides = array<i32>} : memref<96x128xf32, #tpu.memory_space<vmem>>, vector<16xf32>,
      tpu.vector_store %arg12[%swap3A_2556, %swap3A_2557], %mul3A_2555 {strides = array<i32>} : memref<96x128xf32, #tpu.memory_space<vmem>>, vector<16xf32>,
      %broadcast_in_dim3A_2559 = arith.constant 2 : i32
      %broadcast_in_dim3A_2560 = vector.broadcast %broadcast_in_dim3A_2559 : i32 to vector<16xi32>
      %broadcast_in_dim3A_2561 = vector.shape_cast %broadcast_in_dim3A_2560 : vector<16xi32> to vector<16x1xi32>
      %gather3A_2562 = vector.shape_cast %broadcast_in_dim3A_2561 : vector<16x1xi32> to vector<16xi32>
      %gather3A_2563 = tpu.dynamic_gather %exp3A_288[%gather3A_2562] in [0] : vector<16xf32>, vector<16xi32> -> vector<16xf32>
      %add3A_2564 = arith.constant 32 : i32
      %add3A_2565 = arith.addi %mul3A_112, %add3A_2564 : i32
      %add3A_2566 = arith.constant 2 : i32
      %add3A_2567 = arith.addi %add3A_2565, %add3A_2566 : i32
      %get3A_2568 = arith.index_cast %add3A_2567 : i32 to index
      %get3A_2569 = arith.constant 0 : index
      %get3A_2570 = tpu.vector_load %arg12[%get3A_2568, %get3A_2569] {strides = array<i32>} : memref<96x128xf32, #tpu.memory_space<vmem>>, vector<16xf32>,
      %mul3A_2571 = arith.mulf %get3A_2570, %gather3A_2563 : vector<16xf32>
      %swap3A_2572 = arith.index_cast %add3A_2567 : i32 to index
      %swap3A_2573 = arith.constant 0 : index
      %swap3A_2574 = tpu.vector_load %arg12[%swap3A_2572, %swap3A_2573] {strides = array<i32>} : memref<96x128xf32, #tpu.memory_space<vmem>>, vector<16xf32>,
      tpu.vector_store %arg12[%swap3A_2572, %swap3A_2573], %mul3A_2571 {strides = array<i32>} : memref<96x128xf32, #tpu.memory_space<vmem>>, vector<16xf32>,
      %get3A_2575 = arith.index_cast %add3A_2567 : i32 to index
      %get3A_2576 = arith.constant 16 : index
      %get3A_2577 = tpu.vector_load %arg12[%get3A_2575, %get3A_2576] {strides = array<i32>} : memref<96x128xf32, #tpu.memory_space<vmem>>, vector<16xf32>,
      %mul3A_2578 = arith.mulf %get3A_2577, %gather3A_2563 : vector<16xf32>
      %swap3A_2579 = arith.index_cast %add3A_2567 : i32 to index
      %swap3A_2580 = arith.constant 16 : index
      %swap3A_2581 = tpu.vector_load %arg12[%swap3A_2579, %swap3A_2580] {strides = array<i32>} : memref<96x128xf32, #tpu.memory_space<vmem>>, vector<16xf32>,
      tpu.vector_store %arg12[%swap3A_2579, %swap3A_2580], %mul3A_2578 {strides = array<i32>} : memref<96x128xf32, #tpu.memory_space<vmem>>, vector<16xf32>,
      %get3A_2582 = arith.index_cast %add3A_2567 : i32 to index
      %get3A_2583 = arith.constant 32 : index
      %get3A_2584 = tpu.vector_load %arg12[%get3A_2582, %get3A_2583] {strides = array<i32>} : memref<96x128xf32, #tpu.memory_space<vmem>>, vector<16xf32>,
      %mul3A_2585 = arith.mulf %get3A_2584, %gather3A_2563 : vector<16xf32>
      %swap3A_2586 = arith.index_cast %add3A_2567 : i32 to index
      %swap3A_2587 = arith.constant 32 : index
      %swap3A_2588 = tpu.vector_load %arg12[%swap3A_2586, %swap3A_2587] {strides = array<i32>} : memref<96x128xf32, #tpu.memory_space<vmem>>, vector<16xf32>,
      tpu.vector_store %arg12[%swap3A_2586, %swap3A_2587], %mul3A_2585 {strides = array<i32>} : memref<96x128xf32, #tpu.memory_space<vmem>>, vector<16xf32>,
      %get3A_2589 = arith.index_cast %add3A_2567 : i32 to index
      %get3A_2590 = arith.constant 48 : index
      %get3A_2591 = tpu.vector_load %arg12[%get3A_2589, %get3A_2590] {strides = array<i32>} : memref<96x128xf32, #tpu.memory_space<vmem>>, vector<16xf32>,
      %mul3A_2592 = arith.mulf %get3A_2591, %gather3A_2563 : vector<16xf32>
      %swap3A_2593 = arith.index_cast %add3A_2567 : i32 to index
      %swap3A_2594 = arith.constant 48 : index
      %swap3A_2595 = tpu.vector_load %arg12[%swap3A_2593, %swap3A_2594] {strides = array<i32>} : memref<96x128xf32, #tpu.memory_space<vmem>>, vector<16xf32>,
      tpu.vector_store %arg12[%swap3A_2593, %swap3A_2594], %mul3A_2592 {strides = array<i32>} : memref<96x128xf32, #tpu.memory_space<vmem>>, vector<16xf32>,
      %get3A_2596 = arith.index_cast %add3A_2567 : i32 to index
      %get3A_2597 = arith.constant 64 : index
      %get3A_2598 = tpu.vector_load %arg12[%get3A_2596, %get3A_2597] {strides = array<i32>} : memref<96x128xf32, #tpu.memory_space<vmem>>, vector<16xf32>,
      %mul3A_2599 = arith.mulf %get3A_2598, %gather3A_2563 : vector<16xf32>
      %swap3A_2600 = arith.index_cast %add3A_2567 : i32 to index
      %swap3A_2601 = arith.constant 64 : index
      %swap3A_2602 = tpu.vector_load %arg12[%swap3A_2600, %swap3A_2601] {strides = array<i32>} : memref<96x128xf32, #tpu.memory_space<vmem>>, vector<16xf32>,
      tpu.vector_store %arg12[%swap3A_2600, %swap3A_2601], %mul3A_2599 {strides = array<i32>} : memref<96x128xf32, #tpu.memory_space<vmem>>, vector<16xf32>,
      %get3A_2603 = arith.index_cast %add3A_2567 : i32 to index
      %get3A_2604 = arith.constant 80 : index
      %get3A_2605 = tpu.vector_load %arg12[%get3A_2603, %get3A_2604] {strides = array<i32>} : memref<96x128xf32, #tpu.memory_space<vmem>>, vector<16xf32>,
      %mul3A_2606 = arith.mulf %get3A_2605, %gather3A_2563 : vector<16xf32>
      %swap3A_2607 = arith.index_cast %add3A_2567 : i32 to index
      %swap3A_2608 = arith.constant 80 : index
      %swap3A_2609 = tpu.vector_load %arg12[%swap3A_2607, %swap3A_2608] {strides = array<i32>} : memref<96x128xf32, #tpu.memory_space<vmem>>, vector<16xf32>,
      tpu.vector_store %arg12[%swap3A_2607, %swap3A_2608], %mul3A_2606 {strides = array<i32>} : memref<96x128xf32, #tpu.memory_space<vmem>>, vector<16xf32>,
      %get3A_2610 = arith.index_cast %add3A_2567 : i32 to index
      %get3A_2611 = arith.constant 96 : index
      %get3A_2612 = tpu.vector_load %arg12[%get3A_2610, %get3A_2611] {strides = array<i32>} : memref<96x128xf32, #tpu.memory_space<vmem>>, vector<16xf32>,
      %mul3A_2613 = arith.mulf %get3A_2612, %gather3A_2563 : vector<16xf32>
      %swap3A_2614 = arith.index_cast %add3A_2567 : i32 to index
      %swap3A_2615 = arith.constant 96 : index
      %swap3A_2616 = tpu.vector_load %arg12[%swap3A_2614, %swap3A_2615] {strides = array<i32>} : memref<96x128xf32, #tpu.memory_space<vmem>>, vector<16xf32>,
      tpu.vector_store %arg12[%swap3A_2614, %swap3A_2615], %mul3A_2613 {strides = array<i32>} : memref<96x128xf32, #tpu.memory_space<vmem>>, vector<16xf32>,
      %get3A_2617 = arith.index_cast %add3A_2567 : i32 to index
      %get3A_2618 = arith.constant 112 : index
      %get3A_2619 = tpu.vector_load %arg12[%get3A_2617, %get3A_2618] {strides = array<i32>} : memref<96x128xf32, #tpu.memory_space<vmem>>, vector<16xf32>,
      %mul3A_2620 = arith.mulf %get3A_2619, %gather3A_2563 : vector<16xf32>
      %swap3A_2621 = arith.index_cast %add3A_2567 : i32 to index
      %swap3A_2622 = arith.constant 112 : index
      %swap3A_2623 = tpu.vector_load %arg12[%swap3A_2621, %swap3A_2622] {strides = array<i32>} : memref<96x128xf32, #tpu.memory_space<vmem>>, vector<16xf32>,
      tpu.vector_store %arg12[%swap3A_2621, %swap3A_2622], %mul3A_2620 {strides = array<i32>} : memref<96x128xf32, #tpu.memory_space<vmem>>, vector<16xf32>,
      %broadcast_in_dim3A_2624 = arith.constant 3 : i32
      %broadcast_in_dim3A_2625 = vector.broadcast %broadcast_in_dim3A_2624 : i32 to vector<16xi32>
      %broadcast_in_dim3A_2626 = vector.shape_cast %broadcast_in_dim3A_2625 : vector<16xi32> to vector<16x1xi32>
      %gather3A_2627 = vector.shape_cast %broadcast_in_dim3A_2626 : vector<16x1xi32> to vector<16xi32>
      %gather3A_2628 = tpu.dynamic_gather %exp3A_288[%gather3A_2627] in [0] : vector<16xf32>, vector<16xi32> -> vector<16xf32>
      %add3A_2629 = arith.constant 32 : i32
      %add3A_2630 = arith.addi %mul3A_112, %add3A_2629 : i32
      %add3A_2631 = arith.constant 3 : i32
      %add3A_2632 = arith.addi %add3A_2630, %add3A_2631 : i32
      %get3A_2633 = arith.index_cast %add3A_2632 : i32 to index
      %get3A_2634 = arith.constant 0 : index
      %get3A_2635 = tpu.vector_load %arg12[%get3A_2633, %get3A_2634] {strides = array<i32>} : memref<96x128xf32, #tpu.memory_space<vmem>>, vector<16xf32>,
      %mul3A_2636 = arith.mulf %get3A_2635, %gather3A_2628 : vector<16xf32>
      %swap3A_2637 = arith.index_cast %add3A_2632 : i32 to index
      %swap3A_2638 = arith.constant 0 : index
      %swap3A_2639 = tpu.vector_load %arg12[%swap3A_2637, %swap3A_2638] {strides = array<i32>} : memref<96x128xf32, #tpu.memory_space<vmem>>, vector<16xf32>,
      tpu.vector_store %arg12[%swap3A_2637, %swap3A_2638], %mul3A_2636 {strides = array<i32>} : memref<96x128xf32, #tpu.memory_space<vmem>>, vector<16xf32>,
      %get3A_2640 = arith.index_cast %add3A_2632 : i32 to index
      %get3A_2641 = arith.constant 16 : index
      %get3A_2642 = tpu.vector_load %arg12[%get3A_2640, %get3A_2641] {strides = array<i32>} : memref<96x128xf32, #tpu.memory_space<vmem>>, vector<16xf32>,
      %mul3A_2643 = arith.mulf %get3A_2642, %gather3A_2628 : vector<16xf32>
      %swap3A_2644 = arith.index_cast %add3A_2632 : i32 to index
      %swap3A_2645 = arith.constant 16 : index
      %swap3A_2646 = tpu.vector_load %arg12[%swap3A_2644, %swap3A_2645] {strides = array<i32>} : memref<96x128xf32, #tpu.memory_space<vmem>>, vector<16xf32>,
      tpu.vector_store %arg12[%swap3A_2644, %swap3A_2645], %mul3A_2643 {strides = array<i32>} : memref<96x128xf32, #tpu.memory_space<vmem>>, vector<16xf32>,
      %get3A_2647 = arith.index_cast %add3A_2632 : i32 to index
      %get3A_2648 = arith.constant 32 : index
      %get3A_2649 = tpu.vector_load %arg12[%get3A_2647, %get3A_2648] {strides = array<i32>} : memref<96x128xf32, #tpu.memory_space<vmem>>, vector<16xf32>,
      %mul3A_2650 = arith.mulf %get3A_2649, %gather3A_2628 : vector<16xf32>
      %swap3A_2651 = arith.index_cast %add3A_2632 : i32 to index
      %swap3A_2652 = arith.constant 32 : index
      %swap3A_2653 = tpu.vector_load %arg12[%swap3A_2651, %swap3A_2652] {strides = array<i32>} : memref<96x128xf32, #tpu.memory_space<vmem>>, vector<16xf32>,
      tpu.vector_store %arg12[%swap3A_2651, %swap3A_2652], %mul3A_2650 {strides = array<i32>} : memref<96x128xf32, #tpu.memory_space<vmem>>, vector<16xf32>,
      %get3A_2654 = arith.index_cast %add3A_2632 : i32 to index
      %get3A_2655 = arith.constant 48 : index
      %get3A_2656 = tpu.vector_load %arg12[%get3A_2654, %get3A_2655] {strides = array<i32>} : memref<96x128xf32, #tpu.memory_space<vmem>>, vector<16xf32>,
      %mul3A_2657 = arith.mulf %get3A_2656, %gather3A_2628 : vector<16xf32>
      %swap3A_2658 = arith.index_cast %add3A_2632 : i32 to index
      %swap3A_2659 = arith.constant 48 : index
      %swap3A_2660 = tpu.vector_load %arg12[%swap3A_2658, %swap3A_2659] {strides = array<i32>} : memref<96x128xf32, #tpu.memory_space<vmem>>, vector<16xf32>,
      tpu.vector_store %arg12[%swap3A_2658, %swap3A_2659], %mul3A_2657 {strides = array<i32>} : memref<96x128xf32, #tpu.memory_space<vmem>>, vector<16xf32>,
      %get3A_2661 = arith.index_cast %add3A_2632 : i32 to index
      %get3A_2662 = arith.constant 64 : index
      %get3A_2663 = tpu.vector_load %arg12[%get3A_2661, %get3A_2662] {strides = array<i32>} : memref<96x128xf32, #tpu.memory_space<vmem>>, vector<16xf32>,
      %mul3A_2664 = arith.mulf %get3A_2663, %gather3A_2628 : vector<16xf32>
      %swap3A_2665 = arith.index_cast %add3A_2632 : i32 to index
      %swap3A_2666 = arith.constant 64 : index
      %swap3A_2667 = tpu.vector_load %arg12[%swap3A_2665, %swap3A_2666] {strides = array<i32>} : memref<96x128xf32, #tpu.memory_space<vmem>>, vector<16xf32>,
      tpu.vector_store %arg12[%swap3A_2665, %swap3A_2666], %mul3A_2664 {strides = array<i32>} : memref<96x128xf32, #tpu.memory_space<vmem>>, vector<16xf32>,
      %get3A_2668 = arith.index_cast %add3A_2632 : i32 to index
      %get3A_2669 = arith.constant 80 : index
      %get3A_2670 = tpu.vector_load %arg12[%get3A_2668, %get3A_2669] {strides = array<i32>} : memref<96x128xf32, #tpu.memory_space<vmem>>, vector<16xf32>,
      %mul3A_2671 = arith.mulf %get3A_2670, %gather3A_2628 : vector<16xf32>
      %swap3A_2672 = arith.index_cast %add3A_2632 : i32 to index
      %swap3A_2673 = arith.constant 80 : index
      %swap3A_2674 = tpu.vector_load %arg12[%swap3A_2672, %swap3A_2673] {strides = array<i32>} : memref<96x128xf32, #tpu.memory_space<vmem>>, vector<16xf32>,
      tpu.vector_store %arg12[%swap3A_2672, %swap3A_2673], %mul3A_2671 {strides = array<i32>} : memref<96x128xf32, #tpu.memory_space<vmem>>, vector<16xf32>,
      %get3A_2675 = arith.index_cast %add3A_2632 : i32 to index
      %get3A_2676 = arith.constant 96 : index
      %get3A_2677 = tpu.vector_load %arg12[%get3A_2675, %get3A_2676] {strides = array<i32>} : memref<96x128xf32, #tpu.memory_space<vmem>>, vector<16xf32>,
      %mul3A_2678 = arith.mulf %get3A_2677, %gather3A_2628 : vector<16xf32>
      %swap3A_2679 = arith.index_cast %add3A_2632 : i32 to index
      %swap3A_2680 = arith.constant 96 : index
      %swap3A_2681 = tpu.vector_load %arg12[%swap3A_2679, %swap3A_2680] {strides = array<i32>} : memref<96x128xf32, #tpu.memory_space<vmem>>, vector<16xf32>,
      tpu.vector_store %arg12[%swap3A_2679, %swap3A_2680], %mul3A_2678 {strides = array<i32>} : memref<96x128xf32, #tpu.memory_space<vmem>>, vector<16xf32>,
      %get3A_2682 = arith.index_cast %add3A_2632 : i32 to index
      %get3A_2683 = arith.constant 112 : index
      %get3A_2684 = tpu.vector_load %arg12[%get3A_2682, %get3A_2683] {strides = array<i32>} : memref<96x128xf32, #tpu.memory_space<vmem>>, vector<16xf32>,
      %mul3A_2685 = arith.mulf %get3A_2684, %gather3A_2628 : vector<16xf32>
      %swap3A_2686 = arith.index_cast %add3A_2632 : i32 to index
      %swap3A_2687 = arith.constant 112 : index
      %swap3A_2688 = tpu.vector_load %arg12[%swap3A_2686, %swap3A_2687] {strides = array<i32>} : memref<96x128xf32, #tpu.memory_space<vmem>>, vector<16xf32>,
      tpu.vector_store %arg12[%swap3A_2686, %swap3A_2687], %mul3A_2685 {strides = array<i32>} : memref<96x128xf32, #tpu.memory_space<vmem>>, vector<16xf32>,
      %broadcast_in_dim3A_2689 = arith.constant 4 : i32
      %broadcast_in_dim3A_2690 = vector.broadcast %broadcast_in_dim3A_2689 : i32 to vector<16xi32>
      %broadcast_in_dim3A_2691 = vector.shape_cast %broadcast_in_dim3A_2690 : vector<16xi32> to vector<16x1xi32>
      %gather3A_2692 = vector.shape_cast %broadcast_in_dim3A_2691 : vector<16x1xi32> to vector<16xi32>
      %gather3A_2693 = tpu.dynamic_gather %exp3A_288[%gather3A_2692] in [0] : vector<16xf32>, vector<16xi32> -> vector<16xf32>
      %add3A_2694 = arith.constant 32 : i32
      %add3A_2695 = arith.addi %mul3A_112, %add3A_2694 : i32
      %add3A_2696 = arith.constant 4 : i32
      %add3A_2697 = arith.addi %add3A_2695, %add3A_2696 : i32
      %get3A_2698 = arith.index_cast %add3A_2697 : i32 to index
      %get3A_2699 = arith.constant 0 : index
      %get3A_2700 = tpu.vector_load %arg12[%get3A_2698, %get3A_2699] {strides = array<i32>} : memref<96x128xf32, #tpu.memory_space<vmem>>, vector<16xf32>,
      %mul3A_2701 = arith.mulf %get3A_2700, %gather3A_2693 : vector<16xf32>
      %swap3A_2702 = arith.index_cast %add3A_2697 : i32 to index
      %swap3A_2703 = arith.constant 0 : index
      %swap3A_2704 = tpu.vector_load %arg12[%swap3A_2702, %swap3A_2703] {strides = array<i32>} : memref<96x128xf32, #tpu.memory_space<vmem>>, vector<16xf32>,
      tpu.vector_store %arg12[%swap3A_2702, %swap3A_2703], %mul3A_2701 {strides = array<i32>} : memref<96x128xf32, #tpu.memory_space<vmem>>, vector<16xf32>,
      %get3A_2705 = arith.index_cast %add3A_2697 : i32 to index
      %get3A_2706 = arith.constant 16 : index
      %get3A_2707 = tpu.vector_load %arg12[%get3A_2705, %get3A_2706] {strides = array<i32>} : memref<96x128xf32, #tpu.memory_space<vmem>>, vector<16xf32>,
      %mul3A_2708 = arith.mulf %get3A_2707, %gather3A_2693 : vector<16xf32>
      %swap3A_2709 = arith.index_cast %add3A_2697 : i32 to index
      %swap3A_2710 = arith.constant 16 : index
      %swap3A_2711 = tpu.vector_load %arg12[%swap3A_2709, %swap3A_2710] {strides = array<i32>} : memref<96x128xf32, #tpu.memory_space<vmem>>, vector<16xf32>,
      tpu.vector_store %arg12[%swap3A_2709, %swap3A_2710], %mul3A_2708 {strides = array<i32>} : memref<96x128xf32, #tpu.memory_space<vmem>>, vector<16xf32>,
      %get3A_2712 = arith.index_cast %add3A_2697 : i32 to index
      %get3A_2713 = arith.constant 32 : index
      %get3A_2714 = tpu.vector_load %arg12[%get3A_2712, %get3A_2713] {strides = array<i32>} : memref<96x128xf32, #tpu.memory_space<vmem>>, vector<16xf32>,
      %mul3A_2715 = arith.mulf %get3A_2714, %gather3A_2693 : vector<16xf32>
      %swap3A_2716 = arith.index_cast %add3A_2697 : i32 to index
      %swap3A_2717 = arith.constant 32 : index
      %swap3A_2718 = tpu.vector_load %arg12[%swap3A_2716, %swap3A_2717] {strides = array<i32>} : memref<96x128xf32, #tpu.memory_space<vmem>>, vector<16xf32>,
      tpu.vector_store %arg12[%swap3A_2716, %swap3A_2717], %mul3A_2715 {strides = array<i32>} : memref<96x128xf32, #tpu.memory_space<vmem>>, vector<16xf32>,
      %get3A_2719 = arith.index_cast %add3A_2697 : i32 to index
      %get3A_2720 = arith.constant 48 : index
      %get3A_2721 = tpu.vector_load %arg12[%get3A_2719, %get3A_2720] {strides = array<i32>} : memref<96x128xf32, #tpu.memory_space<vmem>>, vector<16xf32>,
      %mul3A_2722 = arith.mulf %get3A_2721, %gather3A_2693 : vector<16xf32>
      %swap3A_2723 = arith.index_cast %add3A_2697 : i32 to index
      %swap3A_2724 = arith.constant 48 : index
      %swap3A_2725 = tpu.vector_load %arg12[%swap3A_2723, %swap3A_2724] {strides = array<i32>} : memref<96x128xf32, #tpu.memory_space<vmem>>, vector<16xf32>,
      tpu.vector_store %arg12[%swap3A_2723, %swap3A_2724], %mul3A_2722 {strides = array<i32>} : memref<96x128xf32, #tpu.memory_space<vmem>>, vector<16xf32>,
      %get3A_2726 = arith.index_cast %add3A_2697 : i32 to index
      %get3A_2727 = arith.constant 64 : index
      %get3A_2728 = tpu.vector_load %arg12[%get3A_2726, %get3A_2727] {strides = array<i32>} : memref<96x128xf32, #tpu.memory_space<vmem>>, vector<16xf32>,
      %mul3A_2729 = arith.mulf %get3A_2728, %gather3A_2693 : vector<16xf32>
      %swap3A_2730 = arith.index_cast %add3A_2697 : i32 to index
      %swap3A_2731 = arith.constant 64 : index
      %swap3A_2732 = tpu.vector_load %arg12[%swap3A_2730, %swap3A_2731] {strides = array<i32>} : memref<96x128xf32, #tpu.memory_space<vmem>>, vector<16xf32>,
      tpu.vector_store %arg12[%swap3A_2730, %swap3A_2731], %mul3A_2729 {strides = array<i32>} : memref<96x128xf32, #tpu.memory_space<vmem>>, vector<16xf32>,
      %get3A_2733 = arith.index_cast %add3A_2697 : i32 to index
      %get3A_2734 = arith.constant 80 : index
      %get3A_2735 = tpu.vector_load %arg12[%get3A_2733, %get3A_2734] {strides = array<i32>} : memref<96x128xf32, #tpu.memory_space<vmem>>, vector<16xf32>,
      %mul3A_2736 = arith.mulf %get3A_2735, %gather3A_2693 : vector<16xf32>
      %swap3A_2737 = arith.index_cast %add3A_2697 : i32 to index
      %swap3A_2738 = arith.constant 80 : index
      %swap3A_2739 = tpu.vector_load %arg12[%swap3A_2737, %swap3A_2738] {strides = array<i32>} : memref<96x128xf32, #tpu.memory_space<vmem>>, vector<16xf32>,
      tpu.vector_store %arg12[%swap3A_2737, %swap3A_2738], %mul3A_2736 {strides = array<i32>} : memref<96x128xf32, #tpu.memory_space<vmem>>, vector<16xf32>,
      %get3A_2740 = arith.index_cast %add3A_2697 : i32 to index
      %get3A_2741 = arith.constant 96 : index
      %get3A_2742 = tpu.vector_load %arg12[%get3A_2740, %get3A_2741] {strides = array<i32>} : memref<96x128xf32, #tpu.memory_space<vmem>>, vector<16xf32>,
      %mul3A_2743 = arith.mulf %get3A_2742, %gather3A_2693 : vector<16xf32>
      %swap3A_2744 = arith.index_cast %add3A_2697 : i32 to index
      %swap3A_2745 = arith.constant 96 : index
      %swap3A_2746 = tpu.vector_load %arg12[%swap3A_2744, %swap3A_2745] {strides = array<i32>} : memref<96x128xf32, #tpu.memory_space<vmem>>, vector<16xf32>,
      tpu.vector_store %arg12[%swap3A_2744, %swap3A_2745], %mul3A_2743 {strides = array<i32>} : memref<96x128xf32, #tpu.memory_space<vmem>>, vector<16xf32>,
      %get3A_2747 = arith.index_cast %add3A_2697 : i32 to index
      %get3A_2748 = arith.constant 112 : index
      %get3A_2749 = tpu.vector_load %arg12[%get3A_2747, %get3A_2748] {strides = array<i32>} : memref<96x128xf32, #tpu.memory_space<vmem>>, vector<16xf32>,
      %mul3A_2750 = arith.mulf %get3A_2749, %gather3A_2693 : vector<16xf32>
      %swap3A_2751 = arith.index_cast %add3A_2697 : i32 to index
      %swap3A_2752 = arith.constant 112 : index
      %swap3A_2753 = tpu.vector_load %arg12[%swap3A_2751, %swap3A_2752] {strides = array<i32>} : memref<96x128xf32, #tpu.memory_space<vmem>>, vector<16xf32>,
      tpu.vector_store %arg12[%swap3A_2751, %swap3A_2752], %mul3A_2750 {strides = array<i32>} : memref<96x128xf32, #tpu.memory_space<vmem>>, vector<16xf32>,
      %broadcast_in_dim3A_2754 = arith.constant 5 : i32
      %broadcast_in_dim3A_2755 = vector.broadcast %broadcast_in_dim3A_2754 : i32 to vector<16xi32>
      %broadcast_in_dim3A_2756 = vector.shape_cast %broadcast_in_dim3A_2755 : vector<16xi32> to vector<16x1xi32>
      %gather3A_2757 = vector.shape_cast %broadcast_in_dim3A_2756 : vector<16x1xi32> to vector<16xi32>
      %gather3A_2758 = tpu.dynamic_gather %exp3A_288[%gather3A_2757] in [0] : vector<16xf32>, vector<16xi32> -> vector<16xf32>
      %add3A_2759 = arith.constant 32 : i32
      %add3A_2760 = arith.addi %mul3A_112, %add3A_2759 : i32
      %add3A_2761 = arith.constant 5 : i32
      %add3A_2762 = arith.addi %add3A_2760, %add3A_2761 : i32
      %get3A_2763 = arith.index_cast %add3A_2762 : i32 to index
      %get3A_2764 = arith.constant 0 : index
      %get3A_2765 = tpu.vector_load %arg12[%get3A_2763, %get3A_2764] {strides = array<i32>} : memref<96x128xf32, #tpu.memory_space<vmem>>, vector<16xf32>,
      %mul3A_2766 = arith.mulf %get3A_2765, %gather3A_2758 : vector<16xf32>
      %swap3A_2767 = arith.index_cast %add3A_2762 : i32 to index
      %swap3A_2768 = arith.constant 0 : index
      %swap3A_2769 = tpu.vector_load %arg12[%swap3A_2767, %swap3A_2768] {strides = array<i32>} : memref<96x128xf32, #tpu.memory_space<vmem>>, vector<16xf32>,
      tpu.vector_store %arg12[%swap3A_2767, %swap3A_2768], %mul3A_2766 {strides = array<i32>} : memref<96x128xf32, #tpu.memory_space<vmem>>, vector<16xf32>,
      %get3A_2770 = arith.index_cast %add3A_2762 : i32 to index
      %get3A_2771 = arith.constant 16 : index
      %get3A_2772 = tpu.vector_load %arg12[%get3A_2770, %get3A_2771] {strides = array<i32>} : memref<96x128xf32, #tpu.memory_space<vmem>>, vector<16xf32>,
      %mul3A_2773 = arith.mulf %get3A_2772, %gather3A_2758 : vector<16xf32>
      %swap3A_2774 = arith.index_cast %add3A_2762 : i32 to index
      %swap3A_2775 = arith.constant 16 : index
      %swap3A_2776 = tpu.vector_load %arg12[%swap3A_2774, %swap3A_2775] {strides = array<i32>} : memref<96x128xf32, #tpu.memory_space<vmem>>, vector<16xf32>,
      tpu.vector_store %arg12[%swap3A_2774, %swap3A_2775], %mul3A_2773 {strides = array<i32>} : memref<96x128xf32, #tpu.memory_space<vmem>>, vector<16xf32>,
      %get3A_2777 = arith.index_cast %add3A_2762 : i32 to index
      %get3A_2778 = arith.constant 32 : index
      %get3A_2779 = tpu.vector_load %arg12[%get3A_2777, %get3A_2778] {strides = array<i32>} : memref<96x128xf32, #tpu.memory_space<vmem>>, vector<16xf32>,
      %mul3A_2780 = arith.mulf %get3A_2779, %gather3A_2758 : vector<16xf32>
      %swap3A_2781 = arith.index_cast %add3A_2762 : i32 to index
      %swap3A_2782 = arith.constant 32 : index
      %swap3A_2783 = tpu.vector_load %arg12[%swap3A_2781, %swap3A_2782] {strides = array<i32>} : memref<96x128xf32, #tpu.memory_space<vmem>>, vector<16xf32>,
      tpu.vector_store %arg12[%swap3A_2781, %swap3A_2782], %mul3A_2780 {strides = array<i32>} : memref<96x128xf32, #tpu.memory_space<vmem>>, vector<16xf32>,
      %get3A_2784 = arith.index_cast %add3A_2762 : i32 to index
      %get3A_2785 = arith.constant 48 : index
      %get3A_2786 = tpu.vector_load %arg12[%get3A_2784, %get3A_2785] {strides = array<i32>} : memref<96x128xf32, #tpu.memory_space<vmem>>, vector<16xf32>,
      %mul3A_2787 = arith.mulf %get3A_2786, %gather3A_2758 : vector<16xf32>
      %swap3A_2788 = arith.index_cast %add3A_2762 : i32 to index
      %swap3A_2789 = arith.constant 48 : index
      %swap3A_2790 = tpu.vector_load %arg12[%swap3A_2788, %swap3A_2789] {strides = array<i32>} : memref<96x128xf32, #tpu.memory_space<vmem>>, vector<16xf32>,
      tpu.vector_store %arg12[%swap3A_2788, %swap3A_2789], %mul3A_2787 {strides = array<i32>} : memref<96x128xf32, #tpu.memory_space<vmem>>, vector<16xf32>,
      %get3A_2791 = arith.index_cast %add3A_2762 : i32 to index
      %get3A_2792 = arith.constant 64 : index
      %get3A_2793 = tpu.vector_load %arg12[%get3A_2791, %get3A_2792] {strides = array<i32>} : memref<96x128xf32, #tpu.memory_space<vmem>>, vector<16xf32>,
      %mul3A_2794 = arith.mulf %get3A_2793, %gather3A_2758 : vector<16xf32>
      %swap3A_2795 = arith.index_cast %add3A_2762 : i32 to index
      %swap3A_2796 = arith.constant 64 : index
      %swap3A_2797 = tpu.vector_load %arg12[%swap3A_2795, %swap3A_2796] {strides = array<i32>} : memref<96x128xf32, #tpu.memory_space<vmem>>, vector<16xf32>,
      tpu.vector_store %arg12[%swap3A_2795, %swap3A_2796], %mul3A_2794 {strides = array<i32>} : memref<96x128xf32, #tpu.memory_space<vmem>>, vector<16xf32>,
      %get3A_2798 = arith.index_cast %add3A_2762 : i32 to index
      %get3A_2799 = arith.constant 80 : index
      %get3A_2800 = tpu.vector_load %arg12[%get3A_2798, %get3A_2799] {strides = array<i32>} : memref<96x128xf32, #tpu.memory_space<vmem>>, vector<16xf32>,
      %mul3A_2801 = arith.mulf %get3A_2800, %gather3A_2758 : vector<16xf32>
      %swap3A_2802 = arith.index_cast %add3A_2762 : i32 to index
      %swap3A_2803 = arith.constant 80 : index
      %swap3A_2804 = tpu.vector_load %arg12[%swap3A_2802, %swap3A_2803] {strides = array<i32>} : memref<96x128xf32, #tpu.memory_space<vmem>>, vector<16xf32>,
      tpu.vector_store %arg12[%swap3A_2802, %swap3A_2803], %mul3A_2801 {strides = array<i32>} : memref<96x128xf32, #tpu.memory_space<vmem>>, vector<16xf32>,
      %get3A_2805 = arith.index_cast %add3A_2762 : i32 to index
      %get3A_2806 = arith.constant 96 : index
      %get3A_2807 = tpu.vector_load %arg12[%get3A_2805, %get3A_2806] {strides = array<i32>} : memref<96x128xf32, #tpu.memory_space<vmem>>, vector<16xf32>,
      %mul3A_2808 = arith.mulf %get3A_2807, %gather3A_2758 : vector<16xf32>
      %swap3A_2809 = arith.index_cast %add3A_2762 : i32 to index
      %swap3A_2810 = arith.constant 96 : index
      %swap3A_2811 = tpu.vector_load %arg12[%swap3A_2809, %swap3A_2810] {strides = array<i32>} : memref<96x128xf32, #tpu.memory_space<vmem>>, vector<16xf32>,
      tpu.vector_store %arg12[%swap3A_2809, %swap3A_2810], %mul3A_2808 {strides = array<i32>} : memref<96x128xf32, #tpu.memory_space<vmem>>, vector<16xf32>,
      %get3A_2812 = arith.index_cast %add3A_2762 : i32 to index
      %get3A_2813 = arith.constant 112 : index
      %get3A_2814 = tpu.vector_load %arg12[%get3A_2812, %get3A_2813] {strides = array<i32>} : memref<96x128xf32, #tpu.memory_space<vmem>>, vector<16xf32>,
      %mul3A_2815 = arith.mulf %get3A_2814, %gather3A_2758 : vector<16xf32>
      %swap3A_2816 = arith.index_cast %add3A_2762 : i32 to index
      %swap3A_2817 = arith.constant 112 : index
      %swap3A_2818 = tpu.vector_load %arg12[%swap3A_2816, %swap3A_2817] {strides = array<i32>} : memref<96x128xf32, #tpu.memory_space<vmem>>, vector<16xf32>,
      tpu.vector_store %arg12[%swap3A_2816, %swap3A_2817], %mul3A_2815 {strides = array<i32>} : memref<96x128xf32, #tpu.memory_space<vmem>>, vector<16xf32>,
      %broadcast_in_dim3A_2819 = arith.constant 6 : i32
      %broadcast_in_dim3A_2820 = vector.broadcast %broadcast_in_dim3A_2819 : i32 to vector<16xi32>
      %broadcast_in_dim3A_2821 = vector.shape_cast %broadcast_in_dim3A_2820 : vector<16xi32> to vector<16x1xi32>
      %gather3A_2822 = vector.shape_cast %broadcast_in_dim3A_2821 : vector<16x1xi32> to vector<16xi32>
      %gather3A_2823 = tpu.dynamic_gather %exp3A_288[%gather3A_2822] in [0] : vector<16xf32>, vector<16xi32> -> vector<16xf32>
      %add3A_2824 = arith.constant 32 : i32
      %add3A_2825 = arith.addi %mul3A_112, %add3A_2824 : i32
      %add3A_2826 = arith.constant 6 : i32
      %add3A_2827 = arith.addi %add3A_2825, %add3A_2826 : i32
      %get3A_2828 = arith.index_cast %add3A_2827 : i32 to index
      %get3A_2829 = arith.constant 0 : index
      %get3A_2830 = tpu.vector_load %arg12[%get3A_2828, %get3A_2829] {strides = array<i32>} : memref<96x128xf32, #tpu.memory_space<vmem>>, vector<16xf32>,
      %mul3A_2831 = arith.mulf %get3A_2830, %gather3A_2823 : vector<16xf32>
      %swap3A_2832 = arith.index_cast %add3A_2827 : i32 to index
      %swap3A_2833 = arith.constant 0 : index
      %swap3A_2834 = tpu.vector_load %arg12[%swap3A_2832, %swap3A_2833] {strides = array<i32>} : memref<96x128xf32, #tpu.memory_space<vmem>>, vector<16xf32>,
      tpu.vector_store %arg12[%swap3A_2832, %swap3A_2833], %mul3A_2831 {strides = array<i32>} : memref<96x128xf32, #tpu.memory_space<vmem>>, vector<16xf32>,
      %get3A_2835 = arith.index_cast %add3A_2827 : i32 to index
      %get3A_2836 = arith.constant 16 : index
      %get3A_2837 = tpu.vector_load %arg12[%get3A_2835, %get3A_2836] {strides = array<i32>} : memref<96x128xf32, #tpu.memory_space<vmem>>, vector<16xf32>,
      %mul3A_2838 = arith.mulf %get3A_2837, %gather3A_2823 : vector<16xf32>
      %swap3A_2839 = arith.index_cast %add3A_2827 : i32 to index
      %swap3A_2840 = arith.constant 16 : index
      %swap3A_2841 = tpu.vector_load %arg12[%swap3A_2839, %swap3A_2840] {strides = array<i32>} : memref<96x128xf32, #tpu.memory_space<vmem>>, vector<16xf32>,
      tpu.vector_store %arg12[%swap3A_2839, %swap3A_2840], %mul3A_2838 {strides = array<i32>} : memref<96x128xf32, #tpu.memory_space<vmem>>, vector<16xf32>,
      %get3A_2842 = arith.index_cast %add3A_2827 : i32 to index
      %get3A_2843 = arith.constant 32 : index
      %get3A_2844 = tpu.vector_load %arg12[%get3A_2842, %get3A_2843] {strides = array<i32>} : memref<96x128xf32, #tpu.memory_space<vmem>>, vector<16xf32>,
      %mul3A_2845 = arith.mulf %get3A_2844, %gather3A_2823 : vector<16xf32>
      %swap3A_2846 = arith.index_cast %add3A_2827 : i32 to index
      %swap3A_2847 = arith.constant 32 : index
      %swap3A_2848 = tpu.vector_load %arg12[%swap3A_2846, %swap3A_2847] {strides = array<i32>} : memref<96x128xf32, #tpu.memory_space<vmem>>, vector<16xf32>,
      tpu.vector_store %arg12[%swap3A_2846, %swap3A_2847], %mul3A_2845 {strides = array<i32>} : memref<96x128xf32, #tpu.memory_space<vmem>>, vector<16xf32>,
      %get3A_2849 = arith.index_cast %add3A_2827 : i32 to index
      %get3A_2850 = arith.constant 48 : index
      %get3A_2851 = tpu.vector_load %arg12[%get3A_2849, %get3A_2850] {strides = array<i32>} : memref<96x128xf32, #tpu.memory_space<vmem>>, vector<16xf32>,
      %mul3A_2852 = arith.mulf %get3A_2851, %gather3A_2823 : vector<16xf32>
      %swap3A_2853 = arith.index_cast %add3A_2827 : i32 to index
      %swap3A_2854 = arith.constant 48 : index
      %swap3A_2855 = tpu.vector_load %arg12[%swap3A_2853, %swap3A_2854] {strides = array<i32>} : memref<96x128xf32, #tpu.memory_space<vmem>>, vector<16xf32>,
      tpu.vector_store %arg12[%swap3A_2853, %swap3A_2854], %mul3A_2852 {strides = array<i32>} : memref<96x128xf32, #tpu.memory_space<vmem>>, vector<16xf32>,
      %get3A_2856 = arith.index_cast %add3A_2827 : i32 to index
      %get3A_2857 = arith.constant 64 : index
      %get3A_2858 = tpu.vector_load %arg12[%get3A_2856, %get3A_2857] {strides = array<i32>} : memref<96x128xf32, #tpu.memory_space<vmem>>, vector<16xf32>,
      %mul3A_2859 = arith.mulf %get3A_2858, %gather3A_2823 : vector<16xf32>
      %swap3A_2860 = arith.index_cast %add3A_2827 : i32 to index
      %swap3A_2861 = arith.constant 64 : index
      %swap3A_2862 = tpu.vector_load %arg12[%swap3A_2860, %swap3A_2861] {strides = array<i32>} : memref<96x128xf32, #tpu.memory_space<vmem>>, vector<16xf32>,
      tpu.vector_store %arg12[%swap3A_2860, %swap3A_2861], %mul3A_2859 {strides = array<i32>} : memref<96x128xf32, #tpu.memory_space<vmem>>, vector<16xf32>,
      %get3A_2863 = arith.index_cast %add3A_2827 : i32 to index
      %get3A_2864 = arith.constant 80 : index
      %get3A_2865 = tpu.vector_load %arg12[%get3A_2863, %get3A_2864] {strides = array<i32>} : memref<96x128xf32, #tpu.memory_space<vmem>>, vector<16xf32>,
      %mul3A_2866 = arith.mulf %get3A_2865, %gather3A_2823 : vector<16xf32>
      %swap3A_2867 = arith.index_cast %add3A_2827 : i32 to index
      %swap3A_2868 = arith.constant 80 : index
      %swap3A_2869 = tpu.vector_load %arg12[%swap3A_2867, %swap3A_2868] {strides = array<i32>} : memref<96x128xf32, #tpu.memory_space<vmem>>, vector<16xf32>,
      tpu.vector_store %arg12[%swap3A_2867, %swap3A_2868], %mul3A_2866 {strides = array<i32>} : memref<96x128xf32, #tpu.memory_space<vmem>>, vector<16xf32>,
      %get3A_2870 = arith.index_cast %add3A_2827 : i32 to index
      %get3A_2871 = arith.constant 96 : index
      %get3A_2872 = tpu.vector_load %arg12[%get3A_2870, %get3A_2871] {strides = array<i32>} : memref<96x128xf32, #tpu.memory_space<vmem>>, vector<16xf32>,
      %mul3A_2873 = arith.mulf %get3A_2872, %gather3A_2823 : vector<16xf32>
      %swap3A_2874 = arith.index_cast %add3A_2827 : i32 to index
      %swap3A_2875 = arith.constant 96 : index
      %swap3A_2876 = tpu.vector_load %arg12[%swap3A_2874, %swap3A_2875] {strides = array<i32>} : memref<96x128xf32, #tpu.memory_space<vmem>>, vector<16xf32>,
      tpu.vector_store %arg12[%swap3A_2874, %swap3A_2875], %mul3A_2873 {strides = array<i32>} : memref<96x128xf32, #tpu.memory_space<vmem>>, vector<16xf32>,
      %get3A_2877 = arith.index_cast %add3A_2827 : i32 to index
      %get3A_2878 = arith.constant 112 : index
      %get3A_2879 = tpu.vector_load %arg12[%get3A_2877, %get3A_2878] {strides = array<i32>} : memref<96x128xf32, #tpu.memory_space<vmem>>, vector<16xf32>,
      %mul3A_2880 = arith.mulf %get3A_2879, %gather3A_2823 : vector<16xf32>
      %swap3A_2881 = arith.index_cast %add3A_2827 : i32 to index
      %swap3A_2882 = arith.constant 112 : index
      %swap3A_2883 = tpu.vector_load %arg12[%swap3A_2881, %swap3A_2882] {strides = array<i32>} : memref<96x128xf32, #tpu.memory_space<vmem>>, vector<16xf32>,
      tpu.vector_store %arg12[%swap3A_2881, %swap3A_2882], %mul3A_2880 {strides = array<i32>} : memref<96x128xf32, #tpu.memory_space<vmem>>, vector<16xf32>,
      %broadcast_in_dim3A_2884 = arith.constant 7 : i32
      %broadcast_in_dim3A_2885 = vector.broadcast %broadcast_in_dim3A_2884 : i32 to vector<16xi32>
      %broadcast_in_dim3A_2886 = vector.shape_cast %broadcast_in_dim3A_2885 : vector<16xi32> to vector<16x1xi32>
      %gather3A_2887 = vector.shape_cast %broadcast_in_dim3A_2886 : vector<16x1xi32> to vector<16xi32>
      %gather3A_2888 = tpu.dynamic_gather %exp3A_288[%gather3A_2887] in [0] : vector<16xf32>, vector<16xi32> -> vector<16xf32>
      %add3A_2889 = arith.constant 32 : i32
      %add3A_2890 = arith.addi %mul3A_112, %add3A_2889 : i32
      %add3A_2891 = arith.constant 7 : i32
      %add3A_2892 = arith.addi %add3A_2890, %add3A_2891 : i32
      %get3A_2893 = arith.index_cast %add3A_2892 : i32 to index
      %get3A_2894 = arith.constant 0 : index
      %get3A_2895 = tpu.vector_load %arg12[%get3A_2893, %get3A_2894] {strides = array<i32>} : memref<96x128xf32, #tpu.memory_space<vmem>>, vector<16xf32>,
      %mul3A_2896 = arith.mulf %get3A_2895, %gather3A_2888 : vector<16xf32>
      %swap3A_2897 = arith.index_cast %add3A_2892 : i32 to index
      %swap3A_2898 = arith.constant 0 : index
      %swap3A_2899 = tpu.vector_load %arg12[%swap3A_2897, %swap3A_2898] {strides = array<i32>} : memref<96x128xf32, #tpu.memory_space<vmem>>, vector<16xf32>,
      tpu.vector_store %arg12[%swap3A_2897, %swap3A_2898], %mul3A_2896 {strides = array<i32>} : memref<96x128xf32, #tpu.memory_space<vmem>>, vector<16xf32>,
      %get3A_2900 = arith.index_cast %add3A_2892 : i32 to index
      %get3A_2901 = arith.constant 16 : index
      %get3A_2902 = tpu.vector_load %arg12[%get3A_2900, %get3A_2901] {strides = array<i32>} : memref<96x128xf32, #tpu.memory_space<vmem>>, vector<16xf32>,
      %mul3A_2903 = arith.mulf %get3A_2902, %gather3A_2888 : vector<16xf32>
      %swap3A_2904 = arith.index_cast %add3A_2892 : i32 to index
      %swap3A_2905 = arith.constant 16 : index
      %swap3A_2906 = tpu.vector_load %arg12[%swap3A_2904, %swap3A_2905] {strides = array<i32>} : memref<96x128xf32, #tpu.memory_space<vmem>>, vector<16xf32>,
      tpu.vector_store %arg12[%swap3A_2904, %swap3A_2905], %mul3A_2903 {strides = array<i32>} : memref<96x128xf32, #tpu.memory_space<vmem>>, vector<16xf32>,
      %get3A_2907 = arith.index_cast %add3A_2892 : i32 to index
      %get3A_2908 = arith.constant 32 : index
      %get3A_2909 = tpu.vector_load %arg12[%get3A_2907, %get3A_2908] {strides = array<i32>} : memref<96x128xf32, #tpu.memory_space<vmem>>, vector<16xf32>,
      %mul3A_2910 = arith.mulf %get3A_2909, %gather3A_2888 : vector<16xf32>
      %swap3A_2911 = arith.index_cast %add3A_2892 : i32 to index
      %swap3A_2912 = arith.constant 32 : index
      %swap3A_2913 = tpu.vector_load %arg12[%swap3A_2911, %swap3A_2912] {strides = array<i32>} : memref<96x128xf32, #tpu.memory_space<vmem>>, vector<16xf32>,
      tpu.vector_store %arg12[%swap3A_2911, %swap3A_2912], %mul3A_2910 {strides = array<i32>} : memref<96x128xf32, #tpu.memory_space<vmem>>, vector<16xf32>,
      %get3A_2914 = arith.index_cast %add3A_2892 : i32 to index
      %get3A_2915 = arith.constant 48 : index
      %get3A_2916 = tpu.vector_load %arg12[%get3A_2914, %get3A_2915] {strides = array<i32>} : memref<96x128xf32, #tpu.memory_space<vmem>>, vector<16xf32>,
      %mul3A_2917 = arith.mulf %get3A_2916, %gather3A_2888 : vector<16xf32>
      %swap3A_2918 = arith.index_cast %add3A_2892 : i32 to index
      %swap3A_2919 = arith.constant 48 : index
      %swap3A_2920 = tpu.vector_load %arg12[%swap3A_2918, %swap3A_2919] {strides = array<i32>} : memref<96x128xf32, #tpu.memory_space<vmem>>, vector<16xf32>,
      tpu.vector_store %arg12[%swap3A_2918, %swap3A_2919], %mul3A_2917 {strides = array<i32>} : memref<96x128xf32, #tpu.memory_space<vmem>>, vector<16xf32>,
      %get3A_2921 = arith.index_cast %add3A_2892 : i32 to index
      %get3A_2922 = arith.constant 64 : index
      %get3A_2923 = tpu.vector_load %arg12[%get3A_2921, %get3A_2922] {strides = array<i32>} : memref<96x128xf32, #tpu.memory_space<vmem>>, vector<16xf32>,
      %mul3A_2924 = arith.mulf %get3A_2923, %gather3A_2888 : vector<16xf32>
      %swap3A_2925 = arith.index_cast %add3A_2892 : i32 to index
      %swap3A_2926 = arith.constant 64 : index
      %swap3A_2927 = tpu.vector_load %arg12[%swap3A_2925, %swap3A_2926] {strides = array<i32>} : memref<96x128xf32, #tpu.memory_space<vmem>>, vector<16xf32>,
      tpu.vector_store %arg12[%swap3A_2925, %swap3A_2926], %mul3A_2924 {strides = array<i32>} : memref<96x128xf32, #tpu.memory_space<vmem>>, vector<16xf32>,
      %get3A_2928 = arith.index_cast %add3A_2892 : i32 to index
      %get3A_2929 = arith.constant 80 : index
      %get3A_2930 = tpu.vector_load %arg12[%get3A_2928, %get3A_2929] {strides = array<i32>} : memref<96x128xf32, #tpu.memory_space<vmem>>, vector<16xf32>,
      %mul3A_2931 = arith.mulf %get3A_2930, %gather3A_2888 : vector<16xf32>
      %swap3A_2932 = arith.index_cast %add3A_2892 : i32 to index
      %swap3A_2933 = arith.constant 80 : index
      %swap3A_2934 = tpu.vector_load %arg12[%swap3A_2932, %swap3A_2933] {strides = array<i32>} : memref<96x128xf32, #tpu.memory_space<vmem>>, vector<16xf32>,
      tpu.vector_store %arg12[%swap3A_2932, %swap3A_2933], %mul3A_2931 {strides = array<i32>} : memref<96x128xf32, #tpu.memory_space<vmem>>, vector<16xf32>,
      %get3A_2935 = arith.index_cast %add3A_2892 : i32 to index
      %get3A_2936 = arith.constant 96 : index
      %get3A_2937 = tpu.vector_load %arg12[%get3A_2935, %get3A_2936] {strides = array<i32>} : memref<96x128xf32, #tpu.memory_space<vmem>>, vector<16xf32>,
      %mul3A_2938 = arith.mulf %get3A_2937, %gather3A_2888 : vector<16xf32>
      %swap3A_2939 = arith.index_cast %add3A_2892 : i32 to index
      %swap3A_2940 = arith.constant 96 : index
      %swap3A_2941 = tpu.vector_load %arg12[%swap3A_2939, %swap3A_2940] {strides = array<i32>} : memref<96x128xf32, #tpu.memory_space<vmem>>, vector<16xf32>,
      tpu.vector_store %arg12[%swap3A_2939, %swap3A_2940], %mul3A_2938 {strides = array<i32>} : memref<96x128xf32, #tpu.memory_space<vmem>>, vector<16xf32>,
      %get3A_2942 = arith.index_cast %add3A_2892 : i32 to index
      %get3A_2943 = arith.constant 112 : index
      %get3A_2944 = tpu.vector_load %arg12[%get3A_2942, %get3A_2943] {strides = array<i32>} : memref<96x128xf32, #tpu.memory_space<vmem>>, vector<16xf32>,
      %mul3A_2945 = arith.mulf %get3A_2944, %gather3A_2888 : vector<16xf32>
      %swap3A_2946 = arith.index_cast %add3A_2892 : i32 to index
      %swap3A_2947 = arith.constant 112 : index
      %swap3A_2948 = tpu.vector_load %arg12[%swap3A_2946, %swap3A_2947] {strides = array<i32>} : memref<96x128xf32, #tpu.memory_space<vmem>>, vector<16xf32>,
      tpu.vector_store %arg12[%swap3A_2946, %swap3A_2947], %mul3A_2945 {strides = array<i32>} : memref<96x128xf32, #tpu.memory_space<vmem>>, vector<16xf32>,
      %broadcast_in_dim3A_2949 = arith.constant 8 : i32
      %broadcast_in_dim3A_2950 = vector.broadcast %broadcast_in_dim3A_2949 : i32 to vector<16xi32>
      %broadcast_in_dim3A_2951 = vector.shape_cast %broadcast_in_dim3A_2950 : vector<16xi32> to vector<16x1xi32>
      %gather3A_2952 = vector.shape_cast %broadcast_in_dim3A_2951 : vector<16x1xi32> to vector<16xi32>
      %gather3A_2953 = tpu.dynamic_gather %exp3A_288[%gather3A_2952] in [0] : vector<16xf32>, vector<16xi32> -> vector<16xf32>
      %add3A_2954 = arith.constant 32 : i32
      %add3A_2955 = arith.addi %mul3A_112, %add3A_2954 : i32
      %add3A_2956 = arith.constant 8 : i32
      %add3A_2957 = arith.addi %add3A_2955, %add3A_2956 : i32
      %get3A_2958 = arith.index_cast %add3A_2957 : i32 to index
      %get3A_2959 = arith.constant 0 : index
      %get3A_2960 = tpu.vector_load %arg12[%get3A_2958, %get3A_2959] {strides = array<i32>} : memref<96x128xf32, #tpu.memory_space<vmem>>, vector<16xf32>,
      %mul3A_2961 = arith.mulf %get3A_2960, %gather3A_2953 : vector<16xf32>
      %swap3A_2962 = arith.index_cast %add3A_2957 : i32 to index
      %swap3A_2963 = arith.constant 0 : index
      %swap3A_2964 = tpu.vector_load %arg12[%swap3A_2962, %swap3A_2963] {strides = array<i32>} : memref<96x128xf32, #tpu.memory_space<vmem>>, vector<16xf32>,
      tpu.vector_store %arg12[%swap3A_2962, %swap3A_2963], %mul3A_2961 {strides = array<i32>} : memref<96x128xf32, #tpu.memory_space<vmem>>, vector<16xf32>,
      %get3A_2965 = arith.index_cast %add3A_2957 : i32 to index
      %get3A_2966 = arith.constant 16 : index
      %get3A_2967 = tpu.vector_load %arg12[%get3A_2965, %get3A_2966] {strides = array<i32>} : memref<96x128xf32, #tpu.memory_space<vmem>>, vector<16xf32>,
      %mul3A_2968 = arith.mulf %get3A_2967, %gather3A_2953 : vector<16xf32>
      %swap3A_2969 = arith.index_cast %add3A_2957 : i32 to index
      %swap3A_2970 = arith.constant 16 : index
      %swap3A_2971 = tpu.vector_load %arg12[%swap3A_2969, %swap3A_2970] {strides = array<i32>} : memref<96x128xf32, #tpu.memory_space<vmem>>, vector<16xf32>,
      tpu.vector_store %arg12[%swap3A_2969, %swap3A_2970], %mul3A_2968 {strides = array<i32>} : memref<96x128xf32, #tpu.memory_space<vmem>>, vector<16xf32>,
      %get3A_2972 = arith.index_cast %add3A_2957 : i32 to index
      %get3A_2973 = arith.constant 32 : index
      %get3A_2974 = tpu.vector_load %arg12[%get3A_2972, %get3A_2973] {strides = array<i32>} : memref<96x128xf32, #tpu.memory_space<vmem>>, vector<16xf32>,
      %mul3A_2975 = arith.mulf %get3A_2974, %gather3A_2953 : vector<16xf32>
      %swap3A_2976 = arith.index_cast %add3A_2957 : i32 to index
      %swap3A_2977 = arith.constant 32 : index
      %swap3A_2978 = tpu.vector_load %arg12[%swap3A_2976, %swap3A_2977] {strides = array<i32>} : memref<96x128xf32, #tpu.memory_space<vmem>>, vector<16xf32>,
      tpu.vector_store %arg12[%swap3A_2976, %swap3A_2977], %mul3A_2975 {strides = array<i32>} : memref<96x128xf32, #tpu.memory_space<vmem>>, vector<16xf32>,
      %get3A_2979 = arith.index_cast %add3A_2957 : i32 to index
      %get3A_2980 = arith.constant 48 : index
      %get3A_2981 = tpu.vector_load %arg12[%get3A_2979, %get3A_2980] {strides = array<i32>} : memref<96x128xf32, #tpu.memory_space<vmem>>, vector<16xf32>,
      %mul3A_2982 = arith.mulf %get3A_2981, %gather3A_2953 : vector<16xf32>
      %swap3A_2983 = arith.index_cast %add3A_2957 : i32 to index
      %swap3A_2984 = arith.constant 48 : index
      %swap3A_2985 = tpu.vector_load %arg12[%swap3A_2983, %swap3A_2984] {strides = array<i32>} : memref<96x128xf32, #tpu.memory_space<vmem>>, vector<16xf32>,
      tpu.vector_store %arg12[%swap3A_2983, %swap3A_2984], %mul3A_2982 {strides = array<i32>} : memref<96x128xf32, #tpu.memory_space<vmem>>, vector<16xf32>,
      %get3A_2986 = arith.index_cast %add3A_2957 : i32 to index
      %get3A_2987 = arith.constant 64 : index
      %get3A_2988 = tpu.vector_load %arg12[%get3A_2986, %get3A_2987] {strides = array<i32>} : memref<96x128xf32, #tpu.memory_space<vmem>>, vector<16xf32>,
      %mul3A_2989 = arith.mulf %get3A_2988, %gather3A_2953 : vector<16xf32>
      %swap3A_2990 = arith.index_cast %add3A_2957 : i32 to index
      %swap3A_2991 = arith.constant 64 : index
      %swap3A_2992 = tpu.vector_load %arg12[%swap3A_2990, %swap3A_2991] {strides = array<i32>} : memref<96x128xf32, #tpu.memory_space<vmem>>, vector<16xf32>,
      tpu.vector_store %arg12[%swap3A_2990, %swap3A_2991], %mul3A_2989 {strides = array<i32>} : memref<96x128xf32, #tpu.memory_space<vmem>>, vector<16xf32>,
      %get3A_2993 = arith.index_cast %add3A_2957 : i32 to index
      %get3A_2994 = arith.constant 80 : index
      %get3A_2995 = tpu.vector_load %arg12[%get3A_2993, %get3A_2994] {strides = array<i32>} : memref<96x128xf32, #tpu.memory_space<vmem>>, vector<16xf32>,
      %mul3A_2996 = arith.mulf %get3A_2995, %gather3A_2953 : vector<16xf32>
      %swap3A_2997 = arith.index_cast %add3A_2957 : i32 to index
      %swap3A_2998 = arith.constant 80 : index
      %swap3A_2999 = tpu.vector_load %arg12[%swap3A_2997, %swap3A_2998] {strides = array<i32>} : memref<96x128xf32, #tpu.memory_space<vmem>>, vector<16xf32>,
      tpu.vector_store %arg12[%swap3A_2997, %swap3A_2998], %mul3A_2996 {strides = array<i32>} : memref<96x128xf32, #tpu.memory_space<vmem>>, vector<16xf32>,
      %get3A_3000 = arith.index_cast %add3A_2957 : i32 to index
      %get3A_3001 = arith.constant 96 : index
      %get3A_3002 = tpu.vector_load %arg12[%get3A_3000, %get3A_3001] {strides = array<i32>} : memref<96x128xf32, #tpu.memory_space<vmem>>, vector<16xf32>,
      %mul3A_3003 = arith.mulf %get3A_3002, %gather3A_2953 : vector<16xf32>
      %swap3A_3004 = arith.index_cast %add3A_2957 : i32 to index
      %swap3A_3005 = arith.constant 96 : index
      %swap3A_3006 = tpu.vector_load %arg12[%swap3A_3004, %swap3A_3005] {strides = array<i32>} : memref<96x128xf32, #tpu.memory_space<vmem>>, vector<16xf32>,
      tpu.vector_store %arg12[%swap3A_3004, %swap3A_3005], %mul3A_3003 {strides = array<i32>} : memref<96x128xf32, #tpu.memory_space<vmem>>, vector<16xf32>,
      %get3A_3007 = arith.index_cast %add3A_2957 : i32 to index
      %get3A_3008 = arith.constant 112 : index
      %get3A_3009 = tpu.vector_load %arg12[%get3A_3007, %get3A_3008] {strides = array<i32>} : memref<96x128xf32, #tpu.memory_space<vmem>>, vector<16xf32>,
      %mul3A_3010 = arith.mulf %get3A_3009, %gather3A_2953 : vector<16xf32>
      %swap3A_3011 = arith.index_cast %add3A_2957 : i32 to index
      %swap3A_3012 = arith.constant 112 : index
      %swap3A_3013 = tpu.vector_load %arg12[%swap3A_3011, %swap3A_3012] {strides = array<i32>} : memref<96x128xf32, #tpu.memory_space<vmem>>, vector<16xf32>,
      tpu.vector_store %arg12[%swap3A_3011, %swap3A_3012], %mul3A_3010 {strides = array<i32>} : memref<96x128xf32, #tpu.memory_space<vmem>>, vector<16xf32>,
      %broadcast_in_dim3A_3014 = arith.constant 9 : i32
      %broadcast_in_dim3A_3015 = vector.broadcast %broadcast_in_dim3A_3014 : i32 to vector<16xi32>
      %broadcast_in_dim3A_3016 = vector.shape_cast %broadcast_in_dim3A_3015 : vector<16xi32> to vector<16x1xi32>
      %gather3A_3017 = vector.shape_cast %broadcast_in_dim3A_3016 : vector<16x1xi32> to vector<16xi32>
      %gather3A_3018 = tpu.dynamic_gather %exp3A_288[%gather3A_3017] in [0] : vector<16xf32>, vector<16xi32> -> vector<16xf32>
      %add3A_3019 = arith.constant 32 : i32
      %add3A_3020 = arith.addi %mul3A_112, %add3A_3019 : i32
      %add3A_3021 = arith.constant 9 : i32
      %add3A_3022 = arith.addi %add3A_3020, %add3A_3021 : i32
      %get3A_3023 = arith.index_cast %add3A_3022 : i32 to index
      %get3A_3024 = arith.constant 0 : index
      %get3A_3025 = tpu.vector_load %arg12[%get3A_3023, %get3A_3024] {strides = array<i32>} : memref<96x128xf32, #tpu.memory_space<vmem>>, vector<16xf32>,
      %mul3A_3026 = arith.mulf %get3A_3025, %gather3A_3018 : vector<16xf32>
      %swap3A_3027 = arith.index_cast %add3A_3022 : i32 to index
      %swap3A_3028 = arith.constant 0 : index
      %swap3A_3029 = tpu.vector_load %arg12[%swap3A_3027, %swap3A_3028] {strides = array<i32>} : memref<96x128xf32, #tpu.memory_space<vmem>>, vector<16xf32>,
      tpu.vector_store %arg12[%swap3A_3027, %swap3A_3028], %mul3A_3026 {strides = array<i32>} : memref<96x128xf32, #tpu.memory_space<vmem>>, vector<16xf32>,
      %get3A_3030 = arith.index_cast %add3A_3022 : i32 to index
      %get3A_3031 = arith.constant 16 : index
      %get3A_3032 = tpu.vector_load %arg12[%get3A_3030, %get3A_3031] {strides = array<i32>} : memref<96x128xf32, #tpu.memory_space<vmem>>, vector<16xf32>,
      %mul3A_3033 = arith.mulf %get3A_3032, %gather3A_3018 : vector<16xf32>
      %swap3A_3034 = arith.index_cast %add3A_3022 : i32 to index
      %swap3A_3035 = arith.constant 16 : index
      %swap3A_3036 = tpu.vector_load %arg12[%swap3A_3034, %swap3A_3035] {strides = array<i32>} : memref<96x128xf32, #tpu.memory_space<vmem>>, vector<16xf32>,
      tpu.vector_store %arg12[%swap3A_3034, %swap3A_3035], %mul3A_3033 {strides = array<i32>} : memref<96x128xf32, #tpu.memory_space<vmem>>, vector<16xf32>,
      %get3A_3037 = arith.index_cast %add3A_3022 : i32 to index
      %get3A_3038 = arith.constant 32 : index
      %get3A_3039 = tpu.vector_load %arg12[%get3A_3037, %get3A_3038] {strides = array<i32>} : memref<96x128xf32, #tpu.memory_space<vmem>>, vector<16xf32>,
      %mul3A_3040 = arith.mulf %get3A_3039, %gather3A_3018 : vector<16xf32>
      %swap3A_3041 = arith.index_cast %add3A_3022 : i32 to index
      %swap3A_3042 = arith.constant 32 : index
      %swap3A_3043 = tpu.vector_load %arg12[%swap3A_3041, %swap3A_3042] {strides = array<i32>} : memref<96x128xf32, #tpu.memory_space<vmem>>, vector<16xf32>,
      tpu.vector_store %arg12[%swap3A_3041, %swap3A_3042], %mul3A_3040 {strides = array<i32>} : memref<96x128xf32, #tpu.memory_space<vmem>>, vector<16xf32>,
      %get3A_3044 = arith.index_cast %add3A_3022 : i32 to index
      %get3A_3045 = arith.constant 48 : index
      %get3A_3046 = tpu.vector_load %arg12[%get3A_3044, %get3A_3045] {strides = array<i32>} : memref<96x128xf32, #tpu.memory_space<vmem>>, vector<16xf32>,
      %mul3A_3047 = arith.mulf %get3A_3046, %gather3A_3018 : vector<16xf32>
      %swap3A_3048 = arith.index_cast %add3A_3022 : i32 to index
      %swap3A_3049 = arith.constant 48 : index
      %swap3A_3050 = tpu.vector_load %arg12[%swap3A_3048, %swap3A_3049] {strides = array<i32>} : memref<96x128xf32, #tpu.memory_space<vmem>>, vector<16xf32>,
      tpu.vector_store %arg12[%swap3A_3048, %swap3A_3049], %mul3A_3047 {strides = array<i32>} : memref<96x128xf32, #tpu.memory_space<vmem>>, vector<16xf32>,
      %get3A_3051 = arith.index_cast %add3A_3022 : i32 to index
      %get3A_3052 = arith.constant 64 : index
      %get3A_3053 = tpu.vector_load %arg12[%get3A_3051, %get3A_3052] {strides = array<i32>} : memref<96x128xf32, #tpu.memory_space<vmem>>, vector<16xf32>,
      %mul3A_3054 = arith.mulf %get3A_3053, %gather3A_3018 : vector<16xf32>
      %swap3A_3055 = arith.index_cast %add3A_3022 : i32 to index
      %swap3A_3056 = arith.constant 64 : index
      %swap3A_3057 = tpu.vector_load %arg12[%swap3A_3055, %swap3A_3056] {strides = array<i32>} : memref<96x128xf32, #tpu.memory_space<vmem>>, vector<16xf32>,
      tpu.vector_store %arg12[%swap3A_3055, %swap3A_3056], %mul3A_3054 {strides = array<i32>} : memref<96x128xf32, #tpu.memory_space<vmem>>, vector<16xf32>,
      %get3A_3058 = arith.index_cast %add3A_3022 : i32 to index
      %get3A_3059 = arith.constant 80 : index
      %get3A_3060 = tpu.vector_load %arg12[%get3A_3058, %get3A_3059] {strides = array<i32>} : memref<96x128xf32, #tpu.memory_space<vmem>>, vector<16xf32>,
      %mul3A_3061 = arith.mulf %get3A_3060, %gather3A_3018 : vector<16xf32>
      %swap3A_3062 = arith.index_cast %add3A_3022 : i32 to index
      %swap3A_3063 = arith.constant 80 : index
      %swap3A_3064 = tpu.vector_load %arg12[%swap3A_3062, %swap3A_3063] {strides = array<i32>} : memref<96x128xf32, #tpu.memory_space<vmem>>, vector<16xf32>,
      tpu.vector_store %arg12[%swap3A_3062, %swap3A_3063], %mul3A_3061 {strides = array<i32>} : memref<96x128xf32, #tpu.memory_space<vmem>>, vector<16xf32>,
      %get3A_3065 = arith.index_cast %add3A_3022 : i32 to index
      %get3A_3066 = arith.constant 96 : index
      %get3A_3067 = tpu.vector_load %arg12[%get3A_3065, %get3A_3066] {strides = array<i32>} : memref<96x128xf32, #tpu.memory_space<vmem>>, vector<16xf32>,
      %mul3A_3068 = arith.mulf %get3A_3067, %gather3A_3018 : vector<16xf32>
      %swap3A_3069 = arith.index_cast %add3A_3022 : i32 to index
      %swap3A_3070 = arith.constant 96 : index
      %swap3A_3071 = tpu.vector_load %arg12[%swap3A_3069, %swap3A_3070] {strides = array<i32>} : memref<96x128xf32, #tpu.memory_space<vmem>>, vector<16xf32>,
      tpu.vector_store %arg12[%swap3A_3069, %swap3A_3070], %mul3A_3068 {strides = array<i32>} : memref<96x128xf32, #tpu.memory_space<vmem>>, vector<16xf32>,
      %get3A_3072 = arith.index_cast %add3A_3022 : i32 to index
      %get3A_3073 = arith.constant 112 : index
      %get3A_3074 = tpu.vector_load %arg12[%get3A_3072, %get3A_3073] {strides = array<i32>} : memref<96x128xf32, #tpu.memory_space<vmem>>, vector<16xf32>,
      %mul3A_3075 = arith.mulf %get3A_3074, %gather3A_3018 : vector<16xf32>
      %swap3A_3076 = arith.index_cast %add3A_3022 : i32 to index
      %swap3A_3077 = arith.constant 112 : index
      %swap3A_3078 = tpu.vector_load %arg12[%swap3A_3076, %swap3A_3077] {strides = array<i32>} : memref<96x128xf32, #tpu.memory_space<vmem>>, vector<16xf32>,
      tpu.vector_store %arg12[%swap3A_3076, %swap3A_3077], %mul3A_3075 {strides = array<i32>} : memref<96x128xf32, #tpu.memory_space<vmem>>, vector<16xf32>,
      %broadcast_in_dim3A_3079 = arith.constant 10 : i32
      %broadcast_in_dim3A_3080 = vector.broadcast %broadcast_in_dim3A_3079 : i32 to vector<16xi32>
      %broadcast_in_dim3A_3081 = vector.shape_cast %broadcast_in_dim3A_3080 : vector<16xi32> to vector<16x1xi32>
      %gather3A_3082 = vector.shape_cast %broadcast_in_dim3A_3081 : vector<16x1xi32> to vector<16xi32>
      %gather3A_3083 = tpu.dynamic_gather %exp3A_288[%gather3A_3082] in [0] : vector<16xf32>, vector<16xi32> -> vector<16xf32>
      %add3A_3084 = arith.constant 32 : i32
      %add3A_3085 = arith.addi %mul3A_112, %add3A_3084 : i32
      %add3A_3086 = arith.constant 10 : i32
      %add3A_3087 = arith.addi %add3A_3085, %add3A_3086 : i32
      %get3A_3088 = arith.index_cast %add3A_3087 : i32 to index
      %get3A_3089 = arith.constant 0 : index
      %get3A_3090 = tpu.vector_load %arg12[%get3A_3088, %get3A_3089] {strides = array<i32>} : memref<96x128xf32, #tpu.memory_space<vmem>>, vector<16xf32>,
      %mul3A_3091 = arith.mulf %get3A_3090, %gather3A_3083 : vector<16xf32>
      %swap3A_3092 = arith.index_cast %add3A_3087 : i32 to index
      %swap3A_3093 = arith.constant 0 : index
      %swap3A_3094 = tpu.vector_load %arg12[%swap3A_3092, %swap3A_3093] {strides = array<i32>} : memref<96x128xf32, #tpu.memory_space<vmem>>, vector<16xf32>,
      tpu.vector_store %arg12[%swap3A_3092, %swap3A_3093], %mul3A_3091 {strides = array<i32>} : memref<96x128xf32, #tpu.memory_space<vmem>>, vector<16xf32>,
      %get3A_3095 = arith.index_cast %add3A_3087 : i32 to index
      %get3A_3096 = arith.constant 16 : index
      %get3A_3097 = tpu.vector_load %arg12[%get3A_3095, %get3A_3096] {strides = array<i32>} : memref<96x128xf32, #tpu.memory_space<vmem>>, vector<16xf32>,
      %mul3A_3098 = arith.mulf %get3A_3097, %gather3A_3083 : vector<16xf32>
      %swap3A_3099 = arith.index_cast %add3A_3087 : i32 to index
      %swap3A_3100 = arith.constant 16 : index
      %swap3A_3101 = tpu.vector_load %arg12[%swap3A_3099, %swap3A_3100] {strides = array<i32>} : memref<96x128xf32, #tpu.memory_space<vmem>>, vector<16xf32>,
      tpu.vector_store %arg12[%swap3A_3099, %swap3A_3100], %mul3A_3098 {strides = array<i32>} : memref<96x128xf32, #tpu.memory_space<vmem>>, vector<16xf32>,
      %get3A_3102 = arith.index_cast %add3A_3087 : i32 to index
      %get3A_3103 = arith.constant 32 : index
      %get3A_3104 = tpu.vector_load %arg12[%get3A_3102, %get3A_3103] {strides = array<i32>} : memref<96x128xf32, #tpu.memory_space<vmem>>, vector<16xf32>,
      %mul3A_3105 = arith.mulf %get3A_3104, %gather3A_3083 : vector<16xf32>
      %swap3A_3106 = arith.index_cast %add3A_3087 : i32 to index
      %swap3A_3107 = arith.constant 32 : index
      %swap3A_3108 = tpu.vector_load %arg12[%swap3A_3106, %swap3A_3107] {strides = array<i32>} : memref<96x128xf32, #tpu.memory_space<vmem>>, vector<16xf32>,
      tpu.vector_store %arg12[%swap3A_3106, %swap3A_3107], %mul3A_3105 {strides = array<i32>} : memref<96x128xf32, #tpu.memory_space<vmem>>, vector<16xf32>,
      %get3A_3109 = arith.index_cast %add3A_3087 : i32 to index
      %get3A_3110 = arith.constant 48 : index
      %get3A_3111 = tpu.vector_load %arg12[%get3A_3109, %get3A_3110] {strides = array<i32>} : memref<96x128xf32, #tpu.memory_space<vmem>>, vector<16xf32>,
      %mul3A_3112 = arith.mulf %get3A_3111, %gather3A_3083 : vector<16xf32>
      %swap3A_3113 = arith.index_cast %add3A_3087 : i32 to index
      %swap3A_3114 = arith.constant 48 : index
      %swap3A_3115 = tpu.vector_load %arg12[%swap3A_3113, %swap3A_3114] {strides = array<i32>} : memref<96x128xf32, #tpu.memory_space<vmem>>, vector<16xf32>,
      tpu.vector_store %arg12[%swap3A_3113, %swap3A_3114], %mul3A_3112 {strides = array<i32>} : memref<96x128xf32, #tpu.memory_space<vmem>>, vector<16xf32>,
      %get3A_3116 = arith.index_cast %add3A_3087 : i32 to index
      %get3A_3117 = arith.constant 64 : index
      %get3A_3118 = tpu.vector_load %arg12[%get3A_3116, %get3A_3117] {strides = array<i32>} : memref<96x128xf32, #tpu.memory_space<vmem>>, vector<16xf32>,
      %mul3A_3119 = arith.mulf %get3A_3118, %gather3A_3083 : vector<16xf32>
      %swap3A_3120 = arith.index_cast %add3A_3087 : i32 to index
      %swap3A_3121 = arith.constant 64 : index
      %swap3A_3122 = tpu.vector_load %arg12[%swap3A_3120, %swap3A_3121] {strides = array<i32>} : memref<96x128xf32, #tpu.memory_space<vmem>>, vector<16xf32>,
      tpu.vector_store %arg12[%swap3A_3120, %swap3A_3121], %mul3A_3119 {strides = array<i32>} : memref<96x128xf32, #tpu.memory_space<vmem>>, vector<16xf32>,
      %get3A_3123 = arith.index_cast %add3A_3087 : i32 to index
      %get3A_3124 = arith.constant 80 : index
      %get3A_3125 = tpu.vector_load %arg12[%get3A_3123, %get3A_3124] {strides = array<i32>} : memref<96x128xf32, #tpu.memory_space<vmem>>, vector<16xf32>,
      %mul3A_3126 = arith.mulf %get3A_3125, %gather3A_3083 : vector<16xf32>
      %swap3A_3127 = arith.index_cast %add3A_3087 : i32 to index
      %swap3A_3128 = arith.constant 80 : index
      %swap3A_3129 = tpu.vector_load %arg12[%swap3A_3127, %swap3A_3128] {strides = array<i32>} : memref<96x128xf32, #tpu.memory_space<vmem>>, vector<16xf32>,
      tpu.vector_store %arg12[%swap3A_3127, %swap3A_3128], %mul3A_3126 {strides = array<i32>} : memref<96x128xf32, #tpu.memory_space<vmem>>, vector<16xf32>,
      %get3A_3130 = arith.index_cast %add3A_3087 : i32 to index
      %get3A_3131 = arith.constant 96 : index
      %get3A_3132 = tpu.vector_load %arg12[%get3A_3130, %get3A_3131] {strides = array<i32>} : memref<96x128xf32, #tpu.memory_space<vmem>>, vector<16xf32>,
      %mul3A_3133 = arith.mulf %get3A_3132, %gather3A_3083 : vector<16xf32>
      %swap3A_3134 = arith.index_cast %add3A_3087 : i32 to index
      %swap3A_3135 = arith.constant 96 : index
      %swap3A_3136 = tpu.vector_load %arg12[%swap3A_3134, %swap3A_3135] {strides = array<i32>} : memref<96x128xf32, #tpu.memory_space<vmem>>, vector<16xf32>,
      tpu.vector_store %arg12[%swap3A_3134, %swap3A_3135], %mul3A_3133 {strides = array<i32>} : memref<96x128xf32, #tpu.memory_space<vmem>>, vector<16xf32>,
      %get3A_3137 = arith.index_cast %add3A_3087 : i32 to index
      %get3A_3138 = arith.constant 112 : index
      %get3A_3139 = tpu.vector_load %arg12[%get3A_3137, %get3A_3138] {strides = array<i32>} : memref<96x128xf32, #tpu.memory_space<vmem>>, vector<16xf32>,
      %mul3A_3140 = arith.mulf %get3A_3139, %gather3A_3083 : vector<16xf32>
      %swap3A_3141 = arith.index_cast %add3A_3087 : i32 to index
      %swap3A_3142 = arith.constant 112 : index
      %swap3A_3143 = tpu.vector_load %arg12[%swap3A_3141, %swap3A_3142] {strides = array<i32>} : memref<96x128xf32, #tpu.memory_space<vmem>>, vector<16xf32>,
      tpu.vector_store %arg12[%swap3A_3141, %swap3A_3142], %mul3A_3140 {strides = array<i32>} : memref<96x128xf32, #tpu.memory_space<vmem>>, vector<16xf32>,
      %broadcast_in_dim3A_3144 = arith.constant 11 : i32
      %broadcast_in_dim3A_3145 = vector.broadcast %broadcast_in_dim3A_3144 : i32 to vector<16xi32>
      %broadcast_in_dim3A_3146 = vector.shape_cast %broadcast_in_dim3A_3145 : vector<16xi32> to vector<16x1xi32>
      %gather3A_3147 = vector.shape_cast %broadcast_in_dim3A_3146 : vector<16x1xi32> to vector<16xi32>
      %gather3A_3148 = tpu.dynamic_gather %exp3A_288[%gather3A_3147] in [0] : vector<16xf32>, vector<16xi32> -> vector<16xf32>
      %add3A_3149 = arith.constant 32 : i32
      %add3A_3150 = arith.addi %mul3A_112, %add3A_3149 : i32
      %add3A_3151 = arith.constant 11 : i32
      %add3A_3152 = arith.addi %add3A_3150, %add3A_3151 : i32
      %get3A_3153 = arith.index_cast %add3A_3152 : i32 to index
      %get3A_3154 = arith.constant 0 : index
      %get3A_3155 = tpu.vector_load %arg12[%get3A_3153, %get3A_3154] {strides = array<i32>} : memref<96x128xf32, #tpu.memory_space<vmem>>, vector<16xf32>,
      %mul3A_3156 = arith.mulf %get3A_3155, %gather3A_3148 : vector<16xf32>
      %swap3A_3157 = arith.index_cast %add3A_3152 : i32 to index
      %swap3A_3158 = arith.constant 0 : index
      %swap3A_3159 = tpu.vector_load %arg12[%swap3A_3157, %swap3A_3158] {strides = array<i32>} : memref<96x128xf32, #tpu.memory_space<vmem>>, vector<16xf32>,
      tpu.vector_store %arg12[%swap3A_3157, %swap3A_3158], %mul3A_3156 {strides = array<i32>} : memref<96x128xf32, #tpu.memory_space<vmem>>, vector<16xf32>,
      %get3A_3160 = arith.index_cast %add3A_3152 : i32 to index
      %get3A_3161 = arith.constant 16 : index
      %get3A_3162 = tpu.vector_load %arg12[%get3A_3160, %get3A_3161] {strides = array<i32>} : memref<96x128xf32, #tpu.memory_space<vmem>>, vector<16xf32>,
      %mul3A_3163 = arith.mulf %get3A_3162, %gather3A_3148 : vector<16xf32>
      %swap3A_3164 = arith.index_cast %add3A_3152 : i32 to index
      %swap3A_3165 = arith.constant 16 : index
      %swap3A_3166 = tpu.vector_load %arg12[%swap3A_3164, %swap3A_3165] {strides = array<i32>} : memref<96x128xf32, #tpu.memory_space<vmem>>, vector<16xf32>,
      tpu.vector_store %arg12[%swap3A_3164, %swap3A_3165], %mul3A_3163 {strides = array<i32>} : memref<96x128xf32, #tpu.memory_space<vmem>>, vector<16xf32>,
      %get3A_3167 = arith.index_cast %add3A_3152 : i32 to index
      %get3A_3168 = arith.constant 32 : index
      %get3A_3169 = tpu.vector_load %arg12[%get3A_3167, %get3A_3168] {strides = array<i32>} : memref<96x128xf32, #tpu.memory_space<vmem>>, vector<16xf32>,
      %mul3A_3170 = arith.mulf %get3A_3169, %gather3A_3148 : vector<16xf32>
      %swap3A_3171 = arith.index_cast %add3A_3152 : i32 to index
      %swap3A_3172 = arith.constant 32 : index
      %swap3A_3173 = tpu.vector_load %arg12[%swap3A_3171, %swap3A_3172] {strides = array<i32>} : memref<96x128xf32, #tpu.memory_space<vmem>>, vector<16xf32>,
      tpu.vector_store %arg12[%swap3A_3171, %swap3A_3172], %mul3A_3170 {strides = array<i32>} : memref<96x128xf32, #tpu.memory_space<vmem>>, vector<16xf32>,
      %get3A_3174 = arith.index_cast %add3A_3152 : i32 to index
      %get3A_3175 = arith.constant 48 : index
      %get3A_3176 = tpu.vector_load %arg12[%get3A_3174, %get3A_3175] {strides = array<i32>} : memref<96x128xf32, #tpu.memory_space<vmem>>, vector<16xf32>,
      %mul3A_3177 = arith.mulf %get3A_3176, %gather3A_3148 : vector<16xf32>
      %swap3A_3178 = arith.index_cast %add3A_3152 : i32 to index
      %swap3A_3179 = arith.constant 48 : index
      %swap3A_3180 = tpu.vector_load %arg12[%swap3A_3178, %swap3A_3179] {strides = array<i32>} : memref<96x128xf32, #tpu.memory_space<vmem>>, vector<16xf32>,
      tpu.vector_store %arg12[%swap3A_3178, %swap3A_3179], %mul3A_3177 {strides = array<i32>} : memref<96x128xf32, #tpu.memory_space<vmem>>, vector<16xf32>,
      %get3A_3181 = arith.index_cast %add3A_3152 : i32 to index
      %get3A_3182 = arith.constant 64 : index
      %get3A_3183 = tpu.vector_load %arg12[%get3A_3181, %get3A_3182] {strides = array<i32>} : memref<96x128xf32, #tpu.memory_space<vmem>>, vector<16xf32>,
      %mul3A_3184 = arith.mulf %get3A_3183, %gather3A_3148 : vector<16xf32>
      %swap3A_3185 = arith.index_cast %add3A_3152 : i32 to index
      %swap3A_3186 = arith.constant 64 : index
      %swap3A_3187 = tpu.vector_load %arg12[%swap3A_3185, %swap3A_3186] {strides = array<i32>} : memref<96x128xf32, #tpu.memory_space<vmem>>, vector<16xf32>,
      tpu.vector_store %arg12[%swap3A_3185, %swap3A_3186], %mul3A_3184 {strides = array<i32>} : memref<96x128xf32, #tpu.memory_space<vmem>>, vector<16xf32>,
      %get3A_3188 = arith.index_cast %add3A_3152 : i32 to index
      %get3A_3189 = arith.constant 80 : index
      %get3A_3190 = tpu.vector_load %arg12[%get3A_3188, %get3A_3189] {strides = array<i32>} : memref<96x128xf32, #tpu.memory_space<vmem>>, vector<16xf32>,
      %mul3A_3191 = arith.mulf %get3A_3190, %gather3A_3148 : vector<16xf32>
      %swap3A_3192 = arith.index_cast %add3A_3152 : i32 to index
      %swap3A_3193 = arith.constant 80 : index
      %swap3A_3194 = tpu.vector_load %arg12[%swap3A_3192, %swap3A_3193] {strides = array<i32>} : memref<96x128xf32, #tpu.memory_space<vmem>>, vector<16xf32>,
      tpu.vector_store %arg12[%swap3A_3192, %swap3A_3193], %mul3A_3191 {strides = array<i32>} : memref<96x128xf32, #tpu.memory_space<vmem>>, vector<16xf32>,
      %get3A_3195 = arith.index_cast %add3A_3152 : i32 to index
      %get3A_3196 = arith.constant 96 : index
      %get3A_3197 = tpu.vector_load %arg12[%get3A_3195, %get3A_3196] {strides = array<i32>} : memref<96x128xf32, #tpu.memory_space<vmem>>, vector<16xf32>,
      %mul3A_3198 = arith.mulf %get3A_3197, %gather3A_3148 : vector<16xf32>
      %swap3A_3199 = arith.index_cast %add3A_3152 : i32 to index
      %swap3A_3200 = arith.constant 96 : index
      %swap3A_3201 = tpu.vector_load %arg12[%swap3A_3199, %swap3A_3200] {strides = array<i32>} : memref<96x128xf32, #tpu.memory_space<vmem>>, vector<16xf32>,
      tpu.vector_store %arg12[%swap3A_3199, %swap3A_3200], %mul3A_3198 {strides = array<i32>} : memref<96x128xf32, #tpu.memory_space<vmem>>, vector<16xf32>,
      %get3A_3202 = arith.index_cast %add3A_3152 : i32 to index
      %get3A_3203 = arith.constant 112 : index
      %get3A_3204 = tpu.vector_load %arg12[%get3A_3202, %get3A_3203] {strides = array<i32>} : memref<96x128xf32, #tpu.memory_space<vmem>>, vector<16xf32>,
      %mul3A_3205 = arith.mulf %get3A_3204, %gather3A_3148 : vector<16xf32>
      %swap3A_3206 = arith.index_cast %add3A_3152 : i32 to index
      %swap3A_3207 = arith.constant 112 : index
      %swap3A_3208 = tpu.vector_load %arg12[%swap3A_3206, %swap3A_3207] {strides = array<i32>} : memref<96x128xf32, #tpu.memory_space<vmem>>, vector<16xf32>,
      tpu.vector_store %arg12[%swap3A_3206, %swap3A_3207], %mul3A_3205 {strides = array<i32>} : memref<96x128xf32, #tpu.memory_space<vmem>>, vector<16xf32>,
      %broadcast_in_dim3A_3209 = arith.constant 12 : i32
      %broadcast_in_dim3A_3210 = vector.broadcast %broadcast_in_dim3A_3209 : i32 to vector<16xi32>
      %broadcast_in_dim3A_3211 = vector.shape_cast %broadcast_in_dim3A_3210 : vector<16xi32> to vector<16x1xi32>
      %gather3A_3212 = vector.shape_cast %broadcast_in_dim3A_3211 : vector<16x1xi32> to vector<16xi32>
      %gather3A_3213 = tpu.dynamic_gather %exp3A_288[%gather3A_3212] in [0] : vector<16xf32>, vector<16xi32> -> vector<16xf32>
      %add3A_3214 = arith.constant 32 : i32
      %add3A_3215 = arith.addi %mul3A_112, %add3A_3214 : i32
      %add3A_3216 = arith.constant 12 : i32
      %add3A_3217 = arith.addi %add3A_3215, %add3A_3216 : i32
      %get3A_3218 = arith.index_cast %add3A_3217 : i32 to index
      %get3A_3219 = arith.constant 0 : index
      %get3A_3220 = tpu.vector_load %arg12[%get3A_3218, %get3A_3219] {strides = array<i32>} : memref<96x128xf32, #tpu.memory_space<vmem>>, vector<16xf32>,
      %mul3A_3221 = arith.mulf %get3A_3220, %gather3A_3213 : vector<16xf32>
      %swap3A_3222 = arith.index_cast %add3A_3217 : i32 to index
      %swap3A_3223 = arith.constant 0 : index
      %swap3A_3224 = tpu.vector_load %arg12[%swap3A_3222, %swap3A_3223] {strides = array<i32>} : memref<96x128xf32, #tpu.memory_space<vmem>>, vector<16xf32>,
      tpu.vector_store %arg12[%swap3A_3222, %swap3A_3223], %mul3A_3221 {strides = array<i32>} : memref<96x128xf32, #tpu.memory_space<vmem>>, vector<16xf32>,
      %get3A_3225 = arith.index_cast %add3A_3217 : i32 to index
      %get3A_3226 = arith.constant 16 : index
      %get3A_3227 = tpu.vector_load %arg12[%get3A_3225, %get3A_3226] {strides = array<i32>} : memref<96x128xf32, #tpu.memory_space<vmem>>, vector<16xf32>,
      %mul3A_3228 = arith.mulf %get3A_3227, %gather3A_3213 : vector<16xf32>
      %swap3A_3229 = arith.index_cast %add3A_3217 : i32 to index
      %swap3A_3230 = arith.constant 16 : index
      %swap3A_3231 = tpu.vector_load %arg12[%swap3A_3229, %swap3A_3230] {strides = array<i32>} : memref<96x128xf32, #tpu.memory_space<vmem>>, vector<16xf32>,
      tpu.vector_store %arg12[%swap3A_3229, %swap3A_3230], %mul3A_3228 {strides = array<i32>} : memref<96x128xf32, #tpu.memory_space<vmem>>, vector<16xf32>,
      %get3A_3232 = arith.index_cast %add3A_3217 : i32 to index
      %get3A_3233 = arith.constant 32 : index
      %get3A_3234 = tpu.vector_load %arg12[%get3A_3232, %get3A_3233] {strides = array<i32>} : memref<96x128xf32, #tpu.memory_space<vmem>>, vector<16xf32>,
      %mul3A_3235 = arith.mulf %get3A_3234, %gather3A_3213 : vector<16xf32>
      %swap3A_3236 = arith.index_cast %add3A_3217 : i32 to index
      %swap3A_3237 = arith.constant 32 : index
      %swap3A_3238 = tpu.vector_load %arg12[%swap3A_3236, %swap3A_3237] {strides = array<i32>} : memref<96x128xf32, #tpu.memory_space<vmem>>, vector<16xf32>,
      tpu.vector_store %arg12[%swap3A_3236, %swap3A_3237], %mul3A_3235 {strides = array<i32>} : memref<96x128xf32, #tpu.memory_space<vmem>>, vector<16xf32>,
      %get3A_3239 = arith.index_cast %add3A_3217 : i32 to index
      %get3A_3240 = arith.constant 48 : index
      %get3A_3241 = tpu.vector_load %arg12[%get3A_3239, %get3A_3240] {strides = array<i32>} : memref<96x128xf32, #tpu.memory_space<vmem>>, vector<16xf32>,
      %mul3A_3242 = arith.mulf %get3A_3241, %gather3A_3213 : vector<16xf32>
      %swap3A_3243 = arith.index_cast %add3A_3217 : i32 to index
      %swap3A_3244 = arith.constant 48 : index
      %swap3A_3245 = tpu.vector_load %arg12[%swap3A_3243, %swap3A_3244] {strides = array<i32>} : memref<96x128xf32, #tpu.memory_space<vmem>>, vector<16xf32>,
      tpu.vector_store %arg12[%swap3A_3243, %swap3A_3244], %mul3A_3242 {strides = array<i32>} : memref<96x128xf32, #tpu.memory_space<vmem>>, vector<16xf32>,
      %get3A_3246 = arith.index_cast %add3A_3217 : i32 to index
      %get3A_3247 = arith.constant 64 : index
      %get3A_3248 = tpu.vector_load %arg12[%get3A_3246, %get3A_3247] {strides = array<i32>} : memref<96x128xf32, #tpu.memory_space<vmem>>, vector<16xf32>,
      %mul3A_3249 = arith.mulf %get3A_3248, %gather3A_3213 : vector<16xf32>
      %swap3A_3250 = arith.index_cast %add3A_3217 : i32 to index
      %swap3A_3251 = arith.constant 64 : index
      %swap3A_3252 = tpu.vector_load %arg12[%swap3A_3250, %swap3A_3251] {strides = array<i32>} : memref<96x128xf32, #tpu.memory_space<vmem>>, vector<16xf32>,
      tpu.vector_store %arg12[%swap3A_3250, %swap3A_3251], %mul3A_3249 {strides = array<i32>} : memref<96x128xf32, #tpu.memory_space<vmem>>, vector<16xf32>,
      %get3A_3253 = arith.index_cast %add3A_3217 : i32 to index
      %get3A_3254 = arith.constant 80 : index
      %get3A_3255 = tpu.vector_load %arg12[%get3A_3253, %get3A_3254] {strides = array<i32>} : memref<96x128xf32, #tpu.memory_space<vmem>>, vector<16xf32>,
      %mul3A_3256 = arith.mulf %get3A_3255, %gather3A_3213 : vector<16xf32>
      %swap3A_3257 = arith.index_cast %add3A_3217 : i32 to index
      %swap3A_3258 = arith.constant 80 : index
      %swap3A_3259 = tpu.vector_load %arg12[%swap3A_3257, %swap3A_3258] {strides = array<i32>} : memref<96x128xf32, #tpu.memory_space<vmem>>, vector<16xf32>,
      tpu.vector_store %arg12[%swap3A_3257, %swap3A_3258], %mul3A_3256 {strides = array<i32>} : memref<96x128xf32, #tpu.memory_space<vmem>>, vector<16xf32>,
      %get3A_3260 = arith.index_cast %add3A_3217 : i32 to index
      %get3A_3261 = arith.constant 96 : index
      %get3A_3262 = tpu.vector_load %arg12[%get3A_3260, %get3A_3261] {strides = array<i32>} : memref<96x128xf32, #tpu.memory_space<vmem>>, vector<16xf32>,
      %mul3A_3263 = arith.mulf %get3A_3262, %gather3A_3213 : vector<16xf32>
      %swap3A_3264 = arith.index_cast %add3A_3217 : i32 to index
      %swap3A_3265 = arith.constant 96 : index
      %swap3A_3266 = tpu.vector_load %arg12[%swap3A_3264, %swap3A_3265] {strides = array<i32>} : memref<96x128xf32, #tpu.memory_space<vmem>>, vector<16xf32>,
      tpu.vector_store %arg12[%swap3A_3264, %swap3A_3265], %mul3A_3263 {strides = array<i32>} : memref<96x128xf32, #tpu.memory_space<vmem>>, vector<16xf32>,
      %get3A_3267 = arith.index_cast %add3A_3217 : i32 to index
      %get3A_3268 = arith.constant 112 : index
      %get3A_3269 = tpu.vector_load %arg12[%get3A_3267, %get3A_3268] {strides = array<i32>} : memref<96x128xf32, #tpu.memory_space<vmem>>, vector<16xf32>,
      %mul3A_3270 = arith.mulf %get3A_3269, %gather3A_3213 : vector<16xf32>
      %swap3A_3271 = arith.index_cast %add3A_3217 : i32 to index
      %swap3A_3272 = arith.constant 112 : index
      %swap3A_3273 = tpu.vector_load %arg12[%swap3A_3271, %swap3A_3272] {strides = array<i32>} : memref<96x128xf32, #tpu.memory_space<vmem>>, vector<16xf32>,
      tpu.vector_store %arg12[%swap3A_3271, %swap3A_3272], %mul3A_3270 {strides = array<i32>} : memref<96x128xf32, #tpu.memory_space<vmem>>, vector<16xf32>,
      %broadcast_in_dim3A_3274 = arith.constant 13 : i32
      %broadcast_in_dim3A_3275 = vector.broadcast %broadcast_in_dim3A_3274 : i32 to vector<16xi32>
      %broadcast_in_dim3A_3276 = vector.shape_cast %broadcast_in_dim3A_3275 : vector<16xi32> to vector<16x1xi32>
      %gather3A_3277 = vector.shape_cast %broadcast_in_dim3A_3276 : vector<16x1xi32> to vector<16xi32>
      %gather3A_3278 = tpu.dynamic_gather %exp3A_288[%gather3A_3277] in [0] : vector<16xf32>, vector<16xi32> -> vector<16xf32>
      %add3A_3279 = arith.constant 32 : i32
      %add3A_3280 = arith.addi %mul3A_112, %add3A_3279 : i32
      %add3A_3281 = arith.constant 13 : i32
      %add3A_3282 = arith.addi %add3A_3280, %add3A_3281 : i32
      %get3A_3283 = arith.index_cast %add3A_3282 : i32 to index
      %get3A_3284 = arith.constant 0 : index
      %get3A_3285 = tpu.vector_load %arg12[%get3A_3283, %get3A_3284] {strides = array<i32>} : memref<96x128xf32, #tpu.memory_space<vmem>>, vector<16xf32>,
      %mul3A_3286 = arith.mulf %get3A_3285, %gather3A_3278 : vector<16xf32>
      %swap3A_3287 = arith.index_cast %add3A_3282 : i32 to index
      %swap3A_3288 = arith.constant 0 : index
      %swap3A_3289 = tpu.vector_load %arg12[%swap3A_3287, %swap3A_3288] {strides = array<i32>} : memref<96x128xf32, #tpu.memory_space<vmem>>, vector<16xf32>,
      tpu.vector_store %arg12[%swap3A_3287, %swap3A_3288], %mul3A_3286 {strides = array<i32>} : memref<96x128xf32, #tpu.memory_space<vmem>>, vector<16xf32>,
      %get3A_3290 = arith.index_cast %add3A_3282 : i32 to index
      %get3A_3291 = arith.constant 16 : index
      %get3A_3292 = tpu.vector_load %arg12[%get3A_3290, %get3A_3291] {strides = array<i32>} : memref<96x128xf32, #tpu.memory_space<vmem>>, vector<16xf32>,
      %mul3A_3293 = arith.mulf %get3A_3292, %gather3A_3278 : vector<16xf32>
      %swap3A_3294 = arith.index_cast %add3A_3282 : i32 to index
      %swap3A_3295 = arith.constant 16 : index
      %swap3A_3296 = tpu.vector_load %arg12[%swap3A_3294, %swap3A_3295] {strides = array<i32>} : memref<96x128xf32, #tpu.memory_space<vmem>>, vector<16xf32>,
      tpu.vector_store %arg12[%swap3A_3294, %swap3A_3295], %mul3A_3293 {strides = array<i32>} : memref<96x128xf32, #tpu.memory_space<vmem>>, vector<16xf32>,
      %get3A_3297 = arith.index_cast %add3A_3282 : i32 to index
      %get3A_3298 = arith.constant 32 : index
      %get3A_3299 = tpu.vector_load %arg12[%get3A_3297, %get3A_3298] {strides = array<i32>} : memref<96x128xf32, #tpu.memory_space<vmem>>, vector<16xf32>,
      %mul3A_3300 = arith.mulf %get3A_3299, %gather3A_3278 : vector<16xf32>
      %swap3A_3301 = arith.index_cast %add3A_3282 : i32 to index
      %swap3A_3302 = arith.constant 32 : index
      %swap3A_3303 = tpu.vector_load %arg12[%swap3A_3301, %swap3A_3302] {strides = array<i32>} : memref<96x128xf32, #tpu.memory_space<vmem>>, vector<16xf32>,
      tpu.vector_store %arg12[%swap3A_3301, %swap3A_3302], %mul3A_3300 {strides = array<i32>} : memref<96x128xf32, #tpu.memory_space<vmem>>, vector<16xf32>,
      %get3A_3304 = arith.index_cast %add3A_3282 : i32 to index
      %get3A_3305 = arith.constant 48 : index
      %get3A_3306 = tpu.vector_load %arg12[%get3A_3304, %get3A_3305] {strides = array<i32>} : memref<96x128xf32, #tpu.memory_space<vmem>>, vector<16xf32>,
      %mul3A_3307 = arith.mulf %get3A_3306, %gather3A_3278 : vector<16xf32>
      %swap3A_3308 = arith.index_cast %add3A_3282 : i32 to index
      %swap3A_3309 = arith.constant 48 : index
      %swap3A_3310 = tpu.vector_load %arg12[%swap3A_3308, %swap3A_3309] {strides = array<i32>} : memref<96x128xf32, #tpu.memory_space<vmem>>, vector<16xf32>,
      tpu.vector_store %arg12[%swap3A_3308, %swap3A_3309], %mul3A_3307 {strides = array<i32>} : memref<96x128xf32, #tpu.memory_space<vmem>>, vector<16xf32>,
      %get3A_3311 = arith.index_cast %add3A_3282 : i32 to index
      %get3A_3312 = arith.constant 64 : index
      %get3A_3313 = tpu.vector_load %arg12[%get3A_3311, %get3A_3312] {strides = array<i32>} : memref<96x128xf32, #tpu.memory_space<vmem>>, vector<16xf32>,
      %mul3A_3314 = arith.mulf %get3A_3313, %gather3A_3278 : vector<16xf32>
      %swap3A_3315 = arith.index_cast %add3A_3282 : i32 to index
      %swap3A_3316 = arith.constant 64 : index
      %swap3A_3317 = tpu.vector_load %arg12[%swap3A_3315, %swap3A_3316] {strides = array<i32>} : memref<96x128xf32, #tpu.memory_space<vmem>>, vector<16xf32>,
      tpu.vector_store %arg12[%swap3A_3315, %swap3A_3316], %mul3A_3314 {strides = array<i32>} : memref<96x128xf32, #tpu.memory_space<vmem>>, vector<16xf32>,
      %get3A_3318 = arith.index_cast %add3A_3282 : i32 to index
      %get3A_3319 = arith.constant 80 : index
      %get3A_3320 = tpu.vector_load %arg12[%get3A_3318, %get3A_3319] {strides = array<i32>} : memref<96x128xf32, #tpu.memory_space<vmem>>, vector<16xf32>,
      %mul3A_3321 = arith.mulf %get3A_3320, %gather3A_3278 : vector<16xf32>
      %swap3A_3322 = arith.index_cast %add3A_3282 : i32 to index
      %swap3A_3323 = arith.constant 80 : index
      %swap3A_3324 = tpu.vector_load %arg12[%swap3A_3322, %swap3A_3323] {strides = array<i32>} : memref<96x128xf32, #tpu.memory_space<vmem>>, vector<16xf32>,
      tpu.vector_store %arg12[%swap3A_3322, %swap3A_3323], %mul3A_3321 {strides = array<i32>} : memref<96x128xf32, #tpu.memory_space<vmem>>, vector<16xf32>,
      %get3A_3325 = arith.index_cast %add3A_3282 : i32 to index
      %get3A_3326 = arith.constant 96 : index
      %get3A_3327 = tpu.vector_load %arg12[%get3A_3325, %get3A_3326] {strides = array<i32>} : memref<96x128xf32, #tpu.memory_space<vmem>>, vector<16xf32>,
      %mul3A_3328 = arith.mulf %get3A_3327, %gather3A_3278 : vector<16xf32>
      %swap3A_3329 = arith.index_cast %add3A_3282 : i32 to index
      %swap3A_3330 = arith.constant 96 : index
      %swap3A_3331 = tpu.vector_load %arg12[%swap3A_3329, %swap3A_3330] {strides = array<i32>} : memref<96x128xf32, #tpu.memory_space<vmem>>, vector<16xf32>,
      tpu.vector_store %arg12[%swap3A_3329, %swap3A_3330], %mul3A_3328 {strides = array<i32>} : memref<96x128xf32, #tpu.memory_space<vmem>>, vector<16xf32>,
      %get3A_3332 = arith.index_cast %add3A_3282 : i32 to index
      %get3A_3333 = arith.constant 112 : index
      %get3A_3334 = tpu.vector_load %arg12[%get3A_3332, %get3A_3333] {strides = array<i32>} : memref<96x128xf32, #tpu.memory_space<vmem>>, vector<16xf32>,
      %mul3A_3335 = arith.mulf %get3A_3334, %gather3A_3278 : vector<16xf32>
      %swap3A_3336 = arith.index_cast %add3A_3282 : i32 to index
      %swap3A_3337 = arith.constant 112 : index
      %swap3A_3338 = tpu.vector_load %arg12[%swap3A_3336, %swap3A_3337] {strides = array<i32>} : memref<96x128xf32, #tpu.memory_space<vmem>>, vector<16xf32>,
      tpu.vector_store %arg12[%swap3A_3336, %swap3A_3337], %mul3A_3335 {strides = array<i32>} : memref<96x128xf32, #tpu.memory_space<vmem>>, vector<16xf32>,
      %broadcast_in_dim3A_3339 = arith.constant 14 : i32
      %broadcast_in_dim3A_3340 = vector.broadcast %broadcast_in_dim3A_3339 : i32 to vector<16xi32>
      %broadcast_in_dim3A_3341 = vector.shape_cast %broadcast_in_dim3A_3340 : vector<16xi32> to vector<16x1xi32>
      %gather3A_3342 = vector.shape_cast %broadcast_in_dim3A_3341 : vector<16x1xi32> to vector<16xi32>
      %gather3A_3343 = tpu.dynamic_gather %exp3A_288[%gather3A_3342] in [0] : vector<16xf32>, vector<16xi32> -> vector<16xf32>
      %add3A_3344 = arith.constant 32 : i32
      %add3A_3345 = arith.addi %mul3A_112, %add3A_3344 : i32
      %add3A_3346 = arith.constant 14 : i32
      %add3A_3347 = arith.addi %add3A_3345, %add3A_3346 : i32
      %get3A_3348 = arith.index_cast %add3A_3347 : i32 to index
      %get3A_3349 = arith.constant 0 : index
      %get3A_3350 = tpu.vector_load %arg12[%get3A_3348, %get3A_3349] {strides = array<i32>} : memref<96x128xf32, #tpu.memory_space<vmem>>, vector<16xf32>,
      %mul3A_3351 = arith.mulf %get3A_3350, %gather3A_3343 : vector<16xf32>
      %swap3A_3352 = arith.index_cast %add3A_3347 : i32 to index
      %swap3A_3353 = arith.constant 0 : index
      %swap3A_3354 = tpu.vector_load %arg12[%swap3A_3352, %swap3A_3353] {strides = array<i32>} : memref<96x128xf32, #tpu.memory_space<vmem>>, vector<16xf32>,
      tpu.vector_store %arg12[%swap3A_3352, %swap3A_3353], %mul3A_3351 {strides = array<i32>} : memref<96x128xf32, #tpu.memory_space<vmem>>, vector<16xf32>,
      %get3A_3355 = arith.index_cast %add3A_3347 : i32 to index
      %get3A_3356 = arith.constant 16 : index
      %get3A_3357 = tpu.vector_load %arg12[%get3A_3355, %get3A_3356] {strides = array<i32>} : memref<96x128xf32, #tpu.memory_space<vmem>>, vector<16xf32>,
      %mul3A_3358 = arith.mulf %get3A_3357, %gather3A_3343 : vector<16xf32>
      %swap3A_3359 = arith.index_cast %add3A_3347 : i32 to index
      %swap3A_3360 = arith.constant 16 : index
      %swap3A_3361 = tpu.vector_load %arg12[%swap3A_3359, %swap3A_3360] {strides = array<i32>} : memref<96x128xf32, #tpu.memory_space<vmem>>, vector<16xf32>,
      tpu.vector_store %arg12[%swap3A_3359, %swap3A_3360], %mul3A_3358 {strides = array<i32>} : memref<96x128xf32, #tpu.memory_space<vmem>>, vector<16xf32>,
      %get3A_3362 = arith.index_cast %add3A_3347 : i32 to index
      %get3A_3363 = arith.constant 32 : index
      %get3A_3364 = tpu.vector_load %arg12[%get3A_3362, %get3A_3363] {strides = array<i32>} : memref<96x128xf32, #tpu.memory_space<vmem>>, vector<16xf32>,
      %mul3A_3365 = arith.mulf %get3A_3364, %gather3A_3343 : vector<16xf32>
      %swap3A_3366 = arith.index_cast %add3A_3347 : i32 to index
      %swap3A_3367 = arith.constant 32 : index
      %swap3A_3368 = tpu.vector_load %arg12[%swap3A_3366, %swap3A_3367] {strides = array<i32>} : memref<96x128xf32, #tpu.memory_space<vmem>>, vector<16xf32>,
      tpu.vector_store %arg12[%swap3A_3366, %swap3A_3367], %mul3A_3365 {strides = array<i32>} : memref<96x128xf32, #tpu.memory_space<vmem>>, vector<16xf32>,
      %get3A_3369 = arith.index_cast %add3A_3347 : i32 to index
      %get3A_3370 = arith.constant 48 : index
      %get3A_3371 = tpu.vector_load %arg12[%get3A_3369, %get3A_3370] {strides = array<i32>} : memref<96x128xf32, #tpu.memory_space<vmem>>, vector<16xf32>,
      %mul3A_3372 = arith.mulf %get3A_3371, %gather3A_3343 : vector<16xf32>
      %swap3A_3373 = arith.index_cast %add3A_3347 : i32 to index
      %swap3A_3374 = arith.constant 48 : index
      %swap3A_3375 = tpu.vector_load %arg12[%swap3A_3373, %swap3A_3374] {strides = array<i32>} : memref<96x128xf32, #tpu.memory_space<vmem>>, vector<16xf32>,
      tpu.vector_store %arg12[%swap3A_3373, %swap3A_3374], %mul3A_3372 {strides = array<i32>} : memref<96x128xf32, #tpu.memory_space<vmem>>, vector<16xf32>,
      %get3A_3376 = arith.index_cast %add3A_3347 : i32 to index
      %get3A_3377 = arith.constant 64 : index
      %get3A_3378 = tpu.vector_load %arg12[%get3A_3376, %get3A_3377] {strides = array<i32>} : memref<96x128xf32, #tpu.memory_space<vmem>>, vector<16xf32>,
      %mul3A_3379 = arith.mulf %get3A_3378, %gather3A_3343 : vector<16xf32>
      %swap3A_3380 = arith.index_cast %add3A_3347 : i32 to index
      %swap3A_3381 = arith.constant 64 : index
      %swap3A_3382 = tpu.vector_load %arg12[%swap3A_3380, %swap3A_3381] {strides = array<i32>} : memref<96x128xf32, #tpu.memory_space<vmem>>, vector<16xf32>,
      tpu.vector_store %arg12[%swap3A_3380, %swap3A_3381], %mul3A_3379 {strides = array<i32>} : memref<96x128xf32, #tpu.memory_space<vmem>>, vector<16xf32>,
      %get3A_3383 = arith.index_cast %add3A_3347 : i32 to index
      %get3A_3384 = arith.constant 80 : index
      %get3A_3385 = tpu.vector_load %arg12[%get3A_3383, %get3A_3384] {strides = array<i32>} : memref<96x128xf32, #tpu.memory_space<vmem>>, vector<16xf32>,
      %mul3A_3386 = arith.mulf %get3A_3385, %gather3A_3343 : vector<16xf32>
      %swap3A_3387 = arith.index_cast %add3A_3347 : i32 to index
      %swap3A_3388 = arith.constant 80 : index
      %swap3A_3389 = tpu.vector_load %arg12[%swap3A_3387, %swap3A_3388] {strides = array<i32>} : memref<96x128xf32, #tpu.memory_space<vmem>>, vector<16xf32>,
      tpu.vector_store %arg12[%swap3A_3387, %swap3A_3388], %mul3A_3386 {strides = array<i32>} : memref<96x128xf32, #tpu.memory_space<vmem>>, vector<16xf32>,
      %get3A_3390 = arith.index_cast %add3A_3347 : i32 to index
      %get3A_3391 = arith.constant 96 : index
      %get3A_3392 = tpu.vector_load %arg12[%get3A_3390, %get3A_3391] {strides = array<i32>} : memref<96x128xf32, #tpu.memory_space<vmem>>, vector<16xf32>,
      %mul3A_3393 = arith.mulf %get3A_3392, %gather3A_3343 : vector<16xf32>
      %swap3A_3394 = arith.index_cast %add3A_3347 : i32 to index
      %swap3A_3395 = arith.constant 96 : index
      %swap3A_3396 = tpu.vector_load %arg12[%swap3A_3394, %swap3A_3395] {strides = array<i32>} : memref<96x128xf32, #tpu.memory_space<vmem>>, vector<16xf32>,
      tpu.vector_store %arg12[%swap3A_3394, %swap3A_3395], %mul3A_3393 {strides = array<i32>} : memref<96x128xf32, #tpu.memory_space<vmem>>, vector<16xf32>,
      %get3A_3397 = arith.index_cast %add3A_3347 : i32 to index
      %get3A_3398 = arith.constant 112 : index
      %get3A_3399 = tpu.vector_load %arg12[%get3A_3397, %get3A_3398] {strides = array<i32>} : memref<96x128xf32, #tpu.memory_space<vmem>>, vector<16xf32>,
      %mul3A_3400 = arith.mulf %get3A_3399, %gather3A_3343 : vector<16xf32>
      %swap3A_3401 = arith.index_cast %add3A_3347 : i32 to index
      %swap3A_3402 = arith.constant 112 : index
      %swap3A_3403 = tpu.vector_load %arg12[%swap3A_3401, %swap3A_3402] {strides = array<i32>} : memref<96x128xf32, #tpu.memory_space<vmem>>, vector<16xf32>,
      tpu.vector_store %arg12[%swap3A_3401, %swap3A_3402], %mul3A_3400 {strides = array<i32>} : memref<96x128xf32, #tpu.memory_space<vmem>>, vector<16xf32>,
      %broadcast_in_dim3A_3404 = arith.constant 15 : i32
      %broadcast_in_dim3A_3405 = vector.broadcast %broadcast_in_dim3A_3404 : i32 to vector<16xi32>
      %broadcast_in_dim3A_3406 = vector.shape_cast %broadcast_in_dim3A_3405 : vector<16xi32> to vector<16x1xi32>
      %gather3A_3407 = vector.shape_cast %broadcast_in_dim3A_3406 : vector<16x1xi32> to vector<16xi32>
      %gather3A_3408 = tpu.dynamic_gather %exp3A_288[%gather3A_3407] in [0] : vector<16xf32>, vector<16xi32> -> vector<16xf32>
      %add3A_3409 = arith.constant 32 : i32
      %add3A_3410 = arith.addi %mul3A_112, %add3A_3409 : i32
      %add3A_3411 = arith.constant 15 : i32
      %add3A_3412 = arith.addi %add3A_3410, %add3A_3411 : i32
      %get3A_3413 = arith.index_cast %add3A_3412 : i32 to index
      %get3A_3414 = arith.constant 0 : index
      %get3A_3415 = tpu.vector_load %arg12[%get3A_3413, %get3A_3414] {strides = array<i32>} : memref<96x128xf32, #tpu.memory_space<vmem>>, vector<16xf32>,
      %mul3A_3416 = arith.mulf %get3A_3415, %gather3A_3408 : vector<16xf32>
      %swap3A_3417 = arith.index_cast %add3A_3412 : i32 to index
      %swap3A_3418 = arith.constant 0 : index
      %swap3A_3419 = tpu.vector_load %arg12[%swap3A_3417, %swap3A_3418] {strides = array<i32>} : memref<96x128xf32, #tpu.memory_space<vmem>>, vector<16xf32>,
      tpu.vector_store %arg12[%swap3A_3417, %swap3A_3418], %mul3A_3416 {strides = array<i32>} : memref<96x128xf32, #tpu.memory_space<vmem>>, vector<16xf32>,
      %get3A_3420 = arith.index_cast %add3A_3412 : i32 to index
      %get3A_3421 = arith.constant 16 : index
      %get3A_3422 = tpu.vector_load %arg12[%get3A_3420, %get3A_3421] {strides = array<i32>} : memref<96x128xf32, #tpu.memory_space<vmem>>, vector<16xf32>,
      %mul3A_3423 = arith.mulf %get3A_3422, %gather3A_3408 : vector<16xf32>
      %swap3A_3424 = arith.index_cast %add3A_3412 : i32 to index
      %swap3A_3425 = arith.constant 16 : index
      %swap3A_3426 = tpu.vector_load %arg12[%swap3A_3424, %swap3A_3425] {strides = array<i32>} : memref<96x128xf32, #tpu.memory_space<vmem>>, vector<16xf32>,
      tpu.vector_store %arg12[%swap3A_3424, %swap3A_3425], %mul3A_3423 {strides = array<i32>} : memref<96x128xf32, #tpu.memory_space<vmem>>, vector<16xf32>,
      %get3A_3427 = arith.index_cast %add3A_3412 : i32 to index
      %get3A_3428 = arith.constant 32 : index
      %get3A_3429 = tpu.vector_load %arg12[%get3A_3427, %get3A_3428] {strides = array<i32>} : memref<96x128xf32, #tpu.memory_space<vmem>>, vector<16xf32>,
      %mul3A_3430 = arith.mulf %get3A_3429, %gather3A_3408 : vector<16xf32>
      %swap3A_3431 = arith.index_cast %add3A_3412 : i32 to index
      %swap3A_3432 = arith.constant 32 : index
      %swap3A_3433 = tpu.vector_load %arg12[%swap3A_3431, %swap3A_3432] {strides = array<i32>} : memref<96x128xf32, #tpu.memory_space<vmem>>, vector<16xf32>,
      tpu.vector_store %arg12[%swap3A_3431, %swap3A_3432], %mul3A_3430 {strides = array<i32>} : memref<96x128xf32, #tpu.memory_space<vmem>>, vector<16xf32>,
      %get3A_3434 = arith.index_cast %add3A_3412 : i32 to index
      %get3A_3435 = arith.constant 48 : index
      %get3A_3436 = tpu.vector_load %arg12[%get3A_3434, %get3A_3435] {strides = array<i32>} : memref<96x128xf32, #tpu.memory_space<vmem>>, vector<16xf32>,
      %mul3A_3437 = arith.mulf %get3A_3436, %gather3A_3408 : vector<16xf32>
      %swap3A_3438 = arith.index_cast %add3A_3412 : i32 to index
      %swap3A_3439 = arith.constant 48 : index
      %swap3A_3440 = tpu.vector_load %arg12[%swap3A_3438, %swap3A_3439] {strides = array<i32>} : memref<96x128xf32, #tpu.memory_space<vmem>>, vector<16xf32>,
      tpu.vector_store %arg12[%swap3A_3438, %swap3A_3439], %mul3A_3437 {strides = array<i32>} : memref<96x128xf32, #tpu.memory_space<vmem>>, vector<16xf32>,
      %get3A_3441 = arith.index_cast %add3A_3412 : i32 to index
      %get3A_3442 = arith.constant 64 : index
      %get3A_3443 = tpu.vector_load %arg12[%get3A_3441, %get3A_3442] {strides = array<i32>} : memref<96x128xf32, #tpu.memory_space<vmem>>, vector<16xf32>,
      %mul3A_3444 = arith.mulf %get3A_3443, %gather3A_3408 : vector<16xf32>
      %swap3A_3445 = arith.index_cast %add3A_3412 : i32 to index
      %swap3A_3446 = arith.constant 64 : index
      %swap3A_3447 = tpu.vector_load %arg12[%swap3A_3445, %swap3A_3446] {strides = array<i32>} : memref<96x128xf32, #tpu.memory_space<vmem>>, vector<16xf32>,
      tpu.vector_store %arg12[%swap3A_3445, %swap3A_3446], %mul3A_3444 {strides = array<i32>} : memref<96x128xf32, #tpu.memory_space<vmem>>, vector<16xf32>,
      %get3A_3448 = arith.index_cast %add3A_3412 : i32 to index
      %get3A_3449 = arith.constant 80 : index
      %get3A_3450 = tpu.vector_load %arg12[%get3A_3448, %get3A_3449] {strides = array<i32>} : memref<96x128xf32, #tpu.memory_space<vmem>>, vector<16xf32>,
      %mul3A_3451 = arith.mulf %get3A_3450, %gather3A_3408 : vector<16xf32>
      %swap3A_3452 = arith.index_cast %add3A_3412 : i32 to index
      %swap3A_3453 = arith.constant 80 : index
      %swap3A_3454 = tpu.vector_load %arg12[%swap3A_3452, %swap3A_3453] {strides = array<i32>} : memref<96x128xf32, #tpu.memory_space<vmem>>, vector<16xf32>,
      tpu.vector_store %arg12[%swap3A_3452, %swap3A_3453], %mul3A_3451 {strides = array<i32>} : memref<96x128xf32, #tpu.memory_space<vmem>>, vector<16xf32>,
      %get3A_3455 = arith.index_cast %add3A_3412 : i32 to index
      %get3A_3456 = arith.constant 96 : index
      %get3A_3457 = tpu.vector_load %arg12[%get3A_3455, %get3A_3456] {strides = array<i32>} : memref<96x128xf32, #tpu.memory_space<vmem>>, vector<16xf32>,
      %mul3A_3458 = arith.mulf %get3A_3457, %gather3A_3408 : vector<16xf32>
      %swap3A_3459 = arith.index_cast %add3A_3412 : i32 to index
      %swap3A_3460 = arith.constant 96 : index
      %swap3A_3461 = tpu.vector_load %arg12[%swap3A_3459, %swap3A_3460] {strides = array<i32>} : memref<96x128xf32, #tpu.memory_space<vmem>>, vector<16xf32>,
      tpu.vector_store %arg12[%swap3A_3459, %swap3A_3460], %mul3A_3458 {strides = array<i32>} : memref<96x128xf32, #tpu.memory_space<vmem>>, vector<16xf32>,
      %get3A_3462 = arith.index_cast %add3A_3412 : i32 to index
      %get3A_3463 = arith.constant 112 : index
      %get3A_3464 = tpu.vector_load %arg12[%get3A_3462, %get3A_3463] {strides = array<i32>} : memref<96x128xf32, #tpu.memory_space<vmem>>, vector<16xf32>,
      %mul3A_3465 = arith.mulf %get3A_3464, %gather3A_3408 : vector<16xf32>
      %swap3A_3466 = arith.index_cast %add3A_3412 : i32 to index
      %swap3A_3467 = arith.constant 112 : index
      %swap3A_3468 = tpu.vector_load %arg12[%swap3A_3466, %swap3A_3467] {strides = array<i32>} : memref<96x128xf32, #tpu.memory_space<vmem>>, vector<16xf32>,
      tpu.vector_store %arg12[%swap3A_3466, %swap3A_3467], %mul3A_3465 {strides = array<i32>} : memref<96x128xf32, #tpu.memory_space<vmem>>, vector<16xf32>,
      %dma_start3A_3469 = arith.constant 1 : i32
      %dma_start3A_3470 = arith.constant 0 : i32
      %dma_start3A_3471 = tpu.memref_slice %arg12[%mul3A_112, %dma_start3A_3470] : memref<96x128xf32, #tpu.memory_space<vmem>> -> memref<48x128xf32, #tpu.memory_space<vmem>>
      %dma_start3A_3472 = arith.constant 0 : i32
      %dma_start3A_3473 = tpu.memref_slice %arg10[%rem3A_114, %dma_start3A_3469, %dma_start3A_3472] : memref<3x2x48xi32, #tpu.memory_space<vmem>> -> memref<1x1x48xi32, #tpu.memory_space<vmem>>
      %dma_start3A_3474 = tpu.memref_squeeze %dma_start3A_3473 : memref<1x1x48xi32, #tpu.memory_space<vmem>> -> memref<48xi32, #tpu.memory_space<vmem>>
      %dma_start3A_3475 = arith.constant 0 : i32
      %dma_start3A_3476 = arith.constant 0 : i32
      %dma_start3A_3477 = tpu.memref_slice %arg13[%dma_start3A_3475, %dma_start3A_3476] : memref<10240x128xf32, #tpu.memory_space<vmem_shared>> -> memref<10240x128xf32, #tpu.memory_space<vmem_shared>>
      tpu.enqueue_indirect_dma source(%dma_start3A_3471 : memref<48x128xf32, #tpu.memory_space<vmem>>) target(%dma_start3A_3477 : memref<10240x128xf32, #tpu.memory_space<vmem_shared>>) offsets(%dma_start3A_3474 : memref<48xi32, #tpu.memory_space<vmem>>) semaphore(%arg19 : memref<!tpu.dma_semaphore, #tpu.memory_space<semaphore_mem>>) {add = true}
    }
    %scan3A_89 = arith.constant 215 : i32
    %dma_wait3A_90 = arith.constant 1 : i32
    %dma_wait3A_91 = arith.constant 1 : i32
    %dma_wait3A_92 = arith.constant 0 : i32
    %dma_wait3A_93 = arith.constant 0 : i32
    %dma_wait3A_94 = tpu.memref_slice %arg12[%dma_wait3A_92, %dma_wait3A_93] : memref<96x128xf32, #tpu.memory_space<vmem>> -> memref<48x128xf32, #tpu.memory_space<vmem>>
    %dma_wait3A_95 = arith.constant 0 : i32
    %dma_wait3A_96 = tpu.memref_slice %arg10[%dma_wait3A_90, %dma_wait3A_91, %dma_wait3A_95] : memref<3x2x48xi32, #tpu.memory_space<vmem>> -> memref<1x1x48xi32, #tpu.memory_space<vmem>>
    %dma_wait3A_97 = tpu.memref_squeeze %dma_wait3A_96 : memref<1x1x48xi32, #tpu.memory_space<vmem>> -> memref<48xi32, #tpu.memory_space<vmem>>
    %dma_wait3A_98 = arith.constant 0 : i32
    %dma_wait3A_99 = arith.constant 0 : i32
    %dma_wait3A_100 = tpu.memref_slice %arg13[%dma_wait3A_98, %dma_wait3A_99] : memref<10240x128xf32, #tpu.memory_space<vmem_shared>> -> memref<10240x128xf32, #tpu.memory_space<vmem_shared>>
    tpu.wait_indirect_dma semaphore(%arg19 : memref<!tpu.dma_semaphore, #tpu.memory_space<semaphore_mem>>) src(%dma_wait3A_94 : memref<48x128xf32, #tpu.memory_space<vmem>>) dst(%dma_wait3A_100 : memref<10240x128xf32, #tpu.memory_space<vmem_shared>>)
    %barrier3A_101 = arith.constant 0 : index
    tpu.barrier barrier_id(%barrier3A_101)
    %scan3A_102 = arith.constant 0 : i32
    %scan3A_103 = arith.constant 0 : i32
    %scan3A_104 = arith.constant 10 : i32
    %scan3A_105 = arith.addi %scan3A_103, %scan3A_104 : i32
    %scan3A_106 = arith.constant 1 : i32
    scf.for %scan3A_108 = %scan3A_103 to %scan3A_105 step %scan3A_106  : i32 {
      %mul3A_109 = arith.constant 64 : i32
      %mul3A_110 = arith.muli %scan3A_108, %mul3A_109 : i32
      %add3A_111 = arith.addi %mul3A_14, %mul3A_110 : i32
      "tpu.region"() ({
        %run_scoped3A = tpu.sem_alloc : memref<!tpu.dma_semaphore, #tpu.memory_space<semaphore_mem>>
        %dma_start3A_112 = arith.constant 0 : i32
        %dma_start3A_113 = tpu.memref_slice %arg6[%arg0, %add3A_111, %dma_start3A_112] : memref<2x10240x128xf32, #tpu.memory_space<hbm>> -> memref<1x64x128xf32, #tpu.memory_space<hbm>>
        %dma_start3A_114 = tpu.memref_squeeze %dma_start3A_113 : memref<1x64x128xf32, #tpu.memory_space<hbm>> -> memref<64x128xf32, #tpu.memory_space<hbm>>
        %dma_start3A_115 = arith.constant 0 : i32
        %dma_start3A_116 = tpu.memref_slice %arg13[%add3A_111, %dma_start3A_115] : memref<10240x128xf32, #tpu.memory_space<vmem_shared>> -> memref<64x128xf32, #tpu.memory_space<vmem_shared>>
        tpu.enqueue_dma source(%dma_start3A_116 : memref<64x128xf32, #tpu.memory_space<vmem_shared>>) target(%dma_start3A_114 : memref<64x128xf32, #tpu.memory_space<hbm>>) target_semaphore(%run_scoped3A : memref<!tpu.dma_semaphore, #tpu.memory_space<semaphore_mem>>)
        %dma_wait3A_117 = arith.constant 0 : i32
        %dma_wait3A_118 = tpu.memref_slice %arg6[%arg0, %add3A_111, %dma_wait3A_117] : memref<2x10240x128xf32, #tpu.memory_space<hbm>> -> memref<1x64x128xf32, #tpu.memory_space<hbm>>
        %dma_wait3A_119 = tpu.memref_squeeze %dma_wait3A_118 : memref<1x64x128xf32, #tpu.memory_space<hbm>> -> memref<64x128xf32, #tpu.memory_space<hbm>>
        %dma_wait3A_120 = arith.constant 0 : i32
        %dma_wait3A_121 = tpu.memref_slice %arg13[%add3A_111, %dma_wait3A_120] : memref<10240x128xf32, #tpu.memory_space<vmem_shared>> -> memref<64x128xf32, #tpu.memory_space<vmem_shared>>
        tpu.wait_dma2 semaphore(%run_scoped3A : memref<!tpu.dma_semaphore, #tpu.memory_space<semaphore_mem>>) src(%dma_wait3A_121 : memref<64x128xf32, #tpu.memory_space<vmem_shared>>) dst(%dma_wait3A_119 : memref<64x128xf32, #tpu.memory_space<hbm>>)
        tpu.yield
      }) : () -> ()
    }
    %scan3A_107 = arith.constant 10 : i32
    "tpu.region"() ({
      %run_scoped3A = tpu.sem_alloc : memref<!tpu.dma_semaphore, #tpu.memory_space<semaphore_mem>>
      %dma_start3A_108 = arith.constant 0 : i32
      %dma_start3A_109 = tpu.memref_slice %arg7[%add3A, %dma_start3A_108] : memref<32x10240xf32, #tpu.memory_space<hbm>> -> memref<1x10240xf32, #tpu.memory_space<hbm>>
      %dma_start3A_110 = tpu.memref_squeeze %dma_start3A_109 : memref<1x10240xf32, #tpu.memory_space<hbm>> -> memref<10240xf32, #tpu.memory_space<hbm>>
      %dma_start3A_111 = arith.constant 0 : i32
      %dma_start3A_112 = tpu.memref_slice %arg7[%add3A, %dma_start3A_111] : memref<32x10240xf32, #tpu.memory_space<hbm>> -> memref<1x10240xf32, #tpu.memory_space<hbm>>
      %dma_start3A_113 = tpu.memref_squeeze %dma_start3A_112 : memref<1x10240xf32, #tpu.memory_space<hbm>> -> memref<10240xf32, #tpu.memory_space<hbm>>
      tpu.enqueue_dma source(%arg11 : memref<10240xf32, #tpu.memory_space<vmem>>) target(%dma_start3A_113 : memref<10240xf32, #tpu.memory_space<hbm>>) target_semaphore(%run_scoped3A : memref<!tpu.dma_semaphore, #tpu.memory_space<semaphore_mem>>)
      %dma_wait3A_114 = arith.constant 0 : i32
      %dma_wait3A_115 = tpu.memref_slice %arg7[%add3A, %dma_wait3A_114] : memref<32x10240xf32, #tpu.memory_space<hbm>> -> memref<1x10240xf32, #tpu.memory_space<hbm>>
      %dma_wait3A_116 = tpu.memref_squeeze %dma_wait3A_115 : memref<1x10240xf32, #tpu.memory_space<hbm>> -> memref<10240xf32, #tpu.memory_space<hbm>>
      %dma_wait3A_117 = arith.constant 0 : i32
      %dma_wait3A_118 = tpu.memref_slice %arg7[%add3A, %dma_wait3A_117] : memref<32x10240xf32, #tpu.memory_space<hbm>> -> memref<1x10240xf32, #tpu.memory_space<hbm>>
      %dma_wait3A_119 = tpu.memref_squeeze %dma_wait3A_118 : memref<1x10240xf32, #tpu.memory_space<hbm>> -> memref<10240xf32, #tpu.memory_space<hbm>>
      tpu.wait_dma2 semaphore(%run_scoped3A : memref<!tpu.dma_semaphore, #tpu.memory_space<semaphore_mem>>) src(%arg11 : memref<10240xf32, #tpu.memory_space<vmem>>) dst(%dma_wait3A_119 : memref<10240xf32, #tpu.memory_space<hbm>>)
      tpu.yield
    }) : () -> ()
    return
  }
}

module attributes {stable_mosaic.version = 14 : i64} {
  func.func @_mm_body(%arg0: i32, %arg1: memref<1000x128xf32, #tpu.memory_space<vmem>>, %arg2: memref<128x128xf32, #tpu.memory_space<vmem>>, %arg3: memref<128x128xf32, #tpu.memory_space<vmem>>, %arg4: memref<1000x128xf32, #tpu.memory_space<vmem>>, %arg5: memref<1000x128xf32, #tpu.memory_space<vmem>>) attributes {dimension_semantics = [#tpu.dimension_semantics<arbitrary>], iteration_bounds = array<i64: 10>, scalar_prefetch = 0 : i64, scratch_operands = 0 : i64, tpu.core_type = #tpu.core_type<tc>, window_params = [{transform_indices = @transform_0, window_bounds = array<i64: 1000, 128>}, {pipeline_mode = #tpu.pipeline_mode<synchronous>, transform_indices = @transform_1, window_bounds = array<i64: 128, 128>}, {pipeline_mode = #tpu.pipeline_mode<synchronous>, transform_indices = @transform_2, window_bounds = array<i64: 128, 128>}, {transform_indices = @transform_3, window_bounds = array<i64: 1000, 128>}, {transform_indices = @transform_4, window_bounds = array<i64: 1000, 128>}]} {
    %get3A = arith.constant 0 : index
    %get3A_0 = arith.constant 0 : index
    %get3A_1 = vector.load %arg1[%get3A, %get3A_0] : memref<1000x128xf32, #tpu.memory_space<vmem>>, vector<1000x128xf32>
    %get3A_2 = arith.constant 0 : index
    %get3A_3 = arith.constant 0 : index
    %get3A_4 = vector.load %arg2[%get3A_2, %get3A_3] : memref<128x128xf32, #tpu.memory_space<vmem>>, vector<128x128xf32>
    %dot_general3A = arith.constant dense<0.000000e+00> : vector<1000x128xf32>
    %dot_general3A_5 = tpu.matmul %get3A_1, %get3A_4, %dot_general3A {dimension_numbers = #tpu.dot_dimension_numbers<[1], [0], [0], [1], [0, 0, 1, 1], [], []>, transpose_lhs_hint = false} : vector<1000x128xf32>, vector<128x128xf32>, vector<1000x128xf32> -> vector<1000x128xf32>
    %swap3A = arith.constant 0 : index
    %swap3A_6 = arith.constant 0 : index
    %swap3A_7 = vector.load %arg4[%swap3A, %swap3A_6] : memref<1000x128xf32, #tpu.memory_space<vmem>>, vector<1000x128xf32>
    tpu.vector_store %arg4[%swap3A, %swap3A_6], %dot_general3A_5 {strides = array<i32>} : memref<1000x128xf32, #tpu.memory_space<vmem>>, vector<1000x128xf32>,
    %get3A_8 = arith.constant 0 : index
    %get3A_9 = arith.constant 0 : index
    %get3A_10 = vector.load %arg3[%get3A_8, %get3A_9] : memref<128x128xf32, #tpu.memory_space<vmem>>, vector<128x128xf32>
    %dot_general3A_11 = arith.constant dense<0.000000e+00> : vector<1000x128xf32>
    %dot_general3A_12 = tpu.matmul %dot_general3A_5, %get3A_10, %dot_general3A_11 {dimension_numbers = #tpu.dot_dimension_numbers<[1], [0], [0], [1], [0, 0, 1, 1], [], []>, transpose_lhs_hint = false} : vector<1000x128xf32>, vector<128x128xf32>, vector<1000x128xf32> -> vector<1000x128xf32>
    %swap3A_13 = arith.constant 0 : index
    %swap3A_14 = arith.constant 0 : index
    %swap3A_15 = vector.load %arg5[%swap3A_13, %swap3A_14] : memref<1000x128xf32, #tpu.memory_space<vmem>>, vector<1000x128xf32>
    tpu.vector_store %arg5[%swap3A_13, %swap3A_14], %dot_general3A_12 {strides = array<i32>} : memref<1000x128xf32, #tpu.memory_space<vmem>>, vector<1000x128xf32>,
    return
  }
  func.func @transform_0(%arg0: i32) -> (i32, i32) {
    %c0_i32 = arith.constant 0 : i32
    %c0_i32_0 = arith.constant 0 : i32
    return %arg0, %c0_i32 : i32, i32
  }
  func.func @transform_1(%arg0: i32) -> (i32, i32) {
    %c0_i32 = arith.constant 0 : i32
    %c0_i32_0 = arith.constant 0 : i32
    %c0_i32_1 = arith.constant 0 : i32
    return %c0_i32, %c0_i32_0 : i32, i32
  }
  func.func @transform_2(%arg0: i32) -> (i32, i32) {
    %c0_i32 = arith.constant 0 : i32
    %c0_i32_0 = arith.constant 0 : i32
    %c0_i32_1 = arith.constant 0 : i32
    return %c0_i32, %c0_i32_0 : i32, i32
  }
  func.func @transform_3(%arg0: i32) -> (i32, i32) {
    %c0_i32 = arith.constant 0 : i32
    %c0_i32_0 = arith.constant 0 : i32
    return %arg0, %c0_i32 : i32, i32
  }
  func.func @transform_4(%arg0: i32) -> (i32, i32) {
    %c0_i32 = arith.constant 0 : i32
    %c0_i32_0 = arith.constant 0 : i32
    return %arg0, %c0_i32 : i32, i32
  }
}

module attributes {stable_mosaic.version = 14 : i64} {
  func.func @_fin_body(%arg0: i32, %arg1: memref<2x1024x128xf32, #tpu.memory_space<vmem>>, %arg2: memref<32x1024xf32, #tpu.memory_space<vmem>>, %arg3: memref<1x1x1024xi32, #tpu.memory_space<vmem>>, %arg4: memref<1x128xf32, #tpu.memory_space<vmem>>, %arg5: memref<1x128xf32, #tpu.memory_space<vmem>>, %arg6: memref<1x128xf32, #tpu.memory_space<vmem>>, %arg7: memref<128x16xf32, #tpu.memory_space<vmem>>, %arg8: memref<1x16xf32, #tpu.memory_space<vmem>>, %arg9: memref<64x16xf32, #tpu.memory_space<vmem>>, %arg10: memref<64x128xf32, #tpu.memory_space<vmem>>, %arg11: memref<64x128xf32, #tpu.memory_space<vmem>>) attributes {dimension_semantics = [#tpu.dimension_semantics<arbitrary>], iteration_bounds = array<i64: 10>, scalar_prefetch = 0 : i64, scratch_operands = 2 : i64, tpu.core_type = #tpu.core_type<tc>, window_params = [{transform_indices = @transform_0, window_bounds = array<i64: 2, 1024, 128>}, {transform_indices = @transform_1, window_bounds = array<i64: 32, 1024>}, {transform_indices = @transform_2, window_bounds = array<i64: 1, 1, 1024>}, {pipeline_mode = #tpu.pipeline_mode<synchronous>, transform_indices = @transform_3, window_bounds = array<i64: 1, 128>}, {pipeline_mode = #tpu.pipeline_mode<synchronous>, transform_indices = @transform_4, window_bounds = array<i64: 1, 128>}, {pipeline_mode = #tpu.pipeline_mode<synchronous>, transform_indices = @transform_5, window_bounds = array<i64: 1, 128>}, {pipeline_mode = #tpu.pipeline_mode<synchronous>, transform_indices = @transform_6, window_bounds = array<i64: 128, 16>}, {pipeline_mode = #tpu.pipeline_mode<synchronous>, transform_indices = @transform_7, window_bounds = array<i64: 1, 16>}, {pipeline_mode = #tpu.pipeline_mode<synchronous>, transform_indices = @transform_8, window_bounds = array<i64: 64, 16>}]} {
    %eq3A = arith.constant 0 : i32
    %eq3A_0 = arith.cmpi eq, %arg0, %eq3A : i32
    %convert_element_type3A = arith.extui %eq3A_0 : i1 to i32
    %cond3A = arith.constant 0 : i32
    %cond3A_1 = arith.cmpi ne, %convert_element_type3A, %cond3A : i32
    scf.if %cond3A_1 {
      %broadcast_in_dim3A_72 = arith.constant 0.000000e+00 : f32
      %broadcast_in_dim3A_73 = vector.broadcast %broadcast_in_dim3A_72 : f32 to vector<64x128xf32>
      %swap3A_74 = arith.constant 0 : index
      %swap3A_75 = arith.constant 0 : index
      %swap3A_76 = vector.load %arg10[%swap3A_74, %swap3A_75] : memref<64x128xf32, #tpu.memory_space<vmem>>, vector<64x128xf32>
      tpu.vector_store %arg10[%swap3A_74, %swap3A_75], %broadcast_in_dim3A_73 {strides = array<i32>} : memref<64x128xf32, #tpu.memory_space<vmem>>, vector<64x128xf32>,
      %broadcast_in_dim3A_77 = arith.constant 0.000000e+00 : f32
      %broadcast_in_dim3A_78 = vector.broadcast %broadcast_in_dim3A_77 : f32 to vector<64x128xf32>
      %swap3A_79 = arith.constant 0 : index
      %swap3A_80 = arith.constant 0 : index
      %swap3A_81 = vector.load %arg11[%swap3A_79, %swap3A_80] : memref<64x128xf32, #tpu.memory_space<vmem>>, vector<64x128xf32>
      tpu.vector_store %arg11[%swap3A_79, %swap3A_80], %broadcast_in_dim3A_78 {strides = array<i32>} : memref<64x128xf32, #tpu.memory_space<vmem>>, vector<64x128xf32>,
    } else {
    }
    %get3A = arith.constant 0 : index
    %get3A_2 = arith.constant 0 : index
    %get3A_3 = arith.constant 0 : index
    %get3A_4 = vector.load %arg1[%get3A, %get3A_2, %get3A_3] : memref<2x1024x128xf32, #tpu.memory_space<vmem>>, vector<1x1024x128xf32>
    %get3A_5 = vector.shape_cast %get3A_4 : vector<1x1024x128xf32> to vector<1024x128xf32>
    %get3A_6 = arith.constant 1 : index
    %get3A_7 = arith.constant 0 : index
    %get3A_8 = arith.constant 0 : index
    %get3A_9 = vector.load %arg1[%get3A_6, %get3A_7, %get3A_8] : memref<2x1024x128xf32, #tpu.memory_space<vmem>>, vector<1x1024x128xf32>
    %get3A_10 = vector.shape_cast %get3A_9 : vector<1x1024x128xf32> to vector<1024x128xf32>
    %add3A = arith.addf %get3A_5, %get3A_10 : vector<1024x128xf32>
    %get3A_11 = arith.constant 0 : index
    %get3A_12 = arith.constant 0 : index
    %get3A_13 = vector.load %arg2[%get3A_11, %get3A_12] : memref<32x1024xf32, #tpu.memory_space<vmem>>, vector<32x1024xf32>
    %reduce_sum3A = arith.constant dense<0.000000e+00> : vector<1024xf32>
    %reduce_sum3A_14 = vector.multi_reduction <add>, %get3A_13, %reduce_sum3A [0] : vector<32x1024xf32> to vector<1024xf32>
    %add3A_15 = arith.constant 1.000000e-16 : f32
    %add3A_16 = vector.broadcast %add3A_15 : f32 to vector<1024xf32>
    %add3A_17 = arith.addf %reduce_sum3A_14, %add3A_16 : vector<1024xf32>
    %div3A = arith.constant 1.000000e+00 : f32
    %div3A_18 = vector.broadcast %div3A : f32 to vector<1024xf32>
    %div3A_19 = arith.divf %div3A_18, %add3A_17 : vector<1024xf32>
    %broadcast_in_dim3A = vector.shape_cast %div3A_19 : vector<1024xf32> to vector<1024x1xf32>
    %mul3A = vector.broadcast %broadcast_in_dim3A : vector<1024x1xf32> to vector<1024x128xf32>
    %mul3A_20 = arith.mulf %add3A, %mul3A : vector<1024x128xf32>
    %get3A_21 = arith.constant 0 : index
    %get3A_22 = arith.constant 0 : index
    %get3A_23 = vector.load %arg4[%get3A_21, %get3A_22] : memref<1x128xf32, #tpu.memory_space<vmem>>, vector<1x128xf32>
    %add3A_24 = vector.broadcast %get3A_23 : vector<1x128xf32> to vector<1024x128xf32>
    %add3A_25 = arith.addf %mul3A_20, %add3A_24 : vector<1024x128xf32>
    %get3A_26 = arith.constant 0 : index
    %get3A_27 = arith.constant 0 : index
    %get3A_28 = vector.load %arg5[%get3A_26, %get3A_27] : memref<1x128xf32, #tpu.memory_space<vmem>>, vector<1x128xf32>
    %mul3A_29 = vector.broadcast %get3A_28 : vector<1x128xf32> to vector<1024x128xf32>
    %mul3A_30 = arith.mulf %add3A_25, %mul3A_29 : vector<1024x128xf32>
    %get3A_31 = arith.constant 0 : index
    %get3A_32 = arith.constant 0 : index
    %get3A_33 = vector.load %arg6[%get3A_31, %get3A_32] : memref<1x128xf32, #tpu.memory_space<vmem>>, vector<1x128xf32>
    %add3A_34 = vector.broadcast %get3A_33 : vector<1x128xf32> to vector<1024x128xf32>
    %add3A_35 = arith.addf %mul3A_30, %add3A_34 : vector<1024x128xf32>
    %max3A = arith.constant 0.000000e+00 : f32
    %max3A_36 = vector.broadcast %max3A : f32 to vector<1024x128xf32>
    %max3A_37 = arith.maximumf %add3A_35, %max3A_36 : vector<1024x128xf32>
    %get3A_38 = arith.constant 0 : index
    %get3A_39 = arith.constant 0 : index
    %get3A_40 = arith.constant 0 : index
    %get3A_41 = vector.load %arg3[%get3A_38, %get3A_39, %get3A_40] : memref<1x1x1024xi32, #tpu.memory_space<vmem>>, vector<1x1x1024xi32>
    %get3A_42 = vector.shape_cast %get3A_41 : vector<1x1x1024xi32> to vector<1024xi32>
    %iota3A = tpu.iota {dimensions = array<i32: 0>} : vector<64x1024xi32>
    %broadcast_in_dim3A_43 = vector.shape_cast %get3A_42 : vector<1024xi32> to vector<1x1024xi32>
    %eq3A_44 = vector.broadcast %broadcast_in_dim3A_43 : vector<1x1024xi32> to vector<64x1024xi32>
    %eq3A_45 = arith.cmpi eq, %iota3A, %eq3A_44 : vector<64x1024xi32>
    %convert_element_type3A_46 = arith.extui %eq3A_45 : vector<64x1024xi1> to vector<64x1024xi32>
    %convert_element_type3A_47 = arith.sitofp %convert_element_type3A_46 : vector<64x1024xi32> to vector<64x1024xf32>
    %get3A_48 = arith.constant 0 : index
    %get3A_49 = arith.constant 0 : index
    %get3A_50 = vector.load %arg10[%get3A_48, %get3A_49] : memref<64x128xf32, #tpu.memory_space<vmem>>, vector<64x128xf32>
    %dot_general3A = arith.constant dense<0.000000e+00> : vector<64x128xf32>
    %dot_general3A_51 = tpu.matmul %convert_element_type3A_47, %max3A_37, %dot_general3A {dimension_numbers = #tpu.dot_dimension_numbers<[1], [0], [0], [1], [0, 0, 1, 1], [], []>, transpose_lhs_hint = false} : vector<64x1024xf32>, vector<1024x128xf32>, vector<64x128xf32> -> vector<64x128xf32>
    %add3A_52 = arith.addf %get3A_50, %dot_general3A_51 : vector<64x128xf32>
    %swap3A = arith.constant 0 : index
    %swap3A_53 = arith.constant 0 : index
    %swap3A_54 = vector.load %arg10[%swap3A, %swap3A_53] : memref<64x128xf32, #tpu.memory_space<vmem>>, vector<64x128xf32>
    tpu.vector_store %arg10[%swap3A, %swap3A_53], %add3A_52 {strides = array<i32>} : memref<64x128xf32, #tpu.memory_space<vmem>>, vector<64x128xf32>,
    %get3A_55 = arith.constant 0 : index
    %get3A_56 = arith.constant 0 : index
    %get3A_57 = vector.load %arg11[%get3A_55, %get3A_56] : memref<64x128xf32, #tpu.memory_space<vmem>>, vector<64x128xf32>
    %reduce_sum3A_58 = arith.constant dense<0.000000e+00> : vector<64xf32>
    %reduce_sum3A_59 = vector.multi_reduction <add>, %convert_element_type3A_47, %reduce_sum3A_58 [1] : vector<64x1024xf32> to vector<64xf32>
    %broadcast_in_dim3A_60 = vector.shape_cast %reduce_sum3A_59 : vector<64xf32> to vector<64x1xf32>
    %broadcast_in_dim3A_61 = vector.shape_cast %broadcast_in_dim3A_60 : vector<64x1xf32> to vector<64x1xf32>
    %broadcast_in_dim3A_62 = vector.broadcast %broadcast_in_dim3A_61 : vector<64x1xf32> to vector<64x128xf32>
    %add3A_63 = arith.addf %get3A_57, %broadcast_in_dim3A_62 : vector<64x128xf32>
    %swap3A_64 = arith.constant 0 : index
    %swap3A_65 = arith.constant 0 : index
    %swap3A_66 = vector.load %arg11[%swap3A_64, %swap3A_65] : memref<64x128xf32, #tpu.memory_space<vmem>>, vector<64x128xf32>
    tpu.vector_store %arg11[%swap3A_64, %swap3A_65], %add3A_63 {strides = array<i32>} : memref<64x128xf32, #tpu.memory_space<vmem>>, vector<64x128xf32>,
    %eq3A_67 = arith.constant 9 : i32
    %eq3A_68 = arith.cmpi eq, %arg0, %eq3A_67 : i32
    %convert_element_type3A_69 = arith.extui %eq3A_68 : i1 to i32
    %cond3A_70 = arith.constant 0 : i32
    %cond3A_71 = arith.cmpi ne, %convert_element_type3A_69, %cond3A_70 : i32
    scf.if %cond3A_71 {
      %get3A_72 = arith.constant 0 : index
      %get3A_73 = arith.constant 0 : index
      %get3A_74 = vector.load %arg10[%get3A_72, %get3A_73] : memref<64x128xf32, #tpu.memory_space<vmem>>, vector<64x128xf32>
      %get3A_75 = arith.constant 0 : index
      %get3A_76 = arith.constant 0 : index
      %get3A_77 = vector.load %arg11[%get3A_75, %get3A_76] : memref<64x128xf32, #tpu.memory_space<vmem>>, vector<64x128xf32>
      %max3A_78 = arith.constant 1.000000e+00 : f32
      %max3A_79 = vector.broadcast %max3A_78 : f32 to vector<64x128xf32>
      %max3A_80 = arith.maximumf %get3A_77, %max3A_79 : vector<64x128xf32>
      %div3A_81 = arith.divf %get3A_74, %max3A_80 : vector<64x128xf32>
      %get3A_82 = arith.constant 0 : index
      %get3A_83 = arith.constant 0 : index
      %get3A_84 = vector.load %arg7[%get3A_82, %get3A_83] : memref<128x16xf32, #tpu.memory_space<vmem>>, vector<128x16xf32>
      %dot_general3A_85 = arith.constant dense<0.000000e+00> : vector<64x16xf32>
      %dot_general3A_86 = tpu.matmul %div3A_81, %get3A_84, %dot_general3A_85 {dimension_numbers = #tpu.dot_dimension_numbers<[1], [0], [0], [1], [0, 0, 1, 1], [], []>, transpose_lhs_hint = false} : vector<64x128xf32>, vector<128x16xf32>, vector<64x16xf32> -> vector<64x16xf32>
      %get3A_87 = arith.constant 0 : index
      %get3A_88 = arith.constant 0 : index
      %get3A_89 = vector.load %arg8[%get3A_87, %get3A_88] : memref<1x16xf32, #tpu.memory_space<vmem>>, vector<1x16xf32>
      %add3A_90 = vector.broadcast %get3A_89 : vector<1x16xf32> to vector<64x16xf32>
      %add3A_91 = arith.addf %dot_general3A_86, %add3A_90 : vector<64x16xf32>
      %swap3A_92 = arith.constant 0 : index
      %swap3A_93 = arith.constant 0 : index
      %swap3A_94 = vector.load %arg9[%swap3A_92, %swap3A_93] : memref<64x16xf32, #tpu.memory_space<vmem>>, vector<64x16xf32>
      tpu.vector_store %arg9[%swap3A_92, %swap3A_93], %add3A_91 {strides = array<i32>} : memref<64x16xf32, #tpu.memory_space<vmem>>, vector<64x16xf32>,
    } else {
    }
    return
  }
  func.func @transform_0(%arg0: i32) -> (i32, i32, i32) {
    %c0_i32 = arith.constant 0 : i32
    %c0_i32_0 = arith.constant 0 : i32
    %c0_i32_1 = arith.constant 0 : i32
    return %c0_i32, %arg0, %c0_i32_0 : i32, i32, i32
  }
  func.func @transform_1(%arg0: i32) -> (i32, i32) {
    %c0_i32 = arith.constant 0 : i32
    %c0_i32_0 = arith.constant 0 : i32
    return %c0_i32, %arg0 : i32, i32
  }
  func.func @transform_2(%arg0: i32) -> (i32, i32, i32) {
    %c0_i32 = arith.constant 0 : i32
    %c0_i32_0 = arith.constant 0 : i32
    %c0_i32_1 = arith.constant 0 : i32
    return %arg0, %c0_i32, %c0_i32_0 : i32, i32, i32
  }
  func.func @transform_3(%arg0: i32) -> (i32, i32) {
    %c0_i32 = arith.constant 0 : i32
    %c0_i32_0 = arith.constant 0 : i32
    %c0_i32_1 = arith.constant 0 : i32
    return %c0_i32, %c0_i32_0 : i32, i32
  }
  func.func @transform_4(%arg0: i32) -> (i32, i32) {
    %c0_i32 = arith.constant 0 : i32
    %c0_i32_0 = arith.constant 0 : i32
    %c0_i32_1 = arith.constant 0 : i32
    return %c0_i32, %c0_i32_0 : i32, i32
  }
  func.func @transform_5(%arg0: i32) -> (i32, i32) {
    %c0_i32 = arith.constant 0 : i32
    %c0_i32_0 = arith.constant 0 : i32
    %c0_i32_1 = arith.constant 0 : i32
    return %c0_i32, %c0_i32_0 : i32, i32
  }
  func.func @transform_6(%arg0: i32) -> (i32, i32) {
    %c0_i32 = arith.constant 0 : i32
    %c0_i32_0 = arith.constant 0 : i32
    %c0_i32_1 = arith.constant 0 : i32
    return %c0_i32, %c0_i32_0 : i32, i32
  }
  func.func @transform_7(%arg0: i32) -> (i32, i32) {
    %c0_i32 = arith.constant 0 : i32
    %c0_i32_0 = arith.constant 0 : i32
    %c0_i32_1 = arith.constant 0 : i32
    return %c0_i32, %c0_i32_0 : i32, i32
  }
  func.func @transform_8(%arg0: i32) -> (i32, i32) {
    %c0_i32 = arith.constant 0 : i32
    %c0_i32_0 = arith.constant 0 : i32
    %c0_i32_1 = arith.constant 0 : i32
    return %c0_i32, %c0_i32_0 : i32, i32
  }
}

</mosaic_0001>

<sc_bundles>
// kernel: _run.5.cloned.1.call-start
scs
__scs_entry_jumppad:
0x0: {  	(pc) =	sbr.rel $0x88, $3  }
0x1: {  	(tag) =	ssettag $0x0;
	lr =	simm.s32 $0x1  }
0x2: {  	[smem:$0x3F96] =	sst lr;
	_ =	strace $0xD0000000  }
0x3: {  	_ = 	snop  }
0x4: {  	_ = 	snop  }
0x5: {  	_ = 	snop  }
0x6: {  	_ = 	snop  }
0x7: {  	_ = 	snop  }
__scs_overlays_trampoline_lowered:
0x8: {  	[smem:$0x3FA5] =	sst s0  }
0x9: {  	[smem:$0x3FA6] =	sst s1  }
0xa: {  	[smem:$0x3FA7] =	sst s2  }
0xb: {  	[smem:$0x3FA8] =	sst s3  }
0xc: {  	[smem:$0x3FA9] =	sst s4  }
0xd: {  	[smem:$0x3FAA] =	sst s5  }
0xe: {  	[smem:$0x3FAB] =	sst s6  }
0xf: {  	[smem:$0x3FAC] =	sst s7  }
0x10: {  	[smem:$0x3FAD] =	sst s8  }
0x11: {  	[smem:$0x3FAE] =	sst s9;
	s0 =	simm.s32 @!p0 $0x0  }
0x12: {  	s1 =	sld [smem:$0x3F94];
	s0 =	simm.s32 @p0 $0x1  }
0x13: {  	[smem:$0x3FAF] =	sst s0;
	s0 =	simm.s32 @!p1 $0x0  }
0x14: {  	s2 =	sld [smem:$0x3F93];
	s0 =	simm.s32 @p1 $0x1  }
0x15: {  	[smem:$0x3FB0] =	sst s0;
	s0 =	simm.s32 @!p2 $0x0  }
0x16: {  	s3 =	sld [smem:$0x3FDB];
	s0 =	simm.s32 @p2 $0x1  }
0x17: {  	s4 =	simm.s32 $0x1BF5;
	[smem:$0x3FB2] =	sst s0  }
0x18: {  	s0 =	sld [smem:$0x3F95];
	_ =	swait.ge [sflag:s4], $0x0  }
0x19: {  	s7 =	sld [smem:$0x3F96]  }
0x1a: {  	s8 =	sadd.s32 $0xFFFFE003, lr  }
0x1b: {  	s9 =	sadd.s32 $0xFFFFFEF7, lr;
	s5 =	simm.s32 $0xFFFFFFFF;
	p2 =	slt.u32 s8, $0xFFFFF086  }
0x1c: {  	p1 =	slt.u32 s9, $0xF7A;
	s5 =	simm.s32 @!p2 $0x0  }
0x1d: {  	s5 =	simm.s32 @p1 $0x1;
	p0 =	seq.s32 s7, s2  }
0x1e: {  	s7 =	smul.u32 @!p0 $0xF7A, s2;
	p2 =	seq.s32 @!p0 s5, $0x0  }
0x1f: {  	s9 =	smul.u32 $0xF7A, s1;
	s8 =	simm.s32 @!p0 $0x1BF5;
	p2 =	por !p2, p0  }
0x20: {  	[sflag:s8] =	ssyncset.s32 @!p0 $0xFFFFF086;
	s6 =	sadd.s32 @!p0 s3, s7;
	s7 =	simm.s32 @!p0 $0x108  }
0x21: {  	s3 =	sadd.s32 s3, s9;
	s6 =	sadd.s32 @!p0 $0x88, s6;
	s7 =	simm.s32 @p2 $0x1082  }
0x22: {  	[simem:s7], [sflag:s8] =	dma.local @!p0 [hbm:s6], $0xF7A  }
0x23: {  	s9 =	sor.u32 $0xD0000000, s2;
	s6 =	simm.s32 $0x108;
	_ =	swait.ge @!p0 [sflag:s8], $0x0  }
0x24: {  	s3 =	sadd.s32 $0x88, s3;
	s6 =	simm.s32 @!p1 $0x1082;
	[sflag:s4] =	ssyncset.s32 $0xFFFFF086  }
0x25: {  	[simem:s6], [sflag:s4] =	dma.local [hbm:s3], $0xF7A  }
0x26: {  	[smem:$0x3F96] =	sst s1;
	(tag) =	ssettag s2;
	_ =	strace s9  }
0x27: {  	s1 =	sld [smem:$0x3FA6]  }
0x28: {  	s2 =	sld [smem:$0x3FA7]  }
0x29: {  	s4 =	sld [smem:$0x3FA9]  }
0x2a: {  	p0 =	seq.s32 s5, $0x0;
	s5 =	sld [smem:$0x3FAA]  }
0x2b: {  	s6 =	sld [smem:$0x3FAB]  }
0x2c: {  	s7 =	sld [smem:$0x3FAC]  }
0x2d: {  	s3 =	simm.s32 $0x108;
	s8 =	sld [smem:$0x3FAD]  }
0x2e: {  	s3 =	simm.s32 @!p0 $0x1082;
	s9 =	sld [smem:$0x3FAE]  }
0x2f: {  	lr =	sadd.s32 s0, s3;
	s0 =	sld [smem:$0x3FA5]  }
0x30: {  	s3 =	sld [smem:$0x3FA8]  }
0x31: {  	[smem:$0x3FB1] =	sst s10  }
0x32: {  	s10 =	sld [smem:$0x3FAF];
	_ =	sdelay $0x3  }
0x33: {  	p0 =	seq.s32 s10, $0x1;
	s10 =	sld [smem:$0x3FB1];
	_ =	sdelay $0x3  }
0x34: {  	[smem:$0x3FB1] =	sst s10  }
0x35: {  	s10 =	sld [smem:$0x3FB0];
	_ =	sdelay $0x3  }
0x36: {  	p1 =	seq.s32 s10, $0x1;
	s10 =	sld [smem:$0x3FB1];
	_ =	sdelay $0x3  }
0x37: {  	[smem:$0x3FB1] =	sst s10  }
0x38: {  	s10 =	sld [smem:$0x3FB2]  }
0x39: {  	_ = 	snop;
	(pc) =	sbr.ind lr, $3  }
0x3a: {  	_ = 	snop  }
0x3b: {  	_ = 	snop  }
0x3c: {  	p2 =	seq.s32 s10, $0x1;
	s10 =	sld [smem:$0x3FB1]  }
0x3d: {  	_ =	shalt  }
0x3e: {  	_ =	shalt  }
0x3f: {  	_ =	shalt  }
0x40: {  	_ =	shalt  }
0x41: {  	_ =	shalt  }
0x42: {  	_ =	shalt  }
0x43: {  	_ =	shalt  }
0x44: {  	_ =	shalt  }
0x45: {  	_ =	shalt  }
0x46: {  	_ =	shalt  }
0x47: {  	_ =	shalt  }
0x48: {  	_ =	shalt  }
0x49: {  	_ =	shalt  }
0x4a: {  	_ =	shalt  }
0x4b: {  	_ =	shalt  }
0x4c: {  	_ =	shalt  }
0x4d: {  	_ =	shalt  }
0x4e: {  	_ =	shalt  }
0x4f: {  	_ =	shalt  }
0x50: {  	_ =	shalt  }
0x51: {  	_ =	shalt  }
0x52: {  	_ =	shalt  }
0x53: {  	_ =	shalt  }
0x54: {  	_ =	shalt  }
0x55: {  	_ =	shalt  }
0x56: {  	_ =	shalt  }
0x57: {  	_ =	shalt  }
0x58: {  	_ =	shalt  }
0x59: {  	_ =	shalt  }
0x5a: {  	_ =	shalt  }
0x5b: {  	_ =	shalt  }
0x5c: {  	_ =	shalt  }
0x5d: {  	_ =	shalt  }
0x5e: {  	_ =	shalt  }
0x5f: {  	_ =	shalt  }
0x60: {  	_ =	shalt  }
0x61: {  	_ =	shalt  }
0x62: {  	_ =	shalt  }
0x63: {  	_ =	shalt  }
0x64: {  	_ =	shalt  }
0x65: {  	_ =	shalt  }
0x66: {  	_ =	shalt  }
0x67: {  	_ =	shalt  }
0x68: {  	_ =	shalt  }
0x69: {  	_ =	shalt  }
0x6a: {  	_ =	shalt  }
0x6b: {  	_ =	shalt  }
0x6c: {  	_ =	shalt  }
0x6d: {  	_ =	shalt  }
0x6e: {  	_ =	shalt  }
0x6f: {  	_ =	shalt  }
0x70: {  	_ =	shalt  }
0x71: {  	_ =	shalt  }
0x72: {  	_ =	shalt  }
0x73: {  	_ =	shalt  }
0x74: {  	_ =	shalt  }
0x75: {  	_ =	shalt  }
0x76: {  	_ =	shalt  }
0x77: {  	_ =	shalt  }
0x78: {  	_ =	shalt  }
0x79: {  	_ =	shalt  }
0x7a: {  	_ =	shalt  }
0x7b: {  	_ =	shalt  }
0x7c: {  	_ =	shalt  }
0x7d: {  	_ =	shalt  }
0x7e: {  	_ =	shalt  }
0x7f: {  	_ =	shalt  }
0x80: {  	_ =	shalt  }
0x81: {  	_ =	shalt  }
0x82: {  	_ =	shalt  }
0x83: {  	_ =	shalt  }
0x84: {  	_ =	shalt  }
0x85: {  	_ =	shalt  }
0x86: {  	_ =	shalt  }
0x87: {  	_ =	shalt  }
.Lfunc_end0:
.L_simem_size_0:
called_computation_lowered:
.L_overlay_start_0:
0x88: {  	s2 =	sld [smem:$0x3FD9]  }
0x89: {  	s3 =	sld [smem:$0x3FFE];
	_ =	sdelay $0x1  }
0x8a: {  	s1 =	srdreg.scid  }
0x8b: {  	s0 =	sand.u32 $0x1, s1  }
0x8c: {  	s16 =	sshll.u32 s0, $0xA;
	s2 =	sadd.s32 s3, s2  }
0x8d: {  	s2 =	sadd.s32 s2, s16  }
0x8e: {  	[smem:$0x3FBD] =	sst s2  }
0x8f: {  	_ = 	snop  }
0x90: {  	(tm) =	ssettm $0x1  }
0x91: {  	s17 =	sld [smem:$0x3FFB];
	_ =	sdelay $0x3  }
0x92: {  	_ =	strace s17  }
0x93: {  	s2 =	sld [smem:$0x3FFC];
	_ =	sdelay $0x3  }
0x94: {  	_ =	strace s2  }
0x95: {  	s2 =	sld [smem:$0x3FFD];
	_ =	sdelay $0x3  }
0x96: {  	_ =	strace s2  }
0x97: {  	_ =	strace $0x8FFFFFFF  }
0x98: {  	s18 =	sld [smem:$0x3FDB];
	_ =	sdelay $0x1  }
0x99: {  	s19 =	simm.s32 $_scs_section_size  }
0x9a: {  	s4 =	simm.s32 $_size__tile_overlayer_lowered;
	s5 =	simm.s32 $_tile_overlayer_lowered  }
0x9b: {  	s22 =	simm.s32 $0x1BFF;
	s21 =	sshll.u32 s5, $0x1;
	s2 =	sadd.s32 s19, s18  }
0x9c: {  	s6 =	simm.s32 $0x0;
	s20 =	sshll.u32 s4, $0x1;
	s4 =	sadd.s32 s21, s2  }
0x9d: {  	[timem:s6], [sflag:s22] =	dma.local [hbm:s4], s20  }
0x9e: {  	_ =	swait.ge [sflag:s22], s20  }
0x9f: {  	s3 =	ssub.s32 $0x0, s20;
	[sflag:s22] =	ssyncset.done $0x0  }
0xa0: {  	[sflag:s22] =	ssyncadd.s32 s3;
	_ =	sdelay $0x1  }
0xa1: {  	s23 =	simm.s32 $0x1B8B  }
0xa2: {  	_ =	swait.ge [sflag:s23], $0x1  }
0xa3: {  	[sflag:s23] =	ssyncset.done $0x0  }
0xa4: {  	s25 =	simm.s32 $0x1B8E;
	s24 =	sld [smem:$0x3FFE];
	[sflag:s23] =	ssyncadd.s32 $0xFFFFFFFF  }
0xa5: {  	s26 =	simm.s32 $execute0_lowered;
	[smem:$0x3FD2] =	sst s25  }
0xa6: {  	s4 =	sshll.u32 s26, $0x1;
	_ =	strace $0x80000046;
	[dreg:$0x1] =	wrdreg $0xFFFFFFFF  }
0xa7: {  	s28 =	simm.s32 $_size_execute0_lowered;
	s2 =	sadd.s32 s2, s4;
	[dreg:$0x0] =	wrdreg $0x0  }
0xa8: {  	s4 =	sshll.u32 s28, $0x1;
	[dreg:$0x2] =	wrdreg s2  }
0xa9: {  	[dreg:$0x3] =	wrdreg s4  }
0xaa: {  	[dreg:$0x4] =	wrdreg $0xC0  }
0xab: {  	_ =	task [dreg:s6], $0x5FFFF  }
0xac: {  	[dreg:$0x1] =	wrdreg $0xFFFFFFFF  }
0xad: {  	[dreg:$0x0] =	wrdreg $0x60  }
0xae: {  	[dreg:$0x2] =	wrdreg s24  }
0xaf: {  	[dreg:$0x3] =	wrdreg $0xAA000  }
0xb0: {  	[dreg:$0x4] =	wrdreg $0x9  }
0xb1: {  	_ =	task.clear_ibuf [dreg:s6], $0x5FFFF;
	_ =	strace $0x90000046  }
0xb2: {  	s29 =	simm.s32 $0x9;
	_ =	strace $0x80000048  }
0xb3: {  	_ =	swait.ge [sflag:s29], $0x1  }
0xb4: {  	[sflag:s29] =	ssyncadd.s32 $0xFFFFFFFF  }
0xb5: {  	_ =	strace $0x90000048  }
0xb6: {  	_ =	sfence  }
0xb7: {  	s30 =	sld [smem:$0x0];
	_ =	sdelay $0x2  }
0xb8: {  	s31 =	sshll.u32 s1, $0xD;
	s1 =	sshrl.u32 s1, $0x2  }
0xb9: {  	s3 =	sand.u32 $0x4000, s31;
	s1 =	sadd.s32 s1, s30  }
0xba: {  	s0 =	sor.u32 s3, s0;
	s1 =	sshll.u32 s1, $0x11  }
0xbb: {  	s0 =	sor.u32 s1, s0  }
0xbc: {  	s0 =	sadd.s32 $0x8F2B, s0  }
0xbd: {  	[sflag:s0] =	ssyncadd.remote.s32 $0x1  }
0xbe: {  	_ =	sfence.sel $0xFFFF  }
0xbf: {  	[dreg:$0x0] =	wrdreg $0xFFFFFFFF;
	(pc) =	sbr.abs _section_cstart, $3  }
0xc0: {  	[dreg:$0x1] =	wrdreg $0xFFFFFFFF  }
0xc1: {  	_ =	task.clear_ibuf [dreg:s6], $0x2FFFF;
	_ =	strace $0x9FFFFFFF  }
0xc2: {  	(tm) =	ssettm $0x7FFFFFFF  }
0xc3: {  	_ =	shalt  }
tec
execute0_lowered:
.L_overlay_start_1:
0x0: {  	(tag) =	ssettag $0x1  }
0x1: {  	s16 =	stileid.u32  }
0x2: {  	s9 =	smul.u32 $0x14000, s16  }
0x3: {  	s1 =	srdreg.scid;
	s3 =	sshrl.u32 s16, $0x2;
	s19 =	smul.u32 $0x1AE00, s16  }
0x4: {  	s0 =	rddreg [dreg:$0x0];
	s2 =	sand.u32 $0x1, s1;
	s22 =	smul.u32 $0x14000, s3  }
0x5: {  	s21 =	sshll.u32 s16, $0x1;
	s4 =	sadd.s32 $0x5E600, s0;
	s7 =	smul.u32 $0x140000, s2  }
0x6: {  	s5 =	sor.u32 s2, s21;
	s6 =	ssub.s32 $0x2, s2;
	s2 =	smul.u32 $0xD700, s2  }
0x7: {  	s23 =	sshll.u32 s5, $0x7;
	s8 =	sshrl.u32 s6, $0x1;
	s5 =	smul.u32 $0xD700, s5  }
0x8: {  	s11 =	sadd.s32 $0x4000, s9;
	s14 =	sadd.s32 $0xA000, s9;
	s17 =	sadd.s32 $0xC000, s9  }
0x9: {  	s18 =	sadd.s32 $0xE000, s9;
	s20 =	sadd.s32 $0x10000, s9;
	s3 =	sand.u32 $0x380, s23  }
0xa: {  	s1 =	ssub.s32 s6, s8;
	s24 =	sadd.s32 s7, s9;
	s8 =	sor.u32 $0x2000, s9  }
0xb: {  	s12 =	sadd.s32 s7, s11;
	s15 =	sadd.s32 s7, s14;
	s21 =	sadd.s32 s7, s18  }
0xc: {  	s2 =	sadd.s32 s2, s19;
	s23 =	sadd.s32 s7, s20;
	s3 =	sor.u32 s22, s3  }
0xd: {  	s6 =	sshrl.u32 s24, $0x3;
	s10 =	sadd.s32 s7, s8;
	s26 =	sshrl.u32 s12, $0x3  }
0xe: {  	s12 =	sadd.s32 $0x8000, s9;
	s31 =	sshrl.u32 s15, $0x3;
	s15 =	sadd.s32 s7, s17  }
0xf: {  	s22 =	sshrl.u32 s21, $0x3;
	s24 =	sshrl.u32 s23, $0x3;
	s2 =	sadd.s32 $0x200, s2  }
0x10: {  	s6 =	sadd.s32 s4, s6;
	s25 =	sshrl.u32 s10, $0x3;
	s28 =	sadd.s32 s4, s26  }
0x11: {  	s13 =	sadd.s32 s7, s12;
	s2 =	sshrl.u32 s2, $0x3;
	[dreg:$0x3] =	wrdreg s6  }
0x12: {  	s26 =	sadd.s32 $0x28A00, s0;
	s6 =	sadd.s32 s4, s25;
	[dreg:$0x5] =	wrdreg s28  }
0x13: {  	s30 =	sshrl.u32 s13, $0x3;
	s13 =	sadd.s32 s4, s31;
	s25 =	sshrl.u32 s5, $0x3  }
0x14: {  	s2 =	sadd.s32 s2, s26;
	s28 =	sshrl.u32 s3, $0x3;
	[dreg:$0x4] =	wrdreg s6  }
0x15: {  	s6 =	sadd.s32 $0x6000, s9;
	[dreg:$0x8] =	wrdreg s13;
	s9 =	sadd.s32 $0x12000, s9  }
0x16: {  	s13 =	sadd.s32 s26, s25;
	[dreg:$0xd] =	wrdreg s2;
	s29 =	sadd.s32 s7, s6  }
0x17: {  	s2 =	sadd.s32 s28, s0;
	s7 =	sadd.s32 s7, s9;
	s10 =	sshrl.u32 s29, $0x3  }
0x18: {  	s3 =	sadd.s32 $0xAE600, s2;
	s7 =	sshrl.u32 s7, $0x3;
	s10 =	sadd.s32 s4, s10  }
0x19: {  	s29 =	smul.u32 $0x50000, s16;
	[dreg:$0x6] =	wrdreg s10;
	s10 =	sadd.s32 s4, s30  }
0x1a: {  	s16 =	sadd.s32 $0xC00, s0;
	s30 =	sadd.s32 $0x27E00, s0;
	[dreg:$0x7] =	wrdreg s10  }
0x1b: {  	s31 =	sshrl.u32 s29, $0x2;
	s10 =	sshrl.u32 s15, $0x3;
	s15 =	rddreg [dreg:$0x1]  }
0x1c: {  	s0 =	sadd.s32 $0x28400, s0;
	s10 =	sadd.s32 s4, s10;
	s19 =	sadd.s32 s31, s15  }
0x1d: {  	s5 =	sadd.s32 s8, s15;
	s8 =	sadd.s32 s6, s15;
	[dreg:$0x9] =	wrdreg s10  }
0x1e: {  	s10 =	sadd.s32 s4, s22;
	s22 =	sshrl.u32 s8, $0x3;
	s31 =	sadd.s32 $0x2000, s19  }
0x1f: {  	s2 =	sadd.s32 $0x6000, s19;
	[dreg:$0xa] =	wrdreg s10;
	s10 =	sadd.s32 s4, s24  }
0x20: {  	s6 =	sadd.s32 $0xE000, s19;
	s4 =	sadd.s32 s4, s7;
	[dreg:$0xb] =	wrdreg s10  }
0x21: {  	s8 =	sadd.s32 $0x12000, s19;
	s10 =	simm.s32 $0x0;
	[dreg:$0xc] =	wrdreg s4  }
0x22: {  	s7 =	sadd.s32 s11, s15;
	s11 =	sadd.s32 s12, s15;
	[smem:$0x7FF] =	sst s10  }
0x23: {  	s12 =	sadd.s32 s14, s15;
	_ =	strace $0x80000047;
	[dreg:$0xe] =	wrdreg s30  }
0x24: {  	s14 =	sadd.s32 s17, s15;
	s17 =	sadd.s32 s18, s15;
	[dreg:$0xf] =	wrdreg s0  }
0x25: {  	s18 =	sadd.s32 s20, s15;
	s4 =	smax.u32 s1, $0x1;
	[dreg:$0x10] =	wrdreg s3  }
0x26: {  	v0 =	vimm.s32 $0xFFEDCBA9;
	s20 =	sadd.s32 s9, s15;
	s21 =	sshrl.u32 s7, $0x3;
	[dreg:$0x11] =	wrdreg s4  }
0x27: {  	v1 =	vimm.s32 $0x87654321;
	v2 =	vimm.s32 $0xEDCBA987;
	s9 =	simm.s32 $0x2780;
	s23 =	sshrl.u32 s11, $0x3;
	[dreg:$0x13] =	wrdreg s21  }
0x28: {  	v3 =	vimm.s32 $0x65432100;
	vm0 =	vmmov $0x1;
	vm1 =	vcmask $0x3F3C;
	s24 =	sshrl.u32 s12, $0x3;
	s25 =	sshrl.u32 s14, $0x3;
	[dreg:$0x14] =	wrdreg s22  }
0x29: {  	v5 =	vimm.s32 $0x1;
	v6 =	vimm.s32 $0x2;
	v7 =	vimm.s32 $0x3;
	s26 =	sshrl.u32 s17, $0x3;
	s28 =	sshrl.u32 s18, $0x3;
	[dreg:$0x15] =	wrdreg s23  }
0x2a: {  	v8 =	vimm.s32 $0x4;
	v9 =	vimm.s32 $0x5;
	v10 =	vimm.s32 $0x6;
	s29 =	sshrl.u32 s20, $0x3;
	s1 =	sadd.s32 $0x4000, s19;
	[dreg:$0x16] =	wrdreg s24  }
0x2b: {  	v11 =	vimm.s32 $0x7;
	v12 =	vimm.s32 $0x8;
	v13 =	vimm.s32 $0x9;
	s7 =	sadd.s32 $0x10000, s19;
	s11 =	simm.s32 $0x7A00;
	[dreg:$0x17] =	wrdreg s25  }
0x2c: {  	v0 =	vunpack.c.l.s4.s8 v0;
	v1 =	vunpack.c.l.s4.s8 v1;
	v2 =	vunpack.c.l.s4.s8 v2;
	s17 =	simm.s32 $0x7;
	s18 =	simm.s32 $0x4;
	[dreg:$0x18] =	wrdreg s26  }
0x2d: {  	v14 =	vimm.s32 $0xA;
	v15 =	vimm.s32 $0xB;
	v3 =	vunpack.c.l.s4.s8 v3;
	s20 =	simm.s32 $0x5;
	s14 =	simm.s32 $0x1;
	[dreg:$0x19] =	wrdreg s28  }
.Ltmp0:
0x2e: {  	v0 =	vunpack.c.0.s8.s32 v0;
	v1 =	vunpack.c.0.s8.s32 v1;
	v2 =	vunpack.c.0.s8.s32 v2;
	s0 =	sshrl.u32 s5, $0x3;
	[dreg:$0x1a] =	wrdreg s29;
	(pc) =	sbr.rel .LBB2_1-.Ltmp0, $4  }
0x2f: {  	v16 =	vimm.s32 $0xC;
	v17 =	vimm.s32 $0xD;
	v3 =	vunpack.c.0.s8.s32 v3;
	s30 =	sadd.s32 $0x20, s13;
	[dreg:$0x1c] =	wrdreg s31;
	s3 =	sadd.s32 $0x8000, s19  }
0x30: {  	v18 =	vimm.s32 $0xE;
	v4 =	vcombine.low v1, v0;
	v1 =	vand.u32 $0xF, v2;
	s4 =	sadd.s32 $0xA000, s19;
	s5 =	sadd.s32 $0xC000, s19;
	s21 =	simm.s32 $0x4F00  }
0x31: {  	v19 =	vimm.s32 $0xF;
	v0 =	vimm.f32 $0.0e+00;
	v1 =	vcombine.low v3, v1;
	s22 =	simm.s32 $0x30;
	s23 =	simm.s32 $0x5200;
	[dreg:$0x12] =	wrdreg s0  }
0x32: {  	v3 =	vlaneseq.u32;
	v2 =	vand.u32 $0xF, v4;
	v4 =	vimm.s32 $0x0;
	s24 =	simm.s32 $0x6;
	s25 =	simm.s32 $0x0;
	[dreg:$0x1b] =	wrdreg s30  }
.LBB2_18:
0x33: {  	_ =	swait.ge [sflag:s24], $0x1800  }
0x34: {  	[sflag:s24] =	ssyncset.done $0x0  }
0x35: {  	s0 =	stileid.u32;
	[sflag:s24] =	ssyncadd.s32 $0xFFFFE800  }
0x36: {  	s0 =	sshll.u32 s0, $0x6;
	[bflag:$0x0] =	sbarrier.arrive $0xFFFF  }
0x37: {  	s12 =	sshrl.u32 s19, $0x3;
	s0 =	sor.u32 $0x1C07, s0;
	s26 =	rddreg [dreg:$0x3]  }
0x38: {  	[hbm:s26], [sflag:s0] =	dma.local [spmem:s12], $0x400  }
0x39: {  	_ =	swait.ge [sflag:s17], $0x400  }
0x3a: {  	[sflag:s17] =	ssyncset.done $0x0;
	s30 =	rddreg [dreg:$0x4]  }
0x3b: {  	s31 =	rddreg [dreg:$0x12];
	[sflag:s17] =	ssyncadd.s32 $0xFFFFFC00  }
0x3c: {  	[hbm:s30], [sflag:s0] =	dma.local [spmem:s31], $0x400  }
0x3d: {  	_ =	swait.ge [sflag:s17], $0x400  }
0x3e: {  	[sflag:s17] =	ssyncset.done $0x0;
	s28 =	rddreg [dreg:$0x5]  }
0x3f: {  	s29 =	rddreg [dreg:$0x13];
	[sflag:s17] =	ssyncadd.s32 $0xFFFFFC00  }
0x40: {  	[hbm:s28], [sflag:s0] =	dma.local [spmem:s29], $0x400  }
0x41: {  	_ =	swait.ge [sflag:s17], $0x400  }
0x42: {  	[sflag:s17] =	ssyncset.done $0x0;
	s30 =	rddreg [dreg:$0x6]  }
0x43: {  	s31 =	rddreg [dreg:$0x14];
	[sflag:s17] =	ssyncadd.s32 $0xFFFFFC00  }
0x44: {  	[hbm:s30], [sflag:s0] =	dma.local [spmem:s31], $0x400  }
0x45: {  	_ =	swait.ge [sflag:s17], $0x400  }
0x46: {  	[sflag:s17] =	ssyncset.done $0x0;
	s28 =	rddreg [dreg:$0x7]  }
0x47: {  	s29 =	rddreg [dreg:$0x15];
	[sflag:s17] =	ssyncadd.s32 $0xFFFFFC00  }
0x48: {  	[hbm:s28], [sflag:s0] =	dma.local [spmem:s29], $0x400  }
0x49: {  	_ =	swait.ge [sflag:s17], $0x400  }
0x4a: {  	[sflag:s17] =	ssyncset.done $0x0;
	s30 =	rddreg [dreg:$0x8]  }
0x4b: {  	s31 =	rddreg [dreg:$0x16];
	[sflag:s17] =	ssyncadd.s32 $0xFFFFFC00  }
0x4c: {  	[hbm:s30], [sflag:s0] =	dma.local [spmem:s31], $0x400  }
0x4d: {  	_ =	swait.ge [sflag:s17], $0x400  }
0x4e: {  	[sflag:s17] =	ssyncset.done $0x0;
	s28 =	rddreg [dreg:$0x9]  }
0x4f: {  	s29 =	rddreg [dreg:$0x17];
	[sflag:s17] =	ssyncadd.s32 $0xFFFFFC00  }
0x50: {  	[hbm:s28], [sflag:s0] =	dma.local [spmem:s29], $0x400  }
0x51: {  	_ =	swait.ge [sflag:s17], $0x400  }
0x52: {  	[sflag:s17] =	ssyncset.done $0x0;
	s30 =	rddreg [dreg:$0xa]  }
0x53: {  	s31 =	rddreg [dreg:$0x18];
	[sflag:s17] =	ssyncadd.s32 $0xFFFFFC00  }
0x54: {  	[hbm:s30], [sflag:s0] =	dma.local [spmem:s31], $0x400  }
0x55: {  	_ =	swait.ge [sflag:s17], $0x400  }
0x56: {  	[sflag:s17] =	ssyncset.done $0x0;
	s28 =	rddreg [dreg:$0xb]  }
0x57: {  	s29 =	rddreg [dreg:$0x19];
	[sflag:s17] =	ssyncadd.s32 $0xFFFFFC00  }
0x58: {  	[hbm:s28], [sflag:s0] =	dma.local [spmem:s29], $0x400  }
0x59: {  	_ =	swait.ge [sflag:s17], $0x400  }
0x5a: {  	[sflag:s17] =	ssyncset.done $0x0;
	s30 =	rddreg [dreg:$0xc]  }
0x5b: {  	s31 =	rddreg [dreg:$0x1a];
	[sflag:s17] =	ssyncadd.s32 $0xFFFFFC00  }
0x5c: {  	[hbm:s30], [sflag:s0] =	dma.local [spmem:s31], $0x400  }
0x5d: {  	_ =	swait.ge [sflag:s17], $0x400  }
0x5e: {  	s29 =	simm.s32 $0x80;
	[sflag:s17] =	ssyncset.done $0x0  }
0x5f: {  	s30 =	simm.s32 $0x400;
	s28 =	rddreg [dreg:$0x10];
	[sflag:s17] =	ssyncadd.s32 $0xFFFFFC00  }
0x60: {  	[hbm4b:s28+s29] =	stream.strided.scatter [tilespmem:s23], [sflag:$0x7], $0x2800, s30, s29, $0x38;
	[tilespmem:$0x1EA00] =	vst v63  }
0x61: {  	_ =	swait.ge [sflag:s17], $0x2800  }
0x62: {  	s25 =	sadd.s32 $0x1, s25;
	s31 =	rddreg [dreg:$0x11]  }
0x63: {  	p0 =	sne.s32 s25, s31  }
.Ltmp1:
0x64: {  	_ = 	snop;
	(pc) =	sbr.rel @!p0 .LBB2_19-.Ltmp1, $3  }
0x65: {  	_ =	sdelay $0x1  }
0x66: {  	[sflag:s17] =	ssyncset.done $0x0  }
0x67: {  	[sflag:s17] =	ssyncadd.s32 $0xFFFFD800  }
.LBB2_1:
0x68: {  	s0 =	rddreg [dreg:$0xe]  }
0x69: {  	[tilespmem:s10], [sflag:$0x4] =	stream.linear.gather [hbm4b:s0+s10], $0x2780, $0x38;
	[tilespmem:$0x1EA00] =	vst v63  }
0x6a: {  	s31 =	rddreg [dreg:$0xf];
	s26 =	simm.s32 $0x0;
	s28 =	simm.s32 $0x200  }
0x6b: {  	[tilespmem:s9], [sflag:$0x5] =	stream.linear.gather [hbm4b:s31+s10], $0x2780, $0x38;
	[tilespmem:$0x1EA00] =	vst v63  }
.LBB2_2:
0x6c: {  	p0 =	sne.s32 s28, $0xBE00;
	[tilespmem:s26+$0x7A70] =	vst v0  }
0x6d: {  	[tilespmem:s26+$0x7A00] =	vst v0  }
0x6e: {  	[tilespmem:s26+$0x7A10] =	vst v0  }
.Ltmp2:
0x6f: {  	[tilespmem:s26+$0x7A20] =	vst v0;
	(pc) =	sbr.rel @p0 .LBB2_2-.Ltmp2, $4  }
0x70: {  	[tilespmem:s26+$0x7A30] =	vst v0  }
0x71: {  	[tilespmem:s26+$0x7A40] =	vst v0  }
0x72: {  	[tilespmem:s26+$0x7A50] =	vst v0  }
0x73: {  	[tilespmem:s26+$0x7A60] =	vst v0;
	s26 =	sshra.s32 s28, $0x2;
	s28 =	sadd.s32 $0x200, s28  }
0x74: {  	[tilespmem:s26+$0x7A70] =	vst v0  }
0x75: {  	[tilespmem:s26+$0x7A00] =	vst v0  }
0x76: {  	[tilespmem:s26+$0x7A10] =	vst v0  }
0x77: {  	[tilespmem:s26+$0x7A20] =	vst v0  }
0x78: {  	[tilespmem:s26+$0x7A30] =	vst v0  }
0x79: {  	[tilespmem:s26+$0x7A40] =	vst v0  }
0x7a: {  	[tilespmem:s26+$0x7A50] =	vst v0  }
0x7b: {  	[tilespmem:s26+$0x7A60] =	vst v0;
	s26 =	simm.s32 $0x40;
	s28 =	simm.s32 $0x0  }
.LBB2_4:
0x7c: {  	p0 =	sne.s32 s26, $0x9FC0;
	[tilespmem:s28+$0x5200] =	vst v0;
	s28 =	smov.u32 s26;
	s26 =	sadd.s32 $0x40, s26  }
.Ltmp3:
0x7d: {  	(pc) =	sbr.rel @p0 .LBB2_4-.Ltmp3, $2  }
0x7e: {  	_ =	sdelay $0x2  }
0x7f: {  	s28 =	sshra.s32 s28, $0x2  }
0x80: {  	[tilespmem:s28+$0x5200] =	vst v0  }
0x81: {  	[spmem:s19] =	stream.linear.scatter [tilespmem:s11], [sflag:$0x7], $0x2000, $0x38;
	[tilespmem:$0x1EA00] =	vst v63  }
0x82: {  	_ =	swait.ge [sflag:s17], $0x2000  }
0x83: {  	[sflag:s17] =	ssyncset.done $0x0  }
0x84: {  	s0 =	rddreg [dreg:$0x1c];
	[sflag:s17] =	ssyncadd.s32 $0xFFFFE000  }
0x85: {  	[spmem:s0] =	stream.linear.scatter [tilespmem:s11], [sflag:$0x7], $0x2000, $0x38;
	[tilespmem:$0x1EA00] =	vst v63  }
0x86: {  	_ =	swait.ge [sflag:s17], $0x2000  }
0x87: {  	[sflag:s17] =	ssyncset.done $0x0  }
0x88: {  	[sflag:s17] =	ssyncadd.s32 $0xFFFFE000  }
0x89: {  	[spmem:s1] =	stream.linear.scatter [tilespmem:s11], [sflag:$0x7], $0x2000, $0x38;
	[tilespmem:$0x1EA00] =	vst v63  }
0x8a: {  	_ =	swait.ge [sflag:s17], $0x2000  }
0x8b: {  	[sflag:s17] =	ssyncset.done $0x0  }
0x8c: {  	[sflag:s17] =	ssyncadd.s32 $0xFFFFE000  }
0x8d: {  	[spmem:s2] =	stream.linear.scatter [tilespmem:s11], [sflag:$0x7], $0x2000, $0x38;
	[tilespmem:$0x1EA00] =	vst v63  }
0x8e: {  	_ =	swait.ge [sflag:s17], $0x2000  }
0x8f: {  	[sflag:s17] =	ssyncset.done $0x0  }
0x90: {  	[sflag:s17] =	ssyncadd.s32 $0xFFFFE000  }
0x91: {  	[spmem:s3] =	stream.linear.scatter [tilespmem:s11], [sflag:$0x7], $0x2000, $0x38;
	[tilespmem:$0x1EA00] =	vst v63  }
0x92: {  	_ =	swait.ge [sflag:s17], $0x2000  }
0x93: {  	[sflag:s17] =	ssyncset.done $0x0  }
0x94: {  	[sflag:s17] =	ssyncadd.s32 $0xFFFFE000  }
0x95: {  	[spmem:s4] =	stream.linear.scatter [tilespmem:s11], [sflag:$0x7], $0x2000, $0x38;
	[tilespmem:$0x1EA00] =	vst v63  }
0x96: {  	_ =	swait.ge [sflag:s17], $0x2000  }
0x97: {  	[sflag:s17] =	ssyncset.done $0x0  }
0x98: {  	[sflag:s17] =	ssyncadd.s32 $0xFFFFE000  }
0x99: {  	[spmem:s5] =	stream.linear.scatter [tilespmem:s11], [sflag:$0x7], $0x2000, $0x38;
	[tilespmem:$0x1EA00] =	vst v63  }
0x9a: {  	_ =	swait.ge [sflag:s17], $0x2000  }
0x9b: {  	[sflag:s17] =	ssyncset.done $0x0  }
0x9c: {  	[sflag:s17] =	ssyncadd.s32 $0xFFFFE000  }
0x9d: {  	[spmem:s6] =	stream.linear.scatter [tilespmem:s11], [sflag:$0x7], $0x2000, $0x38;
	[tilespmem:$0x1EA00] =	vst v63  }
0x9e: {  	_ =	swait.ge [sflag:s17], $0x2000  }
0x9f: {  	[sflag:s17] =	ssyncset.done $0x0  }
0xa0: {  	[sflag:s17] =	ssyncadd.s32 $0xFFFFE000  }
0xa1: {  	[spmem:s7] =	stream.linear.scatter [tilespmem:s11], [sflag:$0x7], $0x2000, $0x38;
	[tilespmem:$0x1EA00] =	vst v63  }
0xa2: {  	_ =	swait.ge [sflag:s17], $0x2000  }
0xa3: {  	[sflag:s17] =	ssyncset.done $0x0  }
0xa4: {  	[sflag:s17] =	ssyncadd.s32 $0xFFFFE000  }
0xa5: {  	[spmem:s8] =	stream.linear.scatter [tilespmem:s11], [sflag:$0x7], $0x2000, $0x38;
	[tilespmem:$0x1EA00] =	vst v63  }
0xa6: {  	_ =	swait.ge [sflag:s17], $0x2000  }
0xa7: {  	[sflag:s17] =	ssyncset.done $0x0  }
0xa8: {  	[sflag:s17] =	ssyncadd.s32 $0xFFFFE000  }
0xa9: {  	_ =	swait.ge [sflag:s18], $0x2780  }
0xaa: {  	[sflag:s18] =	ssyncset.done $0x0  }
0xab: {  	[sflag:s18] =	ssyncadd.s32 $0xFFFFD880  }
0xac: {  	_ =	swait.ge [sflag:s20], $0x2780  }
0xad: {  	[sflag:s20] =	ssyncset.done $0x0  }
0xae: {  	[sflag:s20] =	ssyncadd.s32 $0xFFFFD880  }
0xaf: {  	[bflag:$0x0] =	sbarrier.arrive $0xFFFF  }
0xb0: {  	[tilespmem:s21], [sflag:$0x1] =	stream.linear.gather [hbm4b:s13+s10], $0x100, $0x38;
	[tilespmem:$0x1EA00] =	vst v63  }
0xb1: {  	s12 =	simm.s32 $0x5000;
	s31 =	rddreg [dreg:$0x1b]  }
0xb2: {  	[tilespmem:s12], [sflag:$0x2] =	stream.linear.gather [hbm4b:s31+s10], $0x100, $0x38;
	[tilespmem:$0x1EA00] =	vst v63  }
.Ltmp4:
0xb3: {  	_ = 	snop;
	(pc) =	sbr.rel .LBB2_6-.Ltmp4, $4  }
0xb4: {  	_ =	swait.ge [sflag:s14], $0x100  }
0xb5: {  	[sflag:s14] =	ssyncset.done $0x0  }
0xb6: {  	s26 =	simm.s32 $0x2;
	s28 =	rddreg [dreg:$0xd];
	[sflag:s14] =	ssyncadd.s32 $0xFFFFFF00  }
0xb7: {  	[tilespmem:s11], [sflag:$0x4] =	stream.indirect.gather [hbm4b:s16+s22], $0x80, s21, s22, $0xb8;
	[tilespmem:$0x1EA00] =	vst v63  }
.LBB2_16:
0xb8: {  	s0 =	sshll.u32 s30, $0x8  }
0xb9: {  	s0 =	sadd.s32 $0x4F00, s0  }
0xba: {  	[tilespmem:s0], [sflag:$0x3] =	stream.linear.gather [hbm4b:s28+s10], $0x100, $0x38;
	[tilespmem:$0x1EA00] =	vst v63  }
.LBB2_17:
0xbb: {  	s0 =	smul.u32 $0xAB, s29;
	_ =	sdelay $0x1  }
0xbc: {  	s0 =	sshrl.u32 s0, $0x9  }
0xbd: {  	s0 =	sand.u32 $0x7F, s0  }
0xbe: {  	s0 =	smul.u32 $0x3, s0;
	_ =	sdelay $0x1  }
0xbf: {  	s0 =	ssub.s32 s29, s0  }
0xc0: {  	s0 =	sand.u32 $0xFF, s0  }
0xc1: {  	s12 =	sshll.u32 s0, $0x8  }
0xc2: {  	v20 =	vld [tilespmem:s12+$0x4F00]  }
0xc3: {  	v21 =	vld [tilespmem:s12+$0x4F80];
	_ =	sdelay $0x6  }
0xc4: {  	v20 =	vld.idx.msk [tilespmem:v20+s10+$0x0], $0xffff  }
0xc5: {  	v22 =	vld.idx.msk [tilespmem:v21+s9+$0x0], $0xffff;
	_ =	sdelay $0x4  }
0xc6: {  	v20 =	vadd.f32 v22, v20;
	_ =	sdelay $0x1  }
0xc7: {  	v22 =	vmul.f32 $2.000000030e-01, v20  }
0xc8: {  	vm2 =	vge.f32 v20, $0.0e+00  }
0xc9: {  	v20 =	vsel vm2, v20, v22  }
0xca: {  	v20 =	vmul.f32 $1.442695020e+00, v20;
	_ =	sdelay $0x1  }
0xcb: {  	(erf) = vpow2.f32 v20;
	_ =	sdelay $0x8  }
0xcc: {  	v20 =	vxor.u32 $0x80000000, v21;
	v22 =	vpop (erf)  }
0xcd: {  	(xrf1) =	vsort.ascd.msk.u32 $0xffff, v20, v22;
	_ =	sdelay $0xd  }
0xce: {  	v20, v21, _ =	vpop (xrf1)  }
0xcf: {  	(xrf2) =	vadd.scan.msk.f32 $0xffff, v21;
	_ =	sdelay $0x4  }
0xd0: {  	v20 =	vxor.u32 $0x80000000, v20  }
0xd1: {  	v52 =	vperm.xlane v20, v2  }
0xd2: {  	v23 =	vperm.xlane v20, v1  }
0xd3: {  	vm2 =	vne.s32 v20, v52  }
0xd4: {  	vm3 =	vne.s32 v20, v23;
	vm4 =	vmor vm2, vm1  }
0xd5: {  	vm3 =	vmor vm3, vm0;
	v53, _, _ =	vpop (xrf2)  }
0xd6: {  	v54 =	vperm.xlane v53, v1;
	_ =	sdelay $0x1  }
0xd7: {  	v23 =	vsub.f32 $0.0e+00, v54  }
0xd8: {  	vm2 =	veq.s32 v3, $0x0  }
0xd9: {  	[tilespmem:v20+s23+$0x0] =	vst.idx.add.f32.msk vm4, v53;
	v23 =	vsel vm2, $0x0, v23  }
0xda: {  	[tilespmem:v20+s23+$0x0] =	vst.idx.add.f32.msk vm3, v23  }
0xdb: {  	v20 =	vld [tilespmem:s12+$0x4F10]  }
0xdc: {  	v23 =	vld [tilespmem:s12+$0x4F90];
	_ =	sdelay $0x6  }
0xdd: {  	v20 =	vld.idx.msk [tilespmem:v20+s10+$0x0], $0xffff  }
0xde: {  	v21 =	vld.idx.msk [tilespmem:v23+s9+$0x0], $0xffff;
	_ =	sdelay $0x4  }
0xdf: {  	v20 =	vadd.f32 v21, v20;
	_ =	sdelay $0x1  }
0xe0: {  	v21 =	vmul.f32 $2.000000030e-01, v20  }
0xe1: {  	vm3 =	vge.f32 v20, $0.0e+00  }
0xe2: {  	v20 =	vsel vm3, v20, v21  }
0xe3: {  	v20 =	vmul.f32 $1.442695020e+00, v20;
	_ =	sdelay $0x1  }
0xe4: {  	(erf) = vpow2.f32 v20;
	_ =	sdelay $0x8  }
0xe5: {  	v20 =	vxor.u32 $0x80000000, v23;
	v21 =	vpop (erf)  }
0xe6: {  	(xrf1) =	vsort.ascd.msk.u32 $0xffff, v20, v21;
	_ =	sdelay $0xd  }
0xe7: {  	v20, v23, _ =	vpop (xrf1)  }
0xe8: {  	(xrf2) =	vadd.scan.msk.f32 $0xffff, v23;
	_ =	sdelay $0x4  }
0xe9: {  	v20 =	vxor.u32 $0x80000000, v20  }
0xea: {  	v55 =	vperm.xlane v20, v2  }
0xeb: {  	v24 =	vperm.xlane v20, v1  }
0xec: {  	vm3 =	vne.s32 v20, v55  }
0xed: {  	vm14 =	vne.s32 v20, v24;
	vm3 =	vmor vm3, vm1  }
0xee: {  	vm4 =	vmor vm14, vm0;
	v56, _, _ =	vpop (xrf2)  }
0xef: {  	v57 =	vperm.xlane v56, v1;
	_ =	sdelay $0x1  }
0xf0: {  	v24 =	vsub.f32 $0.0e+00, v57;
	_ =	sdelay $0x1  }
0xf1: {  	[tilespmem:v20+s23+$0x0] =	vst.idx.add.f32.msk vm3, v56;
	v24 =	vsel vm2, $0x0, v24  }
0xf2: {  	[tilespmem:v20+s23+$0x0] =	vst.idx.add.f32.msk vm4, v24  }
0xf3: {  	v20 =	vld [tilespmem:s12+$0x4F20]  }
0xf4: {  	v23 =	vld [tilespmem:s12+$0x4FA0];
	_ =	sdelay $0x6  }
0xf5: {  	v20 =	vld.idx.msk [tilespmem:v20+s10+$0x0], $0xffff  }
0xf6: {  	v24 =	vld.idx.msk [tilespmem:v23+s9+$0x0], $0xffff;
	_ =	sdelay $0x4  }
0xf7: {  	v20 =	vadd.f32 v24, v20;
	_ =	sdelay $0x1  }
0xf8: {  	v24 =	vmul.f32 $2.000000030e-01, v20  }
0xf9: {  	vm3 =	vge.f32 v20, $0.0e+00  }
0xfa: {  	v20 =	vsel vm3, v20, v24  }
0xfb: {  	v20 =	vmul.f32 $1.442695020e+00, v20;
	_ =	sdelay $0x1  }
0xfc: {  	(erf) = vpow2.f32 v20;
	_ =	sdelay $0x8  }
0xfd: {  	v23 =	vxor.u32 $0x80000000, v23;
	v20 =	vpop (erf)  }
0xfe: {  	(xrf1) =	vsort.ascd.msk.u32 $0xffff, v23, v20;
	_ =	sdelay $0xd  }
0xff: {  	v23, v58, _ =	vpop (xrf1)  }
0x100: {  	(xrf2) =	vadd.scan.msk.f32 $0xffff, v58;
	_ =	sdelay $0x4  }
0x101: {  	v23 =	vxor.u32 $0x80000000, v23  }
0x102: {  	v59 =	vperm.xlane v23, v2  }
0x103: {  	v25 =	vperm.xlane v23, v1  }
0x104: {  	vm3 =	vne.s32 v23, v59  }
0x105: {  	vm15 =	vne.s32 v23, v25;
	vm3 =	vmor vm3, vm1  }
0x106: {  	vm4 =	vmor vm15, vm0;
	v60, _, _ =	vpop (xrf2)  }
0x107: {  	v61 =	vperm.xlane v60, v1;
	_ =	sdelay $0x1  }
0x108: {  	v25 =	vsub.f32 $0.0e+00, v61;
	_ =	sdelay $0x1  }
0x109: {  	s0 =	simm.s32 $0x5;
	[tilespmem:v23+s23+$0x0] =	vst.idx.add.f32.msk vm3, v60;
	v25 =	vsel vm2, $0x0, v25  }
0x10a: {  	s0 =	simm.s32 @!p0 $0x4;
	[tilespmem:v23+s23+$0x0] =	vst.idx.add.f32.msk vm4, v25  }
0x10b: {  	_ =	swait.ge [sflag:s0], $0x1800  }
0x10c: {  	s30 =	simm.s32 $0x1800;
	[sflag:s0] =	ssyncset.done $0x0  }
0x10d: {  	s30 =	simm.s32 @!p0 $0x0;
	[sflag:s0] =	ssyncadd.s32 $0xFFFFE800  }
0x10e: {  	v62 =	vld [tilespmem:s30+$0x7A00];
	_ =	sdelay $0x1  }
0x10f: {  	v28 =	vld [tilespmem:s30+$0x7A10]  }
0x110: {  	v63 =	vperm.xlane v22, v4  }
0x111: {  	v29 =	vld [tilespmem:s30+$0x7A20]  }
0x112: {  	v23 =	vmul.f32 v62, v63  }
0x113: {  	v30 =	vld [tilespmem:s30+$0x7A30]  }
0x114: {  	[tilespmem:s30+$0x7A00] =	vst v23;
	v23 =	vmul.f32 v28, v63  }
0x115: {  	v31 =	vld [tilespmem:s30+$0x7A40]  }
0x116: {  	[tilespmem:s30+$0x7A10] =	vst v23;
	v23 =	vmul.f32 v29, v63  }
0x117: {  	v32 =	vld [tilespmem:s30+$0x7A50]  }
0x118: {  	[tilespmem:s30+$0x7A20] =	vst v23;
	v23 =	vmul.f32 v30, v63  }
0x119: {  	v33 =	vld [tilespmem:s30+$0x7A60]  }
0x11a: {  	[tilespmem:s30+$0x7A30] =	vst v23;
	v23 =	vmul.f32 v31, v63  }
0x11b: {  	v34 =	vld [tilespmem:s30+$0x7A70]  }
0x11c: {  	[tilespmem:s30+$0x7A40] =	vst v23;
	v23 =	vmul.f32 v32, v63  }
0x11d: {  	v35 =	vld [tilespmem:s30+$0x7A80]  }
0x11e: {  	[tilespmem:s30+$0x7A50] =	vst v23;
	v23 =	vmul.f32 v33, v63  }
0x11f: {  	v37 =	vld [tilespmem:s30+$0x7A90]  }
0x120: {  	v36 =	vperm.xlane v22, v5;
	[tilespmem:s30+$0x7A60] =	vst v23;
	v23 =	vmul.f32 v34, v63  }
0x121: {  	v38 =	vld [tilespmem:s30+$0x7AA0]  }
0x122: {  	[tilespmem:s30+$0x7A70] =	vst v23;
	v23 =	vmul.f32 v35, v36  }
0x123: {  	v39 =	vld [tilespmem:s30+$0x7AB0]  }
0x124: {  	[tilespmem:s30+$0x7A80] =	vst v23;
	v23 =	vmul.f32 v37, v36  }
0x125: {  	v40 =	vld [tilespmem:s30+$0x7AC0]  }
0x126: {  	[tilespmem:s30+$0x7A90] =	vst v23;
	v23 =	vmul.f32 v38, v36  }
0x127: {  	v41 =	vld [tilespmem:s30+$0x7AD0]  }
0x128: {  	[tilespmem:s30+$0x7AA0] =	vst v23;
	v23 =	vmul.f32 v39, v36  }
0x129: {  	v42 =	vld [tilespmem:s30+$0x7AE0]  }
0x12a: {  	[tilespmem:s30+$0x7AB0] =	vst v23;
	v23 =	vmul.f32 v40, v36  }
0x12b: {  	v43 =	vld [tilespmem:s30+$0x7AF0]  }
0x12c: {  	[tilespmem:s30+$0x7AC0] =	vst v23;
	v23 =	vmul.f32 v41, v36  }
0x12d: {  	v44 =	vld [tilespmem:s30+$0x7B00]  }
0x12e: {  	[tilespmem:s30+$0x7AD0] =	vst v23;
	v23 =	vmul.f32 v42, v36  }
0x12f: {  	v46 =	vld [tilespmem:s30+$0x7B10]  }
0x130: {  	v45 =	vperm.xlane v22, v6;
	[tilespmem:s30+$0x7AE0] =	vst v23;
	v23 =	vmul.f32 v43, v36  }
0x131: {  	v47 =	vld [tilespmem:s30+$0x7B20]  }
0x132: {  	[tilespmem:s30+$0x7AF0] =	vst v23;
	v23 =	vmul.f32 v44, v45  }
0x133: {  	v48 =	vld [tilespmem:s30+$0x7B30]  }
0x134: {  	[tilespmem:s30+$0x7B00] =	vst v23;
	v23 =	vmul.f32 v46, v45  }
0x135: {  	v49 =	vld [tilespmem:s30+$0x7B40]  }
0x136: {  	[tilespmem:s30+$0x7B10] =	vst v23;
	v23 =	vmul.f32 v47, v45  }
0x137: {  	v50 =	vld [tilespmem:s30+$0x7B50]  }
0x138: {  	[tilespmem:s30+$0x7B20] =	vst v23;
	v23 =	vmul.f32 v48, v45  }
0x139: {  	v51 =	vld [tilespmem:s30+$0x7B60]  }
0x13a: {  	[tilespmem:s30+$0x7B30] =	vst v23;
	v23 =	vmul.f32 v49, v45  }
0x13b: {  	v52 =	vld [tilespmem:s30+$0x7B70]  }
0x13c: {  	[tilespmem:s30+$0x7B40] =	vst v23;
	v23 =	vmul.f32 v50, v45  }
0x13d: {  	v53 =	vld [tilespmem:s30+$0x7B80]  }
0x13e: {  	[tilespmem:s30+$0x7B50] =	vst v23;
	v23 =	vmul.f32 v51, v45  }
0x13f: {  	v55 =	vld [tilespmem:s30+$0x7B90]  }
0x140: {  	v54 =	vperm.xlane v22, v7;
	[tilespmem:s30+$0x7B60] =	vst v23;
	v23 =	vmul.f32 v52, v45  }
0x141: {  	v56 =	vld [tilespmem:s30+$0x7BA0]  }
0x142: {  	[tilespmem:s30+$0x7B70] =	vst v23;
	v23 =	vmul.f32 v53, v54  }
0x143: {  	v57 =	vld [tilespmem:s30+$0x7BB0]  }
0x144: {  	[tilespmem:s30+$0x7B80] =	vst v23;
	v23 =	vmul.f32 v55, v54  }
0x145: {  	v58 =	vld [tilespmem:s30+$0x7BC0]  }
0x146: {  	[tilespmem:s30+$0x7B90] =	vst v23;
	v23 =	vmul.f32 v56, v54  }
0x147: {  	v59 =	vld [tilespmem:s30+$0x7BD0]  }
0x148: {  	[tilespmem:s30+$0x7BA0] =	vst v23;
	v23 =	vmul.f32 v57, v54  }
0x149: {  	v60 =	vld [tilespmem:s30+$0x7BE0]  }
0x14a: {  	[tilespmem:s30+$0x7BB0] =	vst v23;
	v23 =	vmul.f32 v58, v54  }
0x14b: {  	v61 =	vld [tilespmem:s30+$0x7BF0]  }
0x14c: {  	[tilespmem:s30+$0x7BC0] =	vst v23;
	v23 =	vmul.f32 v59, v54  }
0x14d: {  	v62 =	vld [tilespmem:s30+$0x7C00]  }
0x14e: {  	[tilespmem:s30+$0x7BD0] =	vst v23;
	v23 =	vmul.f32 v60, v54  }
0x14f: {  	v28 =	vld [tilespmem:s30+$0x7C10]  }
0x150: {  	v63 =	vperm.xlane v22, v8;
	[tilespmem:s30+$0x7BE0] =	vst v23;
	v23 =	vmul.f32 v61, v54  }
0x151: {  	v29 =	vld [tilespmem:s30+$0x7C20]  }
0x152: {  	[tilespmem:s30+$0x7BF0] =	vst v23;
	v23 =	vmul.f32 v62, v63  }
0x153: {  	v30 =	vld [tilespmem:s30+$0x7C30]  }
0x154: {  	[tilespmem:s30+$0x7C00] =	vst v23;
	v23 =	vmul.f32 v28, v63  }
0x155: {  	v31 =	vld [tilespmem:s30+$0x7C40]  }
0x156: {  	[tilespmem:s30+$0x7C10] =	vst v23;
	v23 =	vmul.f32 v29, v63  }
0x157: {  	v32 =	vld [tilespmem:s30+$0x7C50]  }
0x158: {  	[tilespmem:s30+$0x7C20] =	vst v23;
	v23 =	vmul.f32 v30, v63  }
0x159: {  	v33 =	vld [tilespmem:s30+$0x7C60]  }
0x15a: {  	[tilespmem:s30+$0x7C30] =	vst v23;
	v23 =	vmul.f32 v31, v63  }
0x15b: {  	v34 =	vld [tilespmem:s30+$0x7C70]  }
0x15c: {  	[tilespmem:s30+$0x7C40] =	vst v23;
	v23 =	vmul.f32 v32, v63  }
0x15d: {  	v35 =	vld [tilespmem:s30+$0x7C80]  }
0x15e: {  	[tilespmem:s30+$0x7C50] =	vst v23;
	v23 =	vmul.f32 v33, v63  }
0x15f: {  	v37 =	vld [tilespmem:s30+$0x7C90]  }
0x160: {  	v36 =	vperm.xlane v22, v9;
	[tilespmem:s30+$0x7C60] =	vst v23;
	v23 =	vmul.f32 v34, v63  }
0x161: {  	v38 =	vld [tilespmem:s30+$0x7CA0]  }
0x162: {  	[tilespmem:s30+$0x7C70] =	vst v23;
	v23 =	vmul.f32 v35, v36  }
0x163: {  	v39 =	vld [tilespmem:s30+$0x7CB0]  }
0x164: {  	[tilespmem:s30+$0x7C80] =	vst v23;
	v23 =	vmul.f32 v37, v36  }
0x165: {  	v40 =	vld [tilespmem:s30+$0x7CC0]  }
0x166: {  	[tilespmem:s30+$0x7C90] =	vst v23;
	v23 =	vmul.f32 v38, v36  }
0x167: {  	v41 =	vld [tilespmem:s30+$0x7CD0]  }
0x168: {  	[tilespmem:s30+$0x7CA0] =	vst v23;
	v23 =	vmul.f32 v39, v36  }
0x169: {  	v42 =	vld [tilespmem:s30+$0x7CE0]  }
0x16a: {  	[tilespmem:s30+$0x7CB0] =	vst v23;
	v23 =	vmul.f32 v40, v36  }
0x16b: {  	v43 =	vld [tilespmem:s30+$0x7CF0]  }
0x16c: {  	[tilespmem:s30+$0x7CC0] =	vst v23;
	v23 =	vmul.f32 v41, v36  }
0x16d: {  	v44 =	vld [tilespmem:s30+$0x7D00]  }
0x16e: {  	[tilespmem:s30+$0x7CD0] =	vst v23;
	v23 =	vmul.f32 v42, v36  }
0x16f: {  	v46 =	vld [tilespmem:s30+$0x7D10]  }
0x170: {  	v45 =	vperm.xlane v22, v10;
	[tilespmem:s30+$0x7CE0] =	vst v23;
	v23 =	vmul.f32 v43, v36  }
0x171: {  	v47 =	vld [tilespmem:s30+$0x7D20]  }
0x172: {  	[tilespmem:s30+$0x7CF0] =	vst v23;
	v23 =	vmul.f32 v44, v45  }
0x173: {  	v48 =	vld [tilespmem:s30+$0x7D30]  }
0x174: {  	[tilespmem:s30+$0x7D00] =	vst v23;
	v23 =	vmul.f32 v46, v45  }
0x175: {  	v49 =	vld [tilespmem:s30+$0x7D40]  }
0x176: {  	[tilespmem:s30+$0x7D10] =	vst v23;
	v23 =	vmul.f32 v47, v45  }
0x177: {  	v50 =	vld [tilespmem:s30+$0x7D50]  }
0x178: {  	[tilespmem:s30+$0x7D20] =	vst v23;
	v23 =	vmul.f32 v48, v45  }
0x179: {  	v51 =	vld [tilespmem:s30+$0x7D60]  }
0x17a: {  	[tilespmem:s30+$0x7D30] =	vst v23;
	v23 =	vmul.f32 v49, v45  }
0x17b: {  	v52 =	vld [tilespmem:s30+$0x7D70]  }
0x17c: {  	[tilespmem:s30+$0x7D40] =	vst v23;
	v23 =	vmul.f32 v50, v45  }
0x17d: {  	v53 =	vld [tilespmem:s30+$0x7D80]  }
0x17e: {  	[tilespmem:s30+$0x7D50] =	vst v23;
	v23 =	vmul.f32 v51, v45  }
0x17f: {  	v55 =	vld [tilespmem:s30+$0x7D90]  }
0x180: {  	v54 =	vperm.xlane v22, v11;
	[tilespmem:s30+$0x7D60] =	vst v23;
	v23 =	vmul.f32 v52, v45  }
0x181: {  	v56 =	vld [tilespmem:s30+$0x7DA0]  }
0x182: {  	[tilespmem:s30+$0x7D70] =	vst v23;
	v23 =	vmul.f32 v53, v54  }
0x183: {  	v57 =	vld [tilespmem:s30+$0x7DB0]  }
0x184: {  	[tilespmem:s30+$0x7D80] =	vst v23;
	v23 =	vmul.f32 v55, v54  }
0x185: {  	v58 =	vld [tilespmem:s30+$0x7DC0]  }
0x186: {  	[tilespmem:s30+$0x7D90] =	vst v23;
	v23 =	vmul.f32 v56, v54  }
0x187: {  	v59 =	vld [tilespmem:s30+$0x7DD0]  }
0x188: {  	[tilespmem:s30+$0x7DA0] =	vst v23;
	v23 =	vmul.f32 v57, v54  }
0x189: {  	v60 =	vld [tilespmem:s30+$0x7DE0]  }
0x18a: {  	[tilespmem:s30+$0x7DB0] =	vst v23;
	v23 =	vmul.f32 v58, v54  }
0x18b: {  	v61 =	vld [tilespmem:s30+$0x7DF0]  }
0x18c: {  	[tilespmem:s30+$0x7DC0] =	vst v23;
	v23 =	vmul.f32 v59, v54  }
0x18d: {  	v62 =	vld [tilespmem:s30+$0x7E00]  }
0x18e: {  	[tilespmem:s30+$0x7DD0] =	vst v23;
	v23 =	vmul.f32 v60, v54  }
0x18f: {  	v28 =	vld [tilespmem:s30+$0x7E10]  }
0x190: {  	v63 =	vperm.xlane v22, v12;
	[tilespmem:s30+$0x7DE0] =	vst v23;
	v23 =	vmul.f32 v61, v54  }
0x191: {  	v29 =	vld [tilespmem:s30+$0x7E20]  }
0x192: {  	[tilespmem:s30+$0x7DF0] =	vst v23;
	v23 =	vmul.f32 v62, v63  }
0x193: {  	v30 =	vld [tilespmem:s30+$0x7E30]  }
0x194: {  	[tilespmem:s30+$0x7E00] =	vst v23;
	v23 =	vmul.f32 v28, v63  }
0x195: {  	v31 =	vld [tilespmem:s30+$0x7E40]  }
0x196: {  	[tilespmem:s30+$0x7E10] =	vst v23;
	v23 =	vmul.f32 v29, v63  }
0x197: {  	v32 =	vld [tilespmem:s30+$0x7E50]  }
0x198: {  	[tilespmem:s30+$0x7E20] =	vst v23;
	v23 =	vmul.f32 v30, v63  }
0x199: {  	v33 =	vld [tilespmem:s30+$0x7E60]  }
0x19a: {  	[tilespmem:s30+$0x7E30] =	vst v23;
	v23 =	vmul.f32 v31, v63  }
0x19b: {  	v34 =	vld [tilespmem:s30+$0x7E70]  }
0x19c: {  	[tilespmem:s30+$0x7E40] =	vst v23;
	v23 =	vmul.f32 v32, v63  }
0x19d: {  	v35 =	vld [tilespmem:s30+$0x7E80]  }
0x19e: {  	[tilespmem:s30+$0x7E50] =	vst v23;
	v23 =	vmul.f32 v33, v63  }
0x19f: {  	v37 =	vld [tilespmem:s30+$0x7E90]  }
0x1a0: {  	v36 =	vperm.xlane v22, v13;
	[tilespmem:s30+$0x7E60] =	vst v23;
	v23 =	vmul.f32 v34, v63  }
0x1a1: {  	v38 =	vld [tilespmem:s30+$0x7EA0]  }
0x1a2: {  	[tilespmem:s30+$0x7E70] =	vst v23;
	v23 =	vmul.f32 v35, v36  }
0x1a3: {  	v39 =	vld [tilespmem:s30+$0x7EB0]  }
0x1a4: {  	[tilespmem:s30+$0x7E80] =	vst v23;
	v23 =	vmul.f32 v37, v36  }
0x1a5: {  	v40 =	vld [tilespmem:s30+$0x7EC0]  }
0x1a6: {  	[tilespmem:s30+$0x7E90] =	vst v23;
	v23 =	vmul.f32 v38, v36  }
0x1a7: {  	v41 =	vld [tilespmem:s30+$0x7ED0]  }
0x1a8: {  	[tilespmem:s30+$0x7EA0] =	vst v23;
	v23 =	vmul.f32 v39, v36  }
0x1a9: {  	v42 =	vld [tilespmem:s30+$0x7EE0]  }
0x1aa: {  	[tilespmem:s30+$0x7EB0] =	vst v23;
	v23 =	vmul.f32 v40, v36  }
0x1ab: {  	v43 =	vld [tilespmem:s30+$0x7EF0]  }
0x1ac: {  	[tilespmem:s30+$0x7EC0] =	vst v23;
	v23 =	vmul.f32 v41, v36  }
0x1ad: {  	v44 =	vld [tilespmem:s30+$0x7F00]  }
0x1ae: {  	[tilespmem:s30+$0x7ED0] =	vst v23;
	v23 =	vmul.f32 v42, v36  }
0x1af: {  	v46 =	vld [tilespmem:s30+$0x7F10]  }
0x1b0: {  	v45 =	vperm.xlane v22, v14;
	[tilespmem:s30+$0x7EE0] =	vst v23;
	v23 =	vmul.f32 v43, v36  }
0x1b1: {  	v47 =	vld [tilespmem:s30+$0x7F20]  }
0x1b2: {  	[tilespmem:s30+$0x7EF0] =	vst v23;
	v23 =	vmul.f32 v44, v45  }
0x1b3: {  	v48 =	vld [tilespmem:s30+$0x7F30]  }
0x1b4: {  	[tilespmem:s30+$0x7F00] =	vst v23;
	v23 =	vmul.f32 v46, v45  }
0x1b5: {  	v49 =	vld [tilespmem:s30+$0x7F40]  }
0x1b6: {  	[tilespmem:s30+$0x7F10] =	vst v23;
	v23 =	vmul.f32 v47, v45  }
0x1b7: {  	v50 =	vld [tilespmem:s30+$0x7F50]  }
0x1b8: {  	[tilespmem:s30+$0x7F20] =	vst v23;
	v23 =	vmul.f32 v48, v45  }
0x1b9: {  	v51 =	vld [tilespmem:s30+$0x7F60]  }
0x1ba: {  	[tilespmem:s30+$0x7F30] =	vst v23;
	v23 =	vmul.f32 v49, v45  }
0x1bb: {  	v52 =	vld [tilespmem:s30+$0x7F70]  }
0x1bc: {  	[tilespmem:s30+$0x7F40] =	vst v23;
	v23 =	vmul.f32 v50, v45  }
0x1bd: {  	v53 =	vld [tilespmem:s30+$0x7F80]  }
0x1be: {  	[tilespmem:s30+$0x7F50] =	vst v23;
	v23 =	vmul.f32 v51, v45  }
0x1bf: {  	v55 =	vld [tilespmem:s30+$0x7F90]  }
0x1c0: {  	v54 =	vperm.xlane v22, v15;
	[tilespmem:s30+$0x7F60] =	vst v23;
	v23 =	vmul.f32 v52, v45  }
0x1c1: {  	v56 =	vld [tilespmem:s30+$0x7FA0]  }
0x1c2: {  	[tilespmem:s30+$0x7F70] =	vst v23;
	v23 =	vmul.f32 v53, v54  }
0x1c3: {  	v57 =	vld [tilespmem:s30+$0x7FB0]  }
0x1c4: {  	[tilespmem:s30+$0x7F80] =	vst v23;
	v23 =	vmul.f32 v55, v54  }
0x1c5: {  	v58 =	vld [tilespmem:s30+$0x7FC0]  }
0x1c6: {  	[tilespmem:s30+$0x7F90] =	vst v23;
	v23 =	vmul.f32 v56, v54  }
0x1c7: {  	v59 =	vld [tilespmem:s30+$0x7FD0]  }
0x1c8: {  	[tilespmem:s30+$0x7FA0] =	vst v23;
	v23 =	vmul.f32 v57, v54  }
0x1c9: {  	v60 =	vld [tilespmem:s30+$0x7FE0]  }
0x1ca: {  	[tilespmem:s30+$0x7FB0] =	vst v23;
	v23 =	vmul.f32 v58, v54  }
0x1cb: {  	v61 =	vld [tilespmem:s30+$0x7FF0]  }
0x1cc: {  	[tilespmem:s30+$0x7FC0] =	vst v23;
	v23 =	vmul.f32 v59, v54  }
0x1cd: {  	v62 =	vld [tilespmem:s30+$0x8000]  }
0x1ce: {  	[tilespmem:s30+$0x7FD0] =	vst v23;
	v23 =	vmul.f32 v60, v54  }
0x1cf: {  	v26 =	vld [tilespmem:s30+$0x8010]  }
0x1d0: {  	v63 =	vperm.xlane v22, v16;
	[tilespmem:s30+$0x7FE0] =	vst v23;
	v23 =	vmul.f32 v61, v54  }
0x1d1: {  	v27 =	vld [tilespmem:s30+$0x8020]  }
0x1d2: {  	[tilespmem:s30+$0x7FF0] =	vst v23;
	v23 =	vmul.f32 v62, v63  }
0x1d3: {  	v28 =	vld [tilespmem:s30+$0x8030]  }
0x1d4: {  	[tilespmem:s30+$0x8000] =	vst v23;
	v23 =	vmul.f32 v26, v63  }
0x1d5: {  	v29 =	vld [tilespmem:s30+$0x8040]  }
0x1d6: {  	[tilespmem:s30+$0x8010] =	vst v23;
	v23 =	vmul.f32 v27, v63  }
0x1d7: {  	v30 =	vld [tilespmem:s30+$0x8050]  }
0x1d8: {  	[tilespmem:s30+$0x8020] =	vst v23;
	v23 =	vmul.f32 v28, v63  }
0x1d9: {  	v31 =	vld [tilespmem:s30+$0x8060]  }
0x1da: {  	[tilespmem:s30+$0x8030] =	vst v23;
	v23 =	vmul.f32 v29, v63  }
0x1db: {  	v32 =	vld [tilespmem:s30+$0x8070]  }
0x1dc: {  	[tilespmem:s30+$0x8040] =	vst v23;
	v23 =	vmul.f32 v30, v63  }
0x1dd: {  	v33 =	vld [tilespmem:s30+$0x8080]  }
0x1de: {  	[tilespmem:s30+$0x8050] =	vst v23;
	v23 =	vmul.f32 v31, v63  }
0x1df: {  	v35 =	vld [tilespmem:s30+$0x8090]  }
0x1e0: {  	v34 =	vperm.xlane v22, v17;
	[tilespmem:s30+$0x8060] =	vst v23;
	v23 =	vmul.f32 v32, v63  }
0x1e1: {  	v36 =	vld [tilespmem:s30+$0x80A0]  }
0x1e2: {  	[tilespmem:s30+$0x8070] =	vst v23;
	v23 =	vmul.f32 v33, v34  }
0x1e3: {  	v37 =	vld [tilespmem:s30+$0x80B0]  }
0x1e4: {  	[tilespmem:s30+$0x8080] =	vst v23;
	v23 =	vmul.f32 v35, v34  }
0x1e5: {  	v38 =	vld [tilespmem:s30+$0x80C0]  }
0x1e6: {  	[tilespmem:s30+$0x8090] =	vst v23;
	v23 =	vmul.f32 v36, v34  }
0x1e7: {  	v39 =	vld [tilespmem:s30+$0x80D0]  }
0x1e8: {  	[tilespmem:s30+$0x80A0] =	vst v23;
	v23 =	vmul.f32 v37, v34  }
0x1e9: {  	v40 =	vld [tilespmem:s30+$0x80E0]  }
0x1ea: {  	[tilespmem:s30+$0x80B0] =	vst v23;
	v23 =	vmul.f32 v38, v34  }
0x1eb: {  	v41 =	vld [tilespmem:s30+$0x80F0]  }
0x1ec: {  	[tilespmem:s30+$0x80C0] =	vst v23;
	v23 =	vmul.f32 v39, v34  }
0x1ed: {  	v42 =	vld [tilespmem:s30+$0x8100]  }
0x1ee: {  	[tilespmem:s30+$0x80D0] =	vst v23;
	v23 =	vmul.f32 v40, v34  }
0x1ef: {  	v44 =	vld [tilespmem:s30+$0x8110]  }
0x1f0: {  	v43 =	vperm.xlane v22, v18;
	[tilespmem:s30+$0x80E0] =	vst v23;
	v23 =	vmul.f32 v41, v34  }
0x1f1: {  	v45 =	vld [tilespmem:s30+$0x8120]  }
0x1f2: {  	[tilespmem:s30+$0x80F0] =	vst v23;
	v23 =	vmul.f32 v42, v43  }
0x1f3: {  	v46 =	vld [tilespmem:s30+$0x8130]  }
0x1f4: {  	[tilespmem:s30+$0x8100] =	vst v23;
	v23 =	vmul.f32 v44, v43  }
0x1f5: {  	v47 =	vld [tilespmem:s30+$0x8140]  }
0x1f6: {  	[tilespmem:s30+$0x8110] =	vst v23;
	v23 =	vmul.f32 v45, v43  }
0x1f7: {  	v48 =	vld [tilespmem:s30+$0x8150]  }
0x1f8: {  	[tilespmem:s30+$0x8120] =	vst v23;
	v23 =	vmul.f32 v46, v43  }
0x1f9: {  	v49 =	vld [tilespmem:s30+$0x8160]  }
0x1fa: {  	[tilespmem:s30+$0x8130] =	vst v23;
	v23 =	vmul.f32 v47, v43  }
0x1fb: {  	v50 =	vld [tilespmem:s30+$0x8170]  }
0x1fc: {  	[tilespmem:s30+$0x8140] =	vst v23;
	v23 =	vmul.f32 v48, v43  }
0x1fd: {  	v51 =	vld [tilespmem:s30+$0x8180]  }
0x1fe: {  	[tilespmem:s30+$0x8150] =	vst v23;
	v23 =	vmul.f32 v49, v43  }
0x1ff: {  	v52 =	vld [tilespmem:s30+$0x8190]  }
0x200: {  	v22 =	vperm.xlane v22, v19;
	[tilespmem:s30+$0x8160] =	vst v23;
	v23 =	vmul.f32 v50, v43  }
0x201: {  	v53 =	vld [tilespmem:s30+$0x81A0]  }
0x202: {  	[tilespmem:s30+$0x8170] =	vst v23;
	v23 =	vmul.f32 v51, v22  }
0x203: {  	v54 =	vld [tilespmem:s30+$0x81B0]  }
0x204: {  	[tilespmem:s30+$0x8180] =	vst v23;
	v23 =	vmul.f32 v52, v22  }
0x205: {  	v55 =	vld [tilespmem:s30+$0x81C0]  }
0x206: {  	[tilespmem:s30+$0x8190] =	vst v23;
	v23 =	vmul.f32 v53, v22  }
0x207: {  	v56 =	vld [tilespmem:s30+$0x81D0]  }
0x208: {  	v57 =	vld [tilespmem:s30+$0x81E0];
	[tilespmem:s30+$0x81A0] =	vst v23;
	v23 =	vmul.f32 v54, v22  }
0x209: {  	v58 =	vld [tilespmem:s30+$0x81F0]  }
0x20a: {  	[tilespmem:s30+$0x81B0] =	vst v23;
	v23 =	vmul.f32 v55, v22  }
0x20b: {  	v59 =	vld [tilespmem:s30+$0x8200]  }
0x20c: {  	[tilespmem:s30+$0x81C0] =	vst v23;
	v23 =	vmul.f32 v56, v22  }
0x20d: {  	v60 =	vperm.xlane v21, v4;
	v61 =	vld [tilespmem:s30+$0x8210]  }
0x20e: {  	[tilespmem:s30+$0x81D0] =	vst v23;
	v23 =	vmul.f32 v57, v22;
	v22 =	vmul.f32 v58, v22  }
0x20f: {  	v62 =	vld [tilespmem:s30+$0x8220]  }
0x210: {  	[tilespmem:s30+$0x81F0] =	vst v22;
	v22 =	vmul.f32 v59, v60  }
0x211: {  	v63 =	vld [tilespmem:s30+$0x8230]  }
0x212: {  	[tilespmem:s30+$0x8200] =	vst v22;
	v22 =	vmul.f32 v61, v60  }
0x213: {  	v24 =	vld [tilespmem:s30+$0x8240]  }
0x214: {  	[tilespmem:s30+$0x8210] =	vst v22;
	v22 =	vmul.f32 v62, v60  }
0x215: {  	v25 =	vld [tilespmem:s30+$0x8250]  }
0x216: {  	[tilespmem:s30+$0x8220] =	vst v22;
	v22 =	vmul.f32 v63, v60  }
0x217: {  	v26 =	vld [tilespmem:s30+$0x8260]  }
0x218: {  	[tilespmem:s30+$0x8230] =	vst v22;
	v22 =	vmul.f32 v24, v60;
	_ =	sdelay $0x1  }
0x219: {  	[tilespmem:s30+$0x8240] =	vst v22;
	v22 =	vmul.f32 v25, v60;
	_ =	sdelay $0x1  }
0x21a: {  	[tilespmem:s30+$0x8250] =	vst v22;
	v22 =	vmul.f32 v26, v60  }
0x21b: {  	[tilespmem:s30+$0x81E0] =	vst v23  }
0x21c: {  	[tilespmem:s30+$0x8260] =	vst v22  }
0x21d: {  	v22 =	vld [tilespmem:s30+$0x8270];
	_ =	sdelay $0x1  }
0x21e: {  	v27 =	vld [tilespmem:s30+$0x8280];
	_ =	sdelay $0x1  }
0x21f: {  	v29 =	vld [tilespmem:s30+$0x8290]  }
0x220: {  	v28 =	vperm.xlane v21, v5;
	v22 =	vmul.f32 v22, v60  }
0x221: {  	v30 =	vld [tilespmem:s30+$0x82A0]  }
0x222: {  	[tilespmem:s30+$0x8270] =	vst v22;
	v22 =	vmul.f32 v27, v28  }
0x223: {  	v31 =	vld [tilespmem:s30+$0x82B0]  }
0x224: {  	[tilespmem:s30+$0x8280] =	vst v22;
	v22 =	vmul.f32 v29, v28  }
0x225: {  	v32 =	vld [tilespmem:s30+$0x82C0]  }
0x226: {  	[tilespmem:s30+$0x8290] =	vst v22;
	v22 =	vmul.f32 v30, v28  }
0x227: {  	v33 =	vld [tilespmem:s30+$0x82D0]  }
0x228: {  	[tilespmem:s30+$0x82A0] =	vst v22;
	v22 =	vmul.f32 v31, v28  }
0x229: {  	v34 =	vld [tilespmem:s30+$0x82E0]  }
0x22a: {  	[tilespmem:s30+$0x82B0] =	vst v22;
	v22 =	vmul.f32 v32, v28  }
0x22b: {  	v35 =	vld [tilespmem:s30+$0x82F0]  }
0x22c: {  	[tilespmem:s30+$0x82C0] =	vst v22;
	v22 =	vmul.f32 v33, v28  }
0x22d: {  	v36 =	vld [tilespmem:s30+$0x8300]  }
0x22e: {  	[tilespmem:s30+$0x82D0] =	vst v22;
	v22 =	vmul.f32 v34, v28  }
0x22f: {  	v38 =	vld [tilespmem:s30+$0x8310]  }
0x230: {  	v37 =	vperm.xlane v21, v6;
	[tilespmem:s30+$0x82E0] =	vst v22;
	v22 =	vmul.f32 v35, v28  }
0x231: {  	v39 =	vld [tilespmem:s30+$0x8320]  }
0x232: {  	[tilespmem:s30+$0x82F0] =	vst v22;
	v22 =	vmul.f32 v36, v37  }
0x233: {  	v40 =	vld [tilespmem:s30+$0x8330]  }
0x234: {  	[tilespmem:s30+$0x8300] =	vst v22;
	v22 =	vmul.f32 v38, v37  }
0x235: {  	v41 =	vld [tilespmem:s30+$0x8340]  }
0x236: {  	[tilespmem:s30+$0x8310] =	vst v22;
	v22 =	vmul.f32 v39, v37  }
0x237: {  	v42 =	vld [tilespmem:s30+$0x8350]  }
0x238: {  	[tilespmem:s30+$0x8320] =	vst v22;
	v22 =	vmul.f32 v40, v37  }
0x239: {  	v43 =	vld [tilespmem:s30+$0x8360]  }
0x23a: {  	[tilespmem:s30+$0x8330] =	vst v22;
	v22 =	vmul.f32 v41, v37  }
0x23b: {  	v44 =	vld [tilespmem:s30+$0x8370]  }
0x23c: {  	[tilespmem:s30+$0x8340] =	vst v22;
	v22 =	vmul.f32 v42, v37  }
0x23d: {  	v45 =	vld [tilespmem:s30+$0x8380]  }
0x23e: {  	[tilespmem:s30+$0x8350] =	vst v22;
	v22 =	vmul.f32 v43, v37  }
0x23f: {  	v47 =	vld [tilespmem:s30+$0x8390]  }
0x240: {  	v46 =	vperm.xlane v21, v7;
	[tilespmem:s30+$0x8360] =	vst v22;
	v22 =	vmul.f32 v44, v37  }
0x241: {  	v48 =	vld [tilespmem:s30+$0x83A0]  }
0x242: {  	[tilespmem:s30+$0x8370] =	vst v22;
	v22 =	vmul.f32 v45, v46  }
0x243: {  	v49 =	vld [tilespmem:s30+$0x83B0]  }
0x244: {  	[tilespmem:s30+$0x8380] =	vst v22;
	v22 =	vmul.f32 v47, v46  }
0x245: {  	v50 =	vld [tilespmem:s30+$0x83C0]  }
0x246: {  	[tilespmem:s30+$0x8390] =	vst v22;
	v22 =	vmul.f32 v48, v46  }
0x247: {  	v51 =	vld [tilespmem:s30+$0x83D0]  }
0x248: {  	[tilespmem:s30+$0x83A0] =	vst v22;
	v22 =	vmul.f32 v49, v46  }
0x249: {  	v52 =	vld [tilespmem:s30+$0x83E0]  }
0x24a: {  	[tilespmem:s30+$0x83B0] =	vst v22;
	v22 =	vmul.f32 v50, v46  }
0x24b: {  	v53 =	vld [tilespmem:s30+$0x83F0]  }
0x24c: {  	[tilespmem:s30+$0x83C0] =	vst v22;
	v22 =	vmul.f32 v51, v46  }
0x24d: {  	v54 =	vld [tilespmem:s30+$0x8400]  }
0x24e: {  	[tilespmem:s30+$0x83D0] =	vst v22;
	v22 =	vmul.f32 v52, v46  }
0x24f: {  	v56 =	vld [tilespmem:s30+$0x8410]  }
0x250: {  	v55 =	vperm.xlane v21, v8;
	[tilespmem:s30+$0x83E0] =	vst v22;
	v22 =	vmul.f32 v53, v46  }
0x251: {  	v57 =	vld [tilespmem:s30+$0x8420]  }
0x252: {  	[tilespmem:s30+$0x83F0] =	vst v22;
	v22 =	vmul.f32 v54, v55  }
0x253: {  	v58 =	vld [tilespmem:s30+$0x8430]  }
0x254: {  	[tilespmem:s30+$0x8400] =	vst v22;
	v22 =	vmul.f32 v56, v55  }
0x255: {  	v59 =	vld [tilespmem:s30+$0x8440]  }
0x256: {  	[tilespmem:s30+$0x8410] =	vst v22;
	v22 =	vmul.f32 v57, v55  }
0x257: {  	v60 =	vld [tilespmem:s30+$0x8450]  }
0x258: {  	[tilespmem:s30+$0x8420] =	vst v22;
	v22 =	vmul.f32 v58, v55  }
0x259: {  	v61 =	vld [tilespmem:s30+$0x8460]  }
0x25a: {  	[tilespmem:s30+$0x8430] =	vst v22;
	v22 =	vmul.f32 v59, v55  }
0x25b: {  	v62 =	vld [tilespmem:s30+$0x8470]  }
0x25c: {  	[tilespmem:s30+$0x8440] =	vst v22;
	v22 =	vmul.f32 v60, v55  }
0x25d: {  	v63 =	vld [tilespmem:s30+$0x8480]  }
0x25e: {  	[tilespmem:s30+$0x8450] =	vst v22;
	v22 =	vmul.f32 v61, v55  }
0x25f: {  	v25 =	vld [tilespmem:s30+$0x8490]  }
0x260: {  	v24 =	vperm.xlane v21, v9;
	[tilespmem:s30+$0x8460] =	vst v22;
	v22 =	vmul.f32 v62, v55  }
0x261: {  	v26 =	vld [tilespmem:s30+$0x84A0]  }
0x262: {  	[tilespmem:s30+$0x8470] =	vst v22;
	v22 =	vmul.f32 v63, v24  }
0x263: {  	v27 =	vld [tilespmem:s30+$0x84B0]  }
0x264: {  	[tilespmem:s30+$0x8480] =	vst v22;
	v22 =	vmul.f32 v25, v24  }
0x265: {  	v28 =	vld [tilespmem:s30+$0x84C0]  }
0x266: {  	[tilespmem:s30+$0x8490] =	vst v22;
	v22 =	vmul.f32 v26, v24  }
0x267: {  	v29 =	vld [tilespmem:s30+$0x84D0]  }
0x268: {  	[tilespmem:s30+$0x84A0] =	vst v22;
	v22 =	vmul.f32 v27, v24  }
0x269: {  	v30 =	vld [tilespmem:s30+$0x84E0]  }
0x26a: {  	[tilespmem:s30+$0x84B0] =	vst v22;
	v22 =	vmul.f32 v28, v24  }
0x26b: {  	v31 =	vld [tilespmem:s30+$0x84F0]  }
0x26c: {  	[tilespmem:s30+$0x84C0] =	vst v22;
	v22 =	vmul.f32 v29, v24  }
0x26d: {  	v32 =	vld [tilespmem:s30+$0x8500]  }
0x26e: {  	[tilespmem:s30+$0x84D0] =	vst v22;
	v22 =	vmul.f32 v30, v24  }
0x26f: {  	v34 =	vld [tilespmem:s30+$0x8510]  }
0x270: {  	v33 =	vperm.xlane v21, v10;
	[tilespmem:s30+$0x84E0] =	vst v22;
	v22 =	vmul.f32 v31, v24  }
0x271: {  	v35 =	vld [tilespmem:s30+$0x8520]  }
0x272: {  	[tilespmem:s30+$0x84F0] =	vst v22;
	v22 =	vmul.f32 v32, v33  }
0x273: {  	v36 =	vld [tilespmem:s30+$0x8530]  }
0x274: {  	[tilespmem:s30+$0x8500] =	vst v22;
	v22 =	vmul.f32 v34, v33  }
0x275: {  	v37 =	vld [tilespmem:s30+$0x8540]  }
0x276: {  	[tilespmem:s30+$0x8510] =	vst v22;
	v22 =	vmul.f32 v35, v33  }
0x277: {  	v38 =	vld [tilespmem:s30+$0x8550]  }
0x278: {  	[tilespmem:s30+$0x8520] =	vst v22;
	v22 =	vmul.f32 v36, v33  }
0x279: {  	v39 =	vld [tilespmem:s30+$0x8560]  }
0x27a: {  	[tilespmem:s30+$0x8530] =	vst v22;
	v22 =	vmul.f32 v37, v33  }
0x27b: {  	v40 =	vld [tilespmem:s30+$0x8570]  }
0x27c: {  	[tilespmem:s30+$0x8540] =	vst v22;
	v22 =	vmul.f32 v38, v33  }
0x27d: {  	v41 =	vld [tilespmem:s30+$0x8580]  }
0x27e: {  	[tilespmem:s30+$0x8550] =	vst v22;
	v22 =	vmul.f32 v39, v33  }
0x27f: {  	v43 =	vld [tilespmem:s30+$0x8590]  }
0x280: {  	v42 =	vperm.xlane v21, v11;
	[tilespmem:s30+$0x8560] =	vst v22;
	v22 =	vmul.f32 v40, v33  }
0x281: {  	v44 =	vld [tilespmem:s30+$0x85A0]  }
0x282: {  	[tilespmem:s30+$0x8570] =	vst v22;
	v22 =	vmul.f32 v41, v42  }
0x283: {  	v45 =	vld [tilespmem:s30+$0x85B0]  }
0x284: {  	[tilespmem:s30+$0x8580] =	vst v22;
	v22 =	vmul.f32 v43, v42  }
0x285: {  	v46 =	vld [tilespmem:s30+$0x85C0]  }
0x286: {  	[tilespmem:s30+$0x8590] =	vst v22;
	v22 =	vmul.f32 v44, v42  }
0x287: {  	v47 =	vld [tilespmem:s30+$0x85D0]  }
0x288: {  	[tilespmem:s30+$0x85A0] =	vst v22;
	v22 =	vmul.f32 v45, v42  }
0x289: {  	v48 =	vld [tilespmem:s30+$0x85E0]  }
0x28a: {  	[tilespmem:s30+$0x85B0] =	vst v22;
	v22 =	vmul.f32 v46, v42  }
0x28b: {  	v49 =	vld [tilespmem:s30+$0x85F0]  }
0x28c: {  	[tilespmem:s30+$0x85C0] =	vst v22;
	v22 =	vmul.f32 v47, v42  }
0x28d: {  	v50 =	vld [tilespmem:s30+$0x8600]  }
0x28e: {  	[tilespmem:s30+$0x85D0] =	vst v22;
	v22 =	vmul.f32 v48, v42  }
0x28f: {  	v52 =	vld [tilespmem:s30+$0x8610]  }
0x290: {  	v51 =	vperm.xlane v21, v12;
	[tilespmem:s30+$0x85E0] =	vst v22;
	v22 =	vmul.f32 v49, v42  }
0x291: {  	v53 =	vld [tilespmem:s30+$0x8620]  }
0x292: {  	[tilespmem:s30+$0x85F0] =	vst v22;
	v22 =	vmul.f32 v50, v51  }
0x293: {  	v54 =	vld [tilespmem:s30+$0x8630]  }
0x294: {  	[tilespmem:s30+$0x8600] =	vst v22;
	v22 =	vmul.f32 v52, v51  }
0x295: {  	v55 =	vld [tilespmem:s30+$0x8640]  }
0x296: {  	[tilespmem:s30+$0x8610] =	vst v22;
	v22 =	vmul.f32 v53, v51  }
0x297: {  	v56 =	vld [tilespmem:s30+$0x8650]  }
0x298: {  	[tilespmem:s30+$0x8620] =	vst v22;
	v22 =	vmul.f32 v54, v51  }
0x299: {  	v57 =	vld [tilespmem:s30+$0x8660]  }
0x29a: {  	[tilespmem:s30+$0x8630] =	vst v22;
	v22 =	vmul.f32 v55, v51  }
0x29b: {  	v58 =	vld [tilespmem:s30+$0x8670]  }
0x29c: {  	[tilespmem:s30+$0x8640] =	vst v22;
	v22 =	vmul.f32 v56, v51  }
0x29d: {  	v59 =	vld [tilespmem:s30+$0x8680]  }
0x29e: {  	[tilespmem:s30+$0x8650] =	vst v22;
	v22 =	vmul.f32 v57, v51  }
0x29f: {  	v61 =	vld [tilespmem:s30+$0x8690]  }
0x2a0: {  	v60 =	vperm.xlane v21, v13;
	[tilespmem:s30+$0x8660] =	vst v22;
	v22 =	vmul.f32 v58, v51  }
0x2a1: {  	v62 =	vld [tilespmem:s30+$0x86A0]  }
0x2a2: {  	[tilespmem:s30+$0x8670] =	vst v22;
	v22 =	vmul.f32 v59, v60  }
0x2a3: {  	v63 =	vld [tilespmem:s30+$0x86B0]  }
0x2a4: {  	[tilespmem:s30+$0x8680] =	vst v22;
	v22 =	vmul.f32 v61, v60  }
0x2a5: {  	v24 =	vld [tilespmem:s30+$0x86C0]  }
0x2a6: {  	[tilespmem:s30+$0x8690] =	vst v22;
	v22 =	vmul.f32 v62, v60  }
0x2a7: {  	v25 =	vld [tilespmem:s30+$0x86D0]  }
0x2a8: {  	[tilespmem:s30+$0x86A0] =	vst v22;
	v22 =	vmul.f32 v63, v60  }
0x2a9: {  	v26 =	vld [tilespmem:s30+$0x86E0]  }
0x2aa: {  	[tilespmem:s30+$0x86B0] =	vst v22;
	v22 =	vmul.f32 v24, v60  }
0x2ab: {  	v27 =	vld [tilespmem:s30+$0x86F0]  }
0x2ac: {  	[tilespmem:s30+$0x86C0] =	vst v22;
	v22 =	vmul.f32 v25, v60  }
0x2ad: {  	v28 =	vld [tilespmem:s30+$0x8700]  }
0x2ae: {  	[tilespmem:s30+$0x86D0] =	vst v22;
	v22 =	vmul.f32 v26, v60  }
0x2af: {  	v30 =	vld [tilespmem:s30+$0x8710]  }
0x2b0: {  	v29 =	vperm.xlane v21, v14;
	[tilespmem:s30+$0x86E0] =	vst v22;
	v22 =	vmul.f32 v27, v60  }
0x2b1: {  	v31 =	vld [tilespmem:s30+$0x8720]  }
0x2b2: {  	[tilespmem:s30+$0x86F0] =	vst v22;
	v22 =	vmul.f32 v28, v29  }
0x2b3: {  	v32 =	vld [tilespmem:s30+$0x8730]  }
0x2b4: {  	[tilespmem:s30+$0x8700] =	vst v22;
	v22 =	vmul.f32 v30, v29  }
0x2b5: {  	v33 =	vld [tilespmem:s30+$0x8740]  }
0x2b6: {  	[tilespmem:s30+$0x8710] =	vst v22;
	v22 =	vmul.f32 v31, v29  }
0x2b7: {  	v34 =	vld [tilespmem:s30+$0x8750]  }
0x2b8: {  	[tilespmem:s30+$0x8720] =	vst v22;
	v22 =	vmul.f32 v32, v29  }
0x2b9: {  	v35 =	vld [tilespmem:s30+$0x8760]  }
0x2ba: {  	[tilespmem:s30+$0x8730] =	vst v22;
	v22 =	vmul.f32 v33, v29  }
0x2bb: {  	v36 =	vld [tilespmem:s30+$0x8770]  }
0x2bc: {  	[tilespmem:s30+$0x8740] =	vst v22;
	v22 =	vmul.f32 v34, v29  }
0x2bd: {  	v37 =	vld [tilespmem:s30+$0x8780]  }
0x2be: {  	[tilespmem:s30+$0x8750] =	vst v22;
	v22 =	vmul.f32 v35, v29  }
0x2bf: {  	v39 =	vld [tilespmem:s30+$0x8790]  }
0x2c0: {  	v38 =	vperm.xlane v21, v15;
	[tilespmem:s30+$0x8760] =	vst v22;
	v22 =	vmul.f32 v36, v29  }
0x2c1: {  	v40 =	vld [tilespmem:s30+$0x87A0]  }
0x2c2: {  	[tilespmem:s30+$0x8770] =	vst v22;
	v22 =	vmul.f32 v37, v38  }
0x2c3: {  	v41 =	vld [tilespmem:s30+$0x87B0]  }
0x2c4: {  	[tilespmem:s30+$0x8780] =	vst v22;
	v22 =	vmul.f32 v39, v38  }
0x2c5: {  	v42 =	vld [tilespmem:s30+$0x87C0]  }
0x2c6: {  	[tilespmem:s30+$0x8790] =	vst v22;
	v22 =	vmul.f32 v40, v38  }
0x2c7: {  	v43 =	vld [tilespmem:s30+$0x87D0]  }
0x2c8: {  	[tilespmem:s30+$0x87A0] =	vst v22;
	v22 =	vmul.f32 v41, v38  }
0x2c9: {  	v44 =	vld [tilespmem:s30+$0x87E0]  }
0x2ca: {  	[tilespmem:s30+$0x87B0] =	vst v22;
	v22 =	vmul.f32 v42, v38  }
0x2cb: {  	v45 =	vld [tilespmem:s30+$0x87F0]  }
0x2cc: {  	[tilespmem:s30+$0x87C0] =	vst v22;
	v22 =	vmul.f32 v43, v38  }
0x2cd: {  	v46 =	vld [tilespmem:s30+$0x8800]  }
0x2ce: {  	[tilespmem:s30+$0x87D0] =	vst v22;
	v22 =	vmul.f32 v44, v38  }
0x2cf: {  	v48 =	vld [tilespmem:s30+$0x8810]  }
0x2d0: {  	v47 =	vperm.xlane v21, v16;
	[tilespmem:s30+$0x87E0] =	vst v22;
	v22 =	vmul.f32 v45, v38  }
0x2d1: {  	v49 =	vld [tilespmem:s30+$0x8820]  }
0x2d2: {  	[tilespmem:s30+$0x87F0] =	vst v22;
	v22 =	vmul.f32 v46, v47  }
0x2d3: {  	v50 =	vld [tilespmem:s30+$0x8830]  }
0x2d4: {  	[tilespmem:s30+$0x8800] =	vst v22;
	v22 =	vmul.f32 v48, v47  }
0x2d5: {  	v51 =	vld [tilespmem:s30+$0x8840]  }
0x2d6: {  	[tilespmem:s30+$0x8810] =	vst v22;
	v22 =	vmul.f32 v49, v47  }
0x2d7: {  	v52 =	vld [tilespmem:s30+$0x8850]  }
0x2d8: {  	[tilespmem:s30+$0x8820] =	vst v22;
	v22 =	vmul.f32 v50, v47  }
0x2d9: {  	v53 =	vld [tilespmem:s30+$0x8860]  }
0x2da: {  	[tilespmem:s30+$0x8830] =	vst v22;
	v22 =	vmul.f32 v51, v47  }
0x2db: {  	v54 =	vld [tilespmem:s30+$0x8870]  }
0x2dc: {  	[tilespmem:s30+$0x8840] =	vst v22;
	v22 =	vmul.f32 v52, v47  }
0x2dd: {  	v55 =	vld [tilespmem:s30+$0x8880]  }
0x2de: {  	[tilespmem:s30+$0x8850] =	vst v22;
	v22 =	vmul.f32 v53, v47  }
0x2df: {  	v57 =	vld [tilespmem:s30+$0x8890]  }
0x2e0: {  	v56 =	vperm.xlane v21, v17;
	[tilespmem:s30+$0x8860] =	vst v22;
	v22 =	vmul.f32 v54, v47  }
0x2e1: {  	v58 =	vld [tilespmem:s30+$0x88A0]  }
0x2e2: {  	[tilespmem:s30+$0x8870] =	vst v22;
	v22 =	vmul.f32 v55, v56  }
0x2e3: {  	v59 =	vld [tilespmem:s30+$0x88B0]  }
0x2e4: {  	[tilespmem:s30+$0x8880] =	vst v22;
	v22 =	vmul.f32 v57, v56  }
0x2e5: {  	v60 =	vld [tilespmem:s30+$0x88C0]  }
0x2e6: {  	[tilespmem:s30+$0x8890] =	vst v22;
	v22 =	vmul.f32 v58, v56  }
0x2e7: {  	v61 =	vld [tilespmem:s30+$0x88D0]  }
0x2e8: {  	[tilespmem:s30+$0x88A0] =	vst v22;
	v22 =	vmul.f32 v59, v56  }
0x2e9: {  	v62 =	vld [tilespmem:s30+$0x88E0]  }
0x2ea: {  	[tilespmem:s30+$0x88B0] =	vst v22;
	v22 =	vmul.f32 v60, v56  }
0x2eb: {  	v63 =	vld [tilespmem:s30+$0x88F0]  }
0x2ec: {  	[tilespmem:s30+$0x88C0] =	vst v22;
	v22 =	vmul.f32 v61, v56  }
0x2ed: {  	v24 =	vld [tilespmem:s30+$0x8900]  }
0x2ee: {  	[tilespmem:s30+$0x88D0] =	vst v22;
	v22 =	vmul.f32 v62, v56  }
0x2ef: {  	v26 =	vld [tilespmem:s30+$0x8910]  }
0x2f0: {  	v25 =	vperm.xlane v21, v18;
	[tilespmem:s30+$0x88E0] =	vst v22;
	v22 =	vmul.f32 v63, v56  }
0x2f1: {  	v27 =	vld [tilespmem:s30+$0x8920]  }
0x2f2: {  	[tilespmem:s30+$0x88F0] =	vst v22;
	v22 =	vmul.f32 v24, v25  }
0x2f3: {  	v28 =	vld [tilespmem:s30+$0x8930]  }
0x2f4: {  	[tilespmem:s30+$0x8900] =	vst v22;
	v22 =	vmul.f32 v26, v25  }
0x2f5: {  	v29 =	vld [tilespmem:s30+$0x8940]  }
0x2f6: {  	[tilespmem:s30+$0x8910] =	vst v22;
	v22 =	vmul.f32 v27, v25  }
0x2f7: {  	v30 =	vld [tilespmem:s30+$0x8950]  }
0x2f8: {  	[tilespmem:s30+$0x8920] =	vst v22;
	v22 =	vmul.f32 v28, v25  }
0x2f9: {  	v31 =	vld [tilespmem:s30+$0x8960]  }
0x2fa: {  	[tilespmem:s30+$0x8930] =	vst v22;
	v22 =	vmul.f32 v29, v25  }
0x2fb: {  	v32 =	vld [tilespmem:s30+$0x8970]  }
0x2fc: {  	[tilespmem:s30+$0x8940] =	vst v22;
	v22 =	vmul.f32 v30, v25  }
0x2fd: {  	v33 =	vld [tilespmem:s30+$0x8980]  }
0x2fe: {  	[tilespmem:s30+$0x8950] =	vst v22;
	v22 =	vmul.f32 v31, v25  }
0x2ff: {  	v34 =	vld [tilespmem:s30+$0x8990]  }
0x300: {  	v21 =	vperm.xlane v21, v19;
	[tilespmem:s30+$0x8960] =	vst v22;
	v22 =	vmul.f32 v32, v25  }
0x301: {  	v35 =	vld [tilespmem:s30+$0x89A0]  }
0x302: {  	[tilespmem:s30+$0x8970] =	vst v22;
	v22 =	vmul.f32 v33, v21  }
0x303: {  	v36 =	vld [tilespmem:s30+$0x89B0]  }
0x304: {  	[tilespmem:s30+$0x8980] =	vst v22;
	v22 =	vmul.f32 v34, v21  }
0x305: {  	v37 =	vld [tilespmem:s30+$0x89C0]  }
0x306: {  	[tilespmem:s30+$0x8990] =	vst v22;
	v22 =	vmul.f32 v35, v21  }
0x307: {  	v38 =	vld [tilespmem:s30+$0x89D0]  }
0x308: {  	v39 =	vld [tilespmem:s30+$0x89E0];
	[tilespmem:s30+$0x89A0] =	vst v22;
	v22 =	vmul.f32 v36, v21  }
0x309: {  	v40 =	vld [tilespmem:s30+$0x89F0]  }
0x30a: {  	[tilespmem:s30+$0x89B0] =	vst v22;
	v22 =	vmul.f32 v37, v21  }
0x30b: {  	v41 =	vld [tilespmem:s30+$0x8A00]  }
0x30c: {  	[tilespmem:s30+$0x89C0] =	vst v22;
	v22 =	vmul.f32 v38, v21  }
0x30d: {  	v42 =	vperm.xlane v20, v4;
	v43 =	vld [tilespmem:s30+$0x8A10]  }
0x30e: {  	[tilespmem:s30+$0x89D0] =	vst v22;
	v22 =	vmul.f32 v39, v21;
	v21 =	vmul.f32 v40, v21  }
0x30f: {  	v44 =	vld [tilespmem:s30+$0x8A20]  }
0x310: {  	[tilespmem:s30+$0x89F0] =	vst v21;
	v21 =	vmul.f32 v41, v42  }
0x311: {  	v45 =	vld [tilespmem:s30+$0x8A30]  }
0x312: {  	[tilespmem:s30+$0x8A00] =	vst v21;
	v21 =	vmul.f32 v43, v42  }
0x313: {  	v46 =	vld [tilespmem:s30+$0x8A40]  }
0x314: {  	[tilespmem:s30+$0x8A10] =	vst v21;
	v21 =	vmul.f32 v44, v42  }
0x315: {  	v47 =	vld [tilespmem:s30+$0x8A50]  }
0x316: {  	[tilespmem:s30+$0x8A20] =	vst v21;
	v21 =	vmul.f32 v45, v42  }
0x317: {  	v48 =	vld [tilespmem:s30+$0x8A60]  }
0x318: {  	[tilespmem:s30+$0x8A30] =	vst v21;
	v21 =	vmul.f32 v46, v42  }
0x319: {  	v49 =	vld [tilespmem:s30+$0x8A70]  }
0x31a: {  	[tilespmem:s30+$0x8A40] =	vst v21;
	v21 =	vmul.f32 v47, v42  }
0x31b: {  	v50 =	vld [tilespmem:s30+$0x8A80]  }
0x31c: {  	[tilespmem:s30+$0x8A50] =	vst v21;
	v21 =	vmul.f32 v48, v42  }
0x31d: {  	v52 =	vld [tilespmem:s30+$0x8A90]  }
0x31e: {  	v51 =	vperm.xlane v20, v5;
	[tilespmem:s30+$0x8A60] =	vst v21;
	v21 =	vmul.f32 v49, v42  }
0x31f: {  	v53 =	vld [tilespmem:s30+$0x8AA0]  }
0x320: {  	[tilespmem:s30+$0x8A70] =	vst v21;
	v21 =	vmul.f32 v50, v51  }
0x321: {  	v54 =	vld [tilespmem:s30+$0x8AB0]  }
0x322: {  	[tilespmem:s30+$0x8A80] =	vst v21;
	v21 =	vmul.f32 v52, v51  }
0x323: {  	v55 =	vld [tilespmem:s30+$0x8AC0]  }
0x324: {  	[tilespmem:s30+$0x8A90] =	vst v21;
	v21 =	vmul.f32 v53, v51  }
0x325: {  	v56 =	vld [tilespmem:s30+$0x8AD0]  }
0x326: {  	[tilespmem:s30+$0x8AA0] =	vst v21;
	v21 =	vmul.f32 v54, v51  }
0x327: {  	v57 =	vld [tilespmem:s30+$0x8AE0]  }
0x328: {  	[tilespmem:s30+$0x8AB0] =	vst v21;
	v21 =	vmul.f32 v55, v51  }
0x329: {  	v58 =	vld [tilespmem:s30+$0x8AF0]  }
0x32a: {  	[tilespmem:s30+$0x8AC0] =	vst v21;
	v21 =	vmul.f32 v56, v51  }
0x32b: {  	v59 =	vld [tilespmem:s30+$0x8B00]  }
0x32c: {  	[tilespmem:s30+$0x8AD0] =	vst v21;
	v21 =	vmul.f32 v57, v51  }
0x32d: {  	v61 =	vld [tilespmem:s30+$0x8B10]  }
0x32e: {  	v60 =	vperm.xlane v20, v6;
	[tilespmem:s30+$0x8AE0] =	vst v21;
	v21 =	vmul.f32 v58, v51  }
0x32f: {  	v62 =	vld [tilespmem:s30+$0x8B20]  }
0x330: {  	[tilespmem:s30+$0x8AF0] =	vst v21;
	v21 =	vmul.f32 v59, v60  }
0x331: {  	v63 =	vld [tilespmem:s30+$0x8B30]  }
0x332: {  	[tilespmem:s30+$0x8B00] =	vst v21;
	v21 =	vmul.f32 v61, v60  }
0x333: {  	v24 =	vld [tilespmem:s30+$0x8B40]  }
0x334: {  	[tilespmem:s30+$0x8B10] =	vst v21;
	v21 =	vmul.f32 v62, v60  }
0x335: {  	v25 =	vld [tilespmem:s30+$0x8B50]  }
0x336: {  	[tilespmem:s30+$0x8B20] =	vst v21;
	v21 =	vmul.f32 v63, v60  }
0x337: {  	v26 =	vld [tilespmem:s30+$0x8B60]  }
0x338: {  	[tilespmem:s30+$0x8B30] =	vst v21;
	v21 =	vmul.f32 v24, v60  }
0x339: {  	v27 =	vld [tilespmem:s30+$0x8B70]  }
0x33a: {  	[tilespmem:s30+$0x8B40] =	vst v21;
	v21 =	vmul.f32 v25, v60  }
0x33b: {  	v28 =	vld [tilespmem:s30+$0x8B80]  }
0x33c: {  	[tilespmem:s30+$0x8B50] =	vst v21;
	v21 =	vmul.f32 v26, v60  }
0x33d: {  	v30 =	vld [tilespmem:s30+$0x8B90]  }
0x33e: {  	v29 =	vperm.xlane v20, v7;
	[tilespmem:s30+$0x8B60] =	vst v21;
	v21 =	vmul.f32 v27, v60  }
0x33f: {  	v31 =	vld [tilespmem:s30+$0x8BA0]  }
0x340: {  	[tilespmem:s30+$0x8B70] =	vst v21;
	v21 =	vmul.f32 v28, v29  }
0x341: {  	v32 =	vld [tilespmem:s30+$0x8BB0]  }
0x342: {  	[tilespmem:s30+$0x8B80] =	vst v21;
	v21 =	vmul.f32 v30, v29  }
0x343: {  	v33 =	vld [tilespmem:s30+$0x8BC0]  }
0x344: {  	[tilespmem:s30+$0x8B90] =	vst v21;
	v21 =	vmul.f32 v31, v29  }
0x345: {  	v34 =	vld [tilespmem:s30+$0x8BD0]  }
0x346: {  	[tilespmem:s30+$0x8BA0] =	vst v21;
	v21 =	vmul.f32 v32, v29  }
0x347: {  	v35 =	vld [tilespmem:s30+$0x8BE0]  }
0x348: {  	[tilespmem:s30+$0x8BB0] =	vst v21;
	v21 =	vmul.f32 v33, v29  }
0x349: {  	v36 =	vld [tilespmem:s30+$0x8BF0]  }
0x34a: {  	[tilespmem:s30+$0x8BC0] =	vst v21;
	v21 =	vmul.f32 v34, v29  }
0x34b: {  	v37 =	vld [tilespmem:s30+$0x8C00]  }
0x34c: {  	[tilespmem:s30+$0x8BD0] =	vst v21;
	v21 =	vmul.f32 v35, v29  }
0x34d: {  	v39 =	vld [tilespmem:s30+$0x8C10]  }
0x34e: {  	v38 =	vperm.xlane v20, v8;
	[tilespmem:s30+$0x8BE0] =	vst v21;
	v21 =	vmul.f32 v36, v29  }
0x34f: {  	v40 =	vld [tilespmem:s30+$0x8C20]  }
0x350: {  	[tilespmem:s30+$0x8BF0] =	vst v21;
	v21 =	vmul.f32 v37, v38  }
0x351: {  	v41 =	vld [tilespmem:s30+$0x8C30]  }
0x352: {  	[tilespmem:s30+$0x8C00] =	vst v21;
	v21 =	vmul.f32 v39, v38  }
0x353: {  	v42 =	vld [tilespmem:s30+$0x8C40]  }
0x354: {  	[tilespmem:s30+$0x8C10] =	vst v21;
	v21 =	vmul.f32 v40, v38  }
0x355: {  	v43 =	vld [tilespmem:s30+$0x8C50]  }
0x356: {  	[tilespmem:s30+$0x8C20] =	vst v21;
	v21 =	vmul.f32 v41, v38  }
0x357: {  	v44 =	vld [tilespmem:s30+$0x8C60]  }
0x358: {  	[tilespmem:s30+$0x8C30] =	vst v21;
	v21 =	vmul.f32 v42, v38  }
0x359: {  	v45 =	vld [tilespmem:s30+$0x8C70]  }
0x35a: {  	[tilespmem:s30+$0x8C40] =	vst v21;
	v21 =	vmul.f32 v43, v38  }
0x35b: {  	v46 =	vld [tilespmem:s30+$0x8C80]  }
0x35c: {  	[tilespmem:s30+$0x8C50] =	vst v21;
	v21 =	vmul.f32 v44, v38  }
0x35d: {  	v48 =	vld [tilespmem:s30+$0x8C90]  }
0x35e: {  	v47 =	vperm.xlane v20, v9;
	[tilespmem:s30+$0x8C60] =	vst v21;
	v21 =	vmul.f32 v45, v38  }
0x35f: {  	v49 =	vld [tilespmem:s30+$0x8CA0]  }
0x360: {  	[tilespmem:s30+$0x8C70] =	vst v21;
	v21 =	vmul.f32 v46, v47  }
0x361: {  	v50 =	vld [tilespmem:s30+$0x8CB0]  }
0x362: {  	[tilespmem:s30+$0x8C80] =	vst v21;
	v21 =	vmul.f32 v48, v47  }
0x363: {  	v51 =	vld [tilespmem:s30+$0x8CC0]  }
0x364: {  	[tilespmem:s30+$0x8C90] =	vst v21;
	v21 =	vmul.f32 v49, v47  }
0x365: {  	v52 =	vld [tilespmem:s30+$0x8CD0]  }
0x366: {  	[tilespmem:s30+$0x8CA0] =	vst v21;
	v21 =	vmul.f32 v50, v47  }
0x367: {  	v53 =	vld [tilespmem:s30+$0x8CE0]  }
0x368: {  	[tilespmem:s30+$0x8CB0] =	vst v21;
	v21 =	vmul.f32 v51, v47  }
0x369: {  	v54 =	vld [tilespmem:s30+$0x8CF0]  }
0x36a: {  	[tilespmem:s30+$0x8CC0] =	vst v21;
	v21 =	vmul.f32 v52, v47  }
0x36b: {  	v55 =	vld [tilespmem:s30+$0x8D00]  }
0x36c: {  	[tilespmem:s30+$0x8CD0] =	vst v21;
	v21 =	vmul.f32 v53, v47  }
0x36d: {  	v57 =	vld [tilespmem:s30+$0x8D10]  }
0x36e: {  	v56 =	vperm.xlane v20, v10;
	[tilespmem:s30+$0x8CE0] =	vst v21;
	v21 =	vmul.f32 v54, v47  }
0x36f: {  	v58 =	vld [tilespmem:s30+$0x8D20]  }
0x370: {  	[tilespmem:s30+$0x8CF0] =	vst v21;
	v21 =	vmul.f32 v55, v56  }
0x371: {  	v59 =	vld [tilespmem:s30+$0x8D30]  }
0x372: {  	[tilespmem:s30+$0x8D00] =	vst v21;
	v21 =	vmul.f32 v57, v56  }
0x373: {  	v60 =	vld [tilespmem:s30+$0x8D40]  }
0x374: {  	[tilespmem:s30+$0x8D10] =	vst v21;
	v21 =	vmul.f32 v58, v56  }
0x375: {  	v61 =	vld [tilespmem:s30+$0x8D50]  }
0x376: {  	[tilespmem:s30+$0x8D20] =	vst v21;
	v21 =	vmul.f32 v59, v56  }
0x377: {  	v62 =	vld [tilespmem:s30+$0x8D60]  }
0x378: {  	[tilespmem:s30+$0x8D30] =	vst v21;
	v21 =	vmul.f32 v60, v56  }
0x379: {  	v63 =	vld [tilespmem:s30+$0x8D70]  }
0x37a: {  	[tilespmem:s30+$0x8D40] =	vst v21;
	v21 =	vmul.f32 v61, v56  }
0x37b: {  	v24 =	vld [tilespmem:s30+$0x8D80]  }
0x37c: {  	[tilespmem:s30+$0x8D50] =	vst v21;
	v21 =	vmul.f32 v62, v56  }
0x37d: {  	v26 =	vld [tilespmem:s30+$0x8D90]  }
0x37e: {  	v25 =	vperm.xlane v20, v11;
	[tilespmem:s30+$0x8D60] =	vst v21;
	v21 =	vmul.f32 v63, v56  }
0x37f: {  	v27 =	vld [tilespmem:s30+$0x8DA0]  }
0x380: {  	[tilespmem:s30+$0x8D70] =	vst v21;
	v21 =	vmul.f32 v24, v25  }
0x381: {  	v28 =	vld [tilespmem:s30+$0x8DB0]  }
0x382: {  	[tilespmem:s30+$0x8D80] =	vst v21;
	v21 =	vmul.f32 v26, v25  }
0x383: {  	v29 =	vld [tilespmem:s30+$0x8DC0]  }
0x384: {  	[tilespmem:s30+$0x8D90] =	vst v21;
	v21 =	vmul.f32 v27, v25  }
0x385: {  	v30 =	vld [tilespmem:s30+$0x8DD0]  }
0x386: {  	[tilespmem:s30+$0x8DA0] =	vst v21;
	v21 =	vmul.f32 v28, v25  }
0x387: {  	v31 =	vld [tilespmem:s30+$0x8DE0]  }
0x388: {  	[tilespmem:s30+$0x8DB0] =	vst v21;
	v21 =	vmul.f32 v29, v25  }
0x389: {  	v32 =	vld [tilespmem:s30+$0x8DF0]  }
0x38a: {  	[tilespmem:s30+$0x8DC0] =	vst v21;
	v21 =	vmul.f32 v30, v25  }
0x38b: {  	v33 =	vld [tilespmem:s30+$0x8E00]  }
0x38c: {  	[tilespmem:s30+$0x8DD0] =	vst v21;
	v21 =	vmul.f32 v31, v25  }
0x38d: {  	v35 =	vld [tilespmem:s30+$0x8E10]  }
0x38e: {  	v34 =	vperm.xlane v20, v12;
	[tilespmem:s30+$0x8DE0] =	vst v21;
	v21 =	vmul.f32 v32, v25  }
0x38f: {  	v36 =	vld [tilespmem:s30+$0x8E20]  }
0x390: {  	[tilespmem:s30+$0x8DF0] =	vst v21;
	v21 =	vmul.f32 v33, v34  }
0x391: {  	v37 =	vld [tilespmem:s30+$0x8E30]  }
0x392: {  	[tilespmem:s30+$0x8E00] =	vst v21;
	v21 =	vmul.f32 v35, v34  }
0x393: {  	v38 =	vld [tilespmem:s30+$0x8E40]  }
0x394: {  	[tilespmem:s30+$0x8E10] =	vst v21;
	v21 =	vmul.f32 v36, v34  }
0x395: {  	v39 =	vld [tilespmem:s30+$0x8E50]  }
0x396: {  	[tilespmem:s30+$0x8E20] =	vst v21;
	v21 =	vmul.f32 v37, v34  }
0x397: {  	v40 =	vld [tilespmem:s30+$0x8E60]  }
0x398: {  	[tilespmem:s30+$0x8E30] =	vst v21;
	v21 =	vmul.f32 v38, v34  }
0x399: {  	v41 =	vld [tilespmem:s30+$0x8E70]  }
0x39a: {  	[tilespmem:s30+$0x8E40] =	vst v21;
	v21 =	vmul.f32 v39, v34  }
0x39b: {  	v42 =	vld [tilespmem:s30+$0x8E80]  }
0x39c: {  	[tilespmem:s30+$0x8E50] =	vst v21;
	v21 =	vmul.f32 v40, v34  }
0x39d: {  	v44 =	vld [tilespmem:s30+$0x8E90]  }
0x39e: {  	v43 =	vperm.xlane v20, v13;
	[tilespmem:s30+$0x8E60] =	vst v21;
	v21 =	vmul.f32 v41, v34  }
0x39f: {  	v45 =	vld [tilespmem:s30+$0x8EA0]  }
0x3a0: {  	[tilespmem:s30+$0x8E70] =	vst v21;
	v21 =	vmul.f32 v42, v43  }
0x3a1: {  	v46 =	vld [tilespmem:s30+$0x8EB0]  }
0x3a2: {  	[tilespmem:s30+$0x8E80] =	vst v21;
	v21 =	vmul.f32 v44, v43  }
0x3a3: {  	v47 =	vld [tilespmem:s30+$0x8EC0]  }
0x3a4: {  	[tilespmem:s30+$0x8E90] =	vst v21;
	v21 =	vmul.f32 v45, v43  }
0x3a5: {  	v48 =	vld [tilespmem:s30+$0x8ED0]  }
0x3a6: {  	[tilespmem:s30+$0x8EA0] =	vst v21;
	v21 =	vmul.f32 v46, v43  }
0x3a7: {  	v49 =	vld [tilespmem:s30+$0x8EE0]  }
0x3a8: {  	[tilespmem:s30+$0x8EB0] =	vst v21;
	v21 =	vmul.f32 v47, v43  }
0x3a9: {  	v50 =	vld [tilespmem:s30+$0x8EF0]  }
0x3aa: {  	[tilespmem:s30+$0x8EC0] =	vst v21;
	v21 =	vmul.f32 v48, v43  }
0x3ab: {  	[tilespmem:s30+$0x89E0] =	vst v22;
	v51 =	vld [tilespmem:s30+$0x8F00]  }
0x3ac: {  	[tilespmem:s30+$0x8ED0] =	vst v21;
	v21 =	vmul.f32 v49, v43  }
0x3ad: {  	v53 =	vld [tilespmem:s30+$0x8F10]  }
0x3ae: {  	v52 =	vperm.xlane v20, v14;
	[tilespmem:s30+$0x8EE0] =	vst v21;
	v21 =	vmul.f32 v50, v43  }
0x3af: {  	v54 =	vld [tilespmem:s30+$0x8F20]  }
0x3b0: {  	[tilespmem:s30+$0x8EF0] =	vst v21;
	v21 =	vmul.f32 v51, v52  }
0x3b1: {  	v55 =	vld [tilespmem:s30+$0x8F30]  }
0x3b2: {  	[tilespmem:s30+$0x8F00] =	vst v21;
	v21 =	vmul.f32 v53, v52  }
0x3b3: {  	v56 =	vld [tilespmem:s30+$0x8F40]  }
0x3b4: {  	[tilespmem:s30+$0x8F10] =	vst v21;
	v21 =	vmul.f32 v54, v52  }
0x3b5: {  	v57 =	vld [tilespmem:s30+$0x8F50]  }
0x3b6: {  	[tilespmem:s30+$0x8F20] =	vst v21;
	v21 =	vmul.f32 v55, v52  }
0x3b7: {  	v58 =	vld [tilespmem:s30+$0x8F60]  }
0x3b8: {  	[tilespmem:s30+$0x8F30] =	vst v21;
	v21 =	vmul.f32 v56, v52  }
0x3b9: {  	v59 =	vld [tilespmem:s30+$0x8F70]  }
0x3ba: {  	[tilespmem:s30+$0x8F40] =	vst v21;
	v21 =	vmul.f32 v57, v52  }
0x3bb: {  	v60 =	vld [tilespmem:s30+$0x8F80]  }
0x3bc: {  	[tilespmem:s30+$0x8F50] =	vst v21;
	v21 =	vmul.f32 v58, v52  }
0x3bd: {  	v62 =	vld [tilespmem:s30+$0x8F90]  }
0x3be: {  	v61 =	vperm.xlane v20, v15;
	[tilespmem:s30+$0x8F60] =	vst v21;
	v21 =	vmul.f32 v59, v52  }
0x3bf: {  	v63 =	vld [tilespmem:s30+$0x8FA0]  }
0x3c0: {  	[tilespmem:s30+$0x8F70] =	vst v21;
	v21 =	vmul.f32 v60, v61  }
0x3c1: {  	v24 =	vld [tilespmem:s30+$0x8FB0]  }
0x3c2: {  	[tilespmem:s30+$0x8F80] =	vst v21;
	v21 =	vmul.f32 v62, v61  }
0x3c3: {  	v25 =	vld [tilespmem:s30+$0x8FC0]  }
0x3c4: {  	[tilespmem:s30+$0x8F90] =	vst v21;
	v21 =	vmul.f32 v63, v61  }
0x3c5: {  	v26 =	vld [tilespmem:s30+$0x8FD0]  }
0x3c6: {  	[tilespmem:s30+$0x8FA0] =	vst v21;
	v21 =	vmul.f32 v24, v61  }
0x3c7: {  	v27 =	vld [tilespmem:s30+$0x8FE0]  }
0x3c8: {  	[tilespmem:s30+$0x8FB0] =	vst v21;
	v21 =	vmul.f32 v25, v61  }
0x3c9: {  	v28 =	vld [tilespmem:s30+$0x8FF0]  }
0x3ca: {  	[tilespmem:s30+$0x8FC0] =	vst v21;
	v21 =	vmul.f32 v26, v61  }
0x3cb: {  	v29 =	vld [tilespmem:s30+$0x9000]  }
0x3cc: {  	[tilespmem:s30+$0x8FD0] =	vst v21;
	v21 =	vmul.f32 v27, v61  }
0x3cd: {  	v31 =	vld [tilespmem:s30+$0x9010]  }
0x3ce: {  	v30 =	vperm.xlane v20, v16;
	[tilespmem:s30+$0x8FE0] =	vst v21;
	v21 =	vmul.f32 v28, v61  }
0x3cf: {  	v32 =	vld [tilespmem:s30+$0x9020]  }
0x3d0: {  	[tilespmem:s30+$0x8FF0] =	vst v21;
	v21 =	vmul.f32 v29, v30  }
0x3d1: {  	v33 =	vld [tilespmem:s30+$0x9030]  }
0x3d2: {  	[tilespmem:s30+$0x9000] =	vst v21;
	v21 =	vmul.f32 v31, v30  }
0x3d3: {  	v34 =	vld [tilespmem:s30+$0x9040]  }
0x3d4: {  	[tilespmem:s30+$0x9010] =	vst v21;
	v21 =	vmul.f32 v32, v30  }
0x3d5: {  	v35 =	vld [tilespmem:s30+$0x9050]  }
0x3d6: {  	[tilespmem:s30+$0x9020] =	vst v21;
	v21 =	vmul.f32 v33, v30  }
0x3d7: {  	v36 =	vld [tilespmem:s30+$0x9060]  }
0x3d8: {  	[tilespmem:s30+$0x9030] =	vst v21;
	v21 =	vmul.f32 v34, v30  }
0x3d9: {  	v37 =	vld [tilespmem:s30+$0x9070]  }
0x3da: {  	[tilespmem:s30+$0x9040] =	vst v21;
	v21 =	vmul.f32 v35, v30  }
0x3db: {  	v38 =	vld [tilespmem:s30+$0x9080]  }
0x3dc: {  	[tilespmem:s30+$0x9050] =	vst v21;
	v21 =	vmul.f32 v36, v30  }
0x3dd: {  	v40 =	vld [tilespmem:s30+$0x9090]  }
0x3de: {  	v39 =	vperm.xlane v20, v17;
	[tilespmem:s30+$0x9060] =	vst v21;
	v21 =	vmul.f32 v37, v30  }
0x3df: {  	v41 =	vld [tilespmem:s30+$0x90A0]  }
0x3e0: {  	[tilespmem:s30+$0x9070] =	vst v21;
	v21 =	vmul.f32 v38, v39  }
0x3e1: {  	v42 =	vld [tilespmem:s30+$0x90B0]  }
0x3e2: {  	[tilespmem:s30+$0x9080] =	vst v21;
	v21 =	vmul.f32 v40, v39  }
0x3e3: {  	v43 =	vld [tilespmem:s30+$0x90C0]  }
0x3e4: {  	[tilespmem:s30+$0x9090] =	vst v21;
	v21 =	vmul.f32 v41, v39  }
0x3e5: {  	v44 =	vld [tilespmem:s30+$0x90D0]  }
0x3e6: {  	[tilespmem:s30+$0x90A0] =	vst v21;
	v21 =	vmul.f32 v42, v39  }
0x3e7: {  	v45 =	vld [tilespmem:s30+$0x90E0]  }
0x3e8: {  	[tilespmem:s30+$0x90B0] =	vst v21;
	v21 =	vmul.f32 v43, v39  }
0x3e9: {  	v46 =	vld [tilespmem:s30+$0x90F0]  }
0x3ea: {  	[tilespmem:s30+$0x90C0] =	vst v21;
	v21 =	vmul.f32 v44, v39  }
0x3eb: {  	v47 =	vld [tilespmem:s30+$0x9100]  }
0x3ec: {  	[tilespmem:s30+$0x90D0] =	vst v21;
	v21 =	vmul.f32 v45, v39  }
0x3ed: {  	v49 =	vld [tilespmem:s30+$0x9110]  }
0x3ee: {  	v48 =	vperm.xlane v20, v18;
	[tilespmem:s30+$0x90E0] =	vst v21;
	v21 =	vmul.f32 v46, v39  }
0x3ef: {  	v50 =	vld [tilespmem:s30+$0x9120]  }
0x3f0: {  	[tilespmem:s30+$0x90F0] =	vst v21;
	v21 =	vmul.f32 v47, v48  }
0x3f1: {  	v51 =	vld [tilespmem:s30+$0x9130]  }
0x3f2: {  	[tilespmem:s30+$0x9100] =	vst v21;
	v21 =	vmul.f32 v49, v48  }
0x3f3: {  	v52 =	vld [tilespmem:s30+$0x9140]  }
0x3f4: {  	[tilespmem:s30+$0x9110] =	vst v21;
	v21 =	vmul.f32 v50, v48  }
0x3f5: {  	v53 =	vld [tilespmem:s30+$0x9150]  }
0x3f6: {  	[tilespmem:s30+$0x9120] =	vst v21;
	v21 =	vmul.f32 v51, v48  }
0x3f7: {  	v54 =	vld [tilespmem:s30+$0x9160]  }
0x3f8: {  	[tilespmem:s30+$0x9130] =	vst v21;
	v21 =	vmul.f32 v52, v48  }
0x3f9: {  	v55 =	vld [tilespmem:s30+$0x9170]  }
0x3fa: {  	[tilespmem:s30+$0x9140] =	vst v21;
	v21 =	vmul.f32 v53, v48  }
0x3fb: {  	v56 =	vld [tilespmem:s30+$0x9180]  }
0x3fc: {  	[tilespmem:s30+$0x9150] =	vst v21;
	v21 =	vmul.f32 v54, v48  }
0x3fd: {  	v57 =	vld [tilespmem:s30+$0x9190]  }
0x3fe: {  	v20 =	vperm.xlane v20, v19;
	[tilespmem:s30+$0x9160] =	vst v21;
	v21 =	vmul.f32 v55, v48  }
0x3ff: {  	v58 =	vld [tilespmem:s30+$0x91A0]  }
0x400: {  	[tilespmem:s30+$0x9170] =	vst v21;
	v21 =	vmul.f32 v56, v20  }
0x401: {  	v59 =	vld [tilespmem:s30+$0x91B0]  }
0x402: {  	[tilespmem:s30+$0x9180] =	vst v21;
	v21 =	vmul.f32 v57, v20  }
0x403: {  	v60 =	vld [tilespmem:s30+$0x91C0]  }
0x404: {  	[tilespmem:s30+$0x9190] =	vst v21;
	v21 =	vmul.f32 v58, v20  }
0x405: {  	v61 =	vld [tilespmem:s30+$0x91D0]  }
0x406: {  	[tilespmem:s30+$0x91A0] =	vst v21;
	v21 =	vmul.f32 v59, v20  }
0x407: {  	v62 =	vld [tilespmem:s30+$0x91E0]  }
0x408: {  	v63 =	vld [tilespmem:s30+$0x91F0];
	[tilespmem:s30+$0x91B0] =	vst v21;
	v21 =	vmul.f32 v60, v20;
	_ =	sdelay $0x1  }
0x409: {  	s26 =	sadd.s32 $0x1, s26;
	[tilespmem:s30+$0x91C0] =	vst v21;
	v21 =	vmul.f32 v61, v20  }
0x40a: {  	p0 =	sne.s32 s26, $0xD9  }
.Ltmp5:
0x40b: {  	[tilespmem:s30+$0x91D0] =	vst v21;
	v21 =	vmul.f32 v62, v20;
	(pc) =	sbr.rel @!p0 .LBB2_18-.Ltmp5, $4  }
0x40c: {  	v20 =	vmul.f32 v63, v20  }
0x40d: {  	[tilespmem:s30+$0x91E0] =	vst v21  }
0x40e: {  	s28 =	sadd.s32 $0x20, s28;
	s31 =	sadd.s32 $0x4F80, s12;
	s12 =	sadd.s32 $0x7A00, s30;
	[tilespmem:s30+$0x91F0] =	vst v20  }
0x40f: {  	[spmem:s15] =	stream.indirect.scatter.add.f32 [tilespmem:s12], [sflag:$0x6], $0x80, s31, s22, $0xb8;
	[tilespmem:$0x1EA00] =	vst v63  }
.LBB2_6:
0x410: {  	s29 =	sadd.s32 $0xFFFFFFFF, s26  }
0x411: {  	s30 =	sand.u32 $0xFF, s29  }
0x412: {  	s30 =	smul.u32 $0xAB, s30  }
0x413: {  	p0 =	seq.s32 s26, $0x2  }
.Ltmp6:
0x414: {  	s30 =	sshrl.u32 s30, $0x9;
	(pc) =	sbr.rel @!p0 .LBB2_7-.Ltmp6, $3  }
0x415: {  	s30 =	smul.u32 $0x3, s30;
	_ =	sdelay $0x1  }
0x416: {  	s30 =	ssub.s32 s29, s30  }
0x417: {  	s29 =	sadd.s32 $0xFFFFFFFE, s26;
	s30 =	sand.u32 $0xFF, s30  }
.LBB2_11:
0x418: {  	s31 =	simm.s32 $0x2  }
.LBB2_13:
0x419: {  	_ =	swait.ge [sflag:s31], $0x100;
	s12 =	sand.u32 $0x1, s29  }
0x41a: {  	s30 =	sshll.u32 s30, $0x8;
	p1 =	sgt.u32 s29, $0xD4;
	[sflag:s31] =	ssyncset.done $0x0  }
0x41b: {  	p0 =	seq.s32 s12, $0x0;
	s30 =	sadd.s32 $0x4F00, s30;
	[sflag:s31] =	ssyncadd.s32 $0xFFFFFF00  }
.Ltmp7:
0x41c: {  	s31 =	simm.s32 @p0 $0x30;
	s0 =	simm.s32 @p0 $0x9200;
	(pc) =	sbr.rel @p1 .LBB2_17-.Ltmp7, $4  }
0x41d: {  	[tilespmem:s0], [sflag:$0x5] =	stream.indirect.gather @p0 [hbm4b:s16+s31], $0x80, s30, s31, $0xb8;
	[tilespmem:$0x1EA00] =	vst v63  }
0x41e: {  	s0 =	simm.s32 @!p0 $0x30;
	s31 =	simm.s32 @!p0 $0x7A00  }
0x41f: {  	[tilespmem:s31], [sflag:$0x4] =	stream.indirect.gather @!p0 [hbm4b:s16+s0], $0x80, s30, s0, $0xb8;
	[tilespmem:$0x1EA00] =	vst v63  }
0x420: {  	p0 =	seq.s32 s12, $0x1  }
0x421: {  	s0 =	sand.u32 $0xFF, s26  }
0x422: {  	s0 =	smul.u32 $0xAB, s0;
	_ =	sdelay $0x1  }
0x423: {  	s0 =	sshrl.u32 s0, $0x9  }
0x424: {  	s0 =	smul.u32 $0x3, s0;
	_ =	sdelay $0x1  }
0x425: {  	s0 =	ssub.s32 s26, s0  }
0x426: {  	s30 =	sand.u32 $0xFF, s0  }
0x427: {  	p1 =	seq.s32 s30, $0x2  }
.Ltmp8:
0x428: {  	_ = 	snop;
	(pc) =	sbr.rel @p1 .LBB2_16-.Ltmp8, $1  }
0x429: {  	_ =	sdelay $0x3  }
.Ltmp9:
0x42a: {  	p1 =	seq.s32 s30, $0x1;
	(pc) =	sbr.rel .LBB2_17-.Ltmp9, $4  }
0x42b: {  	[tilespmem:s21], [sflag:$0x1] =	stream.linear.gather @!p1 [hbm4b:s28+s10], $0x100, $0x38;
	[tilespmem:$0x1EA00] =	vst v63  }
0x42c: {  	s0 =	sshll.u32 @p1 s30, $0x8  }
0x42d: {  	s0 =	sadd.s32 @p1 $0x4F00, s0  }
0x42e: {  	[tilespmem:s0], [sflag:$0x2] =	stream.linear.gather @p1 [hbm4b:s28+s10], $0x100, $0x38;
	[tilespmem:$0x1EA00] =	vst v63  }
.LBB2_7:
0x42f: {  	p1 =	seq.s32 s26, $0xD8  }
.Ltmp10:
0x430: {  	_ = 	snop;
	(pc) =	sbr.rel @p1 .LBB2_17-.Ltmp10, $4  }
0x431: {  	_ = 	snop  }
0x432: {  	_ =	swait.ge [sflag:s24], $0x1800  }
0x433: {  	[sflag:s24] =	ssyncset.done $0x0  }
0x434: {  	p0 =	por $0x0, $0x0;
	[sflag:s24] =	ssyncadd.s32 $0xFFFFE800  }
0x435: {  	p0 =	seq.s32 s30, $0x0  }
.Ltmp11:
0x436: {  	_ = 	snop;
	(pc) =	sbr.rel @p0 .LBB2_9-.Ltmp11, $1  }
0x437: {  	_ =	sdelay $0x3  }
0x438: {  	p0 =	seq.s32 s30, $0x2  }
.Ltmp12:
0x439: {  	_ = 	snop;
	(pc) =	sbr.rel @!p0 .LBB2_11-.Ltmp12, $1  }
0x43a: {  	_ =	sdelay $0x3  }
.Ltmp13:
0x43b: {  	(pc) =	sbr.rel .LBB2_13-.Ltmp13, $2  }
0x43c: {  	_ =	sdelay $0x2  }
0x43d: {  	s31 =	simm.s32 $0x3  }
.LBB2_9:
.Ltmp14:
0x43e: {  	(pc) =	sbr.rel .LBB2_13-.Ltmp14, $2  }
0x43f: {  	_ =	sdelay $0x2  }
0x440: {  	s31 =	simm.s32 $0x1  }
.LBB2_19:
0x441: {  	_ =	sfence.sel $0x180000  }
0x442: {  	[bflag:$0x0] =	sbarrier.arrive $0xFFFF  }
0x443: {  	_ =	strace $0x90000047  }
0x444: {  	s0 =	stileid.u32;
	[bflag:$0x2] =	sbarrier.arrive $0xFFFF  }
0x445: {  	p0 =	sne.s32 s0, $0x0;
	s0 =	rddreg [dreg:$0x2]  }
0x446: {  	s0 =	sadd.s32 @!p0 $0x100000, s0  }
0x447: {  	[sflag:s0] =	ssyncadd.tile.s32 @!p0 $0x1;
	_ =	shalt  }
.Lfunc_end2:
_tile_overlayer_lowered:
.L_overlay_start_2:
0x448: {  	(tag) =	ssettag $0x2  }
0x449: {  	s0 =	rddreg [dreg:$0x0];
	s2 =	stileid.u32  }
0x44a: {  	s1 =	rddreg [dreg:$0x1];
	p0 =	sne.s32 s2, $0x0  }
0x44b: {  	s3 =	rddreg [dreg:$0x2];
	[bflag:$0x3] =	sbarrier.arrive $0xFFFF;
	s2 =	simm.s32 @!p0 $0x1C07  }
0x44c: {  	[timem:s3], [sflag:s2] =	dma.local @!p0 [hbm:s0], s1  }
0x44d: {  	s0 =	simm.s32 @!p0 $0x7  }
0x44e: {  	_ =	swait.ge @!p0 [sflag:s0], s1  }
0x44f: {  	s1 =	ssub.s32 @!p0 $0x0, s1;
	[sflag:s0] =	ssyncset.done @!p0 $0x0  }
0x450: {  	[sflag:s0] =	ssyncadd.s32 @!p0 s1  }
0x451: {  	[bflag:$0x3] =	sbarrier.arrive $0xFFFF  }
0x452: {  	_ =	shalt  }

</sc_bundles>
